<compile_context>
chip_gen: v7x
topology: tpu7x:2x2x1
jax: 0.10.2.dev20260603
libtpu: 0.0.44.dev20260713+nightly
codegen_flags: <defaults>
</compile_context>

<pallas_src>
import functools

import jax
import jax.numpy as jnp
from jax import lax
from jax.experimental import pallas as pl
from jax.experimental.pallas import tpu as pltpu
from jax.experimental.pallas import tpu_sc as plsc

_D = 516
_N_IN = 16384
_Q = 65536
_KEPT = _Q - _N_IN

_NC = 2
_NS = 16
_NW = _NC * _NS
_STRIPE = 8
_FULL_STRIPES = _D // _STRIPE
_PART_ROWS = _D - _FULL_STRIPES * _STRIPE
_CCHUNK = 2048
_NBUF = 7
_LEAD = 3
_PCOLS = _Q // _NW


def _fifo_body(feat_hbm, queue_hbm, out_hbm, *scratch):
    bufs = scratch[:_NBUF]
    in_sems = scratch[_NBUF:2 * _NBUF]
    out_sems = scratch[2 * _NBUF:]
    wid = lax.axis_index("s") * _NC + lax.axis_index("c")

    plan = []
    for cb in range(_N_IN // _CCHUNK):
        plan.append((0, cb * _CCHUNK, cb * _CCHUNK))
    for cb in range(_KEPT // _CCHUNK):
        plan.append((1, cb * _CCHUNK, _N_IN + cb * _CCHUNK))

    jobs = []
    for s in range(2):
        row = (s * _NW) * _STRIPE
        for sel, sc, oc in plan:
            jobs.append((row, sel, sc, oc))

    row0 = wid * _STRIPE
    srcs = (feat_hbm, queue_hbm)

    out_copies = [None] * _NBUF
    in_copies = [None] * _NBUF

    def issue_in(j):
        row, sel, sc, _ = jobs[j]
        b = j % _NBUF
        in_copies[b] = pltpu.async_copy(
            srcs[sel].at[pl.ds(row0 + row, _STRIPE), pl.ds(sc, _CCHUNK)],
            bufs[b], in_sems[b])

    n = len(jobs)
    prime = min(_LEAD, n)
    for j in range(prime):
        issue_in(j)
    for j in range(n):
        b = j % _NBUF
        row, _, _, oc = jobs[j]
        in_copies[b].wait()
        out_copies[b] = pltpu.async_copy(
            bufs[b], out_hbm.at[pl.ds(row0 + row, _STRIPE), pl.ds(oc, _CCHUNK)],
            out_sems[b])
        jn = j + _LEAD
        if prime <= jn < n:
            bn = jn % _NBUF
            if out_copies[bn] is not None:
                out_copies[bn].wait()
                out_copies[bn] = None
            issue_in(jn)
    for b in range(_NBUF):
        if out_copies[b] is not None:
            out_copies[b].wait()

    prow = _FULL_STRIPES * _STRIPE
    pbuf = bufs[0].at[pl.ds(0, _PART_ROWS), pl.ds(0, _PCOLS)]
    col = wid * _PCOLS

    @pl.when(wid < _N_IN // _PCOLS)
    def _():
        pltpu.sync_copy(
            feat_hbm.at[pl.ds(prow, _PART_ROWS), pl.ds(col, _PCOLS)], pbuf)
        pltpu.sync_copy(
            pbuf, out_hbm.at[pl.ds(prow, _PART_ROWS), pl.ds(col, _PCOLS)])

    @pl.when(wid >= _N_IN // _PCOLS)
    def _():
        pltpu.sync_copy(
            queue_hbm.at[pl.ds(prow, _PART_ROWS), pl.ds(col - _N_IN, _PCOLS)],
            pbuf)
        pltpu.sync_copy(
            pbuf, out_hbm.at[pl.ds(prow, _PART_ROWS), pl.ds(col, _PCOLS)])


def kernel(feat, queue):
    call = functools.partial(
        pl.kernel,
        out_type=jax.ShapeDtypeStruct((_D, _Q), jnp.float32),
        mesh=plsc.VectorSubcoreMesh(core_axis_name="c", subcore_axis_name="s"),
        compiler_params=pltpu.CompilerParams(use_tc_tiling_on_sc=True),
        scratch_types=(
            [pltpu.VMEM((_STRIPE, _CCHUNK), jnp.float32) for _ in range(_NBUF)]
            + [pltpu.SemaphoreType.DMA for _ in range(2 * _NBUF)]
        ),
    )(_fifo_body)
    out_t = call(feat.T, queue.T)
    return out_t.T

# --- scband reference (transcript-rebuilt; emitter-appended) ---
"""Pipeline reference for scband-queues-455266533575 (READ-ONLY COPY).

The authoritative reference and input builder live on the scoring server;
editing this copy changes nothing except your own understanding.
"""

import jax, jax.numpy as jnp
import numpy as np

EMB_DIM = 512
ID_LENGTH = 4
QUEUE_LENGTH = 65536
N_IN = 16384
Q_CUR = 65536
D = EMB_DIM + ID_LENGTH


def setup_inputs(seed: int = 0) -> dict:
    key = jax.random.key(seed)
    k1, k2 = jax.random.split(key)
    # uniform in [0,1): id columns (>= emb_dim) are all nonnegative -> every row is 'valid',
    # matching the torch module's validity test (feat[:, emb_dim:] >= 0).sum(-1) > 0
    feat = jax.random.uniform(k1, (N_IN, D), dtype=jnp.float32)
    queue = jax.random.uniform(k2, (Q_CUR, D), dtype=jnp.float32)
    return {"feat": feat, "queue": queue}


def reference(feat, queue):
    # Faithful jax translation of Queues.dequeue_and_enqueue generic branch for one key.
    # valid-row filter (torch: feat = feat[valid]). To keep static shapes we gather via a
    # stable argsort that moves valid rows first; inputs guarantee all rows valid so the
    # result is exactly feat in original order, identical to the torch semantics.
    valid = (feat[:, EMB_DIM:] >= 0).sum(-1) > 0
    order = jnp.argsort(jnp.logical_not(valid).astype(jnp.int32))
    feat_v = jnp.take(feat, order, axis=0)
    # feat = feat[:queue_length]
    feat_q = feat_v[:QUEUE_LENGTH]
    in_length = feat_q.shape[0]
    current_length = queue.shape[0]
    kept_length = min(QUEUE_LENGTH - in_length, current_length)
    # queue_value.data = torch.cat([feat, queue_value[:kept_length]])
    new_queue = jnp.concatenate([feat_q, queue[:kept_length]], axis=0)
    return new_queue

if __name__ == "__main__":
    import jax
    _d = setup_inputs()
    print(jax.jit(kernel)(*tuple(_d.values())))

</pallas_src>

<mosaic_0001>
#map = affine_map<(d0, d1) -> (0, 0)>
module attributes {stable_mosaic.version = 14 : i64} {
  func.func @_fifo_body(%arg0: i32, %arg1: i32, %arg2: memref<516x16384xf32, #tpu.memory_space<hbm>>, %arg3: memref<516x65536xf32, #tpu.memory_space<hbm>>, %arg4: memref<516x65536xf32, #tpu.memory_space<hbm>>, %arg5: memref<8x2048xf32, #tpu.memory_space<vmem>>, %arg6: memref<8x2048xf32, #tpu.memory_space<vmem>>, %arg7: memref<8x2048xf32, #tpu.memory_space<vmem>>, %arg8: memref<8x2048xf32, #tpu.memory_space<vmem>>, %arg9: memref<8x2048xf32, #tpu.memory_space<vmem>>, %arg10: memref<8x2048xf32, #tpu.memory_space<vmem>>, %arg11: memref<8x2048xf32, #tpu.memory_space<vmem>>, %arg12: memref<!tpu.dma_semaphore, #tpu.memory_space<semaphore_mem>>, %arg13: memref<!tpu.dma_semaphore, #tpu.memory_space<semaphore_mem>>, %arg14: memref<!tpu.dma_semaphore, #tpu.memory_space<semaphore_mem>>, %arg15: memref<!tpu.dma_semaphore, #tpu.memory_space<semaphore_mem>>, %arg16: memref<!tpu.dma_semaphore, #tpu.memory_space<semaphore_mem>>, %arg17: memref<!tpu.dma_semaphore, #tpu.memory_space<semaphore_mem>>, %arg18: memref<!tpu.dma_semaphore, #tpu.memory_space<semaphore_mem>>, %arg19: memref<!tpu.dma_semaphore, #tpu.memory_space<semaphore_mem>>, %arg20: memref<!tpu.dma_semaphore, #tpu.memory_space<semaphore_mem>>, %arg21: memref<!tpu.dma_semaphore, #tpu.memory_space<semaphore_mem>>, %arg22: memref<!tpu.dma_semaphore, #tpu.memory_space<semaphore_mem>>, %arg23: memref<!tpu.dma_semaphore, #tpu.memory_space<semaphore_mem>>, %arg24: memref<!tpu.dma_semaphore, #tpu.memory_space<semaphore_mem>>, %arg25: memref<!tpu.dma_semaphore, #tpu.memory_space<semaphore_mem>>) attributes {dimension_semantics = [#tpu.dimension_semantics<core_parallel>, #tpu.dimension_semantics<subcore_parallel>], iteration_bounds = array<i64: 2, 16>, scalar_prefetch = 0 : i64, scratch_operands = 21 : i64, tpu.core_type = #tpu.core_type<sc_vector_subcore>, window_params = [{transform_indices = #map}, {transform_indices = #map}, {transform_indices = #map}]} {
    %mul3A = arith.constant 2 : i32
    %mul3A_0 = arith.muli %arg1, %mul3A : i32
    %add3A = arith.addi %mul3A_0, %arg0 : i32
    %mul3A_1 = arith.constant 8 : i32
    %mul3A_2 = arith.muli %add3A, %mul3A_1 : i32
    %add3A_3 = arith.constant 0 : i32
    %add3A_4 = arith.addi %mul3A_2, %add3A_3 : i32
    %dma_start3A = arith.constant 0 : i32
    %dma_start3A_5 = tpu.memref_slice %arg2[%add3A_4, %dma_start3A] : memref<516x16384xf32, #tpu.memory_space<hbm>> -> memref<8x2048xf32, #tpu.memory_space<hbm>>
    %dma_start3A_6 = arith.constant 0 : i32
    %dma_start3A_7 = tpu.memref_slice %arg2[%add3A_4, %dma_start3A_6] : memref<516x16384xf32, #tpu.memory_space<hbm>> -> memref<8x2048xf32, #tpu.memory_space<hbm>>
    tpu.enqueue_dma source(%dma_start3A_7 : memref<8x2048xf32, #tpu.memory_space<hbm>>) target(%arg5 : memref<8x2048xf32, #tpu.memory_space<vmem>>) target_semaphore(%arg12 : memref<!tpu.dma_semaphore, #tpu.memory_space<semaphore_mem>>)
    %add3A_8 = arith.constant 0 : i32
    %add3A_9 = arith.addi %mul3A_2, %add3A_8 : i32
    %dma_start3A_10 = arith.constant 2048 : i32
    %dma_start3A_11 = tpu.memref_slice %arg2[%add3A_9, %dma_start3A_10] : memref<516x16384xf32, #tpu.memory_space<hbm>> -> memref<8x2048xf32, #tpu.memory_space<hbm>>
    %dma_start3A_12 = arith.constant 2048 : i32
    %dma_start3A_13 = tpu.memref_slice %arg2[%add3A_9, %dma_start3A_12] : memref<516x16384xf32, #tpu.memory_space<hbm>> -> memref<8x2048xf32, #tpu.memory_space<hbm>>
    tpu.enqueue_dma source(%dma_start3A_13 : memref<8x2048xf32, #tpu.memory_space<hbm>>) target(%arg6 : memref<8x2048xf32, #tpu.memory_space<vmem>>) target_semaphore(%arg13 : memref<!tpu.dma_semaphore, #tpu.memory_space<semaphore_mem>>)
    %add3A_14 = arith.constant 0 : i32
    %add3A_15 = arith.addi %mul3A_2, %add3A_14 : i32
    %dma_start3A_16 = arith.constant 4096 : i32
    %dma_start3A_17 = tpu.memref_slice %arg2[%add3A_15, %dma_start3A_16] : memref<516x16384xf32, #tpu.memory_space<hbm>> -> memref<8x2048xf32, #tpu.memory_space<hbm>>
    %dma_start3A_18 = arith.constant 4096 : i32
    %dma_start3A_19 = tpu.memref_slice %arg2[%add3A_15, %dma_start3A_18] : memref<516x16384xf32, #tpu.memory_space<hbm>> -> memref<8x2048xf32, #tpu.memory_space<hbm>>
    tpu.enqueue_dma source(%dma_start3A_19 : memref<8x2048xf32, #tpu.memory_space<hbm>>) target(%arg7 : memref<8x2048xf32, #tpu.memory_space<vmem>>) target_semaphore(%arg14 : memref<!tpu.dma_semaphore, #tpu.memory_space<semaphore_mem>>)
    %dma_wait3A = arith.constant 0 : i32
    %dma_wait3A_20 = tpu.memref_slice %arg2[%add3A_4, %dma_wait3A] : memref<516x16384xf32, #tpu.memory_space<hbm>> -> memref<8x2048xf32, #tpu.memory_space<hbm>>
    %dma_wait3A_21 = arith.constant 0 : i32
    %dma_wait3A_22 = tpu.memref_slice %arg2[%add3A_4, %dma_wait3A_21] : memref<516x16384xf32, #tpu.memory_space<hbm>> -> memref<8x2048xf32, #tpu.memory_space<hbm>>
    tpu.wait_dma2 semaphore(%arg12 : memref<!tpu.dma_semaphore, #tpu.memory_space<semaphore_mem>>) src(%dma_wait3A_22 : memref<8x2048xf32, #tpu.memory_space<hbm>>) dst(%arg5 : memref<8x2048xf32, #tpu.memory_space<vmem>>)
    %add3A_23 = arith.constant 0 : i32
    %add3A_24 = arith.addi %mul3A_2, %add3A_23 : i32
    %dma_start3A_25 = arith.constant 0 : i32
    %dma_start3A_26 = tpu.memref_slice %arg4[%add3A_24, %dma_start3A_25] : memref<516x65536xf32, #tpu.memory_space<hbm>> -> memref<8x2048xf32, #tpu.memory_space<hbm>>
    %dma_start3A_27 = arith.constant 0 : i32
    %dma_start3A_28 = tpu.memref_slice %arg4[%add3A_24, %dma_start3A_27] : memref<516x65536xf32, #tpu.memory_space<hbm>> -> memref<8x2048xf32, #tpu.memory_space<hbm>>
    tpu.enqueue_dma source(%arg5 : memref<8x2048xf32, #tpu.memory_space<vmem>>) target(%dma_start3A_28 : memref<8x2048xf32, #tpu.memory_space<hbm>>) target_semaphore(%arg19 : memref<!tpu.dma_semaphore, #tpu.memory_space<semaphore_mem>>)
    %add3A_29 = arith.constant 0 : i32
    %add3A_30 = arith.addi %mul3A_2, %add3A_29 : i32
    %dma_start3A_31 = arith.constant 6144 : i32
    %dma_start3A_32 = tpu.memref_slice %arg2[%add3A_30, %dma_start3A_31] : memref<516x16384xf32, #tpu.memory_space<hbm>> -> memref<8x2048xf32, #tpu.memory_space<hbm>>
    %dma_start3A_33 = arith.constant 6144 : i32
    %dma_start3A_34 = tpu.memref_slice %arg2[%add3A_30, %dma_start3A_33] : memref<516x16384xf32, #tpu.memory_space<hbm>> -> memref<8x2048xf32, #tpu.memory_space<hbm>>
    tpu.enqueue_dma source(%dma_start3A_34 : memref<8x2048xf32, #tpu.memory_space<hbm>>) target(%arg8 : memref<8x2048xf32, #tpu.memory_space<vmem>>) target_semaphore(%arg15 : memref<!tpu.dma_semaphore, #tpu.memory_space<semaphore_mem>>)
    %dma_wait3A_35 = arith.constant 2048 : i32
    %dma_wait3A_36 = tpu.memref_slice %arg2[%add3A_9, %dma_wait3A_35] : memref<516x16384xf32, #tpu.memory_space<hbm>> -> memref<8x2048xf32, #tpu.memory_space<hbm>>
    %dma_wait3A_37 = arith.constant 2048 : i32
    %dma_wait3A_38 = tpu.memref_slice %arg2[%add3A_9, %dma_wait3A_37] : memref<516x16384xf32, #tpu.memory_space<hbm>> -> memref<8x2048xf32, #tpu.memory_space<hbm>>
    tpu.wait_dma2 semaphore(%arg13 : memref<!tpu.dma_semaphore, #tpu.memory_space<semaphore_mem>>) src(%dma_wait3A_38 : memref<8x2048xf32, #tpu.memory_space<hbm>>) dst(%arg6 : memref<8x2048xf32, #tpu.memory_space<vmem>>)
    %add3A_39 = arith.constant 0 : i32
    %add3A_40 = arith.addi %mul3A_2, %add3A_39 : i32
    %dma_start3A_41 = arith.constant 2048 : i32
    %dma_start3A_42 = tpu.memref_slice %arg4[%add3A_40, %dma_start3A_41] : memref<516x65536xf32, #tpu.memory_space<hbm>> -> memref<8x2048xf32, #tpu.memory_space<hbm>>
    %dma_start3A_43 = arith.constant 2048 : i32
    %dma_start3A_44 = tpu.memref_slice %arg4[%add3A_40, %dma_start3A_43] : memref<516x65536xf32, #tpu.memory_space<hbm>> -> memref<8x2048xf32, #tpu.memory_space<hbm>>
    tpu.enqueue_dma source(%arg6 : memref<8x2048xf32, #tpu.memory_space<vmem>>) target(%dma_start3A_44 : memref<8x2048xf32, #tpu.memory_space<hbm>>) target_semaphore(%arg20 : memref<!tpu.dma_semaphore, #tpu.memory_space<semaphore_mem>>)
    %add3A_45 = arith.constant 0 : i32
    %add3A_46 = arith.addi %mul3A_2, %add3A_45 : i32
    %dma_start3A_47 = arith.constant 8192 : i32
    %dma_start3A_48 = tpu.memref_slice %arg2[%add3A_46, %dma_start3A_47] : memref<516x16384xf32, #tpu.memory_space<hbm>> -> memref<8x2048xf32, #tpu.memory_space<hbm>>
    %dma_start3A_49 = arith.constant 8192 : i32
    %dma_start3A_50 = tpu.memref_slice %arg2[%add3A_46, %dma_start3A_49] : memref<516x16384xf32, #tpu.memory_space<hbm>> -> memref<8x2048xf32, #tpu.memory_space<hbm>>
    tpu.enqueue_dma source(%dma_start3A_50 : memref<8x2048xf32, #tpu.memory_space<hbm>>) target(%arg9 : memref<8x2048xf32, #tpu.memory_space<vmem>>) target_semaphore(%arg16 : memref<!tpu.dma_semaphore, #tpu.memory_space<semaphore_mem>>)
    %dma_wait3A_51 = arith.constant 4096 : i32
    %dma_wait3A_52 = tpu.memref_slice %arg2[%add3A_15, %dma_wait3A_51] : memref<516x16384xf32, #tpu.memory_space<hbm>> -> memref<8x2048xf32, #tpu.memory_space<hbm>>
    %dma_wait3A_53 = arith.constant 4096 : i32
    %dma_wait3A_54 = tpu.memref_slice %arg2[%add3A_15, %dma_wait3A_53] : memref<516x16384xf32, #tpu.memory_space<hbm>> -> memref<8x2048xf32, #tpu.memory_space<hbm>>
    tpu.wait_dma2 semaphore(%arg14 : memref<!tpu.dma_semaphore, #tpu.memory_space<semaphore_mem>>) src(%dma_wait3A_54 : memref<8x2048xf32, #tpu.memory_space<hbm>>) dst(%arg7 : memref<8x2048xf32, #tpu.memory_space<vmem>>)
    %add3A_55 = arith.constant 0 : i32
    %add3A_56 = arith.addi %mul3A_2, %add3A_55 : i32
    %dma_start3A_57 = arith.constant 4096 : i32
    %dma_start3A_58 = tpu.memref_slice %arg4[%add3A_56, %dma_start3A_57] : memref<516x65536xf32, #tpu.memory_space<hbm>> -> memref<8x2048xf32, #tpu.memory_space<hbm>>
    %dma_start3A_59 = arith.constant 4096 : i32
    %dma_start3A_60 = tpu.memref_slice %arg4[%add3A_56, %dma_start3A_59] : memref<516x65536xf32, #tpu.memory_space<hbm>> -> memref<8x2048xf32, #tpu.memory_space<hbm>>
    tpu.enqueue_dma source(%arg7 : memref<8x2048xf32, #tpu.memory_space<vmem>>) target(%dma_start3A_60 : memref<8x2048xf32, #tpu.memory_space<hbm>>) target_semaphore(%arg21 : memref<!tpu.dma_semaphore, #tpu.memory_space<semaphore_mem>>)
    %add3A_61 = arith.constant 0 : i32
    %add3A_62 = arith.addi %mul3A_2, %add3A_61 : i32
    %dma_start3A_63 = arith.constant 10240 : i32
    %dma_start3A_64 = tpu.memref_slice %arg2[%add3A_62, %dma_start3A_63] : memref<516x16384xf32, #tpu.memory_space<hbm>> -> memref<8x2048xf32, #tpu.memory_space<hbm>>
    %dma_start3A_65 = arith.constant 10240 : i32
    %dma_start3A_66 = tpu.memref_slice %arg2[%add3A_62, %dma_start3A_65] : memref<516x16384xf32, #tpu.memory_space<hbm>> -> memref<8x2048xf32, #tpu.memory_space<hbm>>
    tpu.enqueue_dma source(%dma_start3A_66 : memref<8x2048xf32, #tpu.memory_space<hbm>>) target(%arg10 : memref<8x2048xf32, #tpu.memory_space<vmem>>) target_semaphore(%arg17 : memref<!tpu.dma_semaphore, #tpu.memory_space<semaphore_mem>>)
    %dma_wait3A_67 = arith.constant 6144 : i32
    %dma_wait3A_68 = tpu.memref_slice %arg2[%add3A_30, %dma_wait3A_67] : memref<516x16384xf32, #tpu.memory_space<hbm>> -> memref<8x2048xf32, #tpu.memory_space<hbm>>
    %dma_wait3A_69 = arith.constant 6144 : i32
    %dma_wait3A_70 = tpu.memref_slice %arg2[%add3A_30, %dma_wait3A_69] : memref<516x16384xf32, #tpu.memory_space<hbm>> -> memref<8x2048xf32, #tpu.memory_space<hbm>>
    tpu.wait_dma2 semaphore(%arg15 : memref<!tpu.dma_semaphore, #tpu.memory_space<semaphore_mem>>) src(%dma_wait3A_70 : memref<8x2048xf32, #tpu.memory_space<hbm>>) dst(%arg8 : memref<8x2048xf32, #tpu.memory_space<vmem>>)
    %add3A_71 = arith.constant 0 : i32
    %add3A_72 = arith.addi %mul3A_2, %add3A_71 : i32
    %dma_start3A_73 = arith.constant 6144 : i32
    %dma_start3A_74 = tpu.memref_slice %arg4[%add3A_72, %dma_start3A_73] : memref<516x65536xf32, #tpu.memory_space<hbm>> -> memref<8x2048xf32, #tpu.memory_space<hbm>>
    %dma_start3A_75 = arith.constant 6144 : i32
    %dma_start3A_76 = tpu.memref_slice %arg4[%add3A_72, %dma_start3A_75] : memref<516x65536xf32, #tpu.memory_space<hbm>> -> memref<8x2048xf32, #tpu.memory_space<hbm>>
    tpu.enqueue_dma source(%arg8 : memref<8x2048xf32, #tpu.memory_space<vmem>>) target(%dma_start3A_76 : memref<8x2048xf32, #tpu.memory_space<hbm>>) target_semaphore(%arg22 : memref<!tpu.dma_semaphore, #tpu.memory_space<semaphore_mem>>)
    %add3A_77 = arith.constant 0 : i32
    %add3A_78 = arith.addi %mul3A_2, %add3A_77 : i32
    %dma_start3A_79 = arith.constant 12288 : i32
    %dma_start3A_80 = tpu.memref_slice %arg2[%add3A_78, %dma_start3A_79] : memref<516x16384xf32, #tpu.memory_space<hbm>> -> memref<8x2048xf32, #tpu.memory_space<hbm>>
    %dma_start3A_81 = arith.constant 12288 : i32
    %dma_start3A_82 = tpu.memref_slice %arg2[%add3A_78, %dma_start3A_81] : memref<516x16384xf32, #tpu.memory_space<hbm>> -> memref<8x2048xf32, #tpu.memory_space<hbm>>
    tpu.enqueue_dma source(%dma_start3A_82 : memref<8x2048xf32, #tpu.memory_space<hbm>>) target(%arg11 : memref<8x2048xf32, #tpu.memory_space<vmem>>) target_semaphore(%arg18 : memref<!tpu.dma_semaphore, #tpu.memory_space<semaphore_mem>>)
    %dma_wait3A_83 = arith.constant 8192 : i32
    %dma_wait3A_84 = tpu.memref_slice %arg2[%add3A_46, %dma_wait3A_83] : memref<516x16384xf32, #tpu.memory_space<hbm>> -> memref<8x2048xf32, #tpu.memory_space<hbm>>
    %dma_wait3A_85 = arith.constant 8192 : i32
    %dma_wait3A_86 = tpu.memref_slice %arg2[%add3A_46, %dma_wait3A_85] : memref<516x16384xf32, #tpu.memory_space<hbm>> -> memref<8x2048xf32, #tpu.memory_space<hbm>>
    tpu.wait_dma2 semaphore(%arg16 : memref<!tpu.dma_semaphore, #tpu.memory_space<semaphore_mem>>) src(%dma_wait3A_86 : memref<8x2048xf32, #tpu.memory_space<hbm>>) dst(%arg9 : memref<8x2048xf32, #tpu.memory_space<vmem>>)
    %add3A_87 = arith.constant 0 : i32
    %add3A_88 = arith.addi %mul3A_2, %add3A_87 : i32
    %dma_start3A_89 = arith.constant 8192 : i32
    %dma_start3A_90 = tpu.memref_slice %arg4[%add3A_88, %dma_start3A_89] : memref<516x65536xf32, #tpu.memory_space<hbm>> -> memref<8x2048xf32, #tpu.memory_space<hbm>>
    %dma_start3A_91 = arith.constant 8192 : i32
    %dma_start3A_92 = tpu.memref_slice %arg4[%add3A_88, %dma_start3A_91] : memref<516x65536xf32, #tpu.memory_space<hbm>> -> memref<8x2048xf32, #tpu.memory_space<hbm>>
    tpu.enqueue_dma source(%arg9 : memref<8x2048xf32, #tpu.memory_space<vmem>>) target(%dma_start3A_92 : memref<8x2048xf32, #tpu.memory_space<hbm>>) target_semaphore(%arg23 : memref<!tpu.dma_semaphore, #tpu.memory_space<semaphore_mem>>)
    %dma_wait3A_93 = arith.constant 0 : i32
    %dma_wait3A_94 = tpu.memref_slice %arg4[%add3A_24, %dma_wait3A_93] : memref<516x65536xf32, #tpu.memory_space<hbm>> -> memref<8x2048xf32, #tpu.memory_space<hbm>>
    %dma_wait3A_95 = arith.constant 0 : i32
    %dma_wait3A_96 = tpu.memref_slice %arg4[%add3A_24, %dma_wait3A_95] : memref<516x65536xf32, #tpu.memory_space<hbm>> -> memref<8x2048xf32, #tpu.memory_space<hbm>>
    tpu.wait_dma2 semaphore(%arg19 : memref<!tpu.dma_semaphore, #tpu.memory_space<semaphore_mem>>) src(%arg5 : memref<8x2048xf32, #tpu.memory_space<vmem>>) dst(%dma_wait3A_96 : memref<8x2048xf32, #tpu.memory_space<hbm>>)
    %add3A_97 = arith.constant 0 : i32
    %add3A_98 = arith.addi %mul3A_2, %add3A_97 : i32
    %dma_start3A_99 = arith.constant 14336 : i32
    %dma_start3A_100 = tpu.memref_slice %arg2[%add3A_98, %dma_start3A_99] : memref<516x16384xf32, #tpu.memory_space<hbm>> -> memref<8x2048xf32, #tpu.memory_space<hbm>>
    %dma_start3A_101 = arith.constant 14336 : i32
    %dma_start3A_102 = tpu.memref_slice %arg2[%add3A_98, %dma_start3A_101] : memref<516x16384xf32, #tpu.memory_space<hbm>> -> memref<8x2048xf32, #tpu.memory_space<hbm>>
    tpu.enqueue_dma source(%dma_start3A_102 : memref<8x2048xf32, #tpu.memory_space<hbm>>) target(%arg5 : memref<8x2048xf32, #tpu.memory_space<vmem>>) target_semaphore(%arg12 : memref<!tpu.dma_semaphore, #tpu.memory_space<semaphore_mem>>)
    %dma_wait3A_103 = arith.constant 10240 : i32
    %dma_wait3A_104 = tpu.memref_slice %arg2[%add3A_62, %dma_wait3A_103] : memref<516x16384xf32, #tpu.memory_space<hbm>> -> memref<8x2048xf32, #tpu.memory_space<hbm>>
    %dma_wait3A_105 = arith.constant 10240 : i32
    %dma_wait3A_106 = tpu.memref_slice %arg2[%add3A_62, %dma_wait3A_105] : memref<516x16384xf32, #tpu.memory_space<hbm>> -> memref<8x2048xf32, #tpu.memory_space<hbm>>
    tpu.wait_dma2 semaphore(%arg17 : memref<!tpu.dma_semaphore, #tpu.memory_space<semaphore_mem>>) src(%dma_wait3A_106 : memref<8x2048xf32, #tpu.memory_space<hbm>>) dst(%arg10 : memref<8x2048xf32, #tpu.memory_space<vmem>>)
    %add3A_107 = arith.constant 0 : i32
    %add3A_108 = arith.addi %mul3A_2, %add3A_107 : i32
    %dma_start3A_109 = arith.constant 10240 : i32
    %dma_start3A_110 = tpu.memref_slice %arg4[%add3A_108, %dma_start3A_109] : memref<516x65536xf32, #tpu.memory_space<hbm>> -> memref<8x2048xf32, #tpu.memory_space<hbm>>
    %dma_start3A_111 = arith.constant 10240 : i32
    %dma_start3A_112 = tpu.memref_slice %arg4[%add3A_108, %dma_start3A_111] : memref<516x65536xf32, #tpu.memory_space<hbm>> -> memref<8x2048xf32, #tpu.memory_space<hbm>>
    tpu.enqueue_dma source(%arg10 : memref<8x2048xf32, #tpu.memory_space<vmem>>) target(%dma_start3A_112 : memref<8x2048xf32, #tpu.memory_space<hbm>>) target_semaphore(%arg24 : memref<!tpu.dma_semaphore, #tpu.memory_space<semaphore_mem>>)
    %dma_wait3A_113 = arith.constant 2048 : i32
    %dma_wait3A_114 = tpu.memref_slice %arg4[%add3A_40, %dma_wait3A_113] : memref<516x65536xf32, #tpu.memory_space<hbm>> -> memref<8x2048xf32, #tpu.memory_space<hbm>>
    %dma_wait3A_115 = arith.constant 2048 : i32
    %dma_wait3A_116 = tpu.memref_slice %arg4[%add3A_40, %dma_wait3A_115] : memref<516x65536xf32, #tpu.memory_space<hbm>> -> memref<8x2048xf32, #tpu.memory_space<hbm>>
    tpu.wait_dma2 semaphore(%arg20 : memref<!tpu.dma_semaphore, #tpu.memory_space<semaphore_mem>>) src(%arg6 : memref<8x2048xf32, #tpu.memory_space<vmem>>) dst(%dma_wait3A_116 : memref<8x2048xf32, #tpu.memory_space<hbm>>)
    %add3A_117 = arith.constant 0 : i32
    %add3A_118 = arith.addi %mul3A_2, %add3A_117 : i32
    %dma_start3A_119 = arith.constant 0 : i32
    %dma_start3A_120 = tpu.memref_slice %arg3[%add3A_118, %dma_start3A_119] : memref<516x65536xf32, #tpu.memory_space<hbm>> -> memref<8x2048xf32, #tpu.memory_space<hbm>>
    %dma_start3A_121 = arith.constant 0 : i32
    %dma_start3A_122 = tpu.memref_slice %arg3[%add3A_118, %dma_start3A_121] : memref<516x65536xf32, #tpu.memory_space<hbm>> -> memref<8x2048xf32, #tpu.memory_space<hbm>>
    tpu.enqueue_dma source(%dma_start3A_122 : memref<8x2048xf32, #tpu.memory_space<hbm>>) target(%arg6 : memref<8x2048xf32, #tpu.memory_space<vmem>>) target_semaphore(%arg13 : memref<!tpu.dma_semaphore, #tpu.memory_space<semaphore_mem>>)
    %dma_wait3A_123 = arith.constant 12288 : i32
    %dma_wait3A_124 = tpu.memref_slice %arg2[%add3A_78, %dma_wait3A_123] : memref<516x16384xf32, #tpu.memory_space<hbm>> -> memref<8x2048xf32, #tpu.memory_space<hbm>>
    %dma_wait3A_125 = arith.constant 12288 : i32
    %dma_wait3A_126 = tpu.memref_slice %arg2[%add3A_78, %dma_wait3A_125] : memref<516x16384xf32, #tpu.memory_space<hbm>> -> memref<8x2048xf32, #tpu.memory_space<hbm>>
    tpu.wait_dma2 semaphore(%arg18 : memref<!tpu.dma_semaphore, #tpu.memory_space<semaphore_mem>>) src(%dma_wait3A_126 : memref<8x2048xf32, #tpu.memory_space<hbm>>) dst(%arg11 : memref<8x2048xf32, #tpu.memory_space<vmem>>)
    %add3A_127 = arith.constant 0 : i32
    %add3A_128 = arith.addi %mul3A_2, %add3A_127 : i32
    %dma_start3A_129 = arith.constant 12288 : i32
    %dma_start3A_130 = tpu.memref_slice %arg4[%add3A_128, %dma_start3A_129] : memref<516x65536xf32, #tpu.memory_space<hbm>> -> memref<8x2048xf32, #tpu.memory_space<hbm>>
    %dma_start3A_131 = arith.constant 12288 : i32
    %dma_start3A_132 = tpu.memref_slice %arg4[%add3A_128, %dma_start3A_131] : memref<516x65536xf32, #tpu.memory_space<hbm>> -> memref<8x2048xf32, #tpu.memory_space<hbm>>
    tpu.enqueue_dma source(%arg11 : memref<8x2048xf32, #tpu.memory_space<vmem>>) target(%dma_start3A_132 : memref<8x2048xf32, #tpu.memory_space<hbm>>) target_semaphore(%arg25 : memref<!tpu.dma_semaphore, #tpu.memory_space<semaphore_mem>>)
    %dma_wait3A_133 = arith.constant 4096 : i32
    %dma_wait3A_134 = tpu.memref_slice %arg4[%add3A_56, %dma_wait3A_133] : memref<516x65536xf32, #tpu.memory_space<hbm>> -> memref<8x2048xf32, #tpu.memory_space<hbm>>
    %dma_wait3A_135 = arith.constant 4096 : i32
    %dma_wait3A_136 = tpu.memref_slice %arg4[%add3A_56, %dma_wait3A_135] : memref<516x65536xf32, #tpu.memory_space<hbm>> -> memref<8x2048xf32, #tpu.memory_space<hbm>>
    tpu.wait_dma2 semaphore(%arg21 : memref<!tpu.dma_semaphore, #tpu.memory_space<semaphore_mem>>) src(%arg7 : memref<8x2048xf32, #tpu.memory_space<vmem>>) dst(%dma_wait3A_136 : memref<8x2048xf32, #tpu.memory_space<hbm>>)
    %add3A_137 = arith.constant 0 : i32
    %add3A_138 = arith.addi %mul3A_2, %add3A_137 : i32
    %dma_start3A_139 = arith.constant 2048 : i32
    %dma_start3A_140 = tpu.memref_slice %arg3[%add3A_138, %dma_start3A_139] : memref<516x65536xf32, #tpu.memory_space<hbm>> -> memref<8x2048xf32, #tpu.memory_space<hbm>>
    %dma_start3A_141 = arith.constant 2048 : i32
    %dma_start3A_142 = tpu.memref_slice %arg3[%add3A_138, %dma_start3A_141] : memref<516x65536xf32, #tpu.memory_space<hbm>> -> memref<8x2048xf32, #tpu.memory_space<hbm>>
    tpu.enqueue_dma source(%dma_start3A_142 : memref<8x2048xf32, #tpu.memory_space<hbm>>) target(%arg7 : memref<8x2048xf32, #tpu.memory_space<vmem>>) target_semaphore(%arg14 : memref<!tpu.dma_semaphore, #tpu.memory_space<semaphore_mem>>)
    %dma_wait3A_143 = arith.constant 14336 : i32
    %dma_wait3A_144 = tpu.memref_slice %arg2[%add3A_98, %dma_wait3A_143] : memref<516x16384xf32, #tpu.memory_space<hbm>> -> memref<8x2048xf32, #tpu.memory_space<hbm>>
    %dma_wait3A_145 = arith.constant 14336 : i32
    %dma_wait3A_146 = tpu.memref_slice %arg2[%add3A_98, %dma_wait3A_145] : memref<516x16384xf32, #tpu.memory_space<hbm>> -> memref<8x2048xf32, #tpu.memory_space<hbm>>
    tpu.wait_dma2 semaphore(%arg12 : memref<!tpu.dma_semaphore, #tpu.memory_space<semaphore_mem>>) src(%dma_wait3A_146 : memref<8x2048xf32, #tpu.memory_space<hbm>>) dst(%arg5 : memref<8x2048xf32, #tpu.memory_space<vmem>>)
    %add3A_147 = arith.constant 0 : i32
    %add3A_148 = arith.addi %mul3A_2, %add3A_147 : i32
    %dma_start3A_149 = arith.constant 14336 : i32
    %dma_start3A_150 = tpu.memref_slice %arg4[%add3A_148, %dma_start3A_149] : memref<516x65536xf32, #tpu.memory_space<hbm>> -> memref<8x2048xf32, #tpu.memory_space<hbm>>
    %dma_start3A_151 = arith.constant 14336 : i32
    %dma_start3A_152 = tpu.memref_slice %arg4[%add3A_148, %dma_start3A_151] : memref<516x65536xf32, #tpu.memory_space<hbm>> -> memref<8x2048xf32, #tpu.memory_space<hbm>>
    tpu.enqueue_dma source(%arg5 : memref<8x2048xf32, #tpu.memory_space<vmem>>) target(%dma_start3A_152 : memref<8x2048xf32, #tpu.memory_space<hbm>>) target_semaphore(%arg19 : memref<!tpu.dma_semaphore, #tpu.memory_space<semaphore_mem>>)
    %dma_wait3A_153 = arith.constant 6144 : i32
    %dma_wait3A_154 = tpu.memref_slice %arg4[%add3A_72, %dma_wait3A_153] : memref<516x65536xf32, #tpu.memory_space<hbm>> -> memref<8x2048xf32, #tpu.memory_space<hbm>>
    %dma_wait3A_155 = arith.constant 6144 : i32
    %dma_wait3A_156 = tpu.memref_slice %arg4[%add3A_72, %dma_wait3A_155] : memref<516x65536xf32, #tpu.memory_space<hbm>> -> memref<8x2048xf32, #tpu.memory_space<hbm>>
    tpu.wait_dma2 semaphore(%arg22 : memref<!tpu.dma_semaphore, #tpu.memory_space<semaphore_mem>>) src(%arg8 : memref<8x2048xf32, #tpu.memory_space<vmem>>) dst(%dma_wait3A_156 : memref<8x2048xf32, #tpu.memory_space<hbm>>)
    %add3A_157 = arith.constant 0 : i32
    %add3A_158 = arith.addi %mul3A_2, %add3A_157 : i32
    %dma_start3A_159 = arith.constant 4096 : i32
    %dma_start3A_160 = tpu.memref_slice %arg3[%add3A_158, %dma_start3A_159] : memref<516x65536xf32, #tpu.memory_space<hbm>> -> memref<8x2048xf32, #tpu.memory_space<hbm>>
    %dma_start3A_161 = arith.constant 4096 : i32
    %dma_start3A_162 = tpu.memref_slice %arg3[%add3A_158, %dma_start3A_161] : memref<516x65536xf32, #tpu.memory_space<hbm>> -> memref<8x2048xf32, #tpu.memory_space<hbm>>
    tpu.enqueue_dma source(%dma_start3A_162 : memref<8x2048xf32, #tpu.memory_space<hbm>>) target(%arg8 : memref<8x2048xf32, #tpu.memory_space<vmem>>) target_semaphore(%arg15 : memref<!tpu.dma_semaphore, #tpu.memory_space<semaphore_mem>>)
    %dma_wait3A_163 = arith.constant 0 : i32
    %dma_wait3A_164 = tpu.memref_slice %arg3[%add3A_118, %dma_wait3A_163] : memref<516x65536xf32, #tpu.memory_space<hbm>> -> memref<8x2048xf32, #tpu.memory_space<hbm>>
    %dma_wait3A_165 = arith.constant 0 : i32
    %dma_wait3A_166 = tpu.memref_slice %arg3[%add3A_118, %dma_wait3A_165] : memref<516x65536xf32, #tpu.memory_space<hbm>> -> memref<8x2048xf32, #tpu.memory_space<hbm>>
    tpu.wait_dma2 semaphore(%arg13 : memref<!tpu.dma_semaphore, #tpu.memory_space<semaphore_mem>>) src(%dma_wait3A_166 : memref<8x2048xf32, #tpu.memory_space<hbm>>) dst(%arg6 : memref<8x2048xf32, #tpu.memory_space<vmem>>)
    %add3A_167 = arith.constant 0 : i32
    %add3A_168 = arith.addi %mul3A_2, %add3A_167 : i32
    %dma_start3A_169 = arith.constant 16384 : i32
    %dma_start3A_170 = tpu.memref_slice %arg4[%add3A_168, %dma_start3A_169] : memref<516x65536xf32, #tpu.memory_space<hbm>> -> memref<8x2048xf32, #tpu.memory_space<hbm>>
    %dma_start3A_171 = arith.constant 16384 : i32
    %dma_start3A_172 = tpu.memref_slice %arg4[%add3A_168, %dma_start3A_171] : memref<516x65536xf32, #tpu.memory_space<hbm>> -> memref<8x2048xf32, #tpu.memory_space<hbm>>
    tpu.enqueue_dma source(%arg6 : memref<8x2048xf32, #tpu.memory_space<vmem>>) target(%dma_start3A_172 : memref<8x2048xf32, #tpu.memory_space<hbm>>) target_semaphore(%arg20 : memref<!tpu.dma_semaphore, #tpu.memory_space<semaphore_mem>>)
    %dma_wait3A_173 = arith.constant 8192 : i32
    %dma_wait3A_174 = tpu.memref_slice %arg4[%add3A_88, %dma_wait3A_173] : memref<516x65536xf32, #tpu.memory_space<hbm>> -> memref<8x2048xf32, #tpu.memory_space<hbm>>
    %dma_wait3A_175 = arith.constant 8192 : i32
    %dma_wait3A_176 = tpu.memref_slice %arg4[%add3A_88, %dma_wait3A_175] : memref<516x65536xf32, #tpu.memory_space<hbm>> -> memref<8x2048xf32, #tpu.memory_space<hbm>>
    tpu.wait_dma2 semaphore(%arg23 : memref<!tpu.dma_semaphore, #tpu.memory_space<semaphore_mem>>) src(%arg9 : memref<8x2048xf32, #tpu.memory_space<vmem>>) dst(%dma_wait3A_176 : memref<8x2048xf32, #tpu.memory_space<hbm>>)
    %add3A_177 = arith.constant 0 : i32
    %add3A_178 = arith.addi %mul3A_2, %add3A_177 : i32
    %dma_start3A_179 = arith.constant 6144 : i32
    %dma_start3A_180 = tpu.memref_slice %arg3[%add3A_178, %dma_start3A_179] : memref<516x65536xf32, #tpu.memory_space<hbm>> -> memref<8x2048xf32, #tpu.memory_space<hbm>>
    %dma_start3A_181 = arith.constant 6144 : i32
    %dma_start3A_182 = tpu.memref_slice %arg3[%add3A_178, %dma_start3A_181] : memref<516x65536xf32, #tpu.memory_space<hbm>> -> memref<8x2048xf32, #tpu.memory_space<hbm>>
    tpu.enqueue_dma source(%dma_start3A_182 : memref<8x2048xf32, #tpu.memory_space<hbm>>) target(%arg9 : memref<8x2048xf32, #tpu.memory_space<vmem>>) target_semaphore(%arg16 : memref<!tpu.dma_semaphore, #tpu.memory_space<semaphore_mem>>)
    %dma_wait3A_183 = arith.constant 2048 : i32
    %dma_wait3A_184 = tpu.memref_slice %arg3[%add3A_138, %dma_wait3A_183] : memref<516x65536xf32, #tpu.memory_space<hbm>> -> memref<8x2048xf32, #tpu.memory_space<hbm>>
    %dma_wait3A_185 = arith.constant 2048 : i32
    %dma_wait3A_186 = tpu.memref_slice %arg3[%add3A_138, %dma_wait3A_185] : memref<516x65536xf32, #tpu.memory_space<hbm>> -> memref<8x2048xf32, #tpu.memory_space<hbm>>
    tpu.wait_dma2 semaphore(%arg14 : memref<!tpu.dma_semaphore, #tpu.memory_space<semaphore_mem>>) src(%dma_wait3A_186 : memref<8x2048xf32, #tpu.memory_space<hbm>>) dst(%arg7 : memref<8x2048xf32, #tpu.memory_space<vmem>>)
    %add3A_187 = arith.constant 0 : i32
    %add3A_188 = arith.addi %mul3A_2, %add3A_187 : i32
    %dma_start3A_189 = arith.constant 18432 : i32
    %dma_start3A_190 = tpu.memref_slice %arg4[%add3A_188, %dma_start3A_189] : memref<516x65536xf32, #tpu.memory_space<hbm>> -> memref<8x2048xf32, #tpu.memory_space<hbm>>
    %dma_start3A_191 = arith.constant 18432 : i32
    %dma_start3A_192 = tpu.memref_slice %arg4[%add3A_188, %dma_start3A_191] : memref<516x65536xf32, #tpu.memory_space<hbm>> -> memref<8x2048xf32, #tpu.memory_space<hbm>>
    tpu.enqueue_dma source(%arg7 : memref<8x2048xf32, #tpu.memory_space<vmem>>) target(%dma_start3A_192 : memref<8x2048xf32, #tpu.memory_space<hbm>>) target_semaphore(%arg21 : memref<!tpu.dma_semaphore, #tpu.memory_space<semaphore_mem>>)
    %dma_wait3A_193 = arith.constant 10240 : i32
    %dma_wait3A_194 = tpu.memref_slice %arg4[%add3A_108, %dma_wait3A_193] : memref<516x65536xf32, #tpu.memory_space<hbm>> -> memref<8x2048xf32, #tpu.memory_space<hbm>>
    %dma_wait3A_195 = arith.constant 10240 : i32
    %dma_wait3A_196 = tpu.memref_slice %arg4[%add3A_108, %dma_wait3A_195] : memref<516x65536xf32, #tpu.memory_space<hbm>> -> memref<8x2048xf32, #tpu.memory_space<hbm>>
    tpu.wait_dma2 semaphore(%arg24 : memref<!tpu.dma_semaphore, #tpu.memory_space<semaphore_mem>>) src(%arg10 : memref<8x2048xf32, #tpu.memory_space<vmem>>) dst(%dma_wait3A_196 : memref<8x2048xf32, #tpu.memory_space<hbm>>)
    %add3A_197 = arith.constant 0 : i32
    %add3A_198 = arith.addi %mul3A_2, %add3A_197 : i32
    %dma_start3A_199 = arith.constant 8192 : i32
    %dma_start3A_200 = tpu.memref_slice %arg3[%add3A_198, %dma_start3A_199] : memref<516x65536xf32, #tpu.memory_space<hbm>> -> memref<8x2048xf32, #tpu.memory_space<hbm>>
    %dma_start3A_201 = arith.constant 8192 : i32
    %dma_start3A_202 = tpu.memref_slice %arg3[%add3A_198, %dma_start3A_201] : memref<516x65536xf32, #tpu.memory_space<hbm>> -> memref<8x2048xf32, #tpu.memory_space<hbm>>
    tpu.enqueue_dma source(%dma_start3A_202 : memref<8x2048xf32, #tpu.memory_space<hbm>>) target(%arg10 : memref<8x2048xf32, #tpu.memory_space<vmem>>) target_semaphore(%arg17 : memref<!tpu.dma_semaphore, #tpu.memory_space<semaphore_mem>>)
    %dma_wait3A_203 = arith.constant 4096 : i32
    %dma_wait3A_204 = tpu.memref_slice %arg3[%add3A_158, %dma_wait3A_203] : memref<516x65536xf32, #tpu.memory_space<hbm>> -> memref<8x2048xf32, #tpu.memory_space<hbm>>
    %dma_wait3A_205 = arith.constant 4096 : i32
    %dma_wait3A_206 = tpu.memref_slice %arg3[%add3A_158, %dma_wait3A_205] : memref<516x65536xf32, #tpu.memory_space<hbm>> -> memref<8x2048xf32, #tpu.memory_space<hbm>>
    tpu.wait_dma2 semaphore(%arg15 : memref<!tpu.dma_semaphore, #tpu.memory_space<semaphore_mem>>) src(%dma_wait3A_206 : memref<8x2048xf32, #tpu.memory_space<hbm>>) dst(%arg8 : memref<8x2048xf32, #tpu.memory_space<vmem>>)
    %add3A_207 = arith.constant 0 : i32
    %add3A_208 = arith.addi %mul3A_2, %add3A_207 : i32
    %dma_start3A_209 = arith.constant 20480 : i32
    %dma_start3A_210 = tpu.memref_slice %arg4[%add3A_208, %dma_start3A_209] : memref<516x65536xf32, #tpu.memory_space<hbm>> -> memref<8x2048xf32, #tpu.memory_space<hbm>>
    %dma_start3A_211 = arith.constant 20480 : i32
    %dma_start3A_212 = tpu.memref_slice %arg4[%add3A_208, %dma_start3A_211] : memref<516x65536xf32, #tpu.memory_space<hbm>> -> memref<8x2048xf32, #tpu.memory_space<hbm>>
    tpu.enqueue_dma source(%arg8 : memref<8x2048xf32, #tpu.memory_space<vmem>>) target(%dma_start3A_212 : memref<8x2048xf32, #tpu.memory_space<hbm>>) target_semaphore(%arg22 : memref<!tpu.dma_semaphore, #tpu.memory_space<semaphore_mem>>)
    %dma_wait3A_213 = arith.constant 12288 : i32
    %dma_wait3A_214 = tpu.memref_slice %arg4[%add3A_128, %dma_wait3A_213] : memref<516x65536xf32, #tpu.memory_space<hbm>> -> memref<8x2048xf32, #tpu.memory_space<hbm>>
    %dma_wait3A_215 = arith.constant 12288 : i32
    %dma_wait3A_216 = tpu.memref_slice %arg4[%add3A_128, %dma_wait3A_215] : memref<516x65536xf32, #tpu.memory_space<hbm>> -> memref<8x2048xf32, #tpu.memory_space<hbm>>
    tpu.wait_dma2 semaphore(%arg25 : memref<!tpu.dma_semaphore, #tpu.memory_space<semaphore_mem>>) src(%arg11 : memref<8x2048xf32, #tpu.memory_space<vmem>>) dst(%dma_wait3A_216 : memref<8x2048xf32, #tpu.memory_space<hbm>>)
    %add3A_217 = arith.constant 0 : i32
    %add3A_218 = arith.addi %mul3A_2, %add3A_217 : i32
    %dma_start3A_219 = arith.constant 10240 : i32
    %dma_start3A_220 = tpu.memref_slice %arg3[%add3A_218, %dma_start3A_219] : memref<516x65536xf32, #tpu.memory_space<hbm>> -> memref<8x2048xf32, #tpu.memory_space<hbm>>
    %dma_start3A_221 = arith.constant 10240 : i32
    %dma_start3A_222 = tpu.memref_slice %arg3[%add3A_218, %dma_start3A_221] : memref<516x65536xf32, #tpu.memory_space<hbm>> -> memref<8x2048xf32, #tpu.memory_space<hbm>>
    tpu.enqueue_dma source(%dma_start3A_222 : memref<8x2048xf32, #tpu.memory_space<hbm>>) target(%arg11 : memref<8x2048xf32, #tpu.memory_space<vmem>>) target_semaphore(%arg18 : memref<!tpu.dma_semaphore, #tpu.memory_space<semaphore_mem>>)
    %dma_wait3A_223 = arith.constant 6144 : i32
    %dma_wait3A_224 = tpu.memref_slice %arg3[%add3A_178, %dma_wait3A_223] : memref<516x65536xf32, #tpu.memory_space<hbm>> -> memref<8x2048xf32, #tpu.memory_space<hbm>>
    %dma_wait3A_225 = arith.constant 6144 : i32
    %dma_wait3A_226 = tpu.memref_slice %arg3[%add3A_178, %dma_wait3A_225] : memref<516x65536xf32, #tpu.memory_space<hbm>> -> memref<8x2048xf32, #tpu.memory_space<hbm>>
    tpu.wait_dma2 semaphore(%arg16 : memref<!tpu.dma_semaphore, #tpu.memory_space<semaphore_mem>>) src(%dma_wait3A_226 : memref<8x2048xf32, #tpu.memory_space<hbm>>) dst(%arg9 : memref<8x2048xf32, #tpu.memory_space<vmem>>)
    %add3A_227 = arith.constant 0 : i32
    %add3A_228 = arith.addi %mul3A_2, %add3A_227 : i32
    %dma_start3A_229 = arith.constant 22528 : i32
    %dma_start3A_230 = tpu.memref_slice %arg4[%add3A_228, %dma_start3A_229] : memref<516x65536xf32, #tpu.memory_space<hbm>> -> memref<8x2048xf32, #tpu.memory_space<hbm>>
    %dma_start3A_231 = arith.constant 22528 : i32
    %dma_start3A_232 = tpu.memref_slice %arg4[%add3A_228, %dma_start3A_231] : memref<516x65536xf32, #tpu.memory_space<hbm>> -> memref<8x2048xf32, #tpu.memory_space<hbm>>
    tpu.enqueue_dma source(%arg9 : memref<8x2048xf32, #tpu.memory_space<vmem>>) target(%dma_start3A_232 : memref<8x2048xf32, #tpu.memory_space<hbm>>) target_semaphore(%arg23 : memref<!tpu.dma_semaphore, #tpu.memory_space<semaphore_mem>>)
    %dma_wait3A_233 = arith.constant 14336 : i32
    %dma_wait3A_234 = tpu.memref_slice %arg4[%add3A_148, %dma_wait3A_233] : memref<516x65536xf32, #tpu.memory_space<hbm>> -> memref<8x2048xf32, #tpu.memory_space<hbm>>
    %dma_wait3A_235 = arith.constant 14336 : i32
    %dma_wait3A_236 = tpu.memref_slice %arg4[%add3A_148, %dma_wait3A_235] : memref<516x65536xf32, #tpu.memory_space<hbm>> -> memref<8x2048xf32, #tpu.memory_space<hbm>>
    tpu.wait_dma2 semaphore(%arg19 : memref<!tpu.dma_semaphore, #tpu.memory_space<semaphore_mem>>) src(%arg5 : memref<8x2048xf32, #tpu.memory_space<vmem>>) dst(%dma_wait3A_236 : memref<8x2048xf32, #tpu.memory_space<hbm>>)
    %add3A_237 = arith.constant 0 : i32
    %add3A_238 = arith.addi %mul3A_2, %add3A_237 : i32
    %dma_start3A_239 = arith.constant 12288 : i32
    %dma_start3A_240 = tpu.memref_slice %arg3[%add3A_238, %dma_start3A_239] : memref<516x65536xf32, #tpu.memory_space<hbm>> -> memref<8x2048xf32, #tpu.memory_space<hbm>>
    %dma_start3A_241 = arith.constant 12288 : i32
    %dma_start3A_242 = tpu.memref_slice %arg3[%add3A_238, %dma_start3A_241] : memref<516x65536xf32, #tpu.memory_space<hbm>> -> memref<8x2048xf32, #tpu.memory_space<hbm>>
    tpu.enqueue_dma source(%dma_start3A_242 : memref<8x2048xf32, #tpu.memory_space<hbm>>) target(%arg5 : memref<8x2048xf32, #tpu.memory_space<vmem>>) target_semaphore(%arg12 : memref<!tpu.dma_semaphore, #tpu.memory_space<semaphore_mem>>)
    %dma_wait3A_243 = arith.constant 8192 : i32
    %dma_wait3A_244 = tpu.memref_slice %arg3[%add3A_198, %dma_wait3A_243] : memref<516x65536xf32, #tpu.memory_space<hbm>> -> memref<8x2048xf32, #tpu.memory_space<hbm>>
    %dma_wait3A_245 = arith.constant 8192 : i32
    %dma_wait3A_246 = tpu.memref_slice %arg3[%add3A_198, %dma_wait3A_245] : memref<516x65536xf32, #tpu.memory_space<hbm>> -> memref<8x2048xf32, #tpu.memory_space<hbm>>
    tpu.wait_dma2 semaphore(%arg17 : memref<!tpu.dma_semaphore, #tpu.memory_space<semaphore_mem>>) src(%dma_wait3A_246 : memref<8x2048xf32, #tpu.memory_space<hbm>>) dst(%arg10 : memref<8x2048xf32, #tpu.memory_space<vmem>>)
    %add3A_247 = arith.constant 0 : i32
    %add3A_248 = arith.addi %mul3A_2, %add3A_247 : i32
    %dma_start3A_249 = arith.constant 24576 : i32
    %dma_start3A_250 = tpu.memref_slice %arg4[%add3A_248, %dma_start3A_249] : memref<516x65536xf32, #tpu.memory_space<hbm>> -> memref<8x2048xf32, #tpu.memory_space<hbm>>
    %dma_start3A_251 = arith.constant 24576 : i32
    %dma_start3A_252 = tpu.memref_slice %arg4[%add3A_248, %dma_start3A_251] : memref<516x65536xf32, #tpu.memory_space<hbm>> -> memref<8x2048xf32, #tpu.memory_space<hbm>>
    tpu.enqueue_dma source(%arg10 : memref<8x2048xf32, #tpu.memory_space<vmem>>) target(%dma_start3A_252 : memref<8x2048xf32, #tpu.memory_space<hbm>>) target_semaphore(%arg24 : memref<!tpu.dma_semaphore, #tpu.memory_space<semaphore_mem>>)
    %dma_wait3A_253 = arith.constant 16384 : i32
    %dma_wait3A_254 = tpu.memref_slice %arg4[%add3A_168, %dma_wait3A_253] : memref<516x65536xf32, #tpu.memory_space<hbm>> -> memref<8x2048xf32, #tpu.memory_space<hbm>>
    %dma_wait3A_255 = arith.constant 16384 : i32
    %dma_wait3A_256 = tpu.memref_slice %arg4[%add3A_168, %dma_wait3A_255] : memref<516x65536xf32, #tpu.memory_space<hbm>> -> memref<8x2048xf32, #tpu.memory_space<hbm>>
    tpu.wait_dma2 semaphore(%arg20 : memref<!tpu.dma_semaphore, #tpu.memory_space<semaphore_mem>>) src(%arg6 : memref<8x2048xf32, #tpu.memory_space<vmem>>) dst(%dma_wait3A_256 : memref<8x2048xf32, #tpu.memory_space<hbm>>)
    %add3A_257 = arith.constant 0 : i32
    %add3A_258 = arith.addi %mul3A_2, %add3A_257 : i32
    %dma_start3A_259 = arith.constant 14336 : i32
    %dma_start3A_260 = tpu.memref_slice %arg3[%add3A_258, %dma_start3A_259] : memref<516x65536xf32, #tpu.memory_space<hbm>> -> memref<8x2048xf32, #tpu.memory_space<hbm>>
    %dma_start3A_261 = arith.constant 14336 : i32
    %dma_start3A_262 = tpu.memref_slice %arg3[%add3A_258, %dma_start3A_261] : memref<516x65536xf32, #tpu.memory_space<hbm>> -> memref<8x2048xf32, #tpu.memory_space<hbm>>
    tpu.enqueue_dma source(%dma_start3A_262 : memref<8x2048xf32, #tpu.memory_space<hbm>>) target(%arg6 : memref<8x2048xf32, #tpu.memory_space<vmem>>) target_semaphore(%arg13 : memref<!tpu.dma_semaphore, #tpu.memory_space<semaphore_mem>>)
    %dma_wait3A_263 = arith.constant 10240 : i32
    %dma_wait3A_264 = tpu.memref_slice %arg3[%add3A_218, %dma_wait3A_263] : memref<516x65536xf32, #tpu.memory_space<hbm>> -> memref<8x2048xf32, #tpu.memory_space<hbm>>
    %dma_wait3A_265 = arith.constant 10240 : i32
    %dma_wait3A_266 = tpu.memref_slice %arg3[%add3A_218, %dma_wait3A_265] : memref<516x65536xf32, #tpu.memory_space<hbm>> -> memref<8x2048xf32, #tpu.memory_space<hbm>>
    tpu.wait_dma2 semaphore(%arg18 : memref<!tpu.dma_semaphore, #tpu.memory_space<semaphore_mem>>) src(%dma_wait3A_266 : memref<8x2048xf32, #tpu.memory_space<hbm>>) dst(%arg11 : memref<8x2048xf32, #tpu.memory_space<vmem>>)
    %add3A_267 = arith.constant 0 : i32
    %add3A_268 = arith.addi %mul3A_2, %add3A_267 : i32
    %dma_start3A_269 = arith.constant 26624 : i32
    %dma_start3A_270 = tpu.memref_slice %arg4[%add3A_268, %dma_start3A_269] : memref<516x65536xf32, #tpu.memory_space<hbm>> -> memref<8x2048xf32, #tpu.memory_space<hbm>>
    %dma_start3A_271 = arith.constant 26624 : i32
    %dma_start3A_272 = tpu.memref_slice %arg4[%add3A_268, %dma_start3A_271] : memref<516x65536xf32, #tpu.memory_space<hbm>> -> memref<8x2048xf32, #tpu.memory_space<hbm>>
    tpu.enqueue_dma source(%arg11 : memref<8x2048xf32, #tpu.memory_space<vmem>>) target(%dma_start3A_272 : memref<8x2048xf32, #tpu.memory_space<hbm>>) target_semaphore(%arg25 : memref<!tpu.dma_semaphore, #tpu.memory_space<semaphore_mem>>)
    %dma_wait3A_273 = arith.constant 18432 : i32
    %dma_wait3A_274 = tpu.memref_slice %arg4[%add3A_188, %dma_wait3A_273] : memref<516x65536xf32, #tpu.memory_space<hbm>> -> memref<8x2048xf32, #tpu.memory_space<hbm>>
    %dma_wait3A_275 = arith.constant 18432 : i32
    %dma_wait3A_276 = tpu.memref_slice %arg4[%add3A_188, %dma_wait3A_275] : memref<516x65536xf32, #tpu.memory_space<hbm>> -> memref<8x2048xf32, #tpu.memory_space<hbm>>
    tpu.wait_dma2 semaphore(%arg21 : memref<!tpu.dma_semaphore, #tpu.memory_space<semaphore_mem>>) src(%arg7 : memref<8x2048xf32, #tpu.memory_space<vmem>>) dst(%dma_wait3A_276 : memref<8x2048xf32, #tpu.memory_space<hbm>>)
    %add3A_277 = arith.constant 0 : i32
    %add3A_278 = arith.addi %mul3A_2, %add3A_277 : i32
    %dma_start3A_279 = arith.constant 16384 : i32
    %dma_start3A_280 = tpu.memref_slice %arg3[%add3A_278, %dma_start3A_279] : memref<516x65536xf32, #tpu.memory_space<hbm>> -> memref<8x2048xf32, #tpu.memory_space<hbm>>
    %dma_start3A_281 = arith.constant 16384 : i32
    %dma_start3A_282 = tpu.memref_slice %arg3[%add3A_278, %dma_start3A_281] : memref<516x65536xf32, #tpu.memory_space<hbm>> -> memref<8x2048xf32, #tpu.memory_space<hbm>>
    tpu.enqueue_dma source(%dma_start3A_282 : memref<8x2048xf32, #tpu.memory_space<hbm>>) target(%arg7 : memref<8x2048xf32, #tpu.memory_space<vmem>>) target_semaphore(%arg14 : memref<!tpu.dma_semaphore, #tpu.memory_space<semaphore_mem>>)
    %dma_wait3A_283 = arith.constant 12288 : i32
    %dma_wait3A_284 = tpu.memref_slice %arg3[%add3A_238, %dma_wait3A_283] : memref<516x65536xf32, #tpu.memory_space<hbm>> -> memref<8x2048xf32, #tpu.memory_space<hbm>>
    %dma_wait3A_285 = arith.constant 12288 : i32
    %dma_wait3A_286 = tpu.memref_slice %arg3[%add3A_238, %dma_wait3A_285] : memref<516x65536xf32, #tpu.memory_space<hbm>> -> memref<8x2048xf32, #tpu.memory_space<hbm>>
    tpu.wait_dma2 semaphore(%arg12 : memref<!tpu.dma_semaphore, #tpu.memory_space<semaphore_mem>>) src(%dma_wait3A_286 : memref<8x2048xf32, #tpu.memory_space<hbm>>) dst(%arg5 : memref<8x2048xf32, #tpu.memory_space<vmem>>)
    %add3A_287 = arith.constant 0 : i32
    %add3A_288 = arith.addi %mul3A_2, %add3A_287 : i32
    %dma_start3A_289 = arith.constant 28672 : i32
    %dma_start3A_290 = tpu.memref_slice %arg4[%add3A_288, %dma_start3A_289] : memref<516x65536xf32, #tpu.memory_space<hbm>> -> memref<8x2048xf32, #tpu.memory_space<hbm>>
    %dma_start3A_291 = arith.constant 28672 : i32
    %dma_start3A_292 = tpu.memref_slice %arg4[%add3A_288, %dma_start3A_291] : memref<516x65536xf32, #tpu.memory_space<hbm>> -> memref<8x2048xf32, #tpu.memory_space<hbm>>
    tpu.enqueue_dma source(%arg5 : memref<8x2048xf32, #tpu.memory_space<vmem>>) target(%dma_start3A_292 : memref<8x2048xf32, #tpu.memory_space<hbm>>) target_semaphore(%arg19 : memref<!tpu.dma_semaphore, #tpu.memory_space<semaphore_mem>>)
    %dma_wait3A_293 = arith.constant 20480 : i32
    %dma_wait3A_294 = tpu.memref_slice %arg4[%add3A_208, %dma_wait3A_293] : memref<516x65536xf32, #tpu.memory_space<hbm>> -> memref<8x2048xf32, #tpu.memory_space<hbm>>
    %dma_wait3A_295 = arith.constant 20480 : i32
    %dma_wait3A_296 = tpu.memref_slice %arg4[%add3A_208, %dma_wait3A_295] : memref<516x65536xf32, #tpu.memory_space<hbm>> -> memref<8x2048xf32, #tpu.memory_space<hbm>>
    tpu.wait_dma2 semaphore(%arg22 : memref<!tpu.dma_semaphore, #tpu.memory_space<semaphore_mem>>) src(%arg8 : memref<8x2048xf32, #tpu.memory_space<vmem>>) dst(%dma_wait3A_296 : memref<8x2048xf32, #tpu.memory_space<hbm>>)
    %add3A_297 = arith.constant 0 : i32
    %add3A_298 = arith.addi %mul3A_2, %add3A_297 : i32
    %dma_start3A_299 = arith.constant 18432 : i32
    %dma_start3A_300 = tpu.memref_slice %arg3[%add3A_298, %dma_start3A_299] : memref<516x65536xf32, #tpu.memory_space<hbm>> -> memref<8x2048xf32, #tpu.memory_space<hbm>>
    %dma_start3A_301 = arith.constant 18432 : i32
    %dma_start3A_302 = tpu.memref_slice %arg3[%add3A_298, %dma_start3A_301] : memref<516x65536xf32, #tpu.memory_space<hbm>> -> memref<8x2048xf32, #tpu.memory_space<hbm>>
    tpu.enqueue_dma source(%dma_start3A_302 : memref<8x2048xf32, #tpu.memory_space<hbm>>) target(%arg8 : memref<8x2048xf32, #tpu.memory_space<vmem>>) target_semaphore(%arg15 : memref<!tpu.dma_semaphore, #tpu.memory_space<semaphore_mem>>)
    %dma_wait3A_303 = arith.constant 14336 : i32
    %dma_wait3A_304 = tpu.memref_slice %arg3[%add3A_258, %dma_wait3A_303] : memref<516x65536xf32, #tpu.memory_space<hbm>> -> memref<8x2048xf32, #tpu.memory_space<hbm>>
    %dma_wait3A_305 = arith.constant 14336 : i32
    %dma_wait3A_306 = tpu.memref_slice %arg3[%add3A_258, %dma_wait3A_305] : memref<516x65536xf32, #tpu.memory_space<hbm>> -> memref<8x2048xf32, #tpu.memory_space<hbm>>
    tpu.wait_dma2 semaphore(%arg13 : memref<!tpu.dma_semaphore, #tpu.memory_space<semaphore_mem>>) src(%dma_wait3A_306 : memref<8x2048xf32, #tpu.memory_space<hbm>>) dst(%arg6 : memref<8x2048xf32, #tpu.memory_space<vmem>>)
    %add3A_307 = arith.constant 0 : i32
    %add3A_308 = arith.addi %mul3A_2, %add3A_307 : i32
    %dma_start3A_309 = arith.constant 30720 : i32
    %dma_start3A_310 = tpu.memref_slice %arg4[%add3A_308, %dma_start3A_309] : memref<516x65536xf32, #tpu.memory_space<hbm>> -> memref<8x2048xf32, #tpu.memory_space<hbm>>
    %dma_start3A_311 = arith.constant 30720 : i32
    %dma_start3A_312 = tpu.memref_slice %arg4[%add3A_308, %dma_start3A_311] : memref<516x65536xf32, #tpu.memory_space<hbm>> -> memref<8x2048xf32, #tpu.memory_space<hbm>>
    tpu.enqueue_dma source(%arg6 : memref<8x2048xf32, #tpu.memory_space<vmem>>) target(%dma_start3A_312 : memref<8x2048xf32, #tpu.memory_space<hbm>>) target_semaphore(%arg20 : memref<!tpu.dma_semaphore, #tpu.memory_space<semaphore_mem>>)
    %dma_wait3A_313 = arith.constant 22528 : i32
    %dma_wait3A_314 = tpu.memref_slice %arg4[%add3A_228, %dma_wait3A_313] : memref<516x65536xf32, #tpu.memory_space<hbm>> -> memref<8x2048xf32, #tpu.memory_space<hbm>>
    %dma_wait3A_315 = arith.constant 22528 : i32
    %dma_wait3A_316 = tpu.memref_slice %arg4[%add3A_228, %dma_wait3A_315] : memref<516x65536xf32, #tpu.memory_space<hbm>> -> memref<8x2048xf32, #tpu.memory_space<hbm>>
    tpu.wait_dma2 semaphore(%arg23 : memref<!tpu.dma_semaphore, #tpu.memory_space<semaphore_mem>>) src(%arg9 : memref<8x2048xf32, #tpu.memory_space<vmem>>) dst(%dma_wait3A_316 : memref<8x2048xf32, #tpu.memory_space<hbm>>)
    %add3A_317 = arith.constant 0 : i32
    %add3A_318 = arith.addi %mul3A_2, %add3A_317 : i32
    %dma_start3A_319 = arith.constant 20480 : i32
    %dma_start3A_320 = tpu.memref_slice %arg3[%add3A_318, %dma_start3A_319] : memref<516x65536xf32, #tpu.memory_space<hbm>> -> memref<8x2048xf32, #tpu.memory_space<hbm>>
    %dma_start3A_321 = arith.constant 20480 : i32
    %dma_start3A_322 = tpu.memref_slice %arg3[%add3A_318, %dma_start3A_321] : memref<516x65536xf32, #tpu.memory_space<hbm>> -> memref<8x2048xf32, #tpu.memory_space<hbm>>
    tpu.enqueue_dma source(%dma_start3A_322 : memref<8x2048xf32, #tpu.memory_space<hbm>>) target(%arg9 : memref<8x2048xf32, #tpu.memory_space<vmem>>) target_semaphore(%arg16 : memref<!tpu.dma_semaphore, #tpu.memory_space<semaphore_mem>>)
    %dma_wait3A_323 = arith.constant 16384 : i32
    %dma_wait3A_324 = tpu.memref_slice %arg3[%add3A_278, %dma_wait3A_323] : memref<516x65536xf32, #tpu.memory_space<hbm>> -> memref<8x2048xf32, #tpu.memory_space<hbm>>
    %dma_wait3A_325 = arith.constant 16384 : i32
    %dma_wait3A_326 = tpu.memref_slice %arg3[%add3A_278, %dma_wait3A_325] : memref<516x65536xf32, #tpu.memory_space<hbm>> -> memref<8x2048xf32, #tpu.memory_space<hbm>>
    tpu.wait_dma2 semaphore(%arg14 : memref<!tpu.dma_semaphore, #tpu.memory_space<semaphore_mem>>) src(%dma_wait3A_326 : memref<8x2048xf32, #tpu.memory_space<hbm>>) dst(%arg7 : memref<8x2048xf32, #tpu.memory_space<vmem>>)
    %add3A_327 = arith.constant 0 : i32
    %add3A_328 = arith.addi %mul3A_2, %add3A_327 : i32
    %dma_start3A_329 = arith.constant 32768 : i32
    %dma_start3A_330 = tpu.memref_slice %arg4[%add3A_328, %dma_start3A_329] : memref<516x65536xf32, #tpu.memory_space<hbm>> -> memref<8x2048xf32, #tpu.memory_space<hbm>>
    %dma_start3A_331 = arith.constant 32768 : i32
    %dma_start3A_332 = tpu.memref_slice %arg4[%add3A_328, %dma_start3A_331] : memref<516x65536xf32, #tpu.memory_space<hbm>> -> memref<8x2048xf32, #tpu.memory_space<hbm>>
    tpu.enqueue_dma source(%arg7 : memref<8x2048xf32, #tpu.memory_space<vmem>>) target(%dma_start3A_332 : memref<8x2048xf32, #tpu.memory_space<hbm>>) target_semaphore(%arg21 : memref<!tpu.dma_semaphore, #tpu.memory_space<semaphore_mem>>)
    %dma_wait3A_333 = arith.constant 24576 : i32
    %dma_wait3A_334 = tpu.memref_slice %arg4[%add3A_248, %dma_wait3A_333] : memref<516x65536xf32, #tpu.memory_space<hbm>> -> memref<8x2048xf32, #tpu.memory_space<hbm>>
    %dma_wait3A_335 = arith.constant 24576 : i32
    %dma_wait3A_336 = tpu.memref_slice %arg4[%add3A_248, %dma_wait3A_335] : memref<516x65536xf32, #tpu.memory_space<hbm>> -> memref<8x2048xf32, #tpu.memory_space<hbm>>
    tpu.wait_dma2 semaphore(%arg24 : memref<!tpu.dma_semaphore, #tpu.memory_space<semaphore_mem>>) src(%arg10 : memref<8x2048xf32, #tpu.memory_space<vmem>>) dst(%dma_wait3A_336 : memref<8x2048xf32, #tpu.memory_space<hbm>>)
    %add3A_337 = arith.constant 0 : i32
    %add3A_338 = arith.addi %mul3A_2, %add3A_337 : i32
    %dma_start3A_339 = arith.constant 22528 : i32
    %dma_start3A_340 = tpu.memref_slice %arg3[%add3A_338, %dma_start3A_339] : memref<516x65536xf32, #tpu.memory_space<hbm>> -> memref<8x2048xf32, #tpu.memory_space<hbm>>
    %dma_start3A_341 = arith.constant 22528 : i32
    %dma_start3A_342 = tpu.memref_slice %arg3[%add3A_338, %dma_start3A_341] : memref<516x65536xf32, #tpu.memory_space<hbm>> -> memref<8x2048xf32, #tpu.memory_space<hbm>>
    tpu.enqueue_dma source(%dma_start3A_342 : memref<8x2048xf32, #tpu.memory_space<hbm>>) target(%arg10 : memref<8x2048xf32, #tpu.memory_space<vmem>>) target_semaphore(%arg17 : memref<!tpu.dma_semaphore, #tpu.memory_space<semaphore_mem>>)
    %dma_wait3A_343 = arith.constant 18432 : i32
    %dma_wait3A_344 = tpu.memref_slice %arg3[%add3A_298, %dma_wait3A_343] : memref<516x65536xf32, #tpu.memory_space<hbm>> -> memref<8x2048xf32, #tpu.memory_space<hbm>>
    %dma_wait3A_345 = arith.constant 18432 : i32
    %dma_wait3A_346 = tpu.memref_slice %arg3[%add3A_298, %dma_wait3A_345] : memref<516x65536xf32, #tpu.memory_space<hbm>> -> memref<8x2048xf32, #tpu.memory_space<hbm>>
    tpu.wait_dma2 semaphore(%arg15 : memref<!tpu.dma_semaphore, #tpu.memory_space<semaphore_mem>>) src(%dma_wait3A_346 : memref<8x2048xf32, #tpu.memory_space<hbm>>) dst(%arg8 : memref<8x2048xf32, #tpu.memory_space<vmem>>)
    %add3A_347 = arith.constant 0 : i32
    %add3A_348 = arith.addi %mul3A_2, %add3A_347 : i32
    %dma_start3A_349 = arith.constant 34816 : i32
    %dma_start3A_350 = tpu.memref_slice %arg4[%add3A_348, %dma_start3A_349] : memref<516x65536xf32, #tpu.memory_space<hbm>> -> memref<8x2048xf32, #tpu.memory_space<hbm>>
    %dma_start3A_351 = arith.constant 34816 : i32
    %dma_start3A_352 = tpu.memref_slice %arg4[%add3A_348, %dma_start3A_351] : memref<516x65536xf32, #tpu.memory_space<hbm>> -> memref<8x2048xf32, #tpu.memory_space<hbm>>
    tpu.enqueue_dma source(%arg8 : memref<8x2048xf32, #tpu.memory_space<vmem>>) target(%dma_start3A_352 : memref<8x2048xf32, #tpu.memory_space<hbm>>) target_semaphore(%arg22 : memref<!tpu.dma_semaphore, #tpu.memory_space<semaphore_mem>>)
    %dma_wait3A_353 = arith.constant 26624 : i32
    %dma_wait3A_354 = tpu.memref_slice %arg4[%add3A_268, %dma_wait3A_353] : memref<516x65536xf32, #tpu.memory_space<hbm>> -> memref<8x2048xf32, #tpu.memory_space<hbm>>
    %dma_wait3A_355 = arith.constant 26624 : i32
    %dma_wait3A_356 = tpu.memref_slice %arg4[%add3A_268, %dma_wait3A_355] : memref<516x65536xf32, #tpu.memory_space<hbm>> -> memref<8x2048xf32, #tpu.memory_space<hbm>>
    tpu.wait_dma2 semaphore(%arg25 : memref<!tpu.dma_semaphore, #tpu.memory_space<semaphore_mem>>) src(%arg11 : memref<8x2048xf32, #tpu.memory_space<vmem>>) dst(%dma_wait3A_356 : memref<8x2048xf32, #tpu.memory_space<hbm>>)
    %add3A_357 = arith.constant 0 : i32
    %add3A_358 = arith.addi %mul3A_2, %add3A_357 : i32
    %dma_start3A_359 = arith.constant 24576 : i32
    %dma_start3A_360 = tpu.memref_slice %arg3[%add3A_358, %dma_start3A_359] : memref<516x65536xf32, #tpu.memory_space<hbm>> -> memref<8x2048xf32, #tpu.memory_space<hbm>>
    %dma_start3A_361 = arith.constant 24576 : i32
    %dma_start3A_362 = tpu.memref_slice %arg3[%add3A_358, %dma_start3A_361] : memref<516x65536xf32, #tpu.memory_space<hbm>> -> memref<8x2048xf32, #tpu.memory_space<hbm>>
    tpu.enqueue_dma source(%dma_start3A_362 : memref<8x2048xf32, #tpu.memory_space<hbm>>) target(%arg11 : memref<8x2048xf32, #tpu.memory_space<vmem>>) target_semaphore(%arg18 : memref<!tpu.dma_semaphore, #tpu.memory_space<semaphore_mem>>)
    %dma_wait3A_363 = arith.constant 20480 : i32
    %dma_wait3A_364 = tpu.memref_slice %arg3[%add3A_318, %dma_wait3A_363] : memref<516x65536xf32, #tpu.memory_space<hbm>> -> memref<8x2048xf32, #tpu.memory_space<hbm>>
    %dma_wait3A_365 = arith.constant 20480 : i32
    %dma_wait3A_366 = tpu.memref_slice %arg3[%add3A_318, %dma_wait3A_365] : memref<516x65536xf32, #tpu.memory_space<hbm>> -> memref<8x2048xf32, #tpu.memory_space<hbm>>
    tpu.wait_dma2 semaphore(%arg16 : memref<!tpu.dma_semaphore, #tpu.memory_space<semaphore_mem>>) src(%dma_wait3A_366 : memref<8x2048xf32, #tpu.memory_space<hbm>>) dst(%arg9 : memref<8x2048xf32, #tpu.memory_space<vmem>>)
    %add3A_367 = arith.constant 0 : i32
    %add3A_368 = arith.addi %mul3A_2, %add3A_367 : i32
    %dma_start3A_369 = arith.constant 36864 : i32
    %dma_start3A_370 = tpu.memref_slice %arg4[%add3A_368, %dma_start3A_369] : memref<516x65536xf32, #tpu.memory_space<hbm>> -> memref<8x2048xf32, #tpu.memory_space<hbm>>
    %dma_start3A_371 = arith.constant 36864 : i32
    %dma_start3A_372 = tpu.memref_slice %arg4[%add3A_368, %dma_start3A_371] : memref<516x65536xf32, #tpu.memory_space<hbm>> -> memref<8x2048xf32, #tpu.memory_space<hbm>>
    tpu.enqueue_dma source(%arg9 : memref<8x2048xf32, #tpu.memory_space<vmem>>) target(%dma_start3A_372 : memref<8x2048xf32, #tpu.memory_space<hbm>>) target_semaphore(%arg23 : memref<!tpu.dma_semaphore, #tpu.memory_space<semaphore_mem>>)
    %dma_wait3A_373 = arith.constant 28672 : i32
    %dma_wait3A_374 = tpu.memref_slice %arg4[%add3A_288, %dma_wait3A_373] : memref<516x65536xf32, #tpu.memory_space<hbm>> -> memref<8x2048xf32, #tpu.memory_space<hbm>>
    %dma_wait3A_375 = arith.constant 28672 : i32
    %dma_wait3A_376 = tpu.memref_slice %arg4[%add3A_288, %dma_wait3A_375] : memref<516x65536xf32, #tpu.memory_space<hbm>> -> memref<8x2048xf32, #tpu.memory_space<hbm>>
    tpu.wait_dma2 semaphore(%arg19 : memref<!tpu.dma_semaphore, #tpu.memory_space<semaphore_mem>>) src(%arg5 : memref<8x2048xf32, #tpu.memory_space<vmem>>) dst(%dma_wait3A_376 : memref<8x2048xf32, #tpu.memory_space<hbm>>)
    %add3A_377 = arith.constant 0 : i32
    %add3A_378 = arith.addi %mul3A_2, %add3A_377 : i32
    %dma_start3A_379 = arith.constant 26624 : i32
    %dma_start3A_380 = tpu.memref_slice %arg3[%add3A_378, %dma_start3A_379] : memref<516x65536xf32, #tpu.memory_space<hbm>> -> memref<8x2048xf32, #tpu.memory_space<hbm>>
    %dma_start3A_381 = arith.constant 26624 : i32
    %dma_start3A_382 = tpu.memref_slice %arg3[%add3A_378, %dma_start3A_381] : memref<516x65536xf32, #tpu.memory_space<hbm>> -> memref<8x2048xf32, #tpu.memory_space<hbm>>
    tpu.enqueue_dma source(%dma_start3A_382 : memref<8x2048xf32, #tpu.memory_space<hbm>>) target(%arg5 : memref<8x2048xf32, #tpu.memory_space<vmem>>) target_semaphore(%arg12 : memref<!tpu.dma_semaphore, #tpu.memory_space<semaphore_mem>>)
    %dma_wait3A_383 = arith.constant 22528 : i32
    %dma_wait3A_384 = tpu.memref_slice %arg3[%add3A_338, %dma_wait3A_383] : memref<516x65536xf32, #tpu.memory_space<hbm>> -> memref<8x2048xf32, #tpu.memory_space<hbm>>
    %dma_wait3A_385 = arith.constant 22528 : i32
    %dma_wait3A_386 = tpu.memref_slice %arg3[%add3A_338, %dma_wait3A_385] : memref<516x65536xf32, #tpu.memory_space<hbm>> -> memref<8x2048xf32, #tpu.memory_space<hbm>>
    tpu.wait_dma2 semaphore(%arg17 : memref<!tpu.dma_semaphore, #tpu.memory_space<semaphore_mem>>) src(%dma_wait3A_386 : memref<8x2048xf32, #tpu.memory_space<hbm>>) dst(%arg10 : memref<8x2048xf32, #tpu.memory_space<vmem>>)
    %add3A_387 = arith.constant 0 : i32
    %add3A_388 = arith.addi %mul3A_2, %add3A_387 : i32
    %dma_start3A_389 = arith.constant 38912 : i32
    %dma_start3A_390 = tpu.memref_slice %arg4[%add3A_388, %dma_start3A_389] : memref<516x65536xf32, #tpu.memory_space<hbm>> -> memref<8x2048xf32, #tpu.memory_space<hbm>>
    %dma_start3A_391 = arith.constant 38912 : i32
    %dma_start3A_392 = tpu.memref_slice %arg4[%add3A_388, %dma_start3A_391] : memref<516x65536xf32, #tpu.memory_space<hbm>> -> memref<8x2048xf32, #tpu.memory_space<hbm>>
    tpu.enqueue_dma source(%arg10 : memref<8x2048xf32, #tpu.memory_space<vmem>>) target(%dma_start3A_392 : memref<8x2048xf32, #tpu.memory_space<hbm>>) target_semaphore(%arg24 : memref<!tpu.dma_semaphore, #tpu.memory_space<semaphore_mem>>)
    %dma_wait3A_393 = arith.constant 30720 : i32
    %dma_wait3A_394 = tpu.memref_slice %arg4[%add3A_308, %dma_wait3A_393] : memref<516x65536xf32, #tpu.memory_space<hbm>> -> memref<8x2048xf32, #tpu.memory_space<hbm>>
    %dma_wait3A_395 = arith.constant 30720 : i32
    %dma_wait3A_396 = tpu.memref_slice %arg4[%add3A_308, %dma_wait3A_395] : memref<516x65536xf32, #tpu.memory_space<hbm>> -> memref<8x2048xf32, #tpu.memory_space<hbm>>
    tpu.wait_dma2 semaphore(%arg20 : memref<!tpu.dma_semaphore, #tpu.memory_space<semaphore_mem>>) src(%arg6 : memref<8x2048xf32, #tpu.memory_space<vmem>>) dst(%dma_wait3A_396 : memref<8x2048xf32, #tpu.memory_space<hbm>>)
    %add3A_397 = arith.constant 0 : i32
    %add3A_398 = arith.addi %mul3A_2, %add3A_397 : i32
    %dma_start3A_399 = arith.constant 28672 : i32
    %dma_start3A_400 = tpu.memref_slice %arg3[%add3A_398, %dma_start3A_399] : memref<516x65536xf32, #tpu.memory_space<hbm>> -> memref<8x2048xf32, #tpu.memory_space<hbm>>
    %dma_start3A_401 = arith.constant 28672 : i32
    %dma_start3A_402 = tpu.memref_slice %arg3[%add3A_398, %dma_start3A_401] : memref<516x65536xf32, #tpu.memory_space<hbm>> -> memref<8x2048xf32, #tpu.memory_space<hbm>>
    tpu.enqueue_dma source(%dma_start3A_402 : memref<8x2048xf32, #tpu.memory_space<hbm>>) target(%arg6 : memref<8x2048xf32, #tpu.memory_space<vmem>>) target_semaphore(%arg13 : memref<!tpu.dma_semaphore, #tpu.memory_space<semaphore_mem>>)
    %dma_wait3A_403 = arith.constant 24576 : i32
    %dma_wait3A_404 = tpu.memref_slice %arg3[%add3A_358, %dma_wait3A_403] : memref<516x65536xf32, #tpu.memory_space<hbm>> -> memref<8x2048xf32, #tpu.memory_space<hbm>>
    %dma_wait3A_405 = arith.constant 24576 : i32
    %dma_wait3A_406 = tpu.memref_slice %arg3[%add3A_358, %dma_wait3A_405] : memref<516x65536xf32, #tpu.memory_space<hbm>> -> memref<8x2048xf32, #tpu.memory_space<hbm>>
    tpu.wait_dma2 semaphore(%arg18 : memref<!tpu.dma_semaphore, #tpu.memory_space<semaphore_mem>>) src(%dma_wait3A_406 : memref<8x2048xf32, #tpu.memory_space<hbm>>) dst(%arg11 : memref<8x2048xf32, #tpu.memory_space<vmem>>)
    %add3A_407 = arith.constant 0 : i32
    %add3A_408 = arith.addi %mul3A_2, %add3A_407 : i32
    %dma_start3A_409 = arith.constant 40960 : i32
    %dma_start3A_410 = tpu.memref_slice %arg4[%add3A_408, %dma_start3A_409] : memref<516x65536xf32, #tpu.memory_space<hbm>> -> memref<8x2048xf32, #tpu.memory_space<hbm>>
    %dma_start3A_411 = arith.constant 40960 : i32
    %dma_start3A_412 = tpu.memref_slice %arg4[%add3A_408, %dma_start3A_411] : memref<516x65536xf32, #tpu.memory_space<hbm>> -> memref<8x2048xf32, #tpu.memory_space<hbm>>
    tpu.enqueue_dma source(%arg11 : memref<8x2048xf32, #tpu.memory_space<vmem>>) target(%dma_start3A_412 : memref<8x2048xf32, #tpu.memory_space<hbm>>) target_semaphore(%arg25 : memref<!tpu.dma_semaphore, #tpu.memory_space<semaphore_mem>>)
    %dma_wait3A_413 = arith.constant 32768 : i32
    %dma_wait3A_414 = tpu.memref_slice %arg4[%add3A_328, %dma_wait3A_413] : memref<516x65536xf32, #tpu.memory_space<hbm>> -> memref<8x2048xf32, #tpu.memory_space<hbm>>
    %dma_wait3A_415 = arith.constant 32768 : i32
    %dma_wait3A_416 = tpu.memref_slice %arg4[%add3A_328, %dma_wait3A_415] : memref<516x65536xf32, #tpu.memory_space<hbm>> -> memref<8x2048xf32, #tpu.memory_space<hbm>>
    tpu.wait_dma2 semaphore(%arg21 : memref<!tpu.dma_semaphore, #tpu.memory_space<semaphore_mem>>) src(%arg7 : memref<8x2048xf32, #tpu.memory_space<vmem>>) dst(%dma_wait3A_416 : memref<8x2048xf32, #tpu.memory_space<hbm>>)
    %add3A_417 = arith.constant 0 : i32
    %add3A_418 = arith.addi %mul3A_2, %add3A_417 : i32
    %dma_start3A_419 = arith.constant 30720 : i32
    %dma_start3A_420 = tpu.memref_slice %arg3[%add3A_418, %dma_start3A_419] : memref<516x65536xf32, #tpu.memory_space<hbm>> -> memref<8x2048xf32, #tpu.memory_space<hbm>>
    %dma_start3A_421 = arith.constant 30720 : i32
    %dma_start3A_422 = tpu.memref_slice %arg3[%add3A_418, %dma_start3A_421] : memref<516x65536xf32, #tpu.memory_space<hbm>> -> memref<8x2048xf32, #tpu.memory_space<hbm>>
    tpu.enqueue_dma source(%dma_start3A_422 : memref<8x2048xf32, #tpu.memory_space<hbm>>) target(%arg7 : memref<8x2048xf32, #tpu.memory_space<vmem>>) target_semaphore(%arg14 : memref<!tpu.dma_semaphore, #tpu.memory_space<semaphore_mem>>)
    %dma_wait3A_423 = arith.constant 26624 : i32
    %dma_wait3A_424 = tpu.memref_slice %arg3[%add3A_378, %dma_wait3A_423] : memref<516x65536xf32, #tpu.memory_space<hbm>> -> memref<8x2048xf32, #tpu.memory_space<hbm>>
    %dma_wait3A_425 = arith.constant 26624 : i32
    %dma_wait3A_426 = tpu.memref_slice %arg3[%add3A_378, %dma_wait3A_425] : memref<516x65536xf32, #tpu.memory_space<hbm>> -> memref<8x2048xf32, #tpu.memory_space<hbm>>
    tpu.wait_dma2 semaphore(%arg12 : memref<!tpu.dma_semaphore, #tpu.memory_space<semaphore_mem>>) src(%dma_wait3A_426 : memref<8x2048xf32, #tpu.memory_space<hbm>>) dst(%arg5 : memref<8x2048xf32, #tpu.memory_space<vmem>>)
    %add3A_427 = arith.constant 0 : i32
    %add3A_428 = arith.addi %mul3A_2, %add3A_427 : i32
    %dma_start3A_429 = arith.constant 43008 : i32
    %dma_start3A_430 = tpu.memref_slice %arg4[%add3A_428, %dma_start3A_429] : memref<516x65536xf32, #tpu.memory_space<hbm>> -> memref<8x2048xf32, #tpu.memory_space<hbm>>
    %dma_start3A_431 = arith.constant 43008 : i32
    %dma_start3A_432 = tpu.memref_slice %arg4[%add3A_428, %dma_start3A_431] : memref<516x65536xf32, #tpu.memory_space<hbm>> -> memref<8x2048xf32, #tpu.memory_space<hbm>>
    tpu.enqueue_dma source(%arg5 : memref<8x2048xf32, #tpu.memory_space<vmem>>) target(%dma_start3A_432 : memref<8x2048xf32, #tpu.memory_space<hbm>>) target_semaphore(%arg19 : memref<!tpu.dma_semaphore, #tpu.memory_space<semaphore_mem>>)
    %dma_wait3A_433 = arith.constant 34816 : i32
    %dma_wait3A_434 = tpu.memref_slice %arg4[%add3A_348, %dma_wait3A_433] : memref<516x65536xf32, #tpu.memory_space<hbm>> -> memref<8x2048xf32, #tpu.memory_space<hbm>>
    %dma_wait3A_435 = arith.constant 34816 : i32
    %dma_wait3A_436 = tpu.memref_slice %arg4[%add3A_348, %dma_wait3A_435] : memref<516x65536xf32, #tpu.memory_space<hbm>> -> memref<8x2048xf32, #tpu.memory_space<hbm>>
    tpu.wait_dma2 semaphore(%arg22 : memref<!tpu.dma_semaphore, #tpu.memory_space<semaphore_mem>>) src(%arg8 : memref<8x2048xf32, #tpu.memory_space<vmem>>) dst(%dma_wait3A_436 : memref<8x2048xf32, #tpu.memory_space<hbm>>)
    %add3A_437 = arith.constant 0 : i32
    %add3A_438 = arith.addi %mul3A_2, %add3A_437 : i32
    %dma_start3A_439 = arith.constant 32768 : i32
    %dma_start3A_440 = tpu.memref_slice %arg3[%add3A_438, %dma_start3A_439] : memref<516x65536xf32, #tpu.memory_space<hbm>> -> memref<8x2048xf32, #tpu.memory_space<hbm>>
    %dma_start3A_441 = arith.constant 32768 : i32
    %dma_start3A_442 = tpu.memref_slice %arg3[%add3A_438, %dma_start3A_441] : memref<516x65536xf32, #tpu.memory_space<hbm>> -> memref<8x2048xf32, #tpu.memory_space<hbm>>
    tpu.enqueue_dma source(%dma_start3A_442 : memref<8x2048xf32, #tpu.memory_space<hbm>>) target(%arg8 : memref<8x2048xf32, #tpu.memory_space<vmem>>) target_semaphore(%arg15 : memref<!tpu.dma_semaphore, #tpu.memory_space<semaphore_mem>>)
    %dma_wait3A_443 = arith.constant 28672 : i32
    %dma_wait3A_444 = tpu.memref_slice %arg3[%add3A_398, %dma_wait3A_443] : memref<516x65536xf32, #tpu.memory_space<hbm>> -> memref<8x2048xf32, #tpu.memory_space<hbm>>
    %dma_wait3A_445 = arith.constant 28672 : i32
    %dma_wait3A_446 = tpu.memref_slice %arg3[%add3A_398, %dma_wait3A_445] : memref<516x65536xf32, #tpu.memory_space<hbm>> -> memref<8x2048xf32, #tpu.memory_space<hbm>>
    tpu.wait_dma2 semaphore(%arg13 : memref<!tpu.dma_semaphore, #tpu.memory_space<semaphore_mem>>) src(%dma_wait3A_446 : memref<8x2048xf32, #tpu.memory_space<hbm>>) dst(%arg6 : memref<8x2048xf32, #tpu.memory_space<vmem>>)
    %add3A_447 = arith.constant 0 : i32
    %add3A_448 = arith.addi %mul3A_2, %add3A_447 : i32
    %dma_start3A_449 = arith.constant 45056 : i32
    %dma_start3A_450 = tpu.memref_slice %arg4[%add3A_448, %dma_start3A_449] : memref<516x65536xf32, #tpu.memory_space<hbm>> -> memref<8x2048xf32, #tpu.memory_space<hbm>>
    %dma_start3A_451 = arith.constant 45056 : i32
    %dma_start3A_452 = tpu.memref_slice %arg4[%add3A_448, %dma_start3A_451] : memref<516x65536xf32, #tpu.memory_space<hbm>> -> memref<8x2048xf32, #tpu.memory_space<hbm>>
    tpu.enqueue_dma source(%arg6 : memref<8x2048xf32, #tpu.memory_space<vmem>>) target(%dma_start3A_452 : memref<8x2048xf32, #tpu.memory_space<hbm>>) target_semaphore(%arg20 : memref<!tpu.dma_semaphore, #tpu.memory_space<semaphore_mem>>)
    %dma_wait3A_453 = arith.constant 36864 : i32
    %dma_wait3A_454 = tpu.memref_slice %arg4[%add3A_368, %dma_wait3A_453] : memref<516x65536xf32, #tpu.memory_space<hbm>> -> memref<8x2048xf32, #tpu.memory_space<hbm>>
    %dma_wait3A_455 = arith.constant 36864 : i32
    %dma_wait3A_456 = tpu.memref_slice %arg4[%add3A_368, %dma_wait3A_455] : memref<516x65536xf32, #tpu.memory_space<hbm>> -> memref<8x2048xf32, #tpu.memory_space<hbm>>
    tpu.wait_dma2 semaphore(%arg23 : memref<!tpu.dma_semaphore, #tpu.memory_space<semaphore_mem>>) src(%arg9 : memref<8x2048xf32, #tpu.memory_space<vmem>>) dst(%dma_wait3A_456 : memref<8x2048xf32, #tpu.memory_space<hbm>>)
    %add3A_457 = arith.constant 0 : i32
    %add3A_458 = arith.addi %mul3A_2, %add3A_457 : i32
    %dma_start3A_459 = arith.constant 34816 : i32
    %dma_start3A_460 = tpu.memref_slice %arg3[%add3A_458, %dma_start3A_459] : memref<516x65536xf32, #tpu.memory_space<hbm>> -> memref<8x2048xf32, #tpu.memory_space<hbm>>
    %dma_start3A_461 = arith.constant 34816 : i32
    %dma_start3A_462 = tpu.memref_slice %arg3[%add3A_458, %dma_start3A_461] : memref<516x65536xf32, #tpu.memory_space<hbm>> -> memref<8x2048xf32, #tpu.memory_space<hbm>>
    tpu.enqueue_dma source(%dma_start3A_462 : memref<8x2048xf32, #tpu.memory_space<hbm>>) target(%arg9 : memref<8x2048xf32, #tpu.memory_space<vmem>>) target_semaphore(%arg16 : memref<!tpu.dma_semaphore, #tpu.memory_space<semaphore_mem>>)
    %dma_wait3A_463 = arith.constant 30720 : i32
    %dma_wait3A_464 = tpu.memref_slice %arg3[%add3A_418, %dma_wait3A_463] : memref<516x65536xf32, #tpu.memory_space<hbm>> -> memref<8x2048xf32, #tpu.memory_space<hbm>>
    %dma_wait3A_465 = arith.constant 30720 : i32
    %dma_wait3A_466 = tpu.memref_slice %arg3[%add3A_418, %dma_wait3A_465] : memref<516x65536xf32, #tpu.memory_space<hbm>> -> memref<8x2048xf32, #tpu.memory_space<hbm>>
    tpu.wait_dma2 semaphore(%arg14 : memref<!tpu.dma_semaphore, #tpu.memory_space<semaphore_mem>>) src(%dma_wait3A_466 : memref<8x2048xf32, #tpu.memory_space<hbm>>) dst(%arg7 : memref<8x2048xf32, #tpu.memory_space<vmem>>)
    %add3A_467 = arith.constant 0 : i32
    %add3A_468 = arith.addi %mul3A_2, %add3A_467 : i32
    %dma_start3A_469 = arith.constant 47104 : i32
    %dma_start3A_470 = tpu.memref_slice %arg4[%add3A_468, %dma_start3A_469] : memref<516x65536xf32, #tpu.memory_space<hbm>> -> memref<8x2048xf32, #tpu.memory_space<hbm>>
    %dma_start3A_471 = arith.constant 47104 : i32
    %dma_start3A_472 = tpu.memref_slice %arg4[%add3A_468, %dma_start3A_471] : memref<516x65536xf32, #tpu.memory_space<hbm>> -> memref<8x2048xf32, #tpu.memory_space<hbm>>
    tpu.enqueue_dma source(%arg7 : memref<8x2048xf32, #tpu.memory_space<vmem>>) target(%dma_start3A_472 : memref<8x2048xf32, #tpu.memory_space<hbm>>) target_semaphore(%arg21 : memref<!tpu.dma_semaphore, #tpu.memory_space<semaphore_mem>>)
    %dma_wait3A_473 = arith.constant 38912 : i32
    %dma_wait3A_474 = tpu.memref_slice %arg4[%add3A_388, %dma_wait3A_473] : memref<516x65536xf32, #tpu.memory_space<hbm>> -> memref<8x2048xf32, #tpu.memory_space<hbm>>
    %dma_wait3A_475 = arith.constant 38912 : i32
    %dma_wait3A_476 = tpu.memref_slice %arg4[%add3A_388, %dma_wait3A_475] : memref<516x65536xf32, #tpu.memory_space<hbm>> -> memref<8x2048xf32, #tpu.memory_space<hbm>>
    tpu.wait_dma2 semaphore(%arg24 : memref<!tpu.dma_semaphore, #tpu.memory_space<semaphore_mem>>) src(%arg10 : memref<8x2048xf32, #tpu.memory_space<vmem>>) dst(%dma_wait3A_476 : memref<8x2048xf32, #tpu.memory_space<hbm>>)
    %add3A_477 = arith.constant 0 : i32
    %add3A_478 = arith.addi %mul3A_2, %add3A_477 : i32
    %dma_start3A_479 = arith.constant 36864 : i32
    %dma_start3A_480 = tpu.memref_slice %arg3[%add3A_478, %dma_start3A_479] : memref<516x65536xf32, #tpu.memory_space<hbm>> -> memref<8x2048xf32, #tpu.memory_space<hbm>>
    %dma_start3A_481 = arith.constant 36864 : i32
    %dma_start3A_482 = tpu.memref_slice %arg3[%add3A_478, %dma_start3A_481] : memref<516x65536xf32, #tpu.memory_space<hbm>> -> memref<8x2048xf32, #tpu.memory_space<hbm>>
    tpu.enqueue_dma source(%dma_start3A_482 : memref<8x2048xf32, #tpu.memory_space<hbm>>) target(%arg10 : memref<8x2048xf32, #tpu.memory_space<vmem>>) target_semaphore(%arg17 : memref<!tpu.dma_semaphore, #tpu.memory_space<semaphore_mem>>)
    %dma_wait3A_483 = arith.constant 32768 : i32
    %dma_wait3A_484 = tpu.memref_slice %arg3[%add3A_438, %dma_wait3A_483] : memref<516x65536xf32, #tpu.memory_space<hbm>> -> memref<8x2048xf32, #tpu.memory_space<hbm>>
    %dma_wait3A_485 = arith.constant 32768 : i32
    %dma_wait3A_486 = tpu.memref_slice %arg3[%add3A_438, %dma_wait3A_485] : memref<516x65536xf32, #tpu.memory_space<hbm>> -> memref<8x2048xf32, #tpu.memory_space<hbm>>
    tpu.wait_dma2 semaphore(%arg15 : memref<!tpu.dma_semaphore, #tpu.memory_space<semaphore_mem>>) src(%dma_wait3A_486 : memref<8x2048xf32, #tpu.memory_space<hbm>>) dst(%arg8 : memref<8x2048xf32, #tpu.memory_space<vmem>>)
    %add3A_487 = arith.constant 0 : i32
    %add3A_488 = arith.addi %mul3A_2, %add3A_487 : i32
    %dma_start3A_489 = arith.constant 49152 : i32
    %dma_start3A_490 = tpu.memref_slice %arg4[%add3A_488, %dma_start3A_489] : memref<516x65536xf32, #tpu.memory_space<hbm>> -> memref<8x2048xf32, #tpu.memory_space<hbm>>
    %dma_start3A_491 = arith.constant 49152 : i32
    %dma_start3A_492 = tpu.memref_slice %arg4[%add3A_488, %dma_start3A_491] : memref<516x65536xf32, #tpu.memory_space<hbm>> -> memref<8x2048xf32, #tpu.memory_space<hbm>>
    tpu.enqueue_dma source(%arg8 : memref<8x2048xf32, #tpu.memory_space<vmem>>) target(%dma_start3A_492 : memref<8x2048xf32, #tpu.memory_space<hbm>>) target_semaphore(%arg22 : memref<!tpu.dma_semaphore, #tpu.memory_space<semaphore_mem>>)
    %dma_wait3A_493 = arith.constant 40960 : i32
    %dma_wait3A_494 = tpu.memref_slice %arg4[%add3A_408, %dma_wait3A_493] : memref<516x65536xf32, #tpu.memory_space<hbm>> -> memref<8x2048xf32, #tpu.memory_space<hbm>>
    %dma_wait3A_495 = arith.constant 40960 : i32
    %dma_wait3A_496 = tpu.memref_slice %arg4[%add3A_408, %dma_wait3A_495] : memref<516x65536xf32, #tpu.memory_space<hbm>> -> memref<8x2048xf32, #tpu.memory_space<hbm>>
    tpu.wait_dma2 semaphore(%arg25 : memref<!tpu.dma_semaphore, #tpu.memory_space<semaphore_mem>>) src(%arg11 : memref<8x2048xf32, #tpu.memory_space<vmem>>) dst(%dma_wait3A_496 : memref<8x2048xf32, #tpu.memory_space<hbm>>)
    %add3A_497 = arith.constant 0 : i32
    %add3A_498 = arith.addi %mul3A_2, %add3A_497 : i32
    %dma_start3A_499 = arith.constant 38912 : i32
    %dma_start3A_500 = tpu.memref_slice %arg3[%add3A_498, %dma_start3A_499] : memref<516x65536xf32, #tpu.memory_space<hbm>> -> memref<8x2048xf32, #tpu.memory_space<hbm>>
    %dma_start3A_501 = arith.constant 38912 : i32
    %dma_start3A_502 = tpu.memref_slice %arg3[%add3A_498, %dma_start3A_501] : memref<516x65536xf32, #tpu.memory_space<hbm>> -> memref<8x2048xf32, #tpu.memory_space<hbm>>
    tpu.enqueue_dma source(%dma_start3A_502 : memref<8x2048xf32, #tpu.memory_space<hbm>>) target(%arg11 : memref<8x2048xf32, #tpu.memory_space<vmem>>) target_semaphore(%arg18 : memref<!tpu.dma_semaphore, #tpu.memory_space<semaphore_mem>>)
    %dma_wait3A_503 = arith.constant 34816 : i32
    %dma_wait3A_504 = tpu.memref_slice %arg3[%add3A_458, %dma_wait3A_503] : memref<516x65536xf32, #tpu.memory_space<hbm>> -> memref<8x2048xf32, #tpu.memory_space<hbm>>
    %dma_wait3A_505 = arith.constant 34816 : i32
    %dma_wait3A_506 = tpu.memref_slice %arg3[%add3A_458, %dma_wait3A_505] : memref<516x65536xf32, #tpu.memory_space<hbm>> -> memref<8x2048xf32, #tpu.memory_space<hbm>>
    tpu.wait_dma2 semaphore(%arg16 : memref<!tpu.dma_semaphore, #tpu.memory_space<semaphore_mem>>) src(%dma_wait3A_506 : memref<8x2048xf32, #tpu.memory_space<hbm>>) dst(%arg9 : memref<8x2048xf32, #tpu.memory_space<vmem>>)
    %add3A_507 = arith.constant 0 : i32
    %add3A_508 = arith.addi %mul3A_2, %add3A_507 : i32
    %dma_start3A_509 = arith.constant 51200 : i32
    %dma_start3A_510 = tpu.memref_slice %arg4[%add3A_508, %dma_start3A_509] : memref<516x65536xf32, #tpu.memory_space<hbm>> -> memref<8x2048xf32, #tpu.memory_space<hbm>>
    %dma_start3A_511 = arith.constant 51200 : i32
    %dma_start3A_512 = tpu.memref_slice %arg4[%add3A_508, %dma_start3A_511] : memref<516x65536xf32, #tpu.memory_space<hbm>> -> memref<8x2048xf32, #tpu.memory_space<hbm>>
    tpu.enqueue_dma source(%arg9 : memref<8x2048xf32, #tpu.memory_space<vmem>>) target(%dma_start3A_512 : memref<8x2048xf32, #tpu.memory_space<hbm>>) target_semaphore(%arg23 : memref<!tpu.dma_semaphore, #tpu.memory_space<semaphore_mem>>)
    %dma_wait3A_513 = arith.constant 43008 : i32
    %dma_wait3A_514 = tpu.memref_slice %arg4[%add3A_428, %dma_wait3A_513] : memref<516x65536xf32, #tpu.memory_space<hbm>> -> memref<8x2048xf32, #tpu.memory_space<hbm>>
    %dma_wait3A_515 = arith.constant 43008 : i32
    %dma_wait3A_516 = tpu.memref_slice %arg4[%add3A_428, %dma_wait3A_515] : memref<516x65536xf32, #tpu.memory_space<hbm>> -> memref<8x2048xf32, #tpu.memory_space<hbm>>
    tpu.wait_dma2 semaphore(%arg19 : memref<!tpu.dma_semaphore, #tpu.memory_space<semaphore_mem>>) src(%arg5 : memref<8x2048xf32, #tpu.memory_space<vmem>>) dst(%dma_wait3A_516 : memref<8x2048xf32, #tpu.memory_space<hbm>>)
    %add3A_517 = arith.constant 0 : i32
    %add3A_518 = arith.addi %mul3A_2, %add3A_517 : i32
    %dma_start3A_519 = arith.constant 40960 : i32
    %dma_start3A_520 = tpu.memref_slice %arg3[%add3A_518, %dma_start3A_519] : memref<516x65536xf32, #tpu.memory_space<hbm>> -> memref<8x2048xf32, #tpu.memory_space<hbm>>
    %dma_start3A_521 = arith.constant 40960 : i32
    %dma_start3A_522 = tpu.memref_slice %arg3[%add3A_518, %dma_start3A_521] : memref<516x65536xf32, #tpu.memory_space<hbm>> -> memref<8x2048xf32, #tpu.memory_space<hbm>>
    tpu.enqueue_dma source(%dma_start3A_522 : memref<8x2048xf32, #tpu.memory_space<hbm>>) target(%arg5 : memref<8x2048xf32, #tpu.memory_space<vmem>>) target_semaphore(%arg12 : memref<!tpu.dma_semaphore, #tpu.memory_space<semaphore_mem>>)
    %dma_wait3A_523 = arith.constant 36864 : i32
    %dma_wait3A_524 = tpu.memref_slice %arg3[%add3A_478, %dma_wait3A_523] : memref<516x65536xf32, #tpu.memory_space<hbm>> -> memref<8x2048xf32, #tpu.memory_space<hbm>>
    %dma_wait3A_525 = arith.constant 36864 : i32
    %dma_wait3A_526 = tpu.memref_slice %arg3[%add3A_478, %dma_wait3A_525] : memref<516x65536xf32, #tpu.memory_space<hbm>> -> memref<8x2048xf32, #tpu.memory_space<hbm>>
    tpu.wait_dma2 semaphore(%arg17 : memref<!tpu.dma_semaphore, #tpu.memory_space<semaphore_mem>>) src(%dma_wait3A_526 : memref<8x2048xf32, #tpu.memory_space<hbm>>) dst(%arg10 : memref<8x2048xf32, #tpu.memory_space<vmem>>)
    %add3A_527 = arith.constant 0 : i32
    %add3A_528 = arith.addi %mul3A_2, %add3A_527 : i32
    %dma_start3A_529 = arith.constant 53248 : i32
    %dma_start3A_530 = tpu.memref_slice %arg4[%add3A_528, %dma_start3A_529] : memref<516x65536xf32, #tpu.memory_space<hbm>> -> memref<8x2048xf32, #tpu.memory_space<hbm>>
    %dma_start3A_531 = arith.constant 53248 : i32
    %dma_start3A_532 = tpu.memref_slice %arg4[%add3A_528, %dma_start3A_531] : memref<516x65536xf32, #tpu.memory_space<hbm>> -> memref<8x2048xf32, #tpu.memory_space<hbm>>
    tpu.enqueue_dma source(%arg10 : memref<8x2048xf32, #tpu.memory_space<vmem>>) target(%dma_start3A_532 : memref<8x2048xf32, #tpu.memory_space<hbm>>) target_semaphore(%arg24 : memref<!tpu.dma_semaphore, #tpu.memory_space<semaphore_mem>>)
    %dma_wait3A_533 = arith.constant 45056 : i32
    %dma_wait3A_534 = tpu.memref_slice %arg4[%add3A_448, %dma_wait3A_533] : memref<516x65536xf32, #tpu.memory_space<hbm>> -> memref<8x2048xf32, #tpu.memory_space<hbm>>
    %dma_wait3A_535 = arith.constant 45056 : i32
    %dma_wait3A_536 = tpu.memref_slice %arg4[%add3A_448, %dma_wait3A_535] : memref<516x65536xf32, #tpu.memory_space<hbm>> -> memref<8x2048xf32, #tpu.memory_space<hbm>>
    tpu.wait_dma2 semaphore(%arg20 : memref<!tpu.dma_semaphore, #tpu.memory_space<semaphore_mem>>) src(%arg6 : memref<8x2048xf32, #tpu.memory_space<vmem>>) dst(%dma_wait3A_536 : memref<8x2048xf32, #tpu.memory_space<hbm>>)
    %add3A_537 = arith.constant 0 : i32
    %add3A_538 = arith.addi %mul3A_2, %add3A_537 : i32
    %dma_start3A_539 = arith.constant 43008 : i32
    %dma_start3A_540 = tpu.memref_slice %arg3[%add3A_538, %dma_start3A_539] : memref<516x65536xf32, #tpu.memory_space<hbm>> -> memref<8x2048xf32, #tpu.memory_space<hbm>>
    %dma_start3A_541 = arith.constant 43008 : i32
    %dma_start3A_542 = tpu.memref_slice %arg3[%add3A_538, %dma_start3A_541] : memref<516x65536xf32, #tpu.memory_space<hbm>> -> memref<8x2048xf32, #tpu.memory_space<hbm>>
    tpu.enqueue_dma source(%dma_start3A_542 : memref<8x2048xf32, #tpu.memory_space<hbm>>) target(%arg6 : memref<8x2048xf32, #tpu.memory_space<vmem>>) target_semaphore(%arg13 : memref<!tpu.dma_semaphore, #tpu.memory_space<semaphore_mem>>)
    %dma_wait3A_543 = arith.constant 38912 : i32
    %dma_wait3A_544 = tpu.memref_slice %arg3[%add3A_498, %dma_wait3A_543] : memref<516x65536xf32, #tpu.memory_space<hbm>> -> memref<8x2048xf32, #tpu.memory_space<hbm>>
    %dma_wait3A_545 = arith.constant 38912 : i32
    %dma_wait3A_546 = tpu.memref_slice %arg3[%add3A_498, %dma_wait3A_545] : memref<516x65536xf32, #tpu.memory_space<hbm>> -> memref<8x2048xf32, #tpu.memory_space<hbm>>
    tpu.wait_dma2 semaphore(%arg18 : memref<!tpu.dma_semaphore, #tpu.memory_space<semaphore_mem>>) src(%dma_wait3A_546 : memref<8x2048xf32, #tpu.memory_space<hbm>>) dst(%arg11 : memref<8x2048xf32, #tpu.memory_space<vmem>>)
    %add3A_547 = arith.constant 0 : i32
    %add3A_548 = arith.addi %mul3A_2, %add3A_547 : i32
    %dma_start3A_549 = arith.constant 55296 : i32
    %dma_start3A_550 = tpu.memref_slice %arg4[%add3A_548, %dma_start3A_549] : memref<516x65536xf32, #tpu.memory_space<hbm>> -> memref<8x2048xf32, #tpu.memory_space<hbm>>
    %dma_start3A_551 = arith.constant 55296 : i32
    %dma_start3A_552 = tpu.memref_slice %arg4[%add3A_548, %dma_start3A_551] : memref<516x65536xf32, #tpu.memory_space<hbm>> -> memref<8x2048xf32, #tpu.memory_space<hbm>>
    tpu.enqueue_dma source(%arg11 : memref<8x2048xf32, #tpu.memory_space<vmem>>) target(%dma_start3A_552 : memref<8x2048xf32, #tpu.memory_space<hbm>>) target_semaphore(%arg25 : memref<!tpu.dma_semaphore, #tpu.memory_space<semaphore_mem>>)
    %dma_wait3A_553 = arith.constant 47104 : i32
    %dma_wait3A_554 = tpu.memref_slice %arg4[%add3A_468, %dma_wait3A_553] : memref<516x65536xf32, #tpu.memory_space<hbm>> -> memref<8x2048xf32, #tpu.memory_space<hbm>>
    %dma_wait3A_555 = arith.constant 47104 : i32
    %dma_wait3A_556 = tpu.memref_slice %arg4[%add3A_468, %dma_wait3A_555] : memref<516x65536xf32, #tpu.memory_space<hbm>> -> memref<8x2048xf32, #tpu.memory_space<hbm>>
    tpu.wait_dma2 semaphore(%arg21 : memref<!tpu.dma_semaphore, #tpu.memory_space<semaphore_mem>>) src(%arg7 : memref<8x2048xf32, #tpu.memory_space<vmem>>) dst(%dma_wait3A_556 : memref<8x2048xf32, #tpu.memory_space<hbm>>)
    %add3A_557 = arith.constant 0 : i32
    %add3A_558 = arith.addi %mul3A_2, %add3A_557 : i32
    %dma_start3A_559 = arith.constant 45056 : i32
    %dma_start3A_560 = tpu.memref_slice %arg3[%add3A_558, %dma_start3A_559] : memref<516x65536xf32, #tpu.memory_space<hbm>> -> memref<8x2048xf32, #tpu.memory_space<hbm>>
    %dma_start3A_561 = arith.constant 45056 : i32
    %dma_start3A_562 = tpu.memref_slice %arg3[%add3A_558, %dma_start3A_561] : memref<516x65536xf32, #tpu.memory_space<hbm>> -> memref<8x2048xf32, #tpu.memory_space<hbm>>
    tpu.enqueue_dma source(%dma_start3A_562 : memref<8x2048xf32, #tpu.memory_space<hbm>>) target(%arg7 : memref<8x2048xf32, #tpu.memory_space<vmem>>) target_semaphore(%arg14 : memref<!tpu.dma_semaphore, #tpu.memory_space<semaphore_mem>>)
    %dma_wait3A_563 = arith.constant 40960 : i32
    %dma_wait3A_564 = tpu.memref_slice %arg3[%add3A_518, %dma_wait3A_563] : memref<516x65536xf32, #tpu.memory_space<hbm>> -> memref<8x2048xf32, #tpu.memory_space<hbm>>
    %dma_wait3A_565 = arith.constant 40960 : i32
    %dma_wait3A_566 = tpu.memref_slice %arg3[%add3A_518, %dma_wait3A_565] : memref<516x65536xf32, #tpu.memory_space<hbm>> -> memref<8x2048xf32, #tpu.memory_space<hbm>>
    tpu.wait_dma2 semaphore(%arg12 : memref<!tpu.dma_semaphore, #tpu.memory_space<semaphore_mem>>) src(%dma_wait3A_566 : memref<8x2048xf32, #tpu.memory_space<hbm>>) dst(%arg5 : memref<8x2048xf32, #tpu.memory_space<vmem>>)
    %add3A_567 = arith.constant 0 : i32
    %add3A_568 = arith.addi %mul3A_2, %add3A_567 : i32
    %dma_start3A_569 = arith.constant 57344 : i32
    %dma_start3A_570 = tpu.memref_slice %arg4[%add3A_568, %dma_start3A_569] : memref<516x65536xf32, #tpu.memory_space<hbm>> -> memref<8x2048xf32, #tpu.memory_space<hbm>>
    %dma_start3A_571 = arith.constant 57344 : i32
    %dma_start3A_572 = tpu.memref_slice %arg4[%add3A_568, %dma_start3A_571] : memref<516x65536xf32, #tpu.memory_space<hbm>> -> memref<8x2048xf32, #tpu.memory_space<hbm>>
    tpu.enqueue_dma source(%arg5 : memref<8x2048xf32, #tpu.memory_space<vmem>>) target(%dma_start3A_572 : memref<8x2048xf32, #tpu.memory_space<hbm>>) target_semaphore(%arg19 : memref<!tpu.dma_semaphore, #tpu.memory_space<semaphore_mem>>)
    %dma_wait3A_573 = arith.constant 49152 : i32
    %dma_wait3A_574 = tpu.memref_slice %arg4[%add3A_488, %dma_wait3A_573] : memref<516x65536xf32, #tpu.memory_space<hbm>> -> memref<8x2048xf32, #tpu.memory_space<hbm>>
    %dma_wait3A_575 = arith.constant 49152 : i32
    %dma_wait3A_576 = tpu.memref_slice %arg4[%add3A_488, %dma_wait3A_575] : memref<516x65536xf32, #tpu.memory_space<hbm>> -> memref<8x2048xf32, #tpu.memory_space<hbm>>
    tpu.wait_dma2 semaphore(%arg22 : memref<!tpu.dma_semaphore, #tpu.memory_space<semaphore_mem>>) src(%arg8 : memref<8x2048xf32, #tpu.memory_space<vmem>>) dst(%dma_wait3A_576 : memref<8x2048xf32, #tpu.memory_space<hbm>>)
    %add3A_577 = arith.constant 0 : i32
    %add3A_578 = arith.addi %mul3A_2, %add3A_577 : i32
    %dma_start3A_579 = arith.constant 47104 : i32
    %dma_start3A_580 = tpu.memref_slice %arg3[%add3A_578, %dma_start3A_579] : memref<516x65536xf32, #tpu.memory_space<hbm>> -> memref<8x2048xf32, #tpu.memory_space<hbm>>
    %dma_start3A_581 = arith.constant 47104 : i32
    %dma_start3A_582 = tpu.memref_slice %arg3[%add3A_578, %dma_start3A_581] : memref<516x65536xf32, #tpu.memory_space<hbm>> -> memref<8x2048xf32, #tpu.memory_space<hbm>>
    tpu.enqueue_dma source(%dma_start3A_582 : memref<8x2048xf32, #tpu.memory_space<hbm>>) target(%arg8 : memref<8x2048xf32, #tpu.memory_space<vmem>>) target_semaphore(%arg15 : memref<!tpu.dma_semaphore, #tpu.memory_space<semaphore_mem>>)
    %dma_wait3A_583 = arith.constant 43008 : i32
    %dma_wait3A_584 = tpu.memref_slice %arg3[%add3A_538, %dma_wait3A_583] : memref<516x65536xf32, #tpu.memory_space<hbm>> -> memref<8x2048xf32, #tpu.memory_space<hbm>>
    %dma_wait3A_585 = arith.constant 43008 : i32
    %dma_wait3A_586 = tpu.memref_slice %arg3[%add3A_538, %dma_wait3A_585] : memref<516x65536xf32, #tpu.memory_space<hbm>> -> memref<8x2048xf32, #tpu.memory_space<hbm>>
    tpu.wait_dma2 semaphore(%arg13 : memref<!tpu.dma_semaphore, #tpu.memory_space<semaphore_mem>>) src(%dma_wait3A_586 : memref<8x2048xf32, #tpu.memory_space<hbm>>) dst(%arg6 : memref<8x2048xf32, #tpu.memory_space<vmem>>)
    %add3A_587 = arith.constant 0 : i32
    %add3A_588 = arith.addi %mul3A_2, %add3A_587 : i32
    %dma_start3A_589 = arith.constant 59392 : i32
    %dma_start3A_590 = tpu.memref_slice %arg4[%add3A_588, %dma_start3A_589] : memref<516x65536xf32, #tpu.memory_space<hbm>> -> memref<8x2048xf32, #tpu.memory_space<hbm>>
    %dma_start3A_591 = arith.constant 59392 : i32
    %dma_start3A_592 = tpu.memref_slice %arg4[%add3A_588, %dma_start3A_591] : memref<516x65536xf32, #tpu.memory_space<hbm>> -> memref<8x2048xf32, #tpu.memory_space<hbm>>
    tpu.enqueue_dma source(%arg6 : memref<8x2048xf32, #tpu.memory_space<vmem>>) target(%dma_start3A_592 : memref<8x2048xf32, #tpu.memory_space<hbm>>) target_semaphore(%arg20 : memref<!tpu.dma_semaphore, #tpu.memory_space<semaphore_mem>>)
    %dma_wait3A_593 = arith.constant 51200 : i32
    %dma_wait3A_594 = tpu.memref_slice %arg4[%add3A_508, %dma_wait3A_593] : memref<516x65536xf32, #tpu.memory_space<hbm>> -> memref<8x2048xf32, #tpu.memory_space<hbm>>
    %dma_wait3A_595 = arith.constant 51200 : i32
    %dma_wait3A_596 = tpu.memref_slice %arg4[%add3A_508, %dma_wait3A_595] : memref<516x65536xf32, #tpu.memory_space<hbm>> -> memref<8x2048xf32, #tpu.memory_space<hbm>>
    tpu.wait_dma2 semaphore(%arg23 : memref<!tpu.dma_semaphore, #tpu.memory_space<semaphore_mem>>) src(%arg9 : memref<8x2048xf32, #tpu.memory_space<vmem>>) dst(%dma_wait3A_596 : memref<8x2048xf32, #tpu.memory_space<hbm>>)
    %add3A_597 = arith.constant 256 : i32
    %add3A_598 = arith.addi %mul3A_2, %add3A_597 : i32
    %dma_start3A_599 = arith.constant 0 : i32
    %dma_start3A_600 = tpu.memref_slice %arg2[%add3A_598, %dma_start3A_599] : memref<516x16384xf32, #tpu.memory_space<hbm>> -> memref<8x2048xf32, #tpu.memory_space<hbm>>
    %dma_start3A_601 = arith.constant 0 : i32
    %dma_start3A_602 = tpu.memref_slice %arg2[%add3A_598, %dma_start3A_601] : memref<516x16384xf32, #tpu.memory_space<hbm>> -> memref<8x2048xf32, #tpu.memory_space<hbm>>
    tpu.enqueue_dma source(%dma_start3A_602 : memref<8x2048xf32, #tpu.memory_space<hbm>>) target(%arg9 : memref<8x2048xf32, #tpu.memory_space<vmem>>) target_semaphore(%arg16 : memref<!tpu.dma_semaphore, #tpu.memory_space<semaphore_mem>>)
    %dma_wait3A_603 = arith.constant 45056 : i32
    %dma_wait3A_604 = tpu.memref_slice %arg3[%add3A_558, %dma_wait3A_603] : memref<516x65536xf32, #tpu.memory_space<hbm>> -> memref<8x2048xf32, #tpu.memory_space<hbm>>
    %dma_wait3A_605 = arith.constant 45056 : i32
    %dma_wait3A_606 = tpu.memref_slice %arg3[%add3A_558, %dma_wait3A_605] : memref<516x65536xf32, #tpu.memory_space<hbm>> -> memref<8x2048xf32, #tpu.memory_space<hbm>>
    tpu.wait_dma2 semaphore(%arg14 : memref<!tpu.dma_semaphore, #tpu.memory_space<semaphore_mem>>) src(%dma_wait3A_606 : memref<8x2048xf32, #tpu.memory_space<hbm>>) dst(%arg7 : memref<8x2048xf32, #tpu.memory_space<vmem>>)
    %add3A_607 = arith.constant 0 : i32
    %add3A_608 = arith.addi %mul3A_2, %add3A_607 : i32
    %dma_start3A_609 = arith.constant 61440 : i32
    %dma_start3A_610 = tpu.memref_slice %arg4[%add3A_608, %dma_start3A_609] : memref<516x65536xf32, #tpu.memory_space<hbm>> -> memref<8x2048xf32, #tpu.memory_space<hbm>>
    %dma_start3A_611 = arith.constant 61440 : i32
    %dma_start3A_612 = tpu.memref_slice %arg4[%add3A_608, %dma_start3A_611] : memref<516x65536xf32, #tpu.memory_space<hbm>> -> memref<8x2048xf32, #tpu.memory_space<hbm>>
    tpu.enqueue_dma source(%arg7 : memref<8x2048xf32, #tpu.memory_space<vmem>>) target(%dma_start3A_612 : memref<8x2048xf32, #tpu.memory_space<hbm>>) target_semaphore(%arg21 : memref<!tpu.dma_semaphore, #tpu.memory_space<semaphore_mem>>)
    %dma_wait3A_613 = arith.constant 53248 : i32
    %dma_wait3A_614 = tpu.memref_slice %arg4[%add3A_528, %dma_wait3A_613] : memref<516x65536xf32, #tpu.memory_space<hbm>> -> memref<8x2048xf32, #tpu.memory_space<hbm>>
    %dma_wait3A_615 = arith.constant 53248 : i32
    %dma_wait3A_616 = tpu.memref_slice %arg4[%add3A_528, %dma_wait3A_615] : memref<516x65536xf32, #tpu.memory_space<hbm>> -> memref<8x2048xf32, #tpu.memory_space<hbm>>
    tpu.wait_dma2 semaphore(%arg24 : memref<!tpu.dma_semaphore, #tpu.memory_space<semaphore_mem>>) src(%arg10 : memref<8x2048xf32, #tpu.memory_space<vmem>>) dst(%dma_wait3A_616 : memref<8x2048xf32, #tpu.memory_space<hbm>>)
    %add3A_617 = arith.constant 256 : i32
    %add3A_618 = arith.addi %mul3A_2, %add3A_617 : i32
    %dma_start3A_619 = arith.constant 2048 : i32
    %dma_start3A_620 = tpu.memref_slice %arg2[%add3A_618, %dma_start3A_619] : memref<516x16384xf32, #tpu.memory_space<hbm>> -> memref<8x2048xf32, #tpu.memory_space<hbm>>
    %dma_start3A_621 = arith.constant 2048 : i32
    %dma_start3A_622 = tpu.memref_slice %arg2[%add3A_618, %dma_start3A_621] : memref<516x16384xf32, #tpu.memory_space<hbm>> -> memref<8x2048xf32, #tpu.memory_space<hbm>>
    tpu.enqueue_dma source(%dma_start3A_622 : memref<8x2048xf32, #tpu.memory_space<hbm>>) target(%arg10 : memref<8x2048xf32, #tpu.memory_space<vmem>>) target_semaphore(%arg17 : memref<!tpu.dma_semaphore, #tpu.memory_space<semaphore_mem>>)
    %dma_wait3A_623 = arith.constant 47104 : i32
    %dma_wait3A_624 = tpu.memref_slice %arg3[%add3A_578, %dma_wait3A_623] : memref<516x65536xf32, #tpu.memory_space<hbm>> -> memref<8x2048xf32, #tpu.memory_space<hbm>>
    %dma_wait3A_625 = arith.constant 47104 : i32
    %dma_wait3A_626 = tpu.memref_slice %arg3[%add3A_578, %dma_wait3A_625] : memref<516x65536xf32, #tpu.memory_space<hbm>> -> memref<8x2048xf32, #tpu.memory_space<hbm>>
    tpu.wait_dma2 semaphore(%arg15 : memref<!tpu.dma_semaphore, #tpu.memory_space<semaphore_mem>>) src(%dma_wait3A_626 : memref<8x2048xf32, #tpu.memory_space<hbm>>) dst(%arg8 : memref<8x2048xf32, #tpu.memory_space<vmem>>)
    %add3A_627 = arith.constant 0 : i32
    %add3A_628 = arith.addi %mul3A_2, %add3A_627 : i32
    %dma_start3A_629 = arith.constant 63488 : i32
    %dma_start3A_630 = tpu.memref_slice %arg4[%add3A_628, %dma_start3A_629] : memref<516x65536xf32, #tpu.memory_space<hbm>> -> memref<8x2048xf32, #tpu.memory_space<hbm>>
    %dma_start3A_631 = arith.constant 63488 : i32
    %dma_start3A_632 = tpu.memref_slice %arg4[%add3A_628, %dma_start3A_631] : memref<516x65536xf32, #tpu.memory_space<hbm>> -> memref<8x2048xf32, #tpu.memory_space<hbm>>
    tpu.enqueue_dma source(%arg8 : memref<8x2048xf32, #tpu.memory_space<vmem>>) target(%dma_start3A_632 : memref<8x2048xf32, #tpu.memory_space<hbm>>) target_semaphore(%arg22 : memref<!tpu.dma_semaphore, #tpu.memory_space<semaphore_mem>>)
    %dma_wait3A_633 = arith.constant 55296 : i32
    %dma_wait3A_634 = tpu.memref_slice %arg4[%add3A_548, %dma_wait3A_633] : memref<516x65536xf32, #tpu.memory_space<hbm>> -> memref<8x2048xf32, #tpu.memory_space<hbm>>
    %dma_wait3A_635 = arith.constant 55296 : i32
    %dma_wait3A_636 = tpu.memref_slice %arg4[%add3A_548, %dma_wait3A_635] : memref<516x65536xf32, #tpu.memory_space<hbm>> -> memref<8x2048xf32, #tpu.memory_space<hbm>>
    tpu.wait_dma2 semaphore(%arg25 : memref<!tpu.dma_semaphore, #tpu.memory_space<semaphore_mem>>) src(%arg11 : memref<8x2048xf32, #tpu.memory_space<vmem>>) dst(%dma_wait3A_636 : memref<8x2048xf32, #tpu.memory_space<hbm>>)
    %add3A_637 = arith.constant 256 : i32
    %add3A_638 = arith.addi %mul3A_2, %add3A_637 : i32
    %dma_start3A_639 = arith.constant 4096 : i32
    %dma_start3A_640 = tpu.memref_slice %arg2[%add3A_638, %dma_start3A_639] : memref<516x16384xf32, #tpu.memory_space<hbm>> -> memref<8x2048xf32, #tpu.memory_space<hbm>>
    %dma_start3A_641 = arith.constant 4096 : i32
    %dma_start3A_642 = tpu.memref_slice %arg2[%add3A_638, %dma_start3A_641] : memref<516x16384xf32, #tpu.memory_space<hbm>> -> memref<8x2048xf32, #tpu.memory_space<hbm>>
    tpu.enqueue_dma source(%dma_start3A_642 : memref<8x2048xf32, #tpu.memory_space<hbm>>) target(%arg11 : memref<8x2048xf32, #tpu.memory_space<vmem>>) target_semaphore(%arg18 : memref<!tpu.dma_semaphore, #tpu.memory_space<semaphore_mem>>)
    %dma_wait3A_643 = arith.constant 0 : i32
    %dma_wait3A_644 = tpu.memref_slice %arg2[%add3A_598, %dma_wait3A_643] : memref<516x16384xf32, #tpu.memory_space<hbm>> -> memref<8x2048xf32, #tpu.memory_space<hbm>>
    %dma_wait3A_645 = arith.constant 0 : i32
    %dma_wait3A_646 = tpu.memref_slice %arg2[%add3A_598, %dma_wait3A_645] : memref<516x16384xf32, #tpu.memory_space<hbm>> -> memref<8x2048xf32, #tpu.memory_space<hbm>>
    tpu.wait_dma2 semaphore(%arg16 : memref<!tpu.dma_semaphore, #tpu.memory_space<semaphore_mem>>) src(%dma_wait3A_646 : memref<8x2048xf32, #tpu.memory_space<hbm>>) dst(%arg9 : memref<8x2048xf32, #tpu.memory_space<vmem>>)
    %add3A_647 = arith.constant 256 : i32
    %add3A_648 = arith.addi %mul3A_2, %add3A_647 : i32
    %dma_start3A_649 = arith.constant 0 : i32
    %dma_start3A_650 = tpu.memref_slice %arg4[%add3A_648, %dma_start3A_649] : memref<516x65536xf32, #tpu.memory_space<hbm>> -> memref<8x2048xf32, #tpu.memory_space<hbm>>
    %dma_start3A_651 = arith.constant 0 : i32
    %dma_start3A_652 = tpu.memref_slice %arg4[%add3A_648, %dma_start3A_651] : memref<516x65536xf32, #tpu.memory_space<hbm>> -> memref<8x2048xf32, #tpu.memory_space<hbm>>
    tpu.enqueue_dma source(%arg9 : memref<8x2048xf32, #tpu.memory_space<vmem>>) target(%dma_start3A_652 : memref<8x2048xf32, #tpu.memory_space<hbm>>) target_semaphore(%arg23 : memref<!tpu.dma_semaphore, #tpu.memory_space<semaphore_mem>>)
    %dma_wait3A_653 = arith.constant 57344 : i32
    %dma_wait3A_654 = tpu.memref_slice %arg4[%add3A_568, %dma_wait3A_653] : memref<516x65536xf32, #tpu.memory_space<hbm>> -> memref<8x2048xf32, #tpu.memory_space<hbm>>
    %dma_wait3A_655 = arith.constant 57344 : i32
    %dma_wait3A_656 = tpu.memref_slice %arg4[%add3A_568, %dma_wait3A_655] : memref<516x65536xf32, #tpu.memory_space<hbm>> -> memref<8x2048xf32, #tpu.memory_space<hbm>>
    tpu.wait_dma2 semaphore(%arg19 : memref<!tpu.dma_semaphore, #tpu.memory_space<semaphore_mem>>) src(%arg5 : memref<8x2048xf32, #tpu.memory_space<vmem>>) dst(%dma_wait3A_656 : memref<8x2048xf32, #tpu.memory_space<hbm>>)
    %add3A_657 = arith.constant 256 : i32
    %add3A_658 = arith.addi %mul3A_2, %add3A_657 : i32
    %dma_start3A_659 = arith.constant 6144 : i32
    %dma_start3A_660 = tpu.memref_slice %arg2[%add3A_658, %dma_start3A_659] : memref<516x16384xf32, #tpu.memory_space<hbm>> -> memref<8x2048xf32, #tpu.memory_space<hbm>>
    %dma_start3A_661 = arith.constant 6144 : i32
    %dma_start3A_662 = tpu.memref_slice %arg2[%add3A_658, %dma_start3A_661] : memref<516x16384xf32, #tpu.memory_space<hbm>> -> memref<8x2048xf32, #tpu.memory_space<hbm>>
    tpu.enqueue_dma source(%dma_start3A_662 : memref<8x2048xf32, #tpu.memory_space<hbm>>) target(%arg5 : memref<8x2048xf32, #tpu.memory_space<vmem>>) target_semaphore(%arg12 : memref<!tpu.dma_semaphore, #tpu.memory_space<semaphore_mem>>)
    %dma_wait3A_663 = arith.constant 2048 : i32
    %dma_wait3A_664 = tpu.memref_slice %arg2[%add3A_618, %dma_wait3A_663] : memref<516x16384xf32, #tpu.memory_space<hbm>> -> memref<8x2048xf32, #tpu.memory_space<hbm>>
    %dma_wait3A_665 = arith.constant 2048 : i32
    %dma_wait3A_666 = tpu.memref_slice %arg2[%add3A_618, %dma_wait3A_665] : memref<516x16384xf32, #tpu.memory_space<hbm>> -> memref<8x2048xf32, #tpu.memory_space<hbm>>
    tpu.wait_dma2 semaphore(%arg17 : memref<!tpu.dma_semaphore, #tpu.memory_space<semaphore_mem>>) src(%dma_wait3A_666 : memref<8x2048xf32, #tpu.memory_space<hbm>>) dst(%arg10 : memref<8x2048xf32, #tpu.memory_space<vmem>>)
    %add3A_667 = arith.constant 256 : i32
    %add3A_668 = arith.addi %mul3A_2, %add3A_667 : i32
    %dma_start3A_669 = arith.constant 2048 : i32
    %dma_start3A_670 = tpu.memref_slice %arg4[%add3A_668, %dma_start3A_669] : memref<516x65536xf32, #tpu.memory_space<hbm>> -> memref<8x2048xf32, #tpu.memory_space<hbm>>
    %dma_start3A_671 = arith.constant 2048 : i32
    %dma_start3A_672 = tpu.memref_slice %arg4[%add3A_668, %dma_start3A_671] : memref<516x65536xf32, #tpu.memory_space<hbm>> -> memref<8x2048xf32, #tpu.memory_space<hbm>>
    tpu.enqueue_dma source(%arg10 : memref<8x2048xf32, #tpu.memory_space<vmem>>) target(%dma_start3A_672 : memref<8x2048xf32, #tpu.memory_space<hbm>>) target_semaphore(%arg24 : memref<!tpu.dma_semaphore, #tpu.memory_space<semaphore_mem>>)
    %dma_wait3A_673 = arith.constant 59392 : i32
    %dma_wait3A_674 = tpu.memref_slice %arg4[%add3A_588, %dma_wait3A_673] : memref<516x65536xf32, #tpu.memory_space<hbm>> -> memref<8x2048xf32, #tpu.memory_space<hbm>>
    %dma_wait3A_675 = arith.constant 59392 : i32
    %dma_wait3A_676 = tpu.memref_slice %arg4[%add3A_588, %dma_wait3A_675] : memref<516x65536xf32, #tpu.memory_space<hbm>> -> memref<8x2048xf32, #tpu.memory_space<hbm>>
    tpu.wait_dma2 semaphore(%arg20 : memref<!tpu.dma_semaphore, #tpu.memory_space<semaphore_mem>>) src(%arg6 : memref<8x2048xf32, #tpu.memory_space<vmem>>) dst(%dma_wait3A_676 : memref<8x2048xf32, #tpu.memory_space<hbm>>)
    %add3A_677 = arith.constant 256 : i32
    %add3A_678 = arith.addi %mul3A_2, %add3A_677 : i32
    %dma_start3A_679 = arith.constant 8192 : i32
    %dma_start3A_680 = tpu.memref_slice %arg2[%add3A_678, %dma_start3A_679] : memref<516x16384xf32, #tpu.memory_space<hbm>> -> memref<8x2048xf32, #tpu.memory_space<hbm>>
    %dma_start3A_681 = arith.constant 8192 : i32
    %dma_start3A_682 = tpu.memref_slice %arg2[%add3A_678, %dma_start3A_681] : memref<516x16384xf32, #tpu.memory_space<hbm>> -> memref<8x2048xf32, #tpu.memory_space<hbm>>
    tpu.enqueue_dma source(%dma_start3A_682 : memref<8x2048xf32, #tpu.memory_space<hbm>>) target(%arg6 : memref<8x2048xf32, #tpu.memory_space<vmem>>) target_semaphore(%arg13 : memref<!tpu.dma_semaphore, #tpu.memory_space<semaphore_mem>>)
    %dma_wait3A_683 = arith.constant 4096 : i32
    %dma_wait3A_684 = tpu.memref_slice %arg2[%add3A_638, %dma_wait3A_683] : memref<516x16384xf32, #tpu.memory_space<hbm>> -> memref<8x2048xf32, #tpu.memory_space<hbm>>
    %dma_wait3A_685 = arith.constant 4096 : i32
    %dma_wait3A_686 = tpu.memref_slice %arg2[%add3A_638, %dma_wait3A_685] : memref<516x16384xf32, #tpu.memory_space<hbm>> -> memref<8x2048xf32, #tpu.memory_space<hbm>>
    tpu.wait_dma2 semaphore(%arg18 : memref<!tpu.dma_semaphore, #tpu.memory_space<semaphore_mem>>) src(%dma_wait3A_686 : memref<8x2048xf32, #tpu.memory_space<hbm>>) dst(%arg11 : memref<8x2048xf32, #tpu.memory_space<vmem>>)
    %add3A_687 = arith.constant 256 : i32
    %add3A_688 = arith.addi %mul3A_2, %add3A_687 : i32
    %dma_start3A_689 = arith.constant 4096 : i32
    %dma_start3A_690 = tpu.memref_slice %arg4[%add3A_688, %dma_start3A_689] : memref<516x65536xf32, #tpu.memory_space<hbm>> -> memref<8x2048xf32, #tpu.memory_space<hbm>>
    %dma_start3A_691 = arith.constant 4096 : i32
    %dma_start3A_692 = tpu.memref_slice %arg4[%add3A_688, %dma_start3A_691] : memref<516x65536xf32, #tpu.memory_space<hbm>> -> memref<8x2048xf32, #tpu.memory_space<hbm>>
    tpu.enqueue_dma source(%arg11 : memref<8x2048xf32, #tpu.memory_space<vmem>>) target(%dma_start3A_692 : memref<8x2048xf32, #tpu.memory_space<hbm>>) target_semaphore(%arg25 : memref<!tpu.dma_semaphore, #tpu.memory_space<semaphore_mem>>)
    %dma_wait3A_693 = arith.constant 61440 : i32
    %dma_wait3A_694 = tpu.memref_slice %arg4[%add3A_608, %dma_wait3A_693] : memref<516x65536xf32, #tpu.memory_space<hbm>> -> memref<8x2048xf32, #tpu.memory_space<hbm>>
    %dma_wait3A_695 = arith.constant 61440 : i32
    %dma_wait3A_696 = tpu.memref_slice %arg4[%add3A_608, %dma_wait3A_695] : memref<516x65536xf32, #tpu.memory_space<hbm>> -> memref<8x2048xf32, #tpu.memory_space<hbm>>
    tpu.wait_dma2 semaphore(%arg21 : memref<!tpu.dma_semaphore, #tpu.memory_space<semaphore_mem>>) src(%arg7 : memref<8x2048xf32, #tpu.memory_space<vmem>>) dst(%dma_wait3A_696 : memref<8x2048xf32, #tpu.memory_space<hbm>>)
    %add3A_697 = arith.constant 256 : i32
    %add3A_698 = arith.addi %mul3A_2, %add3A_697 : i32
    %dma_start3A_699 = arith.constant 10240 : i32
    %dma_start3A_700 = tpu.memref_slice %arg2[%add3A_698, %dma_start3A_699] : memref<516x16384xf32, #tpu.memory_space<hbm>> -> memref<8x2048xf32, #tpu.memory_space<hbm>>
    %dma_start3A_701 = arith.constant 10240 : i32
    %dma_start3A_702 = tpu.memref_slice %arg2[%add3A_698, %dma_start3A_701] : memref<516x16384xf32, #tpu.memory_space<hbm>> -> memref<8x2048xf32, #tpu.memory_space<hbm>>
    tpu.enqueue_dma source(%dma_start3A_702 : memref<8x2048xf32, #tpu.memory_space<hbm>>) target(%arg7 : memref<8x2048xf32, #tpu.memory_space<vmem>>) target_semaphore(%arg14 : memref<!tpu.dma_semaphore, #tpu.memory_space<semaphore_mem>>)
    %dma_wait3A_703 = arith.constant 6144 : i32
    %dma_wait3A_704 = tpu.memref_slice %arg2[%add3A_658, %dma_wait3A_703] : memref<516x16384xf32, #tpu.memory_space<hbm>> -> memref<8x2048xf32, #tpu.memory_space<hbm>>
    %dma_wait3A_705 = arith.constant 6144 : i32
    %dma_wait3A_706 = tpu.memref_slice %arg2[%add3A_658, %dma_wait3A_705] : memref<516x16384xf32, #tpu.memory_space<hbm>> -> memref<8x2048xf32, #tpu.memory_space<hbm>>
    tpu.wait_dma2 semaphore(%arg12 : memref<!tpu.dma_semaphore, #tpu.memory_space<semaphore_mem>>) src(%dma_wait3A_706 : memref<8x2048xf32, #tpu.memory_space<hbm>>) dst(%arg5 : memref<8x2048xf32, #tpu.memory_space<vmem>>)
    %add3A_707 = arith.constant 256 : i32
    %add3A_708 = arith.addi %mul3A_2, %add3A_707 : i32
    %dma_start3A_709 = arith.constant 6144 : i32
    %dma_start3A_710 = tpu.memref_slice %arg4[%add3A_708, %dma_start3A_709] : memref<516x65536xf32, #tpu.memory_space<hbm>> -> memref<8x2048xf32, #tpu.memory_space<hbm>>
    %dma_start3A_711 = arith.constant 6144 : i32
    %dma_start3A_712 = tpu.memref_slice %arg4[%add3A_708, %dma_start3A_711] : memref<516x65536xf32, #tpu.memory_space<hbm>> -> memref<8x2048xf32, #tpu.memory_space<hbm>>
    tpu.enqueue_dma source(%arg5 : memref<8x2048xf32, #tpu.memory_space<vmem>>) target(%dma_start3A_712 : memref<8x2048xf32, #tpu.memory_space<hbm>>) target_semaphore(%arg19 : memref<!tpu.dma_semaphore, #tpu.memory_space<semaphore_mem>>)
    %dma_wait3A_713 = arith.constant 63488 : i32
    %dma_wait3A_714 = tpu.memref_slice %arg4[%add3A_628, %dma_wait3A_713] : memref<516x65536xf32, #tpu.memory_space<hbm>> -> memref<8x2048xf32, #tpu.memory_space<hbm>>
    %dma_wait3A_715 = arith.constant 63488 : i32
    %dma_wait3A_716 = tpu.memref_slice %arg4[%add3A_628, %dma_wait3A_715] : memref<516x65536xf32, #tpu.memory_space<hbm>> -> memref<8x2048xf32, #tpu.memory_space<hbm>>
    tpu.wait_dma2 semaphore(%arg22 : memref<!tpu.dma_semaphore, #tpu.memory_space<semaphore_mem>>) src(%arg8 : memref<8x2048xf32, #tpu.memory_space<vmem>>) dst(%dma_wait3A_716 : memref<8x2048xf32, #tpu.memory_space<hbm>>)
    %add3A_717 = arith.constant 256 : i32
    %add3A_718 = arith.addi %mul3A_2, %add3A_717 : i32
    %dma_start3A_719 = arith.constant 12288 : i32
    %dma_start3A_720 = tpu.memref_slice %arg2[%add3A_718, %dma_start3A_719] : memref<516x16384xf32, #tpu.memory_space<hbm>> -> memref<8x2048xf32, #tpu.memory_space<hbm>>
    %dma_start3A_721 = arith.constant 12288 : i32
    %dma_start3A_722 = tpu.memref_slice %arg2[%add3A_718, %dma_start3A_721] : memref<516x16384xf32, #tpu.memory_space<hbm>> -> memref<8x2048xf32, #tpu.memory_space<hbm>>
    tpu.enqueue_dma source(%dma_start3A_722 : memref<8x2048xf32, #tpu.memory_space<hbm>>) target(%arg8 : memref<8x2048xf32, #tpu.memory_space<vmem>>) target_semaphore(%arg15 : memref<!tpu.dma_semaphore, #tpu.memory_space<semaphore_mem>>)
    %dma_wait3A_723 = arith.constant 8192 : i32
    %dma_wait3A_724 = tpu.memref_slice %arg2[%add3A_678, %dma_wait3A_723] : memref<516x16384xf32, #tpu.memory_space<hbm>> -> memref<8x2048xf32, #tpu.memory_space<hbm>>
    %dma_wait3A_725 = arith.constant 8192 : i32
    %dma_wait3A_726 = tpu.memref_slice %arg2[%add3A_678, %dma_wait3A_725] : memref<516x16384xf32, #tpu.memory_space<hbm>> -> memref<8x2048xf32, #tpu.memory_space<hbm>>
    tpu.wait_dma2 semaphore(%arg13 : memref<!tpu.dma_semaphore, #tpu.memory_space<semaphore_mem>>) src(%dma_wait3A_726 : memref<8x2048xf32, #tpu.memory_space<hbm>>) dst(%arg6 : memref<8x2048xf32, #tpu.memory_space<vmem>>)
    %add3A_727 = arith.constant 256 : i32
    %add3A_728 = arith.addi %mul3A_2, %add3A_727 : i32
    %dma_start3A_729 = arith.constant 8192 : i32
    %dma_start3A_730 = tpu.memref_slice %arg4[%add3A_728, %dma_start3A_729] : memref<516x65536xf32, #tpu.memory_space<hbm>> -> memref<8x2048xf32, #tpu.memory_space<hbm>>
    %dma_start3A_731 = arith.constant 8192 : i32
    %dma_start3A_732 = tpu.memref_slice %arg4[%add3A_728, %dma_start3A_731] : memref<516x65536xf32, #tpu.memory_space<hbm>> -> memref<8x2048xf32, #tpu.memory_space<hbm>>
    tpu.enqueue_dma source(%arg6 : memref<8x2048xf32, #tpu.memory_space<vmem>>) target(%dma_start3A_732 : memref<8x2048xf32, #tpu.memory_space<hbm>>) target_semaphore(%arg20 : memref<!tpu.dma_semaphore, #tpu.memory_space<semaphore_mem>>)
    %dma_wait3A_733 = arith.constant 0 : i32
    %dma_wait3A_734 = tpu.memref_slice %arg4[%add3A_648, %dma_wait3A_733] : memref<516x65536xf32, #tpu.memory_space<hbm>> -> memref<8x2048xf32, #tpu.memory_space<hbm>>
    %dma_wait3A_735 = arith.constant 0 : i32
    %dma_wait3A_736 = tpu.memref_slice %arg4[%add3A_648, %dma_wait3A_735] : memref<516x65536xf32, #tpu.memory_space<hbm>> -> memref<8x2048xf32, #tpu.memory_space<hbm>>
    tpu.wait_dma2 semaphore(%arg23 : memref<!tpu.dma_semaphore, #tpu.memory_space<semaphore_mem>>) src(%arg9 : memref<8x2048xf32, #tpu.memory_space<vmem>>) dst(%dma_wait3A_736 : memref<8x2048xf32, #tpu.memory_space<hbm>>)
    %add3A_737 = arith.constant 256 : i32
    %add3A_738 = arith.addi %mul3A_2, %add3A_737 : i32
    %dma_start3A_739 = arith.constant 14336 : i32
    %dma_start3A_740 = tpu.memref_slice %arg2[%add3A_738, %dma_start3A_739] : memref<516x16384xf32, #tpu.memory_space<hbm>> -> memref<8x2048xf32, #tpu.memory_space<hbm>>
    %dma_start3A_741 = arith.constant 14336 : i32
    %dma_start3A_742 = tpu.memref_slice %arg2[%add3A_738, %dma_start3A_741] : memref<516x16384xf32, #tpu.memory_space<hbm>> -> memref<8x2048xf32, #tpu.memory_space<hbm>>
    tpu.enqueue_dma source(%dma_start3A_742 : memref<8x2048xf32, #tpu.memory_space<hbm>>) target(%arg9 : memref<8x2048xf32, #tpu.memory_space<vmem>>) target_semaphore(%arg16 : memref<!tpu.dma_semaphore, #tpu.memory_space<semaphore_mem>>)
    %dma_wait3A_743 = arith.constant 10240 : i32
    %dma_wait3A_744 = tpu.memref_slice %arg2[%add3A_698, %dma_wait3A_743] : memref<516x16384xf32, #tpu.memory_space<hbm>> -> memref<8x2048xf32, #tpu.memory_space<hbm>>
    %dma_wait3A_745 = arith.constant 10240 : i32
    %dma_wait3A_746 = tpu.memref_slice %arg2[%add3A_698, %dma_wait3A_745] : memref<516x16384xf32, #tpu.memory_space<hbm>> -> memref<8x2048xf32, #tpu.memory_space<hbm>>
    tpu.wait_dma2 semaphore(%arg14 : memref<!tpu.dma_semaphore, #tpu.memory_space<semaphore_mem>>) src(%dma_wait3A_746 : memref<8x2048xf32, #tpu.memory_space<hbm>>) dst(%arg7 : memref<8x2048xf32, #tpu.memory_space<vmem>>)
    %add3A_747 = arith.constant 256 : i32
    %add3A_748 = arith.addi %mul3A_2, %add3A_747 : i32
    %dma_start3A_749 = arith.constant 10240 : i32
    %dma_start3A_750 = tpu.memref_slice %arg4[%add3A_748, %dma_start3A_749] : memref<516x65536xf32, #tpu.memory_space<hbm>> -> memref<8x2048xf32, #tpu.memory_space<hbm>>
    %dma_start3A_751 = arith.constant 10240 : i32
    %dma_start3A_752 = tpu.memref_slice %arg4[%add3A_748, %dma_start3A_751] : memref<516x65536xf32, #tpu.memory_space<hbm>> -> memref<8x2048xf32, #tpu.memory_space<hbm>>
    tpu.enqueue_dma source(%arg7 : memref<8x2048xf32, #tpu.memory_space<vmem>>) target(%dma_start3A_752 : memref<8x2048xf32, #tpu.memory_space<hbm>>) target_semaphore(%arg21 : memref<!tpu.dma_semaphore, #tpu.memory_space<semaphore_mem>>)
    %dma_wait3A_753 = arith.constant 2048 : i32
    %dma_wait3A_754 = tpu.memref_slice %arg4[%add3A_668, %dma_wait3A_753] : memref<516x65536xf32, #tpu.memory_space<hbm>> -> memref<8x2048xf32, #tpu.memory_space<hbm>>
    %dma_wait3A_755 = arith.constant 2048 : i32
    %dma_wait3A_756 = tpu.memref_slice %arg4[%add3A_668, %dma_wait3A_755] : memref<516x65536xf32, #tpu.memory_space<hbm>> -> memref<8x2048xf32, #tpu.memory_space<hbm>>
    tpu.wait_dma2 semaphore(%arg24 : memref<!tpu.dma_semaphore, #tpu.memory_space<semaphore_mem>>) src(%arg10 : memref<8x2048xf32, #tpu.memory_space<vmem>>) dst(%dma_wait3A_756 : memref<8x2048xf32, #tpu.memory_space<hbm>>)
    %add3A_757 = arith.constant 256 : i32
    %add3A_758 = arith.addi %mul3A_2, %add3A_757 : i32
    %dma_start3A_759 = arith.constant 0 : i32
    %dma_start3A_760 = tpu.memref_slice %arg3[%add3A_758, %dma_start3A_759] : memref<516x65536xf32, #tpu.memory_space<hbm>> -> memref<8x2048xf32, #tpu.memory_space<hbm>>
    %dma_start3A_761 = arith.constant 0 : i32
    %dma_start3A_762 = tpu.memref_slice %arg3[%add3A_758, %dma_start3A_761] : memref<516x65536xf32, #tpu.memory_space<hbm>> -> memref<8x2048xf32, #tpu.memory_space<hbm>>
    tpu.enqueue_dma source(%dma_start3A_762 : memref<8x2048xf32, #tpu.memory_space<hbm>>) target(%arg10 : memref<8x2048xf32, #tpu.memory_space<vmem>>) target_semaphore(%arg17 : memref<!tpu.dma_semaphore, #tpu.memory_space<semaphore_mem>>)
    %dma_wait3A_763 = arith.constant 12288 : i32
    %dma_wait3A_764 = tpu.memref_slice %arg2[%add3A_718, %dma_wait3A_763] : memref<516x16384xf32, #tpu.memory_space<hbm>> -> memref<8x2048xf32, #tpu.memory_space<hbm>>
    %dma_wait3A_765 = arith.constant 12288 : i32
    %dma_wait3A_766 = tpu.memref_slice %arg2[%add3A_718, %dma_wait3A_765] : memref<516x16384xf32, #tpu.memory_space<hbm>> -> memref<8x2048xf32, #tpu.memory_space<hbm>>
    tpu.wait_dma2 semaphore(%arg15 : memref<!tpu.dma_semaphore, #tpu.memory_space<semaphore_mem>>) src(%dma_wait3A_766 : memref<8x2048xf32, #tpu.memory_space<hbm>>) dst(%arg8 : memref<8x2048xf32, #tpu.memory_space<vmem>>)
    %add3A_767 = arith.constant 256 : i32
    %add3A_768 = arith.addi %mul3A_2, %add3A_767 : i32
    %dma_start3A_769 = arith.constant 12288 : i32
    %dma_start3A_770 = tpu.memref_slice %arg4[%add3A_768, %dma_start3A_769] : memref<516x65536xf32, #tpu.memory_space<hbm>> -> memref<8x2048xf32, #tpu.memory_space<hbm>>
    %dma_start3A_771 = arith.constant 12288 : i32
    %dma_start3A_772 = tpu.memref_slice %arg4[%add3A_768, %dma_start3A_771] : memref<516x65536xf32, #tpu.memory_space<hbm>> -> memref<8x2048xf32, #tpu.memory_space<hbm>>
    tpu.enqueue_dma source(%arg8 : memref<8x2048xf32, #tpu.memory_space<vmem>>) target(%dma_start3A_772 : memref<8x2048xf32, #tpu.memory_space<hbm>>) target_semaphore(%arg22 : memref<!tpu.dma_semaphore, #tpu.memory_space<semaphore_mem>>)
    %dma_wait3A_773 = arith.constant 4096 : i32
    %dma_wait3A_774 = tpu.memref_slice %arg4[%add3A_688, %dma_wait3A_773] : memref<516x65536xf32, #tpu.memory_space<hbm>> -> memref<8x2048xf32, #tpu.memory_space<hbm>>
    %dma_wait3A_775 = arith.constant 4096 : i32
    %dma_wait3A_776 = tpu.memref_slice %arg4[%add3A_688, %dma_wait3A_775] : memref<516x65536xf32, #tpu.memory_space<hbm>> -> memref<8x2048xf32, #tpu.memory_space<hbm>>
    tpu.wait_dma2 semaphore(%arg25 : memref<!tpu.dma_semaphore, #tpu.memory_space<semaphore_mem>>) src(%arg11 : memref<8x2048xf32, #tpu.memory_space<vmem>>) dst(%dma_wait3A_776 : memref<8x2048xf32, #tpu.memory_space<hbm>>)
    %add3A_777 = arith.constant 256 : i32
    %add3A_778 = arith.addi %mul3A_2, %add3A_777 : i32
    %dma_start3A_779 = arith.constant 2048 : i32
    %dma_start3A_780 = tpu.memref_slice %arg3[%add3A_778, %dma_start3A_779] : memref<516x65536xf32, #tpu.memory_space<hbm>> -> memref<8x2048xf32, #tpu.memory_space<hbm>>
    %dma_start3A_781 = arith.constant 2048 : i32
    %dma_start3A_782 = tpu.memref_slice %arg3[%add3A_778, %dma_start3A_781] : memref<516x65536xf32, #tpu.memory_space<hbm>> -> memref<8x2048xf32, #tpu.memory_space<hbm>>
    tpu.enqueue_dma source(%dma_start3A_782 : memref<8x2048xf32, #tpu.memory_space<hbm>>) target(%arg11 : memref<8x2048xf32, #tpu.memory_space<vmem>>) target_semaphore(%arg18 : memref<!tpu.dma_semaphore, #tpu.memory_space<semaphore_mem>>)
    %dma_wait3A_783 = arith.constant 14336 : i32
    %dma_wait3A_784 = tpu.memref_slice %arg2[%add3A_738, %dma_wait3A_783] : memref<516x16384xf32, #tpu.memory_space<hbm>> -> memref<8x2048xf32, #tpu.memory_space<hbm>>
    %dma_wait3A_785 = arith.constant 14336 : i32
    %dma_wait3A_786 = tpu.memref_slice %arg2[%add3A_738, %dma_wait3A_785] : memref<516x16384xf32, #tpu.memory_space<hbm>> -> memref<8x2048xf32, #tpu.memory_space<hbm>>
    tpu.wait_dma2 semaphore(%arg16 : memref<!tpu.dma_semaphore, #tpu.memory_space<semaphore_mem>>) src(%dma_wait3A_786 : memref<8x2048xf32, #tpu.memory_space<hbm>>) dst(%arg9 : memref<8x2048xf32, #tpu.memory_space<vmem>>)
    %add3A_787 = arith.constant 256 : i32
    %add3A_788 = arith.addi %mul3A_2, %add3A_787 : i32
    %dma_start3A_789 = arith.constant 14336 : i32
    %dma_start3A_790 = tpu.memref_slice %arg4[%add3A_788, %dma_start3A_789] : memref<516x65536xf32, #tpu.memory_space<hbm>> -> memref<8x2048xf32, #tpu.memory_space<hbm>>
    %dma_start3A_791 = arith.constant 14336 : i32
    %dma_start3A_792 = tpu.memref_slice %arg4[%add3A_788, %dma_start3A_791] : memref<516x65536xf32, #tpu.memory_space<hbm>> -> memref<8x2048xf32, #tpu.memory_space<hbm>>
    tpu.enqueue_dma source(%arg9 : memref<8x2048xf32, #tpu.memory_space<vmem>>) target(%dma_start3A_792 : memref<8x2048xf32, #tpu.memory_space<hbm>>) target_semaphore(%arg23 : memref<!tpu.dma_semaphore, #tpu.memory_space<semaphore_mem>>)
    %dma_wait3A_793 = arith.constant 6144 : i32
    %dma_wait3A_794 = tpu.memref_slice %arg4[%add3A_708, %dma_wait3A_793] : memref<516x65536xf32, #tpu.memory_space<hbm>> -> memref<8x2048xf32, #tpu.memory_space<hbm>>
    %dma_wait3A_795 = arith.constant 6144 : i32
    %dma_wait3A_796 = tpu.memref_slice %arg4[%add3A_708, %dma_wait3A_795] : memref<516x65536xf32, #tpu.memory_space<hbm>> -> memref<8x2048xf32, #tpu.memory_space<hbm>>
    tpu.wait_dma2 semaphore(%arg19 : memref<!tpu.dma_semaphore, #tpu.memory_space<semaphore_mem>>) src(%arg5 : memref<8x2048xf32, #tpu.memory_space<vmem>>) dst(%dma_wait3A_796 : memref<8x2048xf32, #tpu.memory_space<hbm>>)
    %add3A_797 = arith.constant 256 : i32
    %add3A_798 = arith.addi %mul3A_2, %add3A_797 : i32
    %dma_start3A_799 = arith.constant 4096 : i32
    %dma_start3A_800 = tpu.memref_slice %arg3[%add3A_798, %dma_start3A_799] : memref<516x65536xf32, #tpu.memory_space<hbm>> -> memref<8x2048xf32, #tpu.memory_space<hbm>>
    %dma_start3A_801 = arith.constant 4096 : i32
    %dma_start3A_802 = tpu.memref_slice %arg3[%add3A_798, %dma_start3A_801] : memref<516x65536xf32, #tpu.memory_space<hbm>> -> memref<8x2048xf32, #tpu.memory_space<hbm>>
    tpu.enqueue_dma source(%dma_start3A_802 : memref<8x2048xf32, #tpu.memory_space<hbm>>) target(%arg5 : memref<8x2048xf32, #tpu.memory_space<vmem>>) target_semaphore(%arg12 : memref<!tpu.dma_semaphore, #tpu.memory_space<semaphore_mem>>)
    %dma_wait3A_803 = arith.constant 0 : i32
    %dma_wait3A_804 = tpu.memref_slice %arg3[%add3A_758, %dma_wait3A_803] : memref<516x65536xf32, #tpu.memory_space<hbm>> -> memref<8x2048xf32, #tpu.memory_space<hbm>>
    %dma_wait3A_805 = arith.constant 0 : i32
    %dma_wait3A_806 = tpu.memref_slice %arg3[%add3A_758, %dma_wait3A_805] : memref<516x65536xf32, #tpu.memory_space<hbm>> -> memref<8x2048xf32, #tpu.memory_space<hbm>>
    tpu.wait_dma2 semaphore(%arg17 : memref<!tpu.dma_semaphore, #tpu.memory_space<semaphore_mem>>) src(%dma_wait3A_806 : memref<8x2048xf32, #tpu.memory_space<hbm>>) dst(%arg10 : memref<8x2048xf32, #tpu.memory_space<vmem>>)
    %add3A_807 = arith.constant 256 : i32
    %add3A_808 = arith.addi %mul3A_2, %add3A_807 : i32
    %dma_start3A_809 = arith.constant 16384 : i32
    %dma_start3A_810 = tpu.memref_slice %arg4[%add3A_808, %dma_start3A_809] : memref<516x65536xf32, #tpu.memory_space<hbm>> -> memref<8x2048xf32, #tpu.memory_space<hbm>>
    %dma_start3A_811 = arith.constant 16384 : i32
    %dma_start3A_812 = tpu.memref_slice %arg4[%add3A_808, %dma_start3A_811] : memref<516x65536xf32, #tpu.memory_space<hbm>> -> memref<8x2048xf32, #tpu.memory_space<hbm>>
    tpu.enqueue_dma source(%arg10 : memref<8x2048xf32, #tpu.memory_space<vmem>>) target(%dma_start3A_812 : memref<8x2048xf32, #tpu.memory_space<hbm>>) target_semaphore(%arg24 : memref<!tpu.dma_semaphore, #tpu.memory_space<semaphore_mem>>)
    %dma_wait3A_813 = arith.constant 8192 : i32
    %dma_wait3A_814 = tpu.memref_slice %arg4[%add3A_728, %dma_wait3A_813] : memref<516x65536xf32, #tpu.memory_space<hbm>> -> memref<8x2048xf32, #tpu.memory_space<hbm>>
    %dma_wait3A_815 = arith.constant 8192 : i32
    %dma_wait3A_816 = tpu.memref_slice %arg4[%add3A_728, %dma_wait3A_815] : memref<516x65536xf32, #tpu.memory_space<hbm>> -> memref<8x2048xf32, #tpu.memory_space<hbm>>
    tpu.wait_dma2 semaphore(%arg20 : memref<!tpu.dma_semaphore, #tpu.memory_space<semaphore_mem>>) src(%arg6 : memref<8x2048xf32, #tpu.memory_space<vmem>>) dst(%dma_wait3A_816 : memref<8x2048xf32, #tpu.memory_space<hbm>>)
    %add3A_817 = arith.constant 256 : i32
    %add3A_818 = arith.addi %mul3A_2, %add3A_817 : i32
    %dma_start3A_819 = arith.constant 6144 : i32
    %dma_start3A_820 = tpu.memref_slice %arg3[%add3A_818, %dma_start3A_819] : memref<516x65536xf32, #tpu.memory_space<hbm>> -> memref<8x2048xf32, #tpu.memory_space<hbm>>
    %dma_start3A_821 = arith.constant 6144 : i32
    %dma_start3A_822 = tpu.memref_slice %arg3[%add3A_818, %dma_start3A_821] : memref<516x65536xf32, #tpu.memory_space<hbm>> -> memref<8x2048xf32, #tpu.memory_space<hbm>>
    tpu.enqueue_dma source(%dma_start3A_822 : memref<8x2048xf32, #tpu.memory_space<hbm>>) target(%arg6 : memref<8x2048xf32, #tpu.memory_space<vmem>>) target_semaphore(%arg13 : memref<!tpu.dma_semaphore, #tpu.memory_space<semaphore_mem>>)
    %dma_wait3A_823 = arith.constant 2048 : i32
    %dma_wait3A_824 = tpu.memref_slice %arg3[%add3A_778, %dma_wait3A_823] : memref<516x65536xf32, #tpu.memory_space<hbm>> -> memref<8x2048xf32, #tpu.memory_space<hbm>>
    %dma_wait3A_825 = arith.constant 2048 : i32
    %dma_wait3A_826 = tpu.memref_slice %arg3[%add3A_778, %dma_wait3A_825] : memref<516x65536xf32, #tpu.memory_space<hbm>> -> memref<8x2048xf32, #tpu.memory_space<hbm>>
    tpu.wait_dma2 semaphore(%arg18 : memref<!tpu.dma_semaphore, #tpu.memory_space<semaphore_mem>>) src(%dma_wait3A_826 : memref<8x2048xf32, #tpu.memory_space<hbm>>) dst(%arg11 : memref<8x2048xf32, #tpu.memory_space<vmem>>)
    %add3A_827 = arith.constant 256 : i32
    %add3A_828 = arith.addi %mul3A_2, %add3A_827 : i32
    %dma_start3A_829 = arith.constant 18432 : i32
    %dma_start3A_830 = tpu.memref_slice %arg4[%add3A_828, %dma_start3A_829] : memref<516x65536xf32, #tpu.memory_space<hbm>> -> memref<8x2048xf32, #tpu.memory_space<hbm>>
    %dma_start3A_831 = arith.constant 18432 : i32
    %dma_start3A_832 = tpu.memref_slice %arg4[%add3A_828, %dma_start3A_831] : memref<516x65536xf32, #tpu.memory_space<hbm>> -> memref<8x2048xf32, #tpu.memory_space<hbm>>
    tpu.enqueue_dma source(%arg11 : memref<8x2048xf32, #tpu.memory_space<vmem>>) target(%dma_start3A_832 : memref<8x2048xf32, #tpu.memory_space<hbm>>) target_semaphore(%arg25 : memref<!tpu.dma_semaphore, #tpu.memory_space<semaphore_mem>>)
    %dma_wait3A_833 = arith.constant 10240 : i32
    %dma_wait3A_834 = tpu.memref_slice %arg4[%add3A_748, %dma_wait3A_833] : memref<516x65536xf32, #tpu.memory_space<hbm>> -> memref<8x2048xf32, #tpu.memory_space<hbm>>
    %dma_wait3A_835 = arith.constant 10240 : i32
    %dma_wait3A_836 = tpu.memref_slice %arg4[%add3A_748, %dma_wait3A_835] : memref<516x65536xf32, #tpu.memory_space<hbm>> -> memref<8x2048xf32, #tpu.memory_space<hbm>>
    tpu.wait_dma2 semaphore(%arg21 : memref<!tpu.dma_semaphore, #tpu.memory_space<semaphore_mem>>) src(%arg7 : memref<8x2048xf32, #tpu.memory_space<vmem>>) dst(%dma_wait3A_836 : memref<8x2048xf32, #tpu.memory_space<hbm>>)
    %add3A_837 = arith.constant 256 : i32
    %add3A_838 = arith.addi %mul3A_2, %add3A_837 : i32
    %dma_start3A_839 = arith.constant 8192 : i32
    %dma_start3A_840 = tpu.memref_slice %arg3[%add3A_838, %dma_start3A_839] : memref<516x65536xf32, #tpu.memory_space<hbm>> -> memref<8x2048xf32, #tpu.memory_space<hbm>>
    %dma_start3A_841 = arith.constant 8192 : i32
    %dma_start3A_842 = tpu.memref_slice %arg3[%add3A_838, %dma_start3A_841] : memref<516x65536xf32, #tpu.memory_space<hbm>> -> memref<8x2048xf32, #tpu.memory_space<hbm>>
    tpu.enqueue_dma source(%dma_start3A_842 : memref<8x2048xf32, #tpu.memory_space<hbm>>) target(%arg7 : memref<8x2048xf32, #tpu.memory_space<vmem>>) target_semaphore(%arg14 : memref<!tpu.dma_semaphore, #tpu.memory_space<semaphore_mem>>)
    %dma_wait3A_843 = arith.constant 4096 : i32
    %dma_wait3A_844 = tpu.memref_slice %arg3[%add3A_798, %dma_wait3A_843] : memref<516x65536xf32, #tpu.memory_space<hbm>> -> memref<8x2048xf32, #tpu.memory_space<hbm>>
    %dma_wait3A_845 = arith.constant 4096 : i32
    %dma_wait3A_846 = tpu.memref_slice %arg3[%add3A_798, %dma_wait3A_845] : memref<516x65536xf32, #tpu.memory_space<hbm>> -> memref<8x2048xf32, #tpu.memory_space<hbm>>
    tpu.wait_dma2 semaphore(%arg12 : memref<!tpu.dma_semaphore, #tpu.memory_space<semaphore_mem>>) src(%dma_wait3A_846 : memref<8x2048xf32, #tpu.memory_space<hbm>>) dst(%arg5 : memref<8x2048xf32, #tpu.memory_space<vmem>>)
    %add3A_847 = arith.constant 256 : i32
    %add3A_848 = arith.addi %mul3A_2, %add3A_847 : i32
    %dma_start3A_849 = arith.constant 20480 : i32
    %dma_start3A_850 = tpu.memref_slice %arg4[%add3A_848, %dma_start3A_849] : memref<516x65536xf32, #tpu.memory_space<hbm>> -> memref<8x2048xf32, #tpu.memory_space<hbm>>
    %dma_start3A_851 = arith.constant 20480 : i32
    %dma_start3A_852 = tpu.memref_slice %arg4[%add3A_848, %dma_start3A_851] : memref<516x65536xf32, #tpu.memory_space<hbm>> -> memref<8x2048xf32, #tpu.memory_space<hbm>>
    tpu.enqueue_dma source(%arg5 : memref<8x2048xf32, #tpu.memory_space<vmem>>) target(%dma_start3A_852 : memref<8x2048xf32, #tpu.memory_space<hbm>>) target_semaphore(%arg19 : memref<!tpu.dma_semaphore, #tpu.memory_space<semaphore_mem>>)
    %dma_wait3A_853 = arith.constant 12288 : i32
    %dma_wait3A_854 = tpu.memref_slice %arg4[%add3A_768, %dma_wait3A_853] : memref<516x65536xf32, #tpu.memory_space<hbm>> -> memref<8x2048xf32, #tpu.memory_space<hbm>>
    %dma_wait3A_855 = arith.constant 12288 : i32
    %dma_wait3A_856 = tpu.memref_slice %arg4[%add3A_768, %dma_wait3A_855] : memref<516x65536xf32, #tpu.memory_space<hbm>> -> memref<8x2048xf32, #tpu.memory_space<hbm>>
    tpu.wait_dma2 semaphore(%arg22 : memref<!tpu.dma_semaphore, #tpu.memory_space<semaphore_mem>>) src(%arg8 : memref<8x2048xf32, #tpu.memory_space<vmem>>) dst(%dma_wait3A_856 : memref<8x2048xf32, #tpu.memory_space<hbm>>)
    %add3A_857 = arith.constant 256 : i32
    %add3A_858 = arith.addi %mul3A_2, %add3A_857 : i32
    %dma_start3A_859 = arith.constant 10240 : i32
    %dma_start3A_860 = tpu.memref_slice %arg3[%add3A_858, %dma_start3A_859] : memref<516x65536xf32, #tpu.memory_space<hbm>> -> memref<8x2048xf32, #tpu.memory_space<hbm>>
    %dma_start3A_861 = arith.constant 10240 : i32
    %dma_start3A_862 = tpu.memref_slice %arg3[%add3A_858, %dma_start3A_861] : memref<516x65536xf32, #tpu.memory_space<hbm>> -> memref<8x2048xf32, #tpu.memory_space<hbm>>
    tpu.enqueue_dma source(%dma_start3A_862 : memref<8x2048xf32, #tpu.memory_space<hbm>>) target(%arg8 : memref<8x2048xf32, #tpu.memory_space<vmem>>) target_semaphore(%arg15 : memref<!tpu.dma_semaphore, #tpu.memory_space<semaphore_mem>>)
    %dma_wait3A_863 = arith.constant 6144 : i32
    %dma_wait3A_864 = tpu.memref_slice %arg3[%add3A_818, %dma_wait3A_863] : memref<516x65536xf32, #tpu.memory_space<hbm>> -> memref<8x2048xf32, #tpu.memory_space<hbm>>
    %dma_wait3A_865 = arith.constant 6144 : i32
    %dma_wait3A_866 = tpu.memref_slice %arg3[%add3A_818, %dma_wait3A_865] : memref<516x65536xf32, #tpu.memory_space<hbm>> -> memref<8x2048xf32, #tpu.memory_space<hbm>>
    tpu.wait_dma2 semaphore(%arg13 : memref<!tpu.dma_semaphore, #tpu.memory_space<semaphore_mem>>) src(%dma_wait3A_866 : memref<8x2048xf32, #tpu.memory_space<hbm>>) dst(%arg6 : memref<8x2048xf32, #tpu.memory_space<vmem>>)
    %add3A_867 = arith.constant 256 : i32
    %add3A_868 = arith.addi %mul3A_2, %add3A_867 : i32
    %dma_start3A_869 = arith.constant 22528 : i32
    %dma_start3A_870 = tpu.memref_slice %arg4[%add3A_868, %dma_start3A_869] : memref<516x65536xf32, #tpu.memory_space<hbm>> -> memref<8x2048xf32, #tpu.memory_space<hbm>>
    %dma_start3A_871 = arith.constant 22528 : i32
    %dma_start3A_872 = tpu.memref_slice %arg4[%add3A_868, %dma_start3A_871] : memref<516x65536xf32, #tpu.memory_space<hbm>> -> memref<8x2048xf32, #tpu.memory_space<hbm>>
    tpu.enqueue_dma source(%arg6 : memref<8x2048xf32, #tpu.memory_space<vmem>>) target(%dma_start3A_872 : memref<8x2048xf32, #tpu.memory_space<hbm>>) target_semaphore(%arg20 : memref<!tpu.dma_semaphore, #tpu.memory_space<semaphore_mem>>)
    %dma_wait3A_873 = arith.constant 14336 : i32
    %dma_wait3A_874 = tpu.memref_slice %arg4[%add3A_788, %dma_wait3A_873] : memref<516x65536xf32, #tpu.memory_space<hbm>> -> memref<8x2048xf32, #tpu.memory_space<hbm>>
    %dma_wait3A_875 = arith.constant 14336 : i32
    %dma_wait3A_876 = tpu.memref_slice %arg4[%add3A_788, %dma_wait3A_875] : memref<516x65536xf32, #tpu.memory_space<hbm>> -> memref<8x2048xf32, #tpu.memory_space<hbm>>
    tpu.wait_dma2 semaphore(%arg23 : memref<!tpu.dma_semaphore, #tpu.memory_space<semaphore_mem>>) src(%arg9 : memref<8x2048xf32, #tpu.memory_space<vmem>>) dst(%dma_wait3A_876 : memref<8x2048xf32, #tpu.memory_space<hbm>>)
    %add3A_877 = arith.constant 256 : i32
    %add3A_878 = arith.addi %mul3A_2, %add3A_877 : i32
    %dma_start3A_879 = arith.constant 12288 : i32
    %dma_start3A_880 = tpu.memref_slice %arg3[%add3A_878, %dma_start3A_879] : memref<516x65536xf32, #tpu.memory_space<hbm>> -> memref<8x2048xf32, #tpu.memory_space<hbm>>
    %dma_start3A_881 = arith.constant 12288 : i32
    %dma_start3A_882 = tpu.memref_slice %arg3[%add3A_878, %dma_start3A_881] : memref<516x65536xf32, #tpu.memory_space<hbm>> -> memref<8x2048xf32, #tpu.memory_space<hbm>>
    tpu.enqueue_dma source(%dma_start3A_882 : memref<8x2048xf32, #tpu.memory_space<hbm>>) target(%arg9 : memref<8x2048xf32, #tpu.memory_space<vmem>>) target_semaphore(%arg16 : memref<!tpu.dma_semaphore, #tpu.memory_space<semaphore_mem>>)
    %dma_wait3A_883 = arith.constant 8192 : i32
    %dma_wait3A_884 = tpu.memref_slice %arg3[%add3A_838, %dma_wait3A_883] : memref<516x65536xf32, #tpu.memory_space<hbm>> -> memref<8x2048xf32, #tpu.memory_space<hbm>>
    %dma_wait3A_885 = arith.constant 8192 : i32
    %dma_wait3A_886 = tpu.memref_slice %arg3[%add3A_838, %dma_wait3A_885] : memref<516x65536xf32, #tpu.memory_space<hbm>> -> memref<8x2048xf32, #tpu.memory_space<hbm>>
    tpu.wait_dma2 semaphore(%arg14 : memref<!tpu.dma_semaphore, #tpu.memory_space<semaphore_mem>>) src(%dma_wait3A_886 : memref<8x2048xf32, #tpu.memory_space<hbm>>) dst(%arg7 : memref<8x2048xf32, #tpu.memory_space<vmem>>)
    %add3A_887 = arith.constant 256 : i32
    %add3A_888 = arith.addi %mul3A_2, %add3A_887 : i32
    %dma_start3A_889 = arith.constant 24576 : i32
    %dma_start3A_890 = tpu.memref_slice %arg4[%add3A_888, %dma_start3A_889] : memref<516x65536xf32, #tpu.memory_space<hbm>> -> memref<8x2048xf32, #tpu.memory_space<hbm>>
    %dma_start3A_891 = arith.constant 24576 : i32
    %dma_start3A_892 = tpu.memref_slice %arg4[%add3A_888, %dma_start3A_891] : memref<516x65536xf32, #tpu.memory_space<hbm>> -> memref<8x2048xf32, #tpu.memory_space<hbm>>
    tpu.enqueue_dma source(%arg7 : memref<8x2048xf32, #tpu.memory_space<vmem>>) target(%dma_start3A_892 : memref<8x2048xf32, #tpu.memory_space<hbm>>) target_semaphore(%arg21 : memref<!tpu.dma_semaphore, #tpu.memory_space<semaphore_mem>>)
    %dma_wait3A_893 = arith.constant 16384 : i32
    %dma_wait3A_894 = tpu.memref_slice %arg4[%add3A_808, %dma_wait3A_893] : memref<516x65536xf32, #tpu.memory_space<hbm>> -> memref<8x2048xf32, #tpu.memory_space<hbm>>
    %dma_wait3A_895 = arith.constant 16384 : i32
    %dma_wait3A_896 = tpu.memref_slice %arg4[%add3A_808, %dma_wait3A_895] : memref<516x65536xf32, #tpu.memory_space<hbm>> -> memref<8x2048xf32, #tpu.memory_space<hbm>>
    tpu.wait_dma2 semaphore(%arg24 : memref<!tpu.dma_semaphore, #tpu.memory_space<semaphore_mem>>) src(%arg10 : memref<8x2048xf32, #tpu.memory_space<vmem>>) dst(%dma_wait3A_896 : memref<8x2048xf32, #tpu.memory_space<hbm>>)
    %add3A_897 = arith.constant 256 : i32
    %add3A_898 = arith.addi %mul3A_2, %add3A_897 : i32
    %dma_start3A_899 = arith.constant 14336 : i32
    %dma_start3A_900 = tpu.memref_slice %arg3[%add3A_898, %dma_start3A_899] : memref<516x65536xf32, #tpu.memory_space<hbm>> -> memref<8x2048xf32, #tpu.memory_space<hbm>>
    %dma_start3A_901 = arith.constant 14336 : i32
    %dma_start3A_902 = tpu.memref_slice %arg3[%add3A_898, %dma_start3A_901] : memref<516x65536xf32, #tpu.memory_space<hbm>> -> memref<8x2048xf32, #tpu.memory_space<hbm>>
    tpu.enqueue_dma source(%dma_start3A_902 : memref<8x2048xf32, #tpu.memory_space<hbm>>) target(%arg10 : memref<8x2048xf32, #tpu.memory_space<vmem>>) target_semaphore(%arg17 : memref<!tpu.dma_semaphore, #tpu.memory_space<semaphore_mem>>)
    %dma_wait3A_903 = arith.constant 10240 : i32
    %dma_wait3A_904 = tpu.memref_slice %arg3[%add3A_858, %dma_wait3A_903] : memref<516x65536xf32, #tpu.memory_space<hbm>> -> memref<8x2048xf32, #tpu.memory_space<hbm>>
    %dma_wait3A_905 = arith.constant 10240 : i32
    %dma_wait3A_906 = tpu.memref_slice %arg3[%add3A_858, %dma_wait3A_905] : memref<516x65536xf32, #tpu.memory_space<hbm>> -> memref<8x2048xf32, #tpu.memory_space<hbm>>
    tpu.wait_dma2 semaphore(%arg15 : memref<!tpu.dma_semaphore, #tpu.memory_space<semaphore_mem>>) src(%dma_wait3A_906 : memref<8x2048xf32, #tpu.memory_space<hbm>>) dst(%arg8 : memref<8x2048xf32, #tpu.memory_space<vmem>>)
    %add3A_907 = arith.constant 256 : i32
    %add3A_908 = arith.addi %mul3A_2, %add3A_907 : i32
    %dma_start3A_909 = arith.constant 26624 : i32
    %dma_start3A_910 = tpu.memref_slice %arg4[%add3A_908, %dma_start3A_909] : memref<516x65536xf32, #tpu.memory_space<hbm>> -> memref<8x2048xf32, #tpu.memory_space<hbm>>
    %dma_start3A_911 = arith.constant 26624 : i32
    %dma_start3A_912 = tpu.memref_slice %arg4[%add3A_908, %dma_start3A_911] : memref<516x65536xf32, #tpu.memory_space<hbm>> -> memref<8x2048xf32, #tpu.memory_space<hbm>>
    tpu.enqueue_dma source(%arg8 : memref<8x2048xf32, #tpu.memory_space<vmem>>) target(%dma_start3A_912 : memref<8x2048xf32, #tpu.memory_space<hbm>>) target_semaphore(%arg22 : memref<!tpu.dma_semaphore, #tpu.memory_space<semaphore_mem>>)
    %dma_wait3A_913 = arith.constant 18432 : i32
    %dma_wait3A_914 = tpu.memref_slice %arg4[%add3A_828, %dma_wait3A_913] : memref<516x65536xf32, #tpu.memory_space<hbm>> -> memref<8x2048xf32, #tpu.memory_space<hbm>>
    %dma_wait3A_915 = arith.constant 18432 : i32
    %dma_wait3A_916 = tpu.memref_slice %arg4[%add3A_828, %dma_wait3A_915] : memref<516x65536xf32, #tpu.memory_space<hbm>> -> memref<8x2048xf32, #tpu.memory_space<hbm>>
    tpu.wait_dma2 semaphore(%arg25 : memref<!tpu.dma_semaphore, #tpu.memory_space<semaphore_mem>>) src(%arg11 : memref<8x2048xf32, #tpu.memory_space<vmem>>) dst(%dma_wait3A_916 : memref<8x2048xf32, #tpu.memory_space<hbm>>)
    %add3A_917 = arith.constant 256 : i32
    %add3A_918 = arith.addi %mul3A_2, %add3A_917 : i32
    %dma_start3A_919 = arith.constant 16384 : i32
    %dma_start3A_920 = tpu.memref_slice %arg3[%add3A_918, %dma_start3A_919] : memref<516x65536xf32, #tpu.memory_space<hbm>> -> memref<8x2048xf32, #tpu.memory_space<hbm>>
    %dma_start3A_921 = arith.constant 16384 : i32
    %dma_start3A_922 = tpu.memref_slice %arg3[%add3A_918, %dma_start3A_921] : memref<516x65536xf32, #tpu.memory_space<hbm>> -> memref<8x2048xf32, #tpu.memory_space<hbm>>
    tpu.enqueue_dma source(%dma_start3A_922 : memref<8x2048xf32, #tpu.memory_space<hbm>>) target(%arg11 : memref<8x2048xf32, #tpu.memory_space<vmem>>) target_semaphore(%arg18 : memref<!tpu.dma_semaphore, #tpu.memory_space<semaphore_mem>>)
    %dma_wait3A_923 = arith.constant 12288 : i32
    %dma_wait3A_924 = tpu.memref_slice %arg3[%add3A_878, %dma_wait3A_923] : memref<516x65536xf32, #tpu.memory_space<hbm>> -> memref<8x2048xf32, #tpu.memory_space<hbm>>
    %dma_wait3A_925 = arith.constant 12288 : i32
    %dma_wait3A_926 = tpu.memref_slice %arg3[%add3A_878, %dma_wait3A_925] : memref<516x65536xf32, #tpu.memory_space<hbm>> -> memref<8x2048xf32, #tpu.memory_space<hbm>>
    tpu.wait_dma2 semaphore(%arg16 : memref<!tpu.dma_semaphore, #tpu.memory_space<semaphore_mem>>) src(%dma_wait3A_926 : memref<8x2048xf32, #tpu.memory_space<hbm>>) dst(%arg9 : memref<8x2048xf32, #tpu.memory_space<vmem>>)
    %add3A_927 = arith.constant 256 : i32
    %add3A_928 = arith.addi %mul3A_2, %add3A_927 : i32
    %dma_start3A_929 = arith.constant 28672 : i32
    %dma_start3A_930 = tpu.memref_slice %arg4[%add3A_928, %dma_start3A_929] : memref<516x65536xf32, #tpu.memory_space<hbm>> -> memref<8x2048xf32, #tpu.memory_space<hbm>>
    %dma_start3A_931 = arith.constant 28672 : i32
    %dma_start3A_932 = tpu.memref_slice %arg4[%add3A_928, %dma_start3A_931] : memref<516x65536xf32, #tpu.memory_space<hbm>> -> memref<8x2048xf32, #tpu.memory_space<hbm>>
    tpu.enqueue_dma source(%arg9 : memref<8x2048xf32, #tpu.memory_space<vmem>>) target(%dma_start3A_932 : memref<8x2048xf32, #tpu.memory_space<hbm>>) target_semaphore(%arg23 : memref<!tpu.dma_semaphore, #tpu.memory_space<semaphore_mem>>)
    %dma_wait3A_933 = arith.constant 20480 : i32
    %dma_wait3A_934 = tpu.memref_slice %arg4[%add3A_848, %dma_wait3A_933] : memref<516x65536xf32, #tpu.memory_space<hbm>> -> memref<8x2048xf32, #tpu.memory_space<hbm>>
    %dma_wait3A_935 = arith.constant 20480 : i32
    %dma_wait3A_936 = tpu.memref_slice %arg4[%add3A_848, %dma_wait3A_935] : memref<516x65536xf32, #tpu.memory_space<hbm>> -> memref<8x2048xf32, #tpu.memory_space<hbm>>
    tpu.wait_dma2 semaphore(%arg19 : memref<!tpu.dma_semaphore, #tpu.memory_space<semaphore_mem>>) src(%arg5 : memref<8x2048xf32, #tpu.memory_space<vmem>>) dst(%dma_wait3A_936 : memref<8x2048xf32, #tpu.memory_space<hbm>>)
    %add3A_937 = arith.constant 256 : i32
    %add3A_938 = arith.addi %mul3A_2, %add3A_937 : i32
    %dma_start3A_939 = arith.constant 18432 : i32
    %dma_start3A_940 = tpu.memref_slice %arg3[%add3A_938, %dma_start3A_939] : memref<516x65536xf32, #tpu.memory_space<hbm>> -> memref<8x2048xf32, #tpu.memory_space<hbm>>
    %dma_start3A_941 = arith.constant 18432 : i32
    %dma_start3A_942 = tpu.memref_slice %arg3[%add3A_938, %dma_start3A_941] : memref<516x65536xf32, #tpu.memory_space<hbm>> -> memref<8x2048xf32, #tpu.memory_space<hbm>>
    tpu.enqueue_dma source(%dma_start3A_942 : memref<8x2048xf32, #tpu.memory_space<hbm>>) target(%arg5 : memref<8x2048xf32, #tpu.memory_space<vmem>>) target_semaphore(%arg12 : memref<!tpu.dma_semaphore, #tpu.memory_space<semaphore_mem>>)
    %dma_wait3A_943 = arith.constant 14336 : i32
    %dma_wait3A_944 = tpu.memref_slice %arg3[%add3A_898, %dma_wait3A_943] : memref<516x65536xf32, #tpu.memory_space<hbm>> -> memref<8x2048xf32, #tpu.memory_space<hbm>>
    %dma_wait3A_945 = arith.constant 14336 : i32
    %dma_wait3A_946 = tpu.memref_slice %arg3[%add3A_898, %dma_wait3A_945] : memref<516x65536xf32, #tpu.memory_space<hbm>> -> memref<8x2048xf32, #tpu.memory_space<hbm>>
    tpu.wait_dma2 semaphore(%arg17 : memref<!tpu.dma_semaphore, #tpu.memory_space<semaphore_mem>>) src(%dma_wait3A_946 : memref<8x2048xf32, #tpu.memory_space<hbm>>) dst(%arg10 : memref<8x2048xf32, #tpu.memory_space<vmem>>)
    %add3A_947 = arith.constant 256 : i32
    %add3A_948 = arith.addi %mul3A_2, %add3A_947 : i32
    %dma_start3A_949 = arith.constant 30720 : i32
    %dma_start3A_950 = tpu.memref_slice %arg4[%add3A_948, %dma_start3A_949] : memref<516x65536xf32, #tpu.memory_space<hbm>> -> memref<8x2048xf32, #tpu.memory_space<hbm>>
    %dma_start3A_951 = arith.constant 30720 : i32
    %dma_start3A_952 = tpu.memref_slice %arg4[%add3A_948, %dma_start3A_951] : memref<516x65536xf32, #tpu.memory_space<hbm>> -> memref<8x2048xf32, #tpu.memory_space<hbm>>
    tpu.enqueue_dma source(%arg10 : memref<8x2048xf32, #tpu.memory_space<vmem>>) target(%dma_start3A_952 : memref<8x2048xf32, #tpu.memory_space<hbm>>) target_semaphore(%arg24 : memref<!tpu.dma_semaphore, #tpu.memory_space<semaphore_mem>>)
    %dma_wait3A_953 = arith.constant 22528 : i32
    %dma_wait3A_954 = tpu.memref_slice %arg4[%add3A_868, %dma_wait3A_953] : memref<516x65536xf32, #tpu.memory_space<hbm>> -> memref<8x2048xf32, #tpu.memory_space<hbm>>
    %dma_wait3A_955 = arith.constant 22528 : i32
    %dma_wait3A_956 = tpu.memref_slice %arg4[%add3A_868, %dma_wait3A_955] : memref<516x65536xf32, #tpu.memory_space<hbm>> -> memref<8x2048xf32, #tpu.memory_space<hbm>>
    tpu.wait_dma2 semaphore(%arg20 : memref<!tpu.dma_semaphore, #tpu.memory_space<semaphore_mem>>) src(%arg6 : memref<8x2048xf32, #tpu.memory_space<vmem>>) dst(%dma_wait3A_956 : memref<8x2048xf32, #tpu.memory_space<hbm>>)
    %add3A_957 = arith.constant 256 : i32
    %add3A_958 = arith.addi %mul3A_2, %add3A_957 : i32
    %dma_start3A_959 = arith.constant 20480 : i32
    %dma_start3A_960 = tpu.memref_slice %arg3[%add3A_958, %dma_start3A_959] : memref<516x65536xf32, #tpu.memory_space<hbm>> -> memref<8x2048xf32, #tpu.memory_space<hbm>>
    %dma_start3A_961 = arith.constant 20480 : i32
    %dma_start3A_962 = tpu.memref_slice %arg3[%add3A_958, %dma_start3A_961] : memref<516x65536xf32, #tpu.memory_space<hbm>> -> memref<8x2048xf32, #tpu.memory_space<hbm>>
    tpu.enqueue_dma source(%dma_start3A_962 : memref<8x2048xf32, #tpu.memory_space<hbm>>) target(%arg6 : memref<8x2048xf32, #tpu.memory_space<vmem>>) target_semaphore(%arg13 : memref<!tpu.dma_semaphore, #tpu.memory_space<semaphore_mem>>)
    %dma_wait3A_963 = arith.constant 16384 : i32
    %dma_wait3A_964 = tpu.memref_slice %arg3[%add3A_918, %dma_wait3A_963] : memref<516x65536xf32, #tpu.memory_space<hbm>> -> memref<8x2048xf32, #tpu.memory_space<hbm>>
    %dma_wait3A_965 = arith.constant 16384 : i32
    %dma_wait3A_966 = tpu.memref_slice %arg3[%add3A_918, %dma_wait3A_965] : memref<516x65536xf32, #tpu.memory_space<hbm>> -> memref<8x2048xf32, #tpu.memory_space<hbm>>
    tpu.wait_dma2 semaphore(%arg18 : memref<!tpu.dma_semaphore, #tpu.memory_space<semaphore_mem>>) src(%dma_wait3A_966 : memref<8x2048xf32, #tpu.memory_space<hbm>>) dst(%arg11 : memref<8x2048xf32, #tpu.memory_space<vmem>>)
    %add3A_967 = arith.constant 256 : i32
    %add3A_968 = arith.addi %mul3A_2, %add3A_967 : i32
    %dma_start3A_969 = arith.constant 32768 : i32
    %dma_start3A_970 = tpu.memref_slice %arg4[%add3A_968, %dma_start3A_969] : memref<516x65536xf32, #tpu.memory_space<hbm>> -> memref<8x2048xf32, #tpu.memory_space<hbm>>
    %dma_start3A_971 = arith.constant 32768 : i32
    %dma_start3A_972 = tpu.memref_slice %arg4[%add3A_968, %dma_start3A_971] : memref<516x65536xf32, #tpu.memory_space<hbm>> -> memref<8x2048xf32, #tpu.memory_space<hbm>>
    tpu.enqueue_dma source(%arg11 : memref<8x2048xf32, #tpu.memory_space<vmem>>) target(%dma_start3A_972 : memref<8x2048xf32, #tpu.memory_space<hbm>>) target_semaphore(%arg25 : memref<!tpu.dma_semaphore, #tpu.memory_space<semaphore_mem>>)
    %dma_wait3A_973 = arith.constant 24576 : i32
    %dma_wait3A_974 = tpu.memref_slice %arg4[%add3A_888, %dma_wait3A_973] : memref<516x65536xf32, #tpu.memory_space<hbm>> -> memref<8x2048xf32, #tpu.memory_space<hbm>>
    %dma_wait3A_975 = arith.constant 24576 : i32
    %dma_wait3A_976 = tpu.memref_slice %arg4[%add3A_888, %dma_wait3A_975] : memref<516x65536xf32, #tpu.memory_space<hbm>> -> memref<8x2048xf32, #tpu.memory_space<hbm>>
    tpu.wait_dma2 semaphore(%arg21 : memref<!tpu.dma_semaphore, #tpu.memory_space<semaphore_mem>>) src(%arg7 : memref<8x2048xf32, #tpu.memory_space<vmem>>) dst(%dma_wait3A_976 : memref<8x2048xf32, #tpu.memory_space<hbm>>)
    %add3A_977 = arith.constant 256 : i32
    %add3A_978 = arith.addi %mul3A_2, %add3A_977 : i32
    %dma_start3A_979 = arith.constant 22528 : i32
    %dma_start3A_980 = tpu.memref_slice %arg3[%add3A_978, %dma_start3A_979] : memref<516x65536xf32, #tpu.memory_space<hbm>> -> memref<8x2048xf32, #tpu.memory_space<hbm>>
    %dma_start3A_981 = arith.constant 22528 : i32
    %dma_start3A_982 = tpu.memref_slice %arg3[%add3A_978, %dma_start3A_981] : memref<516x65536xf32, #tpu.memory_space<hbm>> -> memref<8x2048xf32, #tpu.memory_space<hbm>>
    tpu.enqueue_dma source(%dma_start3A_982 : memref<8x2048xf32, #tpu.memory_space<hbm>>) target(%arg7 : memref<8x2048xf32, #tpu.memory_space<vmem>>) target_semaphore(%arg14 : memref<!tpu.dma_semaphore, #tpu.memory_space<semaphore_mem>>)
    %dma_wait3A_983 = arith.constant 18432 : i32
    %dma_wait3A_984 = tpu.memref_slice %arg3[%add3A_938, %dma_wait3A_983] : memref<516x65536xf32, #tpu.memory_space<hbm>> -> memref<8x2048xf32, #tpu.memory_space<hbm>>
    %dma_wait3A_985 = arith.constant 18432 : i32
    %dma_wait3A_986 = tpu.memref_slice %arg3[%add3A_938, %dma_wait3A_985] : memref<516x65536xf32, #tpu.memory_space<hbm>> -> memref<8x2048xf32, #tpu.memory_space<hbm>>
    tpu.wait_dma2 semaphore(%arg12 : memref<!tpu.dma_semaphore, #tpu.memory_space<semaphore_mem>>) src(%dma_wait3A_986 : memref<8x2048xf32, #tpu.memory_space<hbm>>) dst(%arg5 : memref<8x2048xf32, #tpu.memory_space<vmem>>)
    %add3A_987 = arith.constant 256 : i32
    %add3A_988 = arith.addi %mul3A_2, %add3A_987 : i32
    %dma_start3A_989 = arith.constant 34816 : i32
    %dma_start3A_990 = tpu.memref_slice %arg4[%add3A_988, %dma_start3A_989] : memref<516x65536xf32, #tpu.memory_space<hbm>> -> memref<8x2048xf32, #tpu.memory_space<hbm>>
    %dma_start3A_991 = arith.constant 34816 : i32
    %dma_start3A_992 = tpu.memref_slice %arg4[%add3A_988, %dma_start3A_991] : memref<516x65536xf32, #tpu.memory_space<hbm>> -> memref<8x2048xf32, #tpu.memory_space<hbm>>
    tpu.enqueue_dma source(%arg5 : memref<8x2048xf32, #tpu.memory_space<vmem>>) target(%dma_start3A_992 : memref<8x2048xf32, #tpu.memory_space<hbm>>) target_semaphore(%arg19 : memref<!tpu.dma_semaphore, #tpu.memory_space<semaphore_mem>>)
    %dma_wait3A_993 = arith.constant 26624 : i32
    %dma_wait3A_994 = tpu.memref_slice %arg4[%add3A_908, %dma_wait3A_993] : memref<516x65536xf32, #tpu.memory_space<hbm>> -> memref<8x2048xf32, #tpu.memory_space<hbm>>
    %dma_wait3A_995 = arith.constant 26624 : i32
    %dma_wait3A_996 = tpu.memref_slice %arg4[%add3A_908, %dma_wait3A_995] : memref<516x65536xf32, #tpu.memory_space<hbm>> -> memref<8x2048xf32, #tpu.memory_space<hbm>>
    tpu.wait_dma2 semaphore(%arg22 : memref<!tpu.dma_semaphore, #tpu.memory_space<semaphore_mem>>) src(%arg8 : memref<8x2048xf32, #tpu.memory_space<vmem>>) dst(%dma_wait3A_996 : memref<8x2048xf32, #tpu.memory_space<hbm>>)
    %add3A_997 = arith.constant 256 : i32
    %add3A_998 = arith.addi %mul3A_2, %add3A_997 : i32
    %dma_start3A_999 = arith.constant 24576 : i32
    %dma_start3A_1000 = tpu.memref_slice %arg3[%add3A_998, %dma_start3A_999] : memref<516x65536xf32, #tpu.memory_space<hbm>> -> memref<8x2048xf32, #tpu.memory_space<hbm>>
    %dma_start3A_1001 = arith.constant 24576 : i32
    %dma_start3A_1002 = tpu.memref_slice %arg3[%add3A_998, %dma_start3A_1001] : memref<516x65536xf32, #tpu.memory_space<hbm>> -> memref<8x2048xf32, #tpu.memory_space<hbm>>
    tpu.enqueue_dma source(%dma_start3A_1002 : memref<8x2048xf32, #tpu.memory_space<hbm>>) target(%arg8 : memref<8x2048xf32, #tpu.memory_space<vmem>>) target_semaphore(%arg15 : memref<!tpu.dma_semaphore, #tpu.memory_space<semaphore_mem>>)
    %dma_wait3A_1003 = arith.constant 20480 : i32
    %dma_wait3A_1004 = tpu.memref_slice %arg3[%add3A_958, %dma_wait3A_1003] : memref<516x65536xf32, #tpu.memory_space<hbm>> -> memref<8x2048xf32, #tpu.memory_space<hbm>>
    %dma_wait3A_1005 = arith.constant 20480 : i32
    %dma_wait3A_1006 = tpu.memref_slice %arg3[%add3A_958, %dma_wait3A_1005] : memref<516x65536xf32, #tpu.memory_space<hbm>> -> memref<8x2048xf32, #tpu.memory_space<hbm>>
    tpu.wait_dma2 semaphore(%arg13 : memref<!tpu.dma_semaphore, #tpu.memory_space<semaphore_mem>>) src(%dma_wait3A_1006 : memref<8x2048xf32, #tpu.memory_space<hbm>>) dst(%arg6 : memref<8x2048xf32, #tpu.memory_space<vmem>>)
    %add3A_1007 = arith.constant 256 : i32
    %add3A_1008 = arith.addi %mul3A_2, %add3A_1007 : i32
    %dma_start3A_1009 = arith.constant 36864 : i32
    %dma_start3A_1010 = tpu.memref_slice %arg4[%add3A_1008, %dma_start3A_1009] : memref<516x65536xf32, #tpu.memory_space<hbm>> -> memref<8x2048xf32, #tpu.memory_space<hbm>>
    %dma_start3A_1011 = arith.constant 36864 : i32
    %dma_start3A_1012 = tpu.memref_slice %arg4[%add3A_1008, %dma_start3A_1011] : memref<516x65536xf32, #tpu.memory_space<hbm>> -> memref<8x2048xf32, #tpu.memory_space<hbm>>
    tpu.enqueue_dma source(%arg6 : memref<8x2048xf32, #tpu.memory_space<vmem>>) target(%dma_start3A_1012 : memref<8x2048xf32, #tpu.memory_space<hbm>>) target_semaphore(%arg20 : memref<!tpu.dma_semaphore, #tpu.memory_space<semaphore_mem>>)
    %dma_wait3A_1013 = arith.constant 28672 : i32
    %dma_wait3A_1014 = tpu.memref_slice %arg4[%add3A_928, %dma_wait3A_1013] : memref<516x65536xf32, #tpu.memory_space<hbm>> -> memref<8x2048xf32, #tpu.memory_space<hbm>>
    %dma_wait3A_1015 = arith.constant 28672 : i32
    %dma_wait3A_1016 = tpu.memref_slice %arg4[%add3A_928, %dma_wait3A_1015] : memref<516x65536xf32, #tpu.memory_space<hbm>> -> memref<8x2048xf32, #tpu.memory_space<hbm>>
    tpu.wait_dma2 semaphore(%arg23 : memref<!tpu.dma_semaphore, #tpu.memory_space<semaphore_mem>>) src(%arg9 : memref<8x2048xf32, #tpu.memory_space<vmem>>) dst(%dma_wait3A_1016 : memref<8x2048xf32, #tpu.memory_space<hbm>>)
    %add3A_1017 = arith.constant 256 : i32
    %add3A_1018 = arith.addi %mul3A_2, %add3A_1017 : i32
    %dma_start3A_1019 = arith.constant 26624 : i32
    %dma_start3A_1020 = tpu.memref_slice %arg3[%add3A_1018, %dma_start3A_1019] : memref<516x65536xf32, #tpu.memory_space<hbm>> -> memref<8x2048xf32, #tpu.memory_space<hbm>>
    %dma_start3A_1021 = arith.constant 26624 : i32
    %dma_start3A_1022 = tpu.memref_slice %arg3[%add3A_1018, %dma_start3A_1021] : memref<516x65536xf32, #tpu.memory_space<hbm>> -> memref<8x2048xf32, #tpu.memory_space<hbm>>
    tpu.enqueue_dma source(%dma_start3A_1022 : memref<8x2048xf32, #tpu.memory_space<hbm>>) target(%arg9 : memref<8x2048xf32, #tpu.memory_space<vmem>>) target_semaphore(%arg16 : memref<!tpu.dma_semaphore, #tpu.memory_space<semaphore_mem>>)
    %dma_wait3A_1023 = arith.constant 22528 : i32
    %dma_wait3A_1024 = tpu.memref_slice %arg3[%add3A_978, %dma_wait3A_1023] : memref<516x65536xf32, #tpu.memory_space<hbm>> -> memref<8x2048xf32, #tpu.memory_space<hbm>>
    %dma_wait3A_1025 = arith.constant 22528 : i32
    %dma_wait3A_1026 = tpu.memref_slice %arg3[%add3A_978, %dma_wait3A_1025] : memref<516x65536xf32, #tpu.memory_space<hbm>> -> memref<8x2048xf32, #tpu.memory_space<hbm>>
    tpu.wait_dma2 semaphore(%arg14 : memref<!tpu.dma_semaphore, #tpu.memory_space<semaphore_mem>>) src(%dma_wait3A_1026 : memref<8x2048xf32, #tpu.memory_space<hbm>>) dst(%arg7 : memref<8x2048xf32, #tpu.memory_space<vmem>>)
    %add3A_1027 = arith.constant 256 : i32
    %add3A_1028 = arith.addi %mul3A_2, %add3A_1027 : i32
    %dma_start3A_1029 = arith.constant 38912 : i32
    %dma_start3A_1030 = tpu.memref_slice %arg4[%add3A_1028, %dma_start3A_1029] : memref<516x65536xf32, #tpu.memory_space<hbm>> -> memref<8x2048xf32, #tpu.memory_space<hbm>>
    %dma_start3A_1031 = arith.constant 38912 : i32
    %dma_start3A_1032 = tpu.memref_slice %arg4[%add3A_1028, %dma_start3A_1031] : memref<516x65536xf32, #tpu.memory_space<hbm>> -> memref<8x2048xf32, #tpu.memory_space<hbm>>
    tpu.enqueue_dma source(%arg7 : memref<8x2048xf32, #tpu.memory_space<vmem>>) target(%dma_start3A_1032 : memref<8x2048xf32, #tpu.memory_space<hbm>>) target_semaphore(%arg21 : memref<!tpu.dma_semaphore, #tpu.memory_space<semaphore_mem>>)
    %dma_wait3A_1033 = arith.constant 30720 : i32
    %dma_wait3A_1034 = tpu.memref_slice %arg4[%add3A_948, %dma_wait3A_1033] : memref<516x65536xf32, #tpu.memory_space<hbm>> -> memref<8x2048xf32, #tpu.memory_space<hbm>>
    %dma_wait3A_1035 = arith.constant 30720 : i32
    %dma_wait3A_1036 = tpu.memref_slice %arg4[%add3A_948, %dma_wait3A_1035] : memref<516x65536xf32, #tpu.memory_space<hbm>> -> memref<8x2048xf32, #tpu.memory_space<hbm>>
    tpu.wait_dma2 semaphore(%arg24 : memref<!tpu.dma_semaphore, #tpu.memory_space<semaphore_mem>>) src(%arg10 : memref<8x2048xf32, #tpu.memory_space<vmem>>) dst(%dma_wait3A_1036 : memref<8x2048xf32, #tpu.memory_space<hbm>>)
    %add3A_1037 = arith.constant 256 : i32
    %add3A_1038 = arith.addi %mul3A_2, %add3A_1037 : i32
    %dma_start3A_1039 = arith.constant 28672 : i32
    %dma_start3A_1040 = tpu.memref_slice %arg3[%add3A_1038, %dma_start3A_1039] : memref<516x65536xf32, #tpu.memory_space<hbm>> -> memref<8x2048xf32, #tpu.memory_space<hbm>>
    %dma_start3A_1041 = arith.constant 28672 : i32
    %dma_start3A_1042 = tpu.memref_slice %arg3[%add3A_1038, %dma_start3A_1041] : memref<516x65536xf32, #tpu.memory_space<hbm>> -> memref<8x2048xf32, #tpu.memory_space<hbm>>
    tpu.enqueue_dma source(%dma_start3A_1042 : memref<8x2048xf32, #tpu.memory_space<hbm>>) target(%arg10 : memref<8x2048xf32, #tpu.memory_space<vmem>>) target_semaphore(%arg17 : memref<!tpu.dma_semaphore, #tpu.memory_space<semaphore_mem>>)
    %dma_wait3A_1043 = arith.constant 24576 : i32
    %dma_wait3A_1044 = tpu.memref_slice %arg3[%add3A_998, %dma_wait3A_1043] : memref<516x65536xf32, #tpu.memory_space<hbm>> -> memref<8x2048xf32, #tpu.memory_space<hbm>>
    %dma_wait3A_1045 = arith.constant 24576 : i32
    %dma_wait3A_1046 = tpu.memref_slice %arg3[%add3A_998, %dma_wait3A_1045] : memref<516x65536xf32, #tpu.memory_space<hbm>> -> memref<8x2048xf32, #tpu.memory_space<hbm>>
    tpu.wait_dma2 semaphore(%arg15 : memref<!tpu.dma_semaphore, #tpu.memory_space<semaphore_mem>>) src(%dma_wait3A_1046 : memref<8x2048xf32, #tpu.memory_space<hbm>>) dst(%arg8 : memref<8x2048xf32, #tpu.memory_space<vmem>>)
    %add3A_1047 = arith.constant 256 : i32
    %add3A_1048 = arith.addi %mul3A_2, %add3A_1047 : i32
    %dma_start3A_1049 = arith.constant 40960 : i32
    %dma_start3A_1050 = tpu.memref_slice %arg4[%add3A_1048, %dma_start3A_1049] : memref<516x65536xf32, #tpu.memory_space<hbm>> -> memref<8x2048xf32, #tpu.memory_space<hbm>>
    %dma_start3A_1051 = arith.constant 40960 : i32
    %dma_start3A_1052 = tpu.memref_slice %arg4[%add3A_1048, %dma_start3A_1051] : memref<516x65536xf32, #tpu.memory_space<hbm>> -> memref<8x2048xf32, #tpu.memory_space<hbm>>
    tpu.enqueue_dma source(%arg8 : memref<8x2048xf32, #tpu.memory_space<vmem>>) target(%dma_start3A_1052 : memref<8x2048xf32, #tpu.memory_space<hbm>>) target_semaphore(%arg22 : memref<!tpu.dma_semaphore, #tpu.memory_space<semaphore_mem>>)
    %dma_wait3A_1053 = arith.constant 32768 : i32
    %dma_wait3A_1054 = tpu.memref_slice %arg4[%add3A_968, %dma_wait3A_1053] : memref<516x65536xf32, #tpu.memory_space<hbm>> -> memref<8x2048xf32, #tpu.memory_space<hbm>>
    %dma_wait3A_1055 = arith.constant 32768 : i32
    %dma_wait3A_1056 = tpu.memref_slice %arg4[%add3A_968, %dma_wait3A_1055] : memref<516x65536xf32, #tpu.memory_space<hbm>> -> memref<8x2048xf32, #tpu.memory_space<hbm>>
    tpu.wait_dma2 semaphore(%arg25 : memref<!tpu.dma_semaphore, #tpu.memory_space<semaphore_mem>>) src(%arg11 : memref<8x2048xf32, #tpu.memory_space<vmem>>) dst(%dma_wait3A_1056 : memref<8x2048xf32, #tpu.memory_space<hbm>>)
    %add3A_1057 = arith.constant 256 : i32
    %add3A_1058 = arith.addi %mul3A_2, %add3A_1057 : i32
    %dma_start3A_1059 = arith.constant 30720 : i32
    %dma_start3A_1060 = tpu.memref_slice %arg3[%add3A_1058, %dma_start3A_1059] : memref<516x65536xf32, #tpu.memory_space<hbm>> -> memref<8x2048xf32, #tpu.memory_space<hbm>>
    %dma_start3A_1061 = arith.constant 30720 : i32
    %dma_start3A_1062 = tpu.memref_slice %arg3[%add3A_1058, %dma_start3A_1061] : memref<516x65536xf32, #tpu.memory_space<hbm>> -> memref<8x2048xf32, #tpu.memory_space<hbm>>
    tpu.enqueue_dma source(%dma_start3A_1062 : memref<8x2048xf32, #tpu.memory_space<hbm>>) target(%arg11 : memref<8x2048xf32, #tpu.memory_space<vmem>>) target_semaphore(%arg18 : memref<!tpu.dma_semaphore, #tpu.memory_space<semaphore_mem>>)
    %dma_wait3A_1063 = arith.constant 26624 : i32
    %dma_wait3A_1064 = tpu.memref_slice %arg3[%add3A_1018, %dma_wait3A_1063] : memref<516x65536xf32, #tpu.memory_space<hbm>> -> memref<8x2048xf32, #tpu.memory_space<hbm>>
    %dma_wait3A_1065 = arith.constant 26624 : i32
    %dma_wait3A_1066 = tpu.memref_slice %arg3[%add3A_1018, %dma_wait3A_1065] : memref<516x65536xf32, #tpu.memory_space<hbm>> -> memref<8x2048xf32, #tpu.memory_space<hbm>>
    tpu.wait_dma2 semaphore(%arg16 : memref<!tpu.dma_semaphore, #tpu.memory_space<semaphore_mem>>) src(%dma_wait3A_1066 : memref<8x2048xf32, #tpu.memory_space<hbm>>) dst(%arg9 : memref<8x2048xf32, #tpu.memory_space<vmem>>)
    %add3A_1067 = arith.constant 256 : i32
    %add3A_1068 = arith.addi %mul3A_2, %add3A_1067 : i32
    %dma_start3A_1069 = arith.constant 43008 : i32
    %dma_start3A_1070 = tpu.memref_slice %arg4[%add3A_1068, %dma_start3A_1069] : memref<516x65536xf32, #tpu.memory_space<hbm>> -> memref<8x2048xf32, #tpu.memory_space<hbm>>
    %dma_start3A_1071 = arith.constant 43008 : i32
    %dma_start3A_1072 = tpu.memref_slice %arg4[%add3A_1068, %dma_start3A_1071] : memref<516x65536xf32, #tpu.memory_space<hbm>> -> memref<8x2048xf32, #tpu.memory_space<hbm>>
    tpu.enqueue_dma source(%arg9 : memref<8x2048xf32, #tpu.memory_space<vmem>>) target(%dma_start3A_1072 : memref<8x2048xf32, #tpu.memory_space<hbm>>) target_semaphore(%arg23 : memref<!tpu.dma_semaphore, #tpu.memory_space<semaphore_mem>>)
    %dma_wait3A_1073 = arith.constant 34816 : i32
    %dma_wait3A_1074 = tpu.memref_slice %arg4[%add3A_988, %dma_wait3A_1073] : memref<516x65536xf32, #tpu.memory_space<hbm>> -> memref<8x2048xf32, #tpu.memory_space<hbm>>
    %dma_wait3A_1075 = arith.constant 34816 : i32
    %dma_wait3A_1076 = tpu.memref_slice %arg4[%add3A_988, %dma_wait3A_1075] : memref<516x65536xf32, #tpu.memory_space<hbm>> -> memref<8x2048xf32, #tpu.memory_space<hbm>>
    tpu.wait_dma2 semaphore(%arg19 : memref<!tpu.dma_semaphore, #tpu.memory_space<semaphore_mem>>) src(%arg5 : memref<8x2048xf32, #tpu.memory_space<vmem>>) dst(%dma_wait3A_1076 : memref<8x2048xf32, #tpu.memory_space<hbm>>)
    %add3A_1077 = arith.constant 256 : i32
    %add3A_1078 = arith.addi %mul3A_2, %add3A_1077 : i32
    %dma_start3A_1079 = arith.constant 32768 : i32
    %dma_start3A_1080 = tpu.memref_slice %arg3[%add3A_1078, %dma_start3A_1079] : memref<516x65536xf32, #tpu.memory_space<hbm>> -> memref<8x2048xf32, #tpu.memory_space<hbm>>
    %dma_start3A_1081 = arith.constant 32768 : i32
    %dma_start3A_1082 = tpu.memref_slice %arg3[%add3A_1078, %dma_start3A_1081] : memref<516x65536xf32, #tpu.memory_space<hbm>> -> memref<8x2048xf32, #tpu.memory_space<hbm>>
    tpu.enqueue_dma source(%dma_start3A_1082 : memref<8x2048xf32, #tpu.memory_space<hbm>>) target(%arg5 : memref<8x2048xf32, #tpu.memory_space<vmem>>) target_semaphore(%arg12 : memref<!tpu.dma_semaphore, #tpu.memory_space<semaphore_mem>>)
    %dma_wait3A_1083 = arith.constant 28672 : i32
    %dma_wait3A_1084 = tpu.memref_slice %arg3[%add3A_1038, %dma_wait3A_1083] : memref<516x65536xf32, #tpu.memory_space<hbm>> -> memref<8x2048xf32, #tpu.memory_space<hbm>>
    %dma_wait3A_1085 = arith.constant 28672 : i32
    %dma_wait3A_1086 = tpu.memref_slice %arg3[%add3A_1038, %dma_wait3A_1085] : memref<516x65536xf32, #tpu.memory_space<hbm>> -> memref<8x2048xf32, #tpu.memory_space<hbm>>
    tpu.wait_dma2 semaphore(%arg17 : memref<!tpu.dma_semaphore, #tpu.memory_space<semaphore_mem>>) src(%dma_wait3A_1086 : memref<8x2048xf32, #tpu.memory_space<hbm>>) dst(%arg10 : memref<8x2048xf32, #tpu.memory_space<vmem>>)
    %add3A_1087 = arith.constant 256 : i32
    %add3A_1088 = arith.addi %mul3A_2, %add3A_1087 : i32
    %dma_start3A_1089 = arith.constant 45056 : i32
    %dma_start3A_1090 = tpu.memref_slice %arg4[%add3A_1088, %dma_start3A_1089] : memref<516x65536xf32, #tpu.memory_space<hbm>> -> memref<8x2048xf32, #tpu.memory_space<hbm>>
    %dma_start3A_1091 = arith.constant 45056 : i32
    %dma_start3A_1092 = tpu.memref_slice %arg4[%add3A_1088, %dma_start3A_1091] : memref<516x65536xf32, #tpu.memory_space<hbm>> -> memref<8x2048xf32, #tpu.memory_space<hbm>>
    tpu.enqueue_dma source(%arg10 : memref<8x2048xf32, #tpu.memory_space<vmem>>) target(%dma_start3A_1092 : memref<8x2048xf32, #tpu.memory_space<hbm>>) target_semaphore(%arg24 : memref<!tpu.dma_semaphore, #tpu.memory_space<semaphore_mem>>)
    %dma_wait3A_1093 = arith.constant 36864 : i32
    %dma_wait3A_1094 = tpu.memref_slice %arg4[%add3A_1008, %dma_wait3A_1093] : memref<516x65536xf32, #tpu.memory_space<hbm>> -> memref<8x2048xf32, #tpu.memory_space<hbm>>
    %dma_wait3A_1095 = arith.constant 36864 : i32
    %dma_wait3A_1096 = tpu.memref_slice %arg4[%add3A_1008, %dma_wait3A_1095] : memref<516x65536xf32, #tpu.memory_space<hbm>> -> memref<8x2048xf32, #tpu.memory_space<hbm>>
    tpu.wait_dma2 semaphore(%arg20 : memref<!tpu.dma_semaphore, #tpu.memory_space<semaphore_mem>>) src(%arg6 : memref<8x2048xf32, #tpu.memory_space<vmem>>) dst(%dma_wait3A_1096 : memref<8x2048xf32, #tpu.memory_space<hbm>>)
    %add3A_1097 = arith.constant 256 : i32
    %add3A_1098 = arith.addi %mul3A_2, %add3A_1097 : i32
    %dma_start3A_1099 = arith.constant 34816 : i32
    %dma_start3A_1100 = tpu.memref_slice %arg3[%add3A_1098, %dma_start3A_1099] : memref<516x65536xf32, #tpu.memory_space<hbm>> -> memref<8x2048xf32, #tpu.memory_space<hbm>>
    %dma_start3A_1101 = arith.constant 34816 : i32
    %dma_start3A_1102 = tpu.memref_slice %arg3[%add3A_1098, %dma_start3A_1101] : memref<516x65536xf32, #tpu.memory_space<hbm>> -> memref<8x2048xf32, #tpu.memory_space<hbm>>
    tpu.enqueue_dma source(%dma_start3A_1102 : memref<8x2048xf32, #tpu.memory_space<hbm>>) target(%arg6 : memref<8x2048xf32, #tpu.memory_space<vmem>>) target_semaphore(%arg13 : memref<!tpu.dma_semaphore, #tpu.memory_space<semaphore_mem>>)
    %dma_wait3A_1103 = arith.constant 30720 : i32
    %dma_wait3A_1104 = tpu.memref_slice %arg3[%add3A_1058, %dma_wait3A_1103] : memref<516x65536xf32, #tpu.memory_space<hbm>> -> memref<8x2048xf32, #tpu.memory_space<hbm>>
    %dma_wait3A_1105 = arith.constant 30720 : i32
    %dma_wait3A_1106 = tpu.memref_slice %arg3[%add3A_1058, %dma_wait3A_1105] : memref<516x65536xf32, #tpu.memory_space<hbm>> -> memref<8x2048xf32, #tpu.memory_space<hbm>>
    tpu.wait_dma2 semaphore(%arg18 : memref<!tpu.dma_semaphore, #tpu.memory_space<semaphore_mem>>) src(%dma_wait3A_1106 : memref<8x2048xf32, #tpu.memory_space<hbm>>) dst(%arg11 : memref<8x2048xf32, #tpu.memory_space<vmem>>)
    %add3A_1107 = arith.constant 256 : i32
    %add3A_1108 = arith.addi %mul3A_2, %add3A_1107 : i32
    %dma_start3A_1109 = arith.constant 47104 : i32
    %dma_start3A_1110 = tpu.memref_slice %arg4[%add3A_1108, %dma_start3A_1109] : memref<516x65536xf32, #tpu.memory_space<hbm>> -> memref<8x2048xf32, #tpu.memory_space<hbm>>
    %dma_start3A_1111 = arith.constant 47104 : i32
    %dma_start3A_1112 = tpu.memref_slice %arg4[%add3A_1108, %dma_start3A_1111] : memref<516x65536xf32, #tpu.memory_space<hbm>> -> memref<8x2048xf32, #tpu.memory_space<hbm>>
    tpu.enqueue_dma source(%arg11 : memref<8x2048xf32, #tpu.memory_space<vmem>>) target(%dma_start3A_1112 : memref<8x2048xf32, #tpu.memory_space<hbm>>) target_semaphore(%arg25 : memref<!tpu.dma_semaphore, #tpu.memory_space<semaphore_mem>>)
    %dma_wait3A_1113 = arith.constant 38912 : i32
    %dma_wait3A_1114 = tpu.memref_slice %arg4[%add3A_1028, %dma_wait3A_1113] : memref<516x65536xf32, #tpu.memory_space<hbm>> -> memref<8x2048xf32, #tpu.memory_space<hbm>>
    %dma_wait3A_1115 = arith.constant 38912 : i32
    %dma_wait3A_1116 = tpu.memref_slice %arg4[%add3A_1028, %dma_wait3A_1115] : memref<516x65536xf32, #tpu.memory_space<hbm>> -> memref<8x2048xf32, #tpu.memory_space<hbm>>
    tpu.wait_dma2 semaphore(%arg21 : memref<!tpu.dma_semaphore, #tpu.memory_space<semaphore_mem>>) src(%arg7 : memref<8x2048xf32, #tpu.memory_space<vmem>>) dst(%dma_wait3A_1116 : memref<8x2048xf32, #tpu.memory_space<hbm>>)
    %add3A_1117 = arith.constant 256 : i32
    %add3A_1118 = arith.addi %mul3A_2, %add3A_1117 : i32
    %dma_start3A_1119 = arith.constant 36864 : i32
    %dma_start3A_1120 = tpu.memref_slice %arg3[%add3A_1118, %dma_start3A_1119] : memref<516x65536xf32, #tpu.memory_space<hbm>> -> memref<8x2048xf32, #tpu.memory_space<hbm>>
    %dma_start3A_1121 = arith.constant 36864 : i32
    %dma_start3A_1122 = tpu.memref_slice %arg3[%add3A_1118, %dma_start3A_1121] : memref<516x65536xf32, #tpu.memory_space<hbm>> -> memref<8x2048xf32, #tpu.memory_space<hbm>>
    tpu.enqueue_dma source(%dma_start3A_1122 : memref<8x2048xf32, #tpu.memory_space<hbm>>) target(%arg7 : memref<8x2048xf32, #tpu.memory_space<vmem>>) target_semaphore(%arg14 : memref<!tpu.dma_semaphore, #tpu.memory_space<semaphore_mem>>)
    %dma_wait3A_1123 = arith.constant 32768 : i32
    %dma_wait3A_1124 = tpu.memref_slice %arg3[%add3A_1078, %dma_wait3A_1123] : memref<516x65536xf32, #tpu.memory_space<hbm>> -> memref<8x2048xf32, #tpu.memory_space<hbm>>
    %dma_wait3A_1125 = arith.constant 32768 : i32
    %dma_wait3A_1126 = tpu.memref_slice %arg3[%add3A_1078, %dma_wait3A_1125] : memref<516x65536xf32, #tpu.memory_space<hbm>> -> memref<8x2048xf32, #tpu.memory_space<hbm>>
    tpu.wait_dma2 semaphore(%arg12 : memref<!tpu.dma_semaphore, #tpu.memory_space<semaphore_mem>>) src(%dma_wait3A_1126 : memref<8x2048xf32, #tpu.memory_space<hbm>>) dst(%arg5 : memref<8x2048xf32, #tpu.memory_space<vmem>>)
    %add3A_1127 = arith.constant 256 : i32
    %add3A_1128 = arith.addi %mul3A_2, %add3A_1127 : i32
    %dma_start3A_1129 = arith.constant 49152 : i32
    %dma_start3A_1130 = tpu.memref_slice %arg4[%add3A_1128, %dma_start3A_1129] : memref<516x65536xf32, #tpu.memory_space<hbm>> -> memref<8x2048xf32, #tpu.memory_space<hbm>>
    %dma_start3A_1131 = arith.constant 49152 : i32
    %dma_start3A_1132 = tpu.memref_slice %arg4[%add3A_1128, %dma_start3A_1131] : memref<516x65536xf32, #tpu.memory_space<hbm>> -> memref<8x2048xf32, #tpu.memory_space<hbm>>
    tpu.enqueue_dma source(%arg5 : memref<8x2048xf32, #tpu.memory_space<vmem>>) target(%dma_start3A_1132 : memref<8x2048xf32, #tpu.memory_space<hbm>>) target_semaphore(%arg19 : memref<!tpu.dma_semaphore, #tpu.memory_space<semaphore_mem>>)
    %dma_wait3A_1133 = arith.constant 40960 : i32
    %dma_wait3A_1134 = tpu.memref_slice %arg4[%add3A_1048, %dma_wait3A_1133] : memref<516x65536xf32, #tpu.memory_space<hbm>> -> memref<8x2048xf32, #tpu.memory_space<hbm>>
    %dma_wait3A_1135 = arith.constant 40960 : i32
    %dma_wait3A_1136 = tpu.memref_slice %arg4[%add3A_1048, %dma_wait3A_1135] : memref<516x65536xf32, #tpu.memory_space<hbm>> -> memref<8x2048xf32, #tpu.memory_space<hbm>>
    tpu.wait_dma2 semaphore(%arg22 : memref<!tpu.dma_semaphore, #tpu.memory_space<semaphore_mem>>) src(%arg8 : memref<8x2048xf32, #tpu.memory_space<vmem>>) dst(%dma_wait3A_1136 : memref<8x2048xf32, #tpu.memory_space<hbm>>)
    %add3A_1137 = arith.constant 256 : i32
    %add3A_1138 = arith.addi %mul3A_2, %add3A_1137 : i32
    %dma_start3A_1139 = arith.constant 38912 : i32
    %dma_start3A_1140 = tpu.memref_slice %arg3[%add3A_1138, %dma_start3A_1139] : memref<516x65536xf32, #tpu.memory_space<hbm>> -> memref<8x2048xf32, #tpu.memory_space<hbm>>
    %dma_start3A_1141 = arith.constant 38912 : i32
    %dma_start3A_1142 = tpu.memref_slice %arg3[%add3A_1138, %dma_start3A_1141] : memref<516x65536xf32, #tpu.memory_space<hbm>> -> memref<8x2048xf32, #tpu.memory_space<hbm>>
    tpu.enqueue_dma source(%dma_start3A_1142 : memref<8x2048xf32, #tpu.memory_space<hbm>>) target(%arg8 : memref<8x2048xf32, #tpu.memory_space<vmem>>) target_semaphore(%arg15 : memref<!tpu.dma_semaphore, #tpu.memory_space<semaphore_mem>>)
    %dma_wait3A_1143 = arith.constant 34816 : i32
    %dma_wait3A_1144 = tpu.memref_slice %arg3[%add3A_1098, %dma_wait3A_1143] : memref<516x65536xf32, #tpu.memory_space<hbm>> -> memref<8x2048xf32, #tpu.memory_space<hbm>>
    %dma_wait3A_1145 = arith.constant 34816 : i32
    %dma_wait3A_1146 = tpu.memref_slice %arg3[%add3A_1098, %dma_wait3A_1145] : memref<516x65536xf32, #tpu.memory_space<hbm>> -> memref<8x2048xf32, #tpu.memory_space<hbm>>
    tpu.wait_dma2 semaphore(%arg13 : memref<!tpu.dma_semaphore, #tpu.memory_space<semaphore_mem>>) src(%dma_wait3A_1146 : memref<8x2048xf32, #tpu.memory_space<hbm>>) dst(%arg6 : memref<8x2048xf32, #tpu.memory_space<vmem>>)
    %add3A_1147 = arith.constant 256 : i32
    %add3A_1148 = arith.addi %mul3A_2, %add3A_1147 : i32
    %dma_start3A_1149 = arith.constant 51200 : i32
    %dma_start3A_1150 = tpu.memref_slice %arg4[%add3A_1148, %dma_start3A_1149] : memref<516x65536xf32, #tpu.memory_space<hbm>> -> memref<8x2048xf32, #tpu.memory_space<hbm>>
    %dma_start3A_1151 = arith.constant 51200 : i32
    %dma_start3A_1152 = tpu.memref_slice %arg4[%add3A_1148, %dma_start3A_1151] : memref<516x65536xf32, #tpu.memory_space<hbm>> -> memref<8x2048xf32, #tpu.memory_space<hbm>>
    tpu.enqueue_dma source(%arg6 : memref<8x2048xf32, #tpu.memory_space<vmem>>) target(%dma_start3A_1152 : memref<8x2048xf32, #tpu.memory_space<hbm>>) target_semaphore(%arg20 : memref<!tpu.dma_semaphore, #tpu.memory_space<semaphore_mem>>)
    %dma_wait3A_1153 = arith.constant 43008 : i32
    %dma_wait3A_1154 = tpu.memref_slice %arg4[%add3A_1068, %dma_wait3A_1153] : memref<516x65536xf32, #tpu.memory_space<hbm>> -> memref<8x2048xf32, #tpu.memory_space<hbm>>
    %dma_wait3A_1155 = arith.constant 43008 : i32
    %dma_wait3A_1156 = tpu.memref_slice %arg4[%add3A_1068, %dma_wait3A_1155] : memref<516x65536xf32, #tpu.memory_space<hbm>> -> memref<8x2048xf32, #tpu.memory_space<hbm>>
    tpu.wait_dma2 semaphore(%arg23 : memref<!tpu.dma_semaphore, #tpu.memory_space<semaphore_mem>>) src(%arg9 : memref<8x2048xf32, #tpu.memory_space<vmem>>) dst(%dma_wait3A_1156 : memref<8x2048xf32, #tpu.memory_space<hbm>>)
    %add3A_1157 = arith.constant 256 : i32
    %add3A_1158 = arith.addi %mul3A_2, %add3A_1157 : i32
    %dma_start3A_1159 = arith.constant 40960 : i32
    %dma_start3A_1160 = tpu.memref_slice %arg3[%add3A_1158, %dma_start3A_1159] : memref<516x65536xf32, #tpu.memory_space<hbm>> -> memref<8x2048xf32, #tpu.memory_space<hbm>>
    %dma_start3A_1161 = arith.constant 40960 : i32
    %dma_start3A_1162 = tpu.memref_slice %arg3[%add3A_1158, %dma_start3A_1161] : memref<516x65536xf32, #tpu.memory_space<hbm>> -> memref<8x2048xf32, #tpu.memory_space<hbm>>
    tpu.enqueue_dma source(%dma_start3A_1162 : memref<8x2048xf32, #tpu.memory_space<hbm>>) target(%arg9 : memref<8x2048xf32, #tpu.memory_space<vmem>>) target_semaphore(%arg16 : memref<!tpu.dma_semaphore, #tpu.memory_space<semaphore_mem>>)
    %dma_wait3A_1163 = arith.constant 36864 : i32
    %dma_wait3A_1164 = tpu.memref_slice %arg3[%add3A_1118, %dma_wait3A_1163] : memref<516x65536xf32, #tpu.memory_space<hbm>> -> memref<8x2048xf32, #tpu.memory_space<hbm>>
    %dma_wait3A_1165 = arith.constant 36864 : i32
    %dma_wait3A_1166 = tpu.memref_slice %arg3[%add3A_1118, %dma_wait3A_1165] : memref<516x65536xf32, #tpu.memory_space<hbm>> -> memref<8x2048xf32, #tpu.memory_space<hbm>>
    tpu.wait_dma2 semaphore(%arg14 : memref<!tpu.dma_semaphore, #tpu.memory_space<semaphore_mem>>) src(%dma_wait3A_1166 : memref<8x2048xf32, #tpu.memory_space<hbm>>) dst(%arg7 : memref<8x2048xf32, #tpu.memory_space<vmem>>)
    %add3A_1167 = arith.constant 256 : i32
    %add3A_1168 = arith.addi %mul3A_2, %add3A_1167 : i32
    %dma_start3A_1169 = arith.constant 53248 : i32
    %dma_start3A_1170 = tpu.memref_slice %arg4[%add3A_1168, %dma_start3A_1169] : memref<516x65536xf32, #tpu.memory_space<hbm>> -> memref<8x2048xf32, #tpu.memory_space<hbm>>
    %dma_start3A_1171 = arith.constant 53248 : i32
    %dma_start3A_1172 = tpu.memref_slice %arg4[%add3A_1168, %dma_start3A_1171] : memref<516x65536xf32, #tpu.memory_space<hbm>> -> memref<8x2048xf32, #tpu.memory_space<hbm>>
    tpu.enqueue_dma source(%arg7 : memref<8x2048xf32, #tpu.memory_space<vmem>>) target(%dma_start3A_1172 : memref<8x2048xf32, #tpu.memory_space<hbm>>) target_semaphore(%arg21 : memref<!tpu.dma_semaphore, #tpu.memory_space<semaphore_mem>>)
    %dma_wait3A_1173 = arith.constant 45056 : i32
    %dma_wait3A_1174 = tpu.memref_slice %arg4[%add3A_1088, %dma_wait3A_1173] : memref<516x65536xf32, #tpu.memory_space<hbm>> -> memref<8x2048xf32, #tpu.memory_space<hbm>>
    %dma_wait3A_1175 = arith.constant 45056 : i32
    %dma_wait3A_1176 = tpu.memref_slice %arg4[%add3A_1088, %dma_wait3A_1175] : memref<516x65536xf32, #tpu.memory_space<hbm>> -> memref<8x2048xf32, #tpu.memory_space<hbm>>
    tpu.wait_dma2 semaphore(%arg24 : memref<!tpu.dma_semaphore, #tpu.memory_space<semaphore_mem>>) src(%arg10 : memref<8x2048xf32, #tpu.memory_space<vmem>>) dst(%dma_wait3A_1176 : memref<8x2048xf32, #tpu.memory_space<hbm>>)
    %add3A_1177 = arith.constant 256 : i32
    %add3A_1178 = arith.addi %mul3A_2, %add3A_1177 : i32
    %dma_start3A_1179 = arith.constant 43008 : i32
    %dma_start3A_1180 = tpu.memref_slice %arg3[%add3A_1178, %dma_start3A_1179] : memref<516x65536xf32, #tpu.memory_space<hbm>> -> memref<8x2048xf32, #tpu.memory_space<hbm>>
    %dma_start3A_1181 = arith.constant 43008 : i32
    %dma_start3A_1182 = tpu.memref_slice %arg3[%add3A_1178, %dma_start3A_1181] : memref<516x65536xf32, #tpu.memory_space<hbm>> -> memref<8x2048xf32, #tpu.memory_space<hbm>>
    tpu.enqueue_dma source(%dma_start3A_1182 : memref<8x2048xf32, #tpu.memory_space<hbm>>) target(%arg10 : memref<8x2048xf32, #tpu.memory_space<vmem>>) target_semaphore(%arg17 : memref<!tpu.dma_semaphore, #tpu.memory_space<semaphore_mem>>)
    %dma_wait3A_1183 = arith.constant 38912 : i32
    %dma_wait3A_1184 = tpu.memref_slice %arg3[%add3A_1138, %dma_wait3A_1183] : memref<516x65536xf32, #tpu.memory_space<hbm>> -> memref<8x2048xf32, #tpu.memory_space<hbm>>
    %dma_wait3A_1185 = arith.constant 38912 : i32
    %dma_wait3A_1186 = tpu.memref_slice %arg3[%add3A_1138, %dma_wait3A_1185] : memref<516x65536xf32, #tpu.memory_space<hbm>> -> memref<8x2048xf32, #tpu.memory_space<hbm>>
    tpu.wait_dma2 semaphore(%arg15 : memref<!tpu.dma_semaphore, #tpu.memory_space<semaphore_mem>>) src(%dma_wait3A_1186 : memref<8x2048xf32, #tpu.memory_space<hbm>>) dst(%arg8 : memref<8x2048xf32, #tpu.memory_space<vmem>>)
    %add3A_1187 = arith.constant 256 : i32
    %add3A_1188 = arith.addi %mul3A_2, %add3A_1187 : i32
    %dma_start3A_1189 = arith.constant 55296 : i32
    %dma_start3A_1190 = tpu.memref_slice %arg4[%add3A_1188, %dma_start3A_1189] : memref<516x65536xf32, #tpu.memory_space<hbm>> -> memref<8x2048xf32, #tpu.memory_space<hbm>>
    %dma_start3A_1191 = arith.constant 55296 : i32
    %dma_start3A_1192 = tpu.memref_slice %arg4[%add3A_1188, %dma_start3A_1191] : memref<516x65536xf32, #tpu.memory_space<hbm>> -> memref<8x2048xf32, #tpu.memory_space<hbm>>
    tpu.enqueue_dma source(%arg8 : memref<8x2048xf32, #tpu.memory_space<vmem>>) target(%dma_start3A_1192 : memref<8x2048xf32, #tpu.memory_space<hbm>>) target_semaphore(%arg22 : memref<!tpu.dma_semaphore, #tpu.memory_space<semaphore_mem>>)
    %dma_wait3A_1193 = arith.constant 47104 : i32
    %dma_wait3A_1194 = tpu.memref_slice %arg4[%add3A_1108, %dma_wait3A_1193] : memref<516x65536xf32, #tpu.memory_space<hbm>> -> memref<8x2048xf32, #tpu.memory_space<hbm>>
    %dma_wait3A_1195 = arith.constant 47104 : i32
    %dma_wait3A_1196 = tpu.memref_slice %arg4[%add3A_1108, %dma_wait3A_1195] : memref<516x65536xf32, #tpu.memory_space<hbm>> -> memref<8x2048xf32, #tpu.memory_space<hbm>>
    tpu.wait_dma2 semaphore(%arg25 : memref<!tpu.dma_semaphore, #tpu.memory_space<semaphore_mem>>) src(%arg11 : memref<8x2048xf32, #tpu.memory_space<vmem>>) dst(%dma_wait3A_1196 : memref<8x2048xf32, #tpu.memory_space<hbm>>)
    %add3A_1197 = arith.constant 256 : i32
    %add3A_1198 = arith.addi %mul3A_2, %add3A_1197 : i32
    %dma_start3A_1199 = arith.constant 45056 : i32
    %dma_start3A_1200 = tpu.memref_slice %arg3[%add3A_1198, %dma_start3A_1199] : memref<516x65536xf32, #tpu.memory_space<hbm>> -> memref<8x2048xf32, #tpu.memory_space<hbm>>
    %dma_start3A_1201 = arith.constant 45056 : i32
    %dma_start3A_1202 = tpu.memref_slice %arg3[%add3A_1198, %dma_start3A_1201] : memref<516x65536xf32, #tpu.memory_space<hbm>> -> memref<8x2048xf32, #tpu.memory_space<hbm>>
    tpu.enqueue_dma source(%dma_start3A_1202 : memref<8x2048xf32, #tpu.memory_space<hbm>>) target(%arg11 : memref<8x2048xf32, #tpu.memory_space<vmem>>) target_semaphore(%arg18 : memref<!tpu.dma_semaphore, #tpu.memory_space<semaphore_mem>>)
    %dma_wait3A_1203 = arith.constant 40960 : i32
    %dma_wait3A_1204 = tpu.memref_slice %arg3[%add3A_1158, %dma_wait3A_1203] : memref<516x65536xf32, #tpu.memory_space<hbm>> -> memref<8x2048xf32, #tpu.memory_space<hbm>>
    %dma_wait3A_1205 = arith.constant 40960 : i32
    %dma_wait3A_1206 = tpu.memref_slice %arg3[%add3A_1158, %dma_wait3A_1205] : memref<516x65536xf32, #tpu.memory_space<hbm>> -> memref<8x2048xf32, #tpu.memory_space<hbm>>
    tpu.wait_dma2 semaphore(%arg16 : memref<!tpu.dma_semaphore, #tpu.memory_space<semaphore_mem>>) src(%dma_wait3A_1206 : memref<8x2048xf32, #tpu.memory_space<hbm>>) dst(%arg9 : memref<8x2048xf32, #tpu.memory_space<vmem>>)
    %add3A_1207 = arith.constant 256 : i32
    %add3A_1208 = arith.addi %mul3A_2, %add3A_1207 : i32
    %dma_start3A_1209 = arith.constant 57344 : i32
    %dma_start3A_1210 = tpu.memref_slice %arg4[%add3A_1208, %dma_start3A_1209] : memref<516x65536xf32, #tpu.memory_space<hbm>> -> memref<8x2048xf32, #tpu.memory_space<hbm>>
    %dma_start3A_1211 = arith.constant 57344 : i32
    %dma_start3A_1212 = tpu.memref_slice %arg4[%add3A_1208, %dma_start3A_1211] : memref<516x65536xf32, #tpu.memory_space<hbm>> -> memref<8x2048xf32, #tpu.memory_space<hbm>>
    tpu.enqueue_dma source(%arg9 : memref<8x2048xf32, #tpu.memory_space<vmem>>) target(%dma_start3A_1212 : memref<8x2048xf32, #tpu.memory_space<hbm>>) target_semaphore(%arg23 : memref<!tpu.dma_semaphore, #tpu.memory_space<semaphore_mem>>)
    %dma_wait3A_1213 = arith.constant 49152 : i32
    %dma_wait3A_1214 = tpu.memref_slice %arg4[%add3A_1128, %dma_wait3A_1213] : memref<516x65536xf32, #tpu.memory_space<hbm>> -> memref<8x2048xf32, #tpu.memory_space<hbm>>
    %dma_wait3A_1215 = arith.constant 49152 : i32
    %dma_wait3A_1216 = tpu.memref_slice %arg4[%add3A_1128, %dma_wait3A_1215] : memref<516x65536xf32, #tpu.memory_space<hbm>> -> memref<8x2048xf32, #tpu.memory_space<hbm>>
    tpu.wait_dma2 semaphore(%arg19 : memref<!tpu.dma_semaphore, #tpu.memory_space<semaphore_mem>>) src(%arg5 : memref<8x2048xf32, #tpu.memory_space<vmem>>) dst(%dma_wait3A_1216 : memref<8x2048xf32, #tpu.memory_space<hbm>>)
    %add3A_1217 = arith.constant 256 : i32
    %add3A_1218 = arith.addi %mul3A_2, %add3A_1217 : i32
    %dma_start3A_1219 = arith.constant 47104 : i32
    %dma_start3A_1220 = tpu.memref_slice %arg3[%add3A_1218, %dma_start3A_1219] : memref<516x65536xf32, #tpu.memory_space<hbm>> -> memref<8x2048xf32, #tpu.memory_space<hbm>>
    %dma_start3A_1221 = arith.constant 47104 : i32
    %dma_start3A_1222 = tpu.memref_slice %arg3[%add3A_1218, %dma_start3A_1221] : memref<516x65536xf32, #tpu.memory_space<hbm>> -> memref<8x2048xf32, #tpu.memory_space<hbm>>
    tpu.enqueue_dma source(%dma_start3A_1222 : memref<8x2048xf32, #tpu.memory_space<hbm>>) target(%arg5 : memref<8x2048xf32, #tpu.memory_space<vmem>>) target_semaphore(%arg12 : memref<!tpu.dma_semaphore, #tpu.memory_space<semaphore_mem>>)
    %dma_wait3A_1223 = arith.constant 43008 : i32
    %dma_wait3A_1224 = tpu.memref_slice %arg3[%add3A_1178, %dma_wait3A_1223] : memref<516x65536xf32, #tpu.memory_space<hbm>> -> memref<8x2048xf32, #tpu.memory_space<hbm>>
    %dma_wait3A_1225 = arith.constant 43008 : i32
    %dma_wait3A_1226 = tpu.memref_slice %arg3[%add3A_1178, %dma_wait3A_1225] : memref<516x65536xf32, #tpu.memory_space<hbm>> -> memref<8x2048xf32, #tpu.memory_space<hbm>>
    tpu.wait_dma2 semaphore(%arg17 : memref<!tpu.dma_semaphore, #tpu.memory_space<semaphore_mem>>) src(%dma_wait3A_1226 : memref<8x2048xf32, #tpu.memory_space<hbm>>) dst(%arg10 : memref<8x2048xf32, #tpu.memory_space<vmem>>)
    %add3A_1227 = arith.constant 256 : i32
    %add3A_1228 = arith.addi %mul3A_2, %add3A_1227 : i32
    %dma_start3A_1229 = arith.constant 59392 : i32
    %dma_start3A_1230 = tpu.memref_slice %arg4[%add3A_1228, %dma_start3A_1229] : memref<516x65536xf32, #tpu.memory_space<hbm>> -> memref<8x2048xf32, #tpu.memory_space<hbm>>
    %dma_start3A_1231 = arith.constant 59392 : i32
    %dma_start3A_1232 = tpu.memref_slice %arg4[%add3A_1228, %dma_start3A_1231] : memref<516x65536xf32, #tpu.memory_space<hbm>> -> memref<8x2048xf32, #tpu.memory_space<hbm>>
    tpu.enqueue_dma source(%arg10 : memref<8x2048xf32, #tpu.memory_space<vmem>>) target(%dma_start3A_1232 : memref<8x2048xf32, #tpu.memory_space<hbm>>) target_semaphore(%arg24 : memref<!tpu.dma_semaphore, #tpu.memory_space<semaphore_mem>>)
    %dma_wait3A_1233 = arith.constant 45056 : i32
    %dma_wait3A_1234 = tpu.memref_slice %arg3[%add3A_1198, %dma_wait3A_1233] : memref<516x65536xf32, #tpu.memory_space<hbm>> -> memref<8x2048xf32, #tpu.memory_space<hbm>>
    %dma_wait3A_1235 = arith.constant 45056 : i32
    %dma_wait3A_1236 = tpu.memref_slice %arg3[%add3A_1198, %dma_wait3A_1235] : memref<516x65536xf32, #tpu.memory_space<hbm>> -> memref<8x2048xf32, #tpu.memory_space<hbm>>
    tpu.wait_dma2 semaphore(%arg18 : memref<!tpu.dma_semaphore, #tpu.memory_space<semaphore_mem>>) src(%dma_wait3A_1236 : memref<8x2048xf32, #tpu.memory_space<hbm>>) dst(%arg11 : memref<8x2048xf32, #tpu.memory_space<vmem>>)
    %add3A_1237 = arith.constant 256 : i32
    %add3A_1238 = arith.addi %mul3A_2, %add3A_1237 : i32
    %dma_start3A_1239 = arith.constant 61440 : i32
    %dma_start3A_1240 = tpu.memref_slice %arg4[%add3A_1238, %dma_start3A_1239] : memref<516x65536xf32, #tpu.memory_space<hbm>> -> memref<8x2048xf32, #tpu.memory_space<hbm>>
    %dma_start3A_1241 = arith.constant 61440 : i32
    %dma_start3A_1242 = tpu.memref_slice %arg4[%add3A_1238, %dma_start3A_1241] : memref<516x65536xf32, #tpu.memory_space<hbm>> -> memref<8x2048xf32, #tpu.memory_space<hbm>>
    tpu.enqueue_dma source(%arg11 : memref<8x2048xf32, #tpu.memory_space<vmem>>) target(%dma_start3A_1242 : memref<8x2048xf32, #tpu.memory_space<hbm>>) target_semaphore(%arg25 : memref<!tpu.dma_semaphore, #tpu.memory_space<semaphore_mem>>)
    %dma_wait3A_1243 = arith.constant 47104 : i32
    %dma_wait3A_1244 = tpu.memref_slice %arg3[%add3A_1218, %dma_wait3A_1243] : memref<516x65536xf32, #tpu.memory_space<hbm>> -> memref<8x2048xf32, #tpu.memory_space<hbm>>
    %dma_wait3A_1245 = arith.constant 47104 : i32
    %dma_wait3A_1246 = tpu.memref_slice %arg3[%add3A_1218, %dma_wait3A_1245] : memref<516x65536xf32, #tpu.memory_space<hbm>> -> memref<8x2048xf32, #tpu.memory_space<hbm>>
    tpu.wait_dma2 semaphore(%arg12 : memref<!tpu.dma_semaphore, #tpu.memory_space<semaphore_mem>>) src(%dma_wait3A_1246 : memref<8x2048xf32, #tpu.memory_space<hbm>>) dst(%arg5 : memref<8x2048xf32, #tpu.memory_space<vmem>>)
    %add3A_1247 = arith.constant 256 : i32
    %add3A_1248 = arith.addi %mul3A_2, %add3A_1247 : i32
    %dma_start3A_1249 = arith.constant 63488 : i32
    %dma_start3A_1250 = tpu.memref_slice %arg4[%add3A_1248, %dma_start3A_1249] : memref<516x65536xf32, #tpu.memory_space<hbm>> -> memref<8x2048xf32, #tpu.memory_space<hbm>>
    %dma_start3A_1251 = arith.constant 63488 : i32
    %dma_start3A_1252 = tpu.memref_slice %arg4[%add3A_1248, %dma_start3A_1251] : memref<516x65536xf32, #tpu.memory_space<hbm>> -> memref<8x2048xf32, #tpu.memory_space<hbm>>
    tpu.enqueue_dma source(%arg5 : memref<8x2048xf32, #tpu.memory_space<vmem>>) target(%dma_start3A_1252 : memref<8x2048xf32, #tpu.memory_space<hbm>>) target_semaphore(%arg19 : memref<!tpu.dma_semaphore, #tpu.memory_space<semaphore_mem>>)
    %dma_wait3A_1253 = arith.constant 63488 : i32
    %dma_wait3A_1254 = tpu.memref_slice %arg4[%add3A_1248, %dma_wait3A_1253] : memref<516x65536xf32, #tpu.memory_space<hbm>> -> memref<8x2048xf32, #tpu.memory_space<hbm>>
    %dma_wait3A_1255 = arith.constant 63488 : i32
    %dma_wait3A_1256 = tpu.memref_slice %arg4[%add3A_1248, %dma_wait3A_1255] : memref<516x65536xf32, #tpu.memory_space<hbm>> -> memref<8x2048xf32, #tpu.memory_space<hbm>>
    tpu.wait_dma2 semaphore(%arg19 : memref<!tpu.dma_semaphore, #tpu.memory_space<semaphore_mem>>) src(%arg5 : memref<8x2048xf32, #tpu.memory_space<vmem>>) dst(%dma_wait3A_1256 : memref<8x2048xf32, #tpu.memory_space<hbm>>)
    %dma_wait3A_1257 = arith.constant 51200 : i32
    %dma_wait3A_1258 = tpu.memref_slice %arg4[%add3A_1148, %dma_wait3A_1257] : memref<516x65536xf32, #tpu.memory_space<hbm>> -> memref<8x2048xf32, #tpu.memory_space<hbm>>
    %dma_wait3A_1259 = arith.constant 51200 : i32
    %dma_wait3A_1260 = tpu.memref_slice %arg4[%add3A_1148, %dma_wait3A_1259] : memref<516x65536xf32, #tpu.memory_space<hbm>> -> memref<8x2048xf32, #tpu.memory_space<hbm>>
    tpu.wait_dma2 semaphore(%arg20 : memref<!tpu.dma_semaphore, #tpu.memory_space<semaphore_mem>>) src(%arg6 : memref<8x2048xf32, #tpu.memory_space<vmem>>) dst(%dma_wait3A_1260 : memref<8x2048xf32, #tpu.memory_space<hbm>>)
    %dma_wait3A_1261 = arith.constant 53248 : i32
    %dma_wait3A_1262 = tpu.memref_slice %arg4[%add3A_1168, %dma_wait3A_1261] : memref<516x65536xf32, #tpu.memory_space<hbm>> -> memref<8x2048xf32, #tpu.memory_space<hbm>>
    %dma_wait3A_1263 = arith.constant 53248 : i32
    %dma_wait3A_1264 = tpu.memref_slice %arg4[%add3A_1168, %dma_wait3A_1263] : memref<516x65536xf32, #tpu.memory_space<hbm>> -> memref<8x2048xf32, #tpu.memory_space<hbm>>
    tpu.wait_dma2 semaphore(%arg21 : memref<!tpu.dma_semaphore, #tpu.memory_space<semaphore_mem>>) src(%arg7 : memref<8x2048xf32, #tpu.memory_space<vmem>>) dst(%dma_wait3A_1264 : memref<8x2048xf32, #tpu.memory_space<hbm>>)
    %dma_wait3A_1265 = arith.constant 55296 : i32
    %dma_wait3A_1266 = tpu.memref_slice %arg4[%add3A_1188, %dma_wait3A_1265] : memref<516x65536xf32, #tpu.memory_space<hbm>> -> memref<8x2048xf32, #tpu.memory_space<hbm>>
    %dma_wait3A_1267 = arith.constant 55296 : i32
    %dma_wait3A_1268 = tpu.memref_slice %arg4[%add3A_1188, %dma_wait3A_1267] : memref<516x65536xf32, #tpu.memory_space<hbm>> -> memref<8x2048xf32, #tpu.memory_space<hbm>>
    tpu.wait_dma2 semaphore(%arg22 : memref<!tpu.dma_semaphore, #tpu.memory_space<semaphore_mem>>) src(%arg8 : memref<8x2048xf32, #tpu.memory_space<vmem>>) dst(%dma_wait3A_1268 : memref<8x2048xf32, #tpu.memory_space<hbm>>)
    %dma_wait3A_1269 = arith.constant 57344 : i32
    %dma_wait3A_1270 = tpu.memref_slice %arg4[%add3A_1208, %dma_wait3A_1269] : memref<516x65536xf32, #tpu.memory_space<hbm>> -> memref<8x2048xf32, #tpu.memory_space<hbm>>
    %dma_wait3A_1271 = arith.constant 57344 : i32
    %dma_wait3A_1272 = tpu.memref_slice %arg4[%add3A_1208, %dma_wait3A_1271] : memref<516x65536xf32, #tpu.memory_space<hbm>> -> memref<8x2048xf32, #tpu.memory_space<hbm>>
    tpu.wait_dma2 semaphore(%arg23 : memref<!tpu.dma_semaphore, #tpu.memory_space<semaphore_mem>>) src(%arg9 : memref<8x2048xf32, #tpu.memory_space<vmem>>) dst(%dma_wait3A_1272 : memref<8x2048xf32, #tpu.memory_space<hbm>>)
    %dma_wait3A_1273 = arith.constant 59392 : i32
    %dma_wait3A_1274 = tpu.memref_slice %arg4[%add3A_1228, %dma_wait3A_1273] : memref<516x65536xf32, #tpu.memory_space<hbm>> -> memref<8x2048xf32, #tpu.memory_space<hbm>>
    %dma_wait3A_1275 = arith.constant 59392 : i32
    %dma_wait3A_1276 = tpu.memref_slice %arg4[%add3A_1228, %dma_wait3A_1275] : memref<516x65536xf32, #tpu.memory_space<hbm>> -> memref<8x2048xf32, #tpu.memory_space<hbm>>
    tpu.wait_dma2 semaphore(%arg24 : memref<!tpu.dma_semaphore, #tpu.memory_space<semaphore_mem>>) src(%arg10 : memref<8x2048xf32, #tpu.memory_space<vmem>>) dst(%dma_wait3A_1276 : memref<8x2048xf32, #tpu.memory_space<hbm>>)
    %dma_wait3A_1277 = arith.constant 61440 : i32
    %dma_wait3A_1278 = tpu.memref_slice %arg4[%add3A_1238, %dma_wait3A_1277] : memref<516x65536xf32, #tpu.memory_space<hbm>> -> memref<8x2048xf32, #tpu.memory_space<hbm>>
    %dma_wait3A_1279 = arith.constant 61440 : i32
    %dma_wait3A_1280 = tpu.memref_slice %arg4[%add3A_1238, %dma_wait3A_1279] : memref<516x65536xf32, #tpu.memory_space<hbm>> -> memref<8x2048xf32, #tpu.memory_space<hbm>>
    tpu.wait_dma2 semaphore(%arg25 : memref<!tpu.dma_semaphore, #tpu.memory_space<semaphore_mem>>) src(%arg11 : memref<8x2048xf32, #tpu.memory_space<vmem>>) dst(%dma_wait3A_1280 : memref<8x2048xf32, #tpu.memory_space<hbm>>)
    %mul3A_1281 = arith.constant 2048 : i32
    %mul3A_1282 = arith.muli %add3A, %mul3A_1281 : i32
    %lt3A = arith.constant 8 : i32
    %lt3A_1283 = arith.cmpi slt, %add3A, %lt3A : i32
    %convert_element_type3A = arith.extui %lt3A_1283 : i1 to i32
    %cond3A = arith.constant 0 : i32
    %cond3A_1284 = arith.cmpi ne, %convert_element_type3A, %cond3A : i32
    scf.if %cond3A_1284 {
      "tpu.region"() ({
        %run_scoped3A = tpu.sem_alloc : memref<!tpu.dma_semaphore, #tpu.memory_space<semaphore_mem>>
        %dma_start3A_1289 = arith.constant 0 : i32
        %dma_start3A_1290 = arith.constant 0 : i32
        %dma_start3A_1291 = tpu.memref_slice %arg5[%dma_start3A_1289, %dma_start3A_1290] : memref<8x2048xf32, #tpu.memory_space<vmem>> -> memref<4x2048xf32, #tpu.memory_space<vmem>>
        %dma_start3A_1292 = arith.constant 512 : i32
        %dma_start3A_1293 = tpu.memref_slice %arg2[%dma_start3A_1292, %mul3A_1282] : memref<516x16384xf32, #tpu.memory_space<hbm>> -> memref<4x2048xf32, #tpu.memory_space<hbm>>
        %dma_start3A_1294 = arith.constant 0 : i32
        %dma_start3A_1295 = arith.constant 0 : i32
        %dma_start3A_1296 = tpu.memref_slice %arg5[%dma_start3A_1294, %dma_start3A_1295] : memref<8x2048xf32, #tpu.memory_space<vmem>> -> memref<4x2048xf32, #tpu.memory_space<vmem>>
        %dma_start3A_1297 = arith.constant 512 : i32
        %dma_start3A_1298 = tpu.memref_slice %arg2[%dma_start3A_1297, %mul3A_1282] : memref<516x16384xf32, #tpu.memory_space<hbm>> -> memref<4x2048xf32, #tpu.memory_space<hbm>>
        tpu.enqueue_dma source(%dma_start3A_1298 : memref<4x2048xf32, #tpu.memory_space<hbm>>) target(%dma_start3A_1296 : memref<4x2048xf32, #tpu.memory_space<vmem>>) target_semaphore(%run_scoped3A : memref<!tpu.dma_semaphore, #tpu.memory_space<semaphore_mem>>)
        %dma_wait3A_1299 = arith.constant 0 : i32
        %dma_wait3A_1300 = arith.constant 0 : i32
        %dma_wait3A_1301 = tpu.memref_slice %arg5[%dma_wait3A_1299, %dma_wait3A_1300] : memref<8x2048xf32, #tpu.memory_space<vmem>> -> memref<4x2048xf32, #tpu.memory_space<vmem>>
        %dma_wait3A_1302 = arith.constant 512 : i32
        %dma_wait3A_1303 = tpu.memref_slice %arg2[%dma_wait3A_1302, %mul3A_1282] : memref<516x16384xf32, #tpu.memory_space<hbm>> -> memref<4x2048xf32, #tpu.memory_space<hbm>>
        %dma_wait3A_1304 = arith.constant 0 : i32
        %dma_wait3A_1305 = arith.constant 0 : i32
        %dma_wait3A_1306 = tpu.memref_slice %arg5[%dma_wait3A_1304, %dma_wait3A_1305] : memref<8x2048xf32, #tpu.memory_space<vmem>> -> memref<4x2048xf32, #tpu.memory_space<vmem>>
        %dma_wait3A_1307 = arith.constant 512 : i32
        %dma_wait3A_1308 = tpu.memref_slice %arg2[%dma_wait3A_1307, %mul3A_1282] : memref<516x16384xf32, #tpu.memory_space<hbm>> -> memref<4x2048xf32, #tpu.memory_space<hbm>>
        tpu.wait_dma2 semaphore(%run_scoped3A : memref<!tpu.dma_semaphore, #tpu.memory_space<semaphore_mem>>) src(%dma_wait3A_1308 : memref<4x2048xf32, #tpu.memory_space<hbm>>) dst(%dma_wait3A_1306 : memref<4x2048xf32, #tpu.memory_space<vmem>>)
        tpu.yield
      }) : () -> ()
      "tpu.region"() ({
        %run_scoped3A = tpu.sem_alloc : memref<!tpu.dma_semaphore, #tpu.memory_space<semaphore_mem>>
        %dma_start3A_1289 = arith.constant 0 : i32
        %dma_start3A_1290 = arith.constant 0 : i32
        %dma_start3A_1291 = tpu.memref_slice %arg5[%dma_start3A_1289, %dma_start3A_1290] : memref<8x2048xf32, #tpu.memory_space<vmem>> -> memref<4x2048xf32, #tpu.memory_space<vmem>>
        %dma_start3A_1292 = arith.constant 512 : i32
        %dma_start3A_1293 = tpu.memref_slice %arg4[%dma_start3A_1292, %mul3A_1282] : memref<516x65536xf32, #tpu.memory_space<hbm>> -> memref<4x2048xf32, #tpu.memory_space<hbm>>
        %dma_start3A_1294 = arith.constant 512 : i32
        %dma_start3A_1295 = tpu.memref_slice %arg4[%dma_start3A_1294, %mul3A_1282] : memref<516x65536xf32, #tpu.memory_space<hbm>> -> memref<4x2048xf32, #tpu.memory_space<hbm>>
        %dma_start3A_1296 = arith.constant 0 : i32
        %dma_start3A_1297 = arith.constant 0 : i32
        %dma_start3A_1298 = tpu.memref_slice %arg5[%dma_start3A_1296, %dma_start3A_1297] : memref<8x2048xf32, #tpu.memory_space<vmem>> -> memref<4x2048xf32, #tpu.memory_space<vmem>>
        tpu.enqueue_dma source(%dma_start3A_1298 : memref<4x2048xf32, #tpu.memory_space<vmem>>) target(%dma_start3A_1295 : memref<4x2048xf32, #tpu.memory_space<hbm>>) target_semaphore(%run_scoped3A : memref<!tpu.dma_semaphore, #tpu.memory_space<semaphore_mem>>)
        %dma_wait3A_1299 = arith.constant 0 : i32
        %dma_wait3A_1300 = arith.constant 0 : i32
        %dma_wait3A_1301 = tpu.memref_slice %arg5[%dma_wait3A_1299, %dma_wait3A_1300] : memref<8x2048xf32, #tpu.memory_space<vmem>> -> memref<4x2048xf32, #tpu.memory_space<vmem>>
        %dma_wait3A_1302 = arith.constant 512 : i32
        %dma_wait3A_1303 = tpu.memref_slice %arg4[%dma_wait3A_1302, %mul3A_1282] : memref<516x65536xf32, #tpu.memory_space<hbm>> -> memref<4x2048xf32, #tpu.memory_space<hbm>>
        %dma_wait3A_1304 = arith.constant 512 : i32
        %dma_wait3A_1305 = tpu.memref_slice %arg4[%dma_wait3A_1304, %mul3A_1282] : memref<516x65536xf32, #tpu.memory_space<hbm>> -> memref<4x2048xf32, #tpu.memory_space<hbm>>
        %dma_wait3A_1306 = arith.constant 0 : i32
        %dma_wait3A_1307 = arith.constant 0 : i32
        %dma_wait3A_1308 = tpu.memref_slice %arg5[%dma_wait3A_1306, %dma_wait3A_1307] : memref<8x2048xf32, #tpu.memory_space<vmem>> -> memref<4x2048xf32, #tpu.memory_space<vmem>>
        tpu.wait_dma2 semaphore(%run_scoped3A : memref<!tpu.dma_semaphore, #tpu.memory_space<semaphore_mem>>) src(%dma_wait3A_1308 : memref<4x2048xf32, #tpu.memory_space<vmem>>) dst(%dma_wait3A_1305 : memref<4x2048xf32, #tpu.memory_space<hbm>>)
        tpu.yield
      }) : () -> ()
    } else {
    }
    %ge3A = arith.constant 8 : i32
    %ge3A_1285 = arith.cmpi sge, %add3A, %ge3A : i32
    %convert_element_type3A_1286 = arith.extui %ge3A_1285 : i1 to i32
    %cond3A_1287 = arith.constant 0 : i32
    %cond3A_1288 = arith.cmpi ne, %convert_element_type3A_1286, %cond3A_1287 : i32
    scf.if %cond3A_1288 {
      %sub3A = arith.constant 16384 : i32
      %sub3A_1289 = arith.subi %mul3A_1282, %sub3A : i32
      "tpu.region"() ({
        %run_scoped3A = tpu.sem_alloc : memref<!tpu.dma_semaphore, #tpu.memory_space<semaphore_mem>>
        %dma_start3A_1290 = arith.constant 0 : i32
        %dma_start3A_1291 = arith.constant 0 : i32
        %dma_start3A_1292 = tpu.memref_slice %arg5[%dma_start3A_1290, %dma_start3A_1291] : memref<8x2048xf32, #tpu.memory_space<vmem>> -> memref<4x2048xf32, #tpu.memory_space<vmem>>
        %dma_start3A_1293 = arith.constant 512 : i32
        %dma_start3A_1294 = tpu.memref_slice %arg3[%dma_start3A_1293, %sub3A_1289] : memref<516x65536xf32, #tpu.memory_space<hbm>> -> memref<4x2048xf32, #tpu.memory_space<hbm>>
        %dma_start3A_1295 = arith.constant 0 : i32
        %dma_start3A_1296 = arith.constant 0 : i32
        %dma_start3A_1297 = tpu.memref_slice %arg5[%dma_start3A_1295, %dma_start3A_1296] : memref<8x2048xf32, #tpu.memory_space<vmem>> -> memref<4x2048xf32, #tpu.memory_space<vmem>>
        %dma_start3A_1298 = arith.constant 512 : i32
        %dma_start3A_1299 = tpu.memref_slice %arg3[%dma_start3A_1298, %sub3A_1289] : memref<516x65536xf32, #tpu.memory_space<hbm>> -> memref<4x2048xf32, #tpu.memory_space<hbm>>
        tpu.enqueue_dma source(%dma_start3A_1299 : memref<4x2048xf32, #tpu.memory_space<hbm>>) target(%dma_start3A_1297 : memref<4x2048xf32, #tpu.memory_space<vmem>>) target_semaphore(%run_scoped3A : memref<!tpu.dma_semaphore, #tpu.memory_space<semaphore_mem>>)
        %dma_wait3A_1300 = arith.constant 0 : i32
        %dma_wait3A_1301 = arith.constant 0 : i32
        %dma_wait3A_1302 = tpu.memref_slice %arg5[%dma_wait3A_1300, %dma_wait3A_1301] : memref<8x2048xf32, #tpu.memory_space<vmem>> -> memref<4x2048xf32, #tpu.memory_space<vmem>>
        %dma_wait3A_1303 = arith.constant 512 : i32
        %dma_wait3A_1304 = tpu.memref_slice %arg3[%dma_wait3A_1303, %sub3A_1289] : memref<516x65536xf32, #tpu.memory_space<hbm>> -> memref<4x2048xf32, #tpu.memory_space<hbm>>
        %dma_wait3A_1305 = arith.constant 0 : i32
        %dma_wait3A_1306 = arith.constant 0 : i32
        %dma_wait3A_1307 = tpu.memref_slice %arg5[%dma_wait3A_1305, %dma_wait3A_1306] : memref<8x2048xf32, #tpu.memory_space<vmem>> -> memref<4x2048xf32, #tpu.memory_space<vmem>>
        %dma_wait3A_1308 = arith.constant 512 : i32
        %dma_wait3A_1309 = tpu.memref_slice %arg3[%dma_wait3A_1308, %sub3A_1289] : memref<516x65536xf32, #tpu.memory_space<hbm>> -> memref<4x2048xf32, #tpu.memory_space<hbm>>
        tpu.wait_dma2 semaphore(%run_scoped3A : memref<!tpu.dma_semaphore, #tpu.memory_space<semaphore_mem>>) src(%dma_wait3A_1309 : memref<4x2048xf32, #tpu.memory_space<hbm>>) dst(%dma_wait3A_1307 : memref<4x2048xf32, #tpu.memory_space<vmem>>)
        tpu.yield
      }) : () -> ()
      "tpu.region"() ({
        %run_scoped3A = tpu.sem_alloc : memref<!tpu.dma_semaphore, #tpu.memory_space<semaphore_mem>>
        %dma_start3A_1290 = arith.constant 0 : i32
        %dma_start3A_1291 = arith.constant 0 : i32
        %dma_start3A_1292 = tpu.memref_slice %arg5[%dma_start3A_1290, %dma_start3A_1291] : memref<8x2048xf32, #tpu.memory_space<vmem>> -> memref<4x2048xf32, #tpu.memory_space<vmem>>
        %dma_start3A_1293 = arith.constant 512 : i32
        %dma_start3A_1294 = tpu.memref_slice %arg4[%dma_start3A_1293, %mul3A_1282] : memref<516x65536xf32, #tpu.memory_space<hbm>> -> memref<4x2048xf32, #tpu.memory_space<hbm>>
        %dma_start3A_1295 = arith.constant 512 : i32
        %dma_start3A_1296 = tpu.memref_slice %arg4[%dma_start3A_1295, %mul3A_1282] : memref<516x65536xf32, #tpu.memory_space<hbm>> -> memref<4x2048xf32, #tpu.memory_space<hbm>>
        %dma_start3A_1297 = arith.constant 0 : i32
        %dma_start3A_1298 = arith.constant 0 : i32
        %dma_start3A_1299 = tpu.memref_slice %arg5[%dma_start3A_1297, %dma_start3A_1298] : memref<8x2048xf32, #tpu.memory_space<vmem>> -> memref<4x2048xf32, #tpu.memory_space<vmem>>
        tpu.enqueue_dma source(%dma_start3A_1299 : memref<4x2048xf32, #tpu.memory_space<vmem>>) target(%dma_start3A_1296 : memref<4x2048xf32, #tpu.memory_space<hbm>>) target_semaphore(%run_scoped3A : memref<!tpu.dma_semaphore, #tpu.memory_space<semaphore_mem>>)
        %dma_wait3A_1300 = arith.constant 0 : i32
        %dma_wait3A_1301 = arith.constant 0 : i32
        %dma_wait3A_1302 = tpu.memref_slice %arg5[%dma_wait3A_1300, %dma_wait3A_1301] : memref<8x2048xf32, #tpu.memory_space<vmem>> -> memref<4x2048xf32, #tpu.memory_space<vmem>>
        %dma_wait3A_1303 = arith.constant 512 : i32
        %dma_wait3A_1304 = tpu.memref_slice %arg4[%dma_wait3A_1303, %mul3A_1282] : memref<516x65536xf32, #tpu.memory_space<hbm>> -> memref<4x2048xf32, #tpu.memory_space<hbm>>
        %dma_wait3A_1305 = arith.constant 512 : i32
        %dma_wait3A_1306 = tpu.memref_slice %arg4[%dma_wait3A_1305, %mul3A_1282] : memref<516x65536xf32, #tpu.memory_space<hbm>> -> memref<4x2048xf32, #tpu.memory_space<hbm>>
        %dma_wait3A_1307 = arith.constant 0 : i32
        %dma_wait3A_1308 = arith.constant 0 : i32
        %dma_wait3A_1309 = tpu.memref_slice %arg5[%dma_wait3A_1307, %dma_wait3A_1308] : memref<8x2048xf32, #tpu.memory_space<vmem>> -> memref<4x2048xf32, #tpu.memory_space<vmem>>
        tpu.wait_dma2 semaphore(%run_scoped3A : memref<!tpu.dma_semaphore, #tpu.memory_space<semaphore_mem>>) src(%dma_wait3A_1309 : memref<4x2048xf32, #tpu.memory_space<vmem>>) dst(%dma_wait3A_1306 : memref<4x2048xf32, #tpu.memory_space<hbm>>)
        tpu.yield
      }) : () -> ()
    } else {
    }
    return
  }
}

</mosaic_0001>

<sc_bundles>
// kernel: kernel.3.cloned.1.call-start
scs
__scs_entry_jumppad:
0x0: {  	(pc) =	sbr.rel $0x88, $3  }
0x1: {  	(tag) =	ssettag $0x0;
	lr =	simm.s32 $0x1  }
0x2: {  	[smem:$0x3F9F] =	sst lr;
	_ =	strace $0xD0000000  }
0x3: {  	_ = 	snop  }
0x4: {  	_ = 	snop  }
0x5: {  	_ = 	snop  }
0x6: {  	_ = 	snop  }
0x7: {  	_ = 	snop  }
__scs_overlays_trampoline_lowered:
0x8: {  	[smem:$0x3FAE] =	sst s0  }
0x9: {  	[smem:$0x3FAF] =	sst s1  }
0xa: {  	[smem:$0x3FB0] =	sst s2  }
0xb: {  	[smem:$0x3FB1] =	sst s3  }
0xc: {  	[smem:$0x3FB2] =	sst s4  }
0xd: {  	[smem:$0x3FB3] =	sst s5  }
0xe: {  	[smem:$0x3FB4] =	sst s6  }
0xf: {  	[smem:$0x3FB5] =	sst s7  }
0x10: {  	[smem:$0x3FB6] =	sst s8  }
0x11: {  	[smem:$0x3FB7] =	sst s9;
	s0 =	simm.s32 @!p0 $0x0  }
0x12: {  	s1 =	sld [smem:$0x3F9D];
	s0 =	simm.s32 @p0 $0x1  }
0x13: {  	[smem:$0x3FB8] =	sst s0;
	s0 =	simm.s32 @!p1 $0x0  }
0x14: {  	s2 =	sld [smem:$0x3F9C];
	s0 =	simm.s32 @p1 $0x1  }
0x15: {  	[smem:$0x3FB9] =	sst s0;
	s0 =	simm.s32 @!p2 $0x0  }
0x16: {  	s3 =	sld [smem:$0x3FDB];
	s0 =	simm.s32 @p2 $0x1  }
0x17: {  	s4 =	simm.s32 $0x1BF5;
	[smem:$0x3FBB] =	sst s0  }
0x18: {  	s0 =	sld [smem:$0x3F9E];
	_ =	swait.ge [sflag:s4], $0x0  }
0x19: {  	s7 =	sld [smem:$0x3F9F]  }
0x1a: {  	s8 =	sadd.s32 $0xFFFFE003, lr  }
0x1b: {  	s9 =	sadd.s32 $0xFFFFFEF7, lr;
	s5 =	simm.s32 $0xFFFFFFFF;
	p2 =	slt.u32 s8, $0xFFFFF086  }
0x1c: {  	p1 =	slt.u32 s9, $0xF7A;
	s5 =	simm.s32 @!p2 $0x0  }
0x1d: {  	s5 =	simm.s32 @p1 $0x1;
	p0 =	seq.s32 s7, s2  }
0x1e: {  	s7 =	smul.u32 @!p0 $0xF7A, s2;
	p2 =	seq.s32 @!p0 s5, $0x0  }
0x1f: {  	s9 =	smul.u32 $0xF7A, s1;
	s8 =	simm.s32 @!p0 $0x1BF5;
	p2 =	por !p2, p0  }
0x20: {  	[sflag:s8] =	ssyncset.s32 @!p0 $0xFFFFF086;
	s6 =	sadd.s32 @!p0 s3, s7;
	s7 =	simm.s32 @!p0 $0x108  }
0x21: {  	s3 =	sadd.s32 s3, s9;
	s6 =	sadd.s32 @!p0 $0x88, s6;
	s7 =	simm.s32 @p2 $0x1082  }
0x22: {  	[simem:s7], [sflag:s8] =	dma.local @!p0 [hbm:s6], $0xF7A  }
0x23: {  	s9 =	sor.u32 $0xD0000000, s2;
	s6 =	simm.s32 $0x108;
	_ =	swait.ge @!p0 [sflag:s8], $0x0  }
0x24: {  	s3 =	sadd.s32 $0x88, s3;
	s6 =	simm.s32 @!p1 $0x1082;
	[sflag:s4] =	ssyncset.s32 $0xFFFFF086  }
0x25: {  	[simem:s6], [sflag:s4] =	dma.local [hbm:s3], $0xF7A  }
0x26: {  	[smem:$0x3F9F] =	sst s1;
	(tag) =	ssettag s2;
	_ =	strace s9  }
0x27: {  	s1 =	sld [smem:$0x3FAF]  }
0x28: {  	s2 =	sld [smem:$0x3FB0]  }
0x29: {  	s4 =	sld [smem:$0x3FB2]  }
0x2a: {  	p0 =	seq.s32 s5, $0x0;
	s5 =	sld [smem:$0x3FB3]  }
0x2b: {  	s6 =	sld [smem:$0x3FB4]  }
0x2c: {  	s7 =	sld [smem:$0x3FB5]  }
0x2d: {  	s3 =	simm.s32 $0x108;
	s8 =	sld [smem:$0x3FB6]  }
0x2e: {  	s3 =	simm.s32 @!p0 $0x1082;
	s9 =	sld [smem:$0x3FB7]  }
0x2f: {  	lr =	sadd.s32 s0, s3;
	s0 =	sld [smem:$0x3FAE]  }
0x30: {  	s3 =	sld [smem:$0x3FB1]  }
0x31: {  	[smem:$0x3FBA] =	sst s10  }
0x32: {  	s10 =	sld [smem:$0x3FB8];
	_ =	sdelay $0x3  }
0x33: {  	p0 =	seq.s32 s10, $0x1;
	s10 =	sld [smem:$0x3FBA];
	_ =	sdelay $0x3  }
0x34: {  	[smem:$0x3FBA] =	sst s10  }
0x35: {  	s10 =	sld [smem:$0x3FB9];
	_ =	sdelay $0x3  }
0x36: {  	p1 =	seq.s32 s10, $0x1;
	s10 =	sld [smem:$0x3FBA];
	_ =	sdelay $0x3  }
0x37: {  	[smem:$0x3FBA] =	sst s10  }
0x38: {  	s10 =	sld [smem:$0x3FBB]  }
0x39: {  	_ = 	snop;
	(pc) =	sbr.ind lr, $3  }
0x3a: {  	_ = 	snop  }
0x3b: {  	_ = 	snop  }
0x3c: {  	p2 =	seq.s32 s10, $0x1;
	s10 =	sld [smem:$0x3FBA]  }
0x3d: {  	_ =	shalt  }
0x3e: {  	_ =	shalt  }
0x3f: {  	_ =	shalt  }
0x40: {  	_ =	shalt  }
0x41: {  	_ =	shalt  }
0x42: {  	_ =	shalt  }
0x43: {  	_ =	shalt  }
0x44: {  	_ =	shalt  }
0x45: {  	_ =	shalt  }
0x46: {  	_ =	shalt  }
0x47: {  	_ =	shalt  }
0x48: {  	_ =	shalt  }
0x49: {  	_ =	shalt  }
0x4a: {  	_ =	shalt  }
0x4b: {  	_ =	shalt  }
0x4c: {  	_ =	shalt  }
0x4d: {  	_ =	shalt  }
0x4e: {  	_ =	shalt  }
0x4f: {  	_ =	shalt  }
0x50: {  	_ =	shalt  }
0x51: {  	_ =	shalt  }
0x52: {  	_ =	shalt  }
0x53: {  	_ =	shalt  }
0x54: {  	_ =	shalt  }
0x55: {  	_ =	shalt  }
0x56: {  	_ =	shalt  }
0x57: {  	_ =	shalt  }
0x58: {  	_ =	shalt  }
0x59: {  	_ =	shalt  }
0x5a: {  	_ =	shalt  }
0x5b: {  	_ =	shalt  }
0x5c: {  	_ =	shalt  }
0x5d: {  	_ =	shalt  }
0x5e: {  	_ =	shalt  }
0x5f: {  	_ =	shalt  }
0x60: {  	_ =	shalt  }
0x61: {  	_ =	shalt  }
0x62: {  	_ =	shalt  }
0x63: {  	_ =	shalt  }
0x64: {  	_ =	shalt  }
0x65: {  	_ =	shalt  }
0x66: {  	_ =	shalt  }
0x67: {  	_ =	shalt  }
0x68: {  	_ =	shalt  }
0x69: {  	_ =	shalt  }
0x6a: {  	_ =	shalt  }
0x6b: {  	_ =	shalt  }
0x6c: {  	_ =	shalt  }
0x6d: {  	_ =	shalt  }
0x6e: {  	_ =	shalt  }
0x6f: {  	_ =	shalt  }
0x70: {  	_ =	shalt  }
0x71: {  	_ =	shalt  }
0x72: {  	_ =	shalt  }
0x73: {  	_ =	shalt  }
0x74: {  	_ =	shalt  }
0x75: {  	_ =	shalt  }
0x76: {  	_ =	shalt  }
0x77: {  	_ =	shalt  }
0x78: {  	_ =	shalt  }
0x79: {  	_ =	shalt  }
0x7a: {  	_ =	shalt  }
0x7b: {  	_ =	shalt  }
0x7c: {  	_ =	shalt  }
0x7d: {  	_ =	shalt  }
0x7e: {  	_ =	shalt  }
0x7f: {  	_ =	shalt  }
0x80: {  	_ =	shalt  }
0x81: {  	_ =	shalt  }
0x82: {  	_ =	shalt  }
0x83: {  	_ =	shalt  }
0x84: {  	_ =	shalt  }
0x85: {  	_ =	shalt  }
0x86: {  	_ =	shalt  }
0x87: {  	_ =	shalt  }
.Lfunc_end0:
.L_simem_size_0:
called_computation_lowered:
.L_overlay_start_0:
0x88: {  	s2 =	sld [smem:$0x3FD9]  }
0x89: {  	s3 =	sld [smem:$0x3FFE];
	_ =	sdelay $0x1  }
0x8a: {  	s1 =	srdreg.scid  }
0x8b: {  	s0 =	sand.u32 $0x1, s1  }
0x8c: {  	s18 =	sshll.u32 s0, $0xA;
	s2 =	sadd.s32 s3, s2  }
0x8d: {  	s2 =	sadd.s32 s2, s18  }
0x8e: {  	[smem:$0x3FC6] =	sst s2  }
0x8f: {  	_ = 	snop  }
0x90: {  	s2 =	sld [smem:$0x3FC9]  }
0x91: {  	s19 =	sld [smem:$0x3FC8]  }
0x92: {  	s4 =	sld [smem:$0x3FD0];
	(tm) =	ssettm $0x1  }
0x93: {  	s5 =	sld [smem:$0x3FFB];
	_ =	sdelay $0x3  }
0x94: {  	_ =	strace s5  }
0x95: {  	s5 =	sld [smem:$0x3FFC];
	_ =	sdelay $0x3  }
0x96: {  	_ =	strace s5  }
0x97: {  	s5 =	sld [smem:$0x3FFD];
	_ =	sdelay $0x3  }
0x98: {  	_ =	strace s5  }
0x99: {  	_ =	strace $0x8FFFFFFF  }
0x9a: {  	s20 =	sld [smem:$0x3FDB];
	_ =	sdelay $0x1  }
0x9b: {  	s6 =	simm.s32 $_scs_section_size  }
0x9c: {  	s7 =	simm.s32 $_size__tile_overlayer_lowered;
	s8 =	simm.s32 $_tile_overlayer_lowered  }
0x9d: {  	s23 =	simm.s32 $0x1BFF;
	s22 =	sshll.u32 s8, $0x1;
	s5 =	sadd.s32 s6, s20  }
0x9e: {  	s9 =	simm.s32 $0x0;
	s21 =	sshll.u32 s7, $0x1;
	s7 =	sadd.s32 s22, s5  }
0x9f: {  	[timem:s9], [sflag:s23] =	dma.local [hbm:s7], s21  }
0xa0: {  	_ =	swait.ge [sflag:s23], s21  }
0xa1: {  	s6 =	ssub.s32 $0x0, s21;
	[sflag:s23] =	ssyncset.done $0x0  }
0xa2: {  	[sflag:s23] =	ssyncadd.s32 s6;
	_ =	sdelay $0x1  }
0xa3: {  	s24 =	simm.s32 $0x1B8B  }
0xa4: {  	_ =	swait.ge [sflag:s24], $0x1  }
0xa5: {  	[sflag:s24] =	ssyncset.done $0x0  }
0xa6: {  	s25 =	simm.s32 $0x1B8E;
	[sflag:s24] =	ssyncadd.s32 $0xFFFFFFFF  }
0xa7: {  	s26 =	simm.s32 $execute0_lowered;
	[smem:$0x3FD2] =	sst s25  }
0xa8: {  	s6 =	sshll.u32 s26, $0x1;
	_ =	strace $0x80000046;
	[dreg:$0x1] =	wrdreg $0xFFFFFFFF  }
0xa9: {  	s28 =	simm.s32 $_size_execute0_lowered;
	s5 =	sadd.s32 s5, s6;
	[dreg:$0x0] =	wrdreg $0x0  }
0xaa: {  	s6 =	sshll.u32 s28, $0x1;
	[dreg:$0x2] =	wrdreg s5  }
0xab: {  	[dreg:$0x3] =	wrdreg s6  }
0xac: {  	[dreg:$0x4] =	wrdreg $0xC0  }
0xad: {  	_ =	task [dreg:s9], $0x5FFFF  }
0xae: {  	[dreg:$0x1] =	wrdreg $0xFFFFFFFF  }
0xaf: {  	[dreg:$0x0] =	wrdreg $0x60  }
0xb0: {  	[dreg:$0x2] =	wrdreg s2  }
0xb1: {  	[dreg:$0x3] =	wrdreg s19  }
0xb2: {  	[dreg:$0x4] =	wrdreg s4  }
0xb3: {  	[dreg:$0x5] =	wrdreg $0x9  }
0xb4: {  	_ =	task.clear_ibuf [dreg:s9], $0x6FFFF;
	_ =	strace $0x90000046  }
0xb5: {  	s29 =	simm.s32 $0x9;
	_ =	strace $0x80000048  }
0xb6: {  	_ =	swait.ge [sflag:s29], $0x1  }
0xb7: {  	[sflag:s29] =	ssyncadd.s32 $0xFFFFFFFF  }
0xb8: {  	_ =	strace $0x90000048  }
0xb9: {  	_ =	sfence  }
0xba: {  	s30 =	sld [smem:$0x0];
	_ =	sdelay $0x2  }
0xbb: {  	s31 =	sshll.u32 s1, $0xD;
	s1 =	sshrl.u32 s1, $0x2  }
0xbc: {  	s3 =	sand.u32 $0x4000, s31;
	s1 =	sadd.s32 s1, s30  }
0xbd: {  	s0 =	sor.u32 s3, s0;
	s1 =	sshll.u32 s1, $0x11  }
0xbe: {  	s0 =	sor.u32 s1, s0  }
0xbf: {  	s0 =	sadd.s32 $0x8F2B, s0  }
0xc0: {  	[sflag:s0] =	ssyncadd.remote.s32 $0x1  }
0xc1: {  	_ =	sfence.sel $0xFFFF  }
0xc2: {  	[dreg:$0x0] =	wrdreg $0xFFFFFFFF;
	(pc) =	sbr.abs _section_cstart, $3  }
0xc3: {  	[dreg:$0x1] =	wrdreg $0xFFFFFFFF  }
0xc4: {  	_ =	task.clear_ibuf [dreg:s9], $0x2FFFF;
	_ =	strace $0x9FFFFFFF  }
0xc5: {  	(tm) =	ssettm $0x7FFFFFFF  }
tec
execute0_lowered:
.L_overlay_start_1:
0x0: {  	(tag) =	ssettag $0x1  }
0x1: {  	s0 =	rddreg [dreg:$0x0]  }
0x2: {  	s2 =	srdreg.scid;
	s25 =	stileid.u32  }
0x3: {  	s1 =	rddreg [dreg:$0x1];
	s6 =	sand.u32 $0x1, s2;
	s4 =	sshll.u32 s25, $0x1  }
0x4: {  	s3 =	rddreg [dreg:$0x2];
	s2 =	simm.s32 $0x0;
	s4 =	sor.u32 s6, s4  }
0x5: {  	[smem:$0x7FF] =	sst s2;
	s5 =	sshll.u32 s4, $0xE  }
0x6: {  	s9 =	sadd.s32 $0x800, s0;
	_ =	strace $0x80000047;
	s7 =	sadd.s32 s0, s5  }
0x7: {  	s13 =	sshll.u32 s4, $0x10;
	s8 =	sadd.s32 s5, s9;
	[dreg:$0x4] =	wrdreg s7  }
0x8: {  	s10 =	sadd.s32 s3, s13;
	[dreg:$0x5] =	wrdreg s8  }
0x9: {  	s15 =	sor.u32 $0x800, s13;
	s26 =	sadd.s32 s1, s13;
	[dreg:$0x7] =	wrdreg s10  }
0xa: {  	s16 =	sor.u32 $0x1000, s13;
	s11 =	sadd.s32 s3, s15;
	[dreg:$0x12] =	wrdreg s26  }
0xb: {  	s17 =	sor.u32 $0x1800, s13;
	s12 =	sadd.s32 s3, s16;
	[dreg:$0x9] =	wrdreg s11  }
0xc: {  	s14 =	sadd.s32 s3, s17;
	[dreg:$0xb] =	wrdreg s12  }
0xd: {  	s7 =	sadd.s32 $0x1000, s0;
	s15 =	sadd.s32 s1, s15;
	[dreg:$0xd] =	wrdreg s14  }
0xe: {  	s8 =	sadd.s32 $0x1800, s0;
	s18 =	sadd.s32 s5, s7;
	[dreg:$0x14] =	wrdreg s15  }
0xf: {  	s10 =	sadd.s32 $0x2000, s0;
	s19 =	sadd.s32 s5, s8;
	[dreg:$0x6] =	wrdreg s18  }
0x10: {  	s20 =	sadd.s32 s5, s10;
	s11 =	sadd.s32 $0x2800, s0;
	[dreg:$0x8] =	wrdreg s19  }
0x11: {  	s12 =	sadd.s32 $0x3000, s0;
	[dreg:$0xa] =	wrdreg s20;
	s21 =	sadd.s32 s5, s11  }
0x12: {  	s14 =	sadd.s32 $0x3800, s0;
	s22 =	sadd.s32 s5, s12;
	[dreg:$0xc] =	wrdreg s21  }
0x13: {  	s18 =	sor.u32 $0x2000, s13;
	s23 =	sadd.s32 s5, s14;
	[dreg:$0xe] =	wrdreg s22  }
0x14: {  	s20 =	sor.u32 $0x2800, s13;
	s19 =	sadd.s32 s3, s18;
	[dreg:$0x10] =	wrdreg s23  }
0x15: {  	s24 =	sadd.s32 s3, s20;
	s21 =	sor.u32 $0x3000, s13;
	[dreg:$0xf] =	wrdreg s19  }
0x16: {  	[dreg:$0x11] =	wrdreg s24;
	s22 =	sadd.s32 s3, s21  }
0x17: {  	s19 =	sor.u32 $0x3800, s13;
	s24 =	sadd.s32 s1, s16;
	[dreg:$0x13] =	wrdreg s22  }
0x18: {  	s16 =	sor.u32 $0x4000, s13;
	s23 =	sadd.s32 s3, s19;
	[dreg:$0x16] =	wrdreg s24  }
0x19: {  	s26 =	sadd.s32 s3, s16;
	[dreg:$0x15] =	wrdreg s23  }
0x1a: {  	s22 =	sadd.s32 s1, s17;
	[dreg:$0x17] =	wrdreg s26  }
0x1b: {  	s17 =	sor.u32 $0x4800, s13;
	s24 =	sadd.s32 s1, s18;
	[dreg:$0x18] =	wrdreg s22  }
0x1c: {  	s18 =	sor.u32 $0x5000, s13;
	s23 =	sadd.s32 s3, s17;
	[dreg:$0x1a] =	wrdreg s24  }
0x1d: {  	s26 =	sadd.s32 s3, s18;
	[dreg:$0x19] =	wrdreg s23  }
0x1e: {  	s22 =	sadd.s32 s1, s20;
	[dreg:$0x1b] =	wrdreg s26  }
0x1f: {  	s20 =	sor.u32 $0x5800, s13;
	s24 =	sadd.s32 s1, s21;
	[dreg:$0x1c] =	wrdreg s22  }
0x20: {  	s21 =	sor.u32 $0x6000, s13;
	s23 =	sadd.s32 s3, s20;
	[dreg:$0x1e] =	wrdreg s24  }
0x21: {  	s26 =	sadd.s32 s3, s21;
	[dreg:$0x1d] =	wrdreg s23  }
0x22: {  	s22 =	sadd.s32 s1, s19;
	[dreg:$0x1f] =	wrdreg s26  }
0x23: {  	s19 =	sor.u32 $0x6800, s13;
	s24 =	sadd.s32 s1, s16;
	[smem:$0x798] =	sst s22  }
0x24: {  	s16 =	sor.u32 $0x7000, s13;
	s23 =	sadd.s32 s3, s19;
	[smem:$0x79A] =	sst s24  }
0x25: {  	s26 =	sadd.s32 s3, s16;
	[smem:$0x799] =	sst s23  }
0x26: {  	s22 =	sadd.s32 s1, s17;
	[smem:$0x79B] =	sst s26  }
0x27: {  	s17 =	sor.u32 $0x7800, s13;
	s24 =	sadd.s32 s1, s18;
	[smem:$0x79C] =	sst s22  }
0x28: {  	s18 =	sor.u32 $0x8000, s13;
	s23 =	sadd.s32 s3, s17;
	[smem:$0x79E] =	sst s24  }
0x29: {  	s26 =	sadd.s32 s3, s18;
	[smem:$0x79D] =	sst s23  }
0x2a: {  	s22 =	sadd.s32 s1, s20;
	[smem:$0x79F] =	sst s26  }
0x2b: {  	s24 =	sadd.s32 s1, s21;
	[smem:$0x7A0] =	sst s22  }
0x2c: {  	s20 =	sor.u32 $0x8800, s13;
	s18 =	sadd.s32 s1, s18;
	[smem:$0x7A2] =	sst s24  }
0x2d: {  	s21 =	sor.u32 $0x9000, s13;
	s23 =	sadd.s32 s3, s20;
	[smem:$0x7AA] =	sst s18  }
0x2e: {  	s26 =	sadd.s32 s3, s21;
	[smem:$0x7A1] =	sst s23  }
0x2f: {  	s22 =	sadd.s32 s1, s19;
	[smem:$0x7A3] =	sst s26  }
0x30: {  	s24 =	sadd.s32 s1, s16;
	[smem:$0x7A4] =	sst s22  }
0x31: {  	s16 =	sadd.s32 s1, s17;
	[smem:$0x7A6] =	sst s24  }
0x32: {  	s15 =	sadd.s32 $0xC000, s3;
	s18 =	sadd.s32 s1, s21;
	[smem:$0x7A8] =	sst s16  }
0x33: {  	s19 =	sor.u32 $0x9800, s13;
	s21 =	sadd.s32 s13, s15;
	[smem:$0x7AE] =	sst s18  }
0x34: {  	s23 =	sadd.s32 s3, s19;
	[smem:$0x7AF] =	sst s21  }
0x35: {  	s22 =	sor.u32 $0xA000, s13;
	s16 =	sadd.s32 s1, s20;
	[smem:$0x7A5] =	sst s23  }
0x36: {  	s26 =	sadd.s32 s3, s22;
	s23 =	sor.u32 $0xA800, s13;
	[smem:$0x7AC] =	sst s16  }
0x37: {  	s24 =	sor.u32 $0xB000, s13;
	[smem:$0x7A7] =	sst s26;
	s17 =	sadd.s32 s3, s23  }
0x38: {  	s16 =	sadd.s32 $0xC800, s3;
	s26 =	sadd.s32 s3, s24;
	[smem:$0x7A9] =	sst s17  }
0x39: {  	s20 =	sor.u32 $0xB800, s13;
	s18 =	sadd.s32 s13, s16;
	[smem:$0x7AB] =	sst s26  }
0x3a: {  	s17 =	sadd.s32 s3, s20;
	[smem:$0x7B1] =	sst s18  }
0x3b: {  	s26 =	sadd.s32 s1, s19;
	[smem:$0x7AD] =	sst s17  }
0x3c: {  	s19 =	sadd.s32 s1, s22;
	[smem:$0x7B0] =	sst s26  }
0x3d: {  	s22 =	sadd.s32 s1, s23;
	s18 =	sadd.s32 $0xD800, s3;
	[smem:$0x7B2] =	sst s19  }
0x3e: {  	[smem:$0x7B4] =	sst s22;
	s23 =	sadd.s32 s13, s18  }
0x3f: {  	s17 =	sadd.s32 $0xD000, s3;
	s26 =	sadd.s32 s1, s24;
	[smem:$0x7B5] =	sst s23  }
0x40: {  	s19 =	sadd.s32 $0xE000, s3;
	s21 =	sadd.s32 s13, s17;
	[smem:$0x7B6] =	sst s26  }
0x41: {  	s22 =	sadd.s32 s13, s19;
	s23 =	sadd.s32 s1, s20;
	[smem:$0x7B3] =	sst s21  }
0x42: {  	s20 =	sadd.s32 $0xE800, s3;
	[smem:$0x7B7] =	sst s22;
	s22 =	sor.u32 $0x20, s4  }
0x43: {  	[smem:$0x7B8] =	sst s23;
	s24 =	sadd.s32 s13, s20;
	s23 =	sshll.u32 s22, $0xE  }
0x44: {  	[smem:$0x7B9] =	sst s24;
	s26 =	sadd.s32 s0, s23  }
0x45: {  	s21 =	sadd.s32 $0xF000, s3;
	s8 =	sadd.s32 s23, s8;
	[smem:$0x7BA] =	sst s26  }
0x46: {  	s26 =	sadd.s32 s13, s21;
	[smem:$0x7C0] =	sst s8  }
0x47: {  	[smem:$0x7BB] =	sst s26;
	s26 =	sadd.s32 s23, s9;
	s9 =	sadd.s32 $0xF800, s3  }
0x48: {  	[smem:$0x7BC] =	sst s26;
	s13 =	sadd.s32 s13, s9  }
0x49: {  	s26 =	sadd.s32 s23, s7;
	s7 =	sshll.u32 s22, $0x10;
	[smem:$0x7BD] =	sst s13  }
0x4a: {  	[smem:$0x7BE] =	sst s26;
	s22 =	sadd.s32 s3, s7  }
0x4b: {  	s13 =	sor.u32 $0x800, s7;
	s26 =	sadd.s32 s23, s10;
	[smem:$0x7BF] =	sst s22  }
0x4c: {  	s10 =	sor.u32 $0x1000, s7;
	s24 =	sadd.s32 s3, s13;
	[smem:$0x7C2] =	sst s26  }
0x4d: {  	s22 =	sadd.s32 s3, s10;
	[smem:$0x7C1] =	sst s24  }
0x4e: {  	[smem:$0x7C3] =	sst s22;
	s24 =	sadd.s32 s23, s11  }
0x4f: {  	s11 =	sor.u32 $0x1800, s7;
	s22 =	sadd.s32 s23, s12;
	[smem:$0x7C4] =	sst s24  }
0x50: {  	s12 =	sor.u32 $0x2000, s7;
	s26 =	sadd.s32 s3, s11;
	[smem:$0x7C6] =	sst s22  }
0x51: {  	s24 =	sadd.s32 s3, s12;
	[smem:$0x7C5] =	sst s26  }
0x52: {  	[smem:$0x7C7] =	sst s24;
	s26 =	sadd.s32 s23, s14  }
0x53: {  	s14 =	sor.u32 $0x2800, s7;
	s23 =	sadd.s32 s1, s7;
	[smem:$0x7C8] =	sst s26  }
0x54: {  	s22 =	sadd.s32 s3, s14;
	[smem:$0x7CA] =	sst s23  }
0x55: {  	s26 =	sadd.s32 s1, s13;
	s13 =	sor.u32 $0x3800, s7;
	[smem:$0x7C9] =	sst s22  }
0x56: {  	s22 =	sor.u32 $0x3000, s7;
	[smem:$0x7CC] =	sst s26;
	s23 =	sadd.s32 s3, s13  }
0x57: {  	s24 =	sadd.s32 s3, s22;
	[smem:$0x7CD] =	sst s23  }
0x58: {  	s23 =	sadd.s32 s1, s11;
	[smem:$0x7CB] =	sst s24  }
0x59: {  	s24 =	sadd.s32 s1, s10;
	s10 =	sor.u32 $0x4000, s7;
	[smem:$0x7D0] =	sst s23  }
0x5a: {  	s11 =	sor.u32 $0x4800, s7;
	[smem:$0x7CE] =	sst s24;
	s26 =	sadd.s32 s3, s10  }
0x5b: {  	s24 =	sadd.s32 s3, s11;
	[smem:$0x7CF] =	sst s26  }
0x5c: {  	[smem:$0x7D1] =	sst s24;
	s26 =	sadd.s32 s1, s12  }
0x5d: {  	s12 =	sor.u32 $0x5000, s7;
	s24 =	sadd.s32 s1, s14;
	[smem:$0x7D2] =	sst s26  }
0x5e: {  	s14 =	sor.u32 $0x5800, s7;
	s23 =	sadd.s32 s3, s12;
	[smem:$0x7D4] =	sst s24  }
0x5f: {  	s26 =	sadd.s32 s3, s14;
	[smem:$0x7D3] =	sst s23  }
0x60: {  	[smem:$0x7D5] =	sst s26;
	s23 =	sadd.s32 s1, s22  }
0x61: {  	s22 =	sor.u32 $0x6000, s7;
	s26 =	sadd.s32 s1, s13;
	[smem:$0x7D6] =	sst s23  }
0x62: {  	s13 =	sor.u32 $0x6800, s7;
	s24 =	sadd.s32 s3, s22;
	[smem:$0x7D8] =	sst s26  }
0x63: {  	s23 =	sadd.s32 s3, s13;
	[smem:$0x7D7] =	sst s24  }
0x64: {  	[smem:$0x7D9] =	sst s23;
	s24 =	sadd.s32 s1, s10  }
0x65: {  	s10 =	sor.u32 $0x7000, s7;
	s23 =	sadd.s32 s1, s11;
	[smem:$0x7DA] =	sst s24  }
0x66: {  	s11 =	sor.u32 $0x7800, s7;
	s26 =	sadd.s32 s3, s10;
	[smem:$0x7DC] =	sst s23  }
0x67: {  	s24 =	sadd.s32 s3, s11;
	[smem:$0x7DB] =	sst s26  }
0x68: {  	s31 =	simm.s32 $0x14000;
	[smem:$0x7DD] =	sst s24;
	s26 =	sadd.s32 s1, s12  }
0x69: {  	s12 =	sor.u32 $0x8000, s7;
	s24 =	sadd.s32 s1, s14;
	[smem:$0x7DE] =	sst s26  }
0x6a: {  	s14 =	sor.u32 $0x8800, s7;
	s23 =	sadd.s32 s3, s12;
	[smem:$0x7E0] =	sst s24  }
0x6b: {  	s30 =	simm.s32 $0x18000;
	s26 =	sadd.s32 s3, s14;
	[smem:$0x7DF] =	sst s23  }
0x6c: {  	s29 =	simm.s32 $0x8;
	[smem:$0x7E1] =	sst s26;
	s23 =	sadd.s32 s1, s22  }
0x6d: {  	s22 =	sor.u32 $0x9000, s7;
	s26 =	sadd.s32 s1, s13;
	[smem:$0x7E2] =	sst s23  }
0x6e: {  	s13 =	sor.u32 $0x9800, s7;
	s24 =	sadd.s32 s3, s22;
	[smem:$0x7E4] =	sst s26  }
0x6f: {  	s28 =	simm.s32 $0x3400;
	s23 =	sadd.s32 s3, s13;
	[smem:$0x7E3] =	sst s24  }
0x70: {  	p0 =	slt.u32 s25, $0x4;
	s22 =	sadd.s32 s1, s22;
	[smem:$0x7E5] =	sst s23  }
0x71: {  	s6 =	ssub.s32 $0x2, s6;
	s24 =	sadd.s32 s1, s10;
	[smem:$0x7EE] =	sst s22  }
0x72: {  	s5 =	sshrl.u32 s5, $0x3;
	s23 =	sadd.s32 s1, s11;
	[smem:$0x7E6] =	sst s24  }
0x73: {  	s10 =	sor.u32 $0xA000, s7;
	s22 =	sadd.s32 s7, s20;
	[smem:$0x7E8] =	sst s23  }
0x74: {  	s11 =	sor.u32 $0xA800, s7;
	s26 =	sadd.s32 s3, s10;
	[smem:$0x7F9] =	sst s22  }
0x75: {  	s4 =	sshll.u32 s4, $0xB;
	s24 =	sadd.s32 s3, s11;
	[smem:$0x7E7] =	sst s26  }
0x76: {  	s25 =	sadd.s32 s4, s3;
	s10 =	sadd.s32 s1, s10;
	[smem:$0x7E9] =	sst s24  }
0x77: {  	s0 =	sadd.s32 s4, s0;
	s26 =	sadd.s32 s1, s12;
	[smem:$0x7F2] =	sst s10  }
0x78: {  	s12 =	sor.u32 $0xB000, s7;
	s24 =	sadd.s32 s1, s14;
	[smem:$0x7EA] =	sst s26  }
0x79: {  	s14 =	sor.u32 $0xB800, s7;
	s23 =	sadd.s32 s3, s12;
	[smem:$0x7EC] =	sst s24  }
0x7a: {  	s0 =	sadd.s32 $0x100000, s0;
	s26 =	sadd.s32 s3, s14;
	[smem:$0x7EB] =	sst s23  }
0x7b: {  	s8 =	simm.s32 $0xC000;
	s24 =	sadd.s32 s1, s13;
	[smem:$0x7ED] =	sst s26  }
0x7c: {  	s20 =	simm.s32 $0xD;
	s13 =	sadd.s32 s7, s17;
	[smem:$0x7F0] =	sst s24  }
0x7d: {  	s22 =	simm.s32 $0xB;
	s17 =	sadd.s32 s1, s12;
	[smem:$0x7F3] =	sst s13  }
0x7e: {  	s10 =	simm.s32 $0x8000;
	s23 =	sadd.s32 s7, s15;
	[smem:$0x7F6] =	sst s17  }
0x7f: {  	s12 =	simm.s32 $0x4000;
	s26 =	sadd.s32 s7, s16;
	[smem:$0x7EF] =	sst s23  }
0x80: {  	s15 =	sadd.s32 s1, s11;
	s16 =	sadd.s32 s7, s18;
	[smem:$0x7F1] =	sst s26  }
0x81: {  	s18 =	sadd.s32 s7, s19;
	s19 =	sadd.s32 s1, s14;
	[smem:$0x7F4] =	sst s15  }
0x82: {  	s24 =	sadd.s32 s7, s21;
	s7 =	sadd.s32 s7, s9;
	[smem:$0x7F5] =	sst s16  }
0x83: {  	s1 =	sadd.s32 s1, s5;
	s13 =	simm.s32 $0x2;
	[smem:$0x7F7] =	sst s18  }
0x84: {  	s11 =	simm.s32 $0x3;
	s9 =	simm.s32 $0x4;
	[smem:$0x7F8] =	sst s19  }
0x85: {  	s21 =	simm.s32 $0xC;
	s14 =	simm.s32 $0x800;
	[smem:$0x7FA] =	sst s24  }
0x86: {  	s17 =	simm.s32 $0x2000;
	s23 =	sshrl.u32 s6, $0x1;
	[smem:$0x7FB] =	sst s7  }
0x87: {  	s5 =	sadd.s32 $0x3FC000, s1;
	s1 =	sadd.s32 $0x400000, s25;
	s6 =	ssub.s32 s6, s23  }
0x88: {  	s24 =	simm.s32 $0x1;
	s7 =	simm.s32 $0x5;
	s26 =	smax.u32 s6, $0x1  }
0x89: {  	s25 =	simm.s32 $0x7;
	s18 =	simm.s32 $0xE;
	p1 =	sne.s32 s26, $0x1  }
.Ltmp0:
0x8a: {  	s19 =	simm.s32 $0x400;
	s15 =	simm.s32 $0x1000;
	(pc) =	sbr.rel @!p1 .LBB2_5-.Ltmp0, $4  }
0x8b: {  	s16 =	simm.s32 $0x1800;
	[smem:$0x7FC] =	sst s1;
	s5 =	smov.u32 @p0 s0  }
0x8c: {  	s0 =	simm.s32 $0x6;
	s1 =	simm.s32 $0x9;
	s23 =	simm.s32 $0xA  }
0x8d: {  	p0 =	por $0x0, $0x0;
	[smem:$0x7FD] =	sst s5;
	s6 =	simm.s32 $0x10000  }
0x8e: {  	s5 =	simm.s32 $0xF;
	s3 =	sadd.s32 $0xFFFFFFFF, s26;
	s26 =	simm.s32 $0x3800  }
0x8f: {  	[smem:$0x797] =	sst s3  }
0x90: {  	s19 =	rddreg [dreg:$0x4]  }
0x91: {  	[tilespmem:s2], [sflag:$0x1] =	stream.linear.gather [hbm4b:s19+s2], $0x4000, $0x38;
	[tilespmem:$0x1C000] =	vst v63  }
0x92: {  	s4 =	rddreg [dreg:$0x5]  }
0x93: {  	[tilespmem:s12], [sflag:$0x2] =	stream.linear.gather [hbm4b:s4+s2], $0x4000, $0x38;
	[tilespmem:$0x1C000] =	vst v63  }
0x94: {  	s19 =	rddreg [dreg:$0x6]  }
0x95: {  	[tilespmem:s10], [sflag:$0x3] =	stream.linear.gather [hbm4b:s19+s2], $0x4000, $0x38;
	[tilespmem:$0x1C000] =	vst v63  }
0x96: {  	_ =	swait.ge [sflag:s24], $0x4000  }
0x97: {  	[sflag:s24] =	ssyncset.done $0x0  }
0x98: {  	s4 =	rddreg [dreg:$0x7];
	[sflag:s24] =	ssyncadd.s32 $0xFFFFC000  }
0x99: {  	[hbm4b:s4+s2] =	stream.linear.scatter [tilespmem:s2], [sflag:$0x8], $0x4000, $0x38;
	[tilespmem:$0x1C000] =	vst v63  }
0x9a: {  	s19 =	rddreg [dreg:$0x8]  }
0x9b: {  	[tilespmem:s8], [sflag:$0x4] =	stream.linear.gather [hbm4b:s19+s2], $0x4000, $0x38;
	[tilespmem:$0x1C000] =	vst v63  }
0x9c: {  	_ =	swait.ge [sflag:s13], $0x4000  }
0x9d: {  	[sflag:s13] =	ssyncset.done $0x0  }
0x9e: {  	s4 =	rddreg [dreg:$0x9];
	[sflag:s13] =	ssyncadd.s32 $0xFFFFC000  }
0x9f: {  	[hbm4b:s4+s2] =	stream.linear.scatter [tilespmem:s12], [sflag:$0x9], $0x4000, $0x38;
	[tilespmem:$0x1C000] =	vst v63  }
0xa0: {  	s19 =	rddreg [dreg:$0xa]  }
0xa1: {  	[tilespmem:s6], [sflag:$0x5] =	stream.linear.gather [hbm4b:s19+s2], $0x4000, $0x38;
	[tilespmem:$0x1C000] =	vst v63  }
0xa2: {  	_ =	swait.ge [sflag:s11], $0x4000  }
0xa3: {  	[sflag:s11] =	ssyncset.done $0x0  }
0xa4: {  	s4 =	rddreg [dreg:$0xb];
	[sflag:s11] =	ssyncadd.s32 $0xFFFFC000  }
0xa5: {  	[hbm4b:s4+s2] =	stream.linear.scatter [tilespmem:s10], [sflag:$0xA], $0x4000, $0x38;
	[tilespmem:$0x1C000] =	vst v63  }
0xa6: {  	s19 =	rddreg [dreg:$0xc]  }
0xa7: {  	[tilespmem:s31], [sflag:$0x6] =	stream.linear.gather [hbm4b:s19+s2], $0x4000, $0x38;
	[tilespmem:$0x1C000] =	vst v63  }
0xa8: {  	_ =	swait.ge [sflag:s9], $0x4000  }
0xa9: {  	[sflag:s9] =	ssyncset.done $0x0  }
0xaa: {  	s4 =	rddreg [dreg:$0xd];
	[sflag:s9] =	ssyncadd.s32 $0xFFFFC000  }
0xab: {  	[hbm4b:s4+s2] =	stream.linear.scatter [tilespmem:s8], [sflag:$0xB], $0x4000, $0x38;
	[tilespmem:$0x1C000] =	vst v63  }
0xac: {  	s19 =	rddreg [dreg:$0xe]  }
0xad: {  	[tilespmem:s30], [sflag:$0x7] =	stream.linear.gather [hbm4b:s19+s2], $0x4000, $0x38;
	[tilespmem:$0x1C000] =	vst v63  }
0xae: {  	_ =	swait.ge [sflag:s7], $0x4000  }
0xaf: {  	[sflag:s7] =	ssyncset.done $0x0  }
0xb0: {  	s4 =	rddreg [dreg:$0xf];
	[sflag:s7] =	ssyncadd.s32 $0xFFFFC000  }
0xb1: {  	[hbm4b:s4+s2] =	stream.linear.scatter [tilespmem:s6], [sflag:$0xC], $0x4000, $0x38;
	[tilespmem:$0x1C000] =	vst v63  }
0xb2: {  	_ =	swait.ge [sflag:s29], $0x4000  }
0xb3: {  	[sflag:s29] =	ssyncset.done $0x0  }
0xb4: {  	s19 =	rddreg [dreg:$0x10];
	[sflag:s29] =	ssyncadd.s32 $0xFFFFC000  }
0xb5: {  	[tilespmem:s2], [sflag:$0x1] =	stream.linear.gather [hbm4b:s19+s2], $0x4000, $0x38;
	[tilespmem:$0x1C000] =	vst v63  }
0xb6: {  	_ =	swait.ge [sflag:s0], $0x4000  }
0xb7: {  	[sflag:s0] =	ssyncset.done $0x0  }
0xb8: {  	s4 =	rddreg [dreg:$0x11];
	[sflag:s0] =	ssyncadd.s32 $0xFFFFC000  }
0xb9: {  	[hbm4b:s4+s2] =	stream.linear.scatter [tilespmem:s31], [sflag:$0xD], $0x4000, $0x38;
	[tilespmem:$0x1C000] =	vst v63  }
0xba: {  	_ =	swait.ge [sflag:s1], $0x4000  }
0xbb: {  	[sflag:s1] =	ssyncset.done $0x0  }
0xbc: {  	s19 =	rddreg [dreg:$0x12];
	[sflag:s1] =	ssyncadd.s32 $0xFFFFC000  }
0xbd: {  	[tilespmem:s12], [sflag:$0x2] =	stream.linear.gather [hbm4b:s19+s2], $0x4000, $0x38;
	[tilespmem:$0x1C000] =	vst v63  }
0xbe: {  	_ =	swait.ge [sflag:s25], $0x4000  }
0xbf: {  	[sflag:s25] =	ssyncset.done $0x0  }
0xc0: {  	s4 =	rddreg [dreg:$0x13];
	[sflag:s25] =	ssyncadd.s32 $0xFFFFC000  }
0xc1: {  	[hbm4b:s4+s2] =	stream.linear.scatter [tilespmem:s30], [sflag:$0xE], $0x4000, $0x38;
	[tilespmem:$0x1C000] =	vst v63  }
0xc2: {  	_ =	swait.ge [sflag:s23], $0x4000  }
0xc3: {  	[sflag:s23] =	ssyncset.done $0x0  }
0xc4: {  	s19 =	rddreg [dreg:$0x14];
	[sflag:s23] =	ssyncadd.s32 $0xFFFFC000  }
0xc5: {  	[tilespmem:s10], [sflag:$0x3] =	stream.linear.gather [hbm4b:s19+s2], $0x4000, $0x38;
	[tilespmem:$0x1C000] =	vst v63  }
0xc6: {  	_ =	swait.ge [sflag:s24], $0x4000  }
0xc7: {  	[sflag:s24] =	ssyncset.done $0x0  }
0xc8: {  	s4 =	rddreg [dreg:$0x15];
	[sflag:s24] =	ssyncadd.s32 $0xFFFFC000  }
0xc9: {  	[hbm4b:s4+s2] =	stream.linear.scatter [tilespmem:s2], [sflag:$0x8], $0x4000, $0x38;
	[tilespmem:$0x1C000] =	vst v63  }
0xca: {  	_ =	swait.ge [sflag:s22], $0x4000  }
0xcb: {  	[sflag:s22] =	ssyncset.done $0x0  }
0xcc: {  	s19 =	rddreg [dreg:$0x16];
	[sflag:s22] =	ssyncadd.s32 $0xFFFFC000  }
0xcd: {  	[tilespmem:s8], [sflag:$0x4] =	stream.linear.gather [hbm4b:s19+s2], $0x4000, $0x38;
	[tilespmem:$0x1C000] =	vst v63  }
0xce: {  	_ =	swait.ge [sflag:s13], $0x4000  }
0xcf: {  	[sflag:s13] =	ssyncset.done $0x0  }
0xd0: {  	s4 =	rddreg [dreg:$0x17];
	[sflag:s13] =	ssyncadd.s32 $0xFFFFC000  }
0xd1: {  	[hbm4b:s4+s2] =	stream.linear.scatter [tilespmem:s12], [sflag:$0x9], $0x4000, $0x38;
	[tilespmem:$0x1C000] =	vst v63  }
0xd2: {  	_ =	swait.ge [sflag:s21], $0x4000  }
0xd3: {  	[sflag:s21] =	ssyncset.done $0x0  }
0xd4: {  	s19 =	rddreg [dreg:$0x18];
	[sflag:s21] =	ssyncadd.s32 $0xFFFFC000  }
0xd5: {  	[tilespmem:s6], [sflag:$0x5] =	stream.linear.gather [hbm4b:s19+s2], $0x4000, $0x38;
	[tilespmem:$0x1C000] =	vst v63  }
0xd6: {  	_ =	swait.ge [sflag:s11], $0x4000  }
0xd7: {  	[sflag:s11] =	ssyncset.done $0x0  }
0xd8: {  	s4 =	rddreg [dreg:$0x19];
	[sflag:s11] =	ssyncadd.s32 $0xFFFFC000  }
0xd9: {  	[hbm4b:s4+s2] =	stream.linear.scatter [tilespmem:s10], [sflag:$0xA], $0x4000, $0x38;
	[tilespmem:$0x1C000] =	vst v63  }
0xda: {  	_ =	swait.ge [sflag:s20], $0x4000  }
0xdb: {  	[sflag:s20] =	ssyncset.done $0x0  }
0xdc: {  	s19 =	rddreg [dreg:$0x1a];
	[sflag:s20] =	ssyncadd.s32 $0xFFFFC000  }
0xdd: {  	[tilespmem:s31], [sflag:$0x6] =	stream.linear.gather [hbm4b:s19+s2], $0x4000, $0x38;
	[tilespmem:$0x1C000] =	vst v63  }
0xde: {  	_ =	swait.ge [sflag:s9], $0x4000  }
0xdf: {  	[sflag:s9] =	ssyncset.done $0x0  }
0xe0: {  	s4 =	rddreg [dreg:$0x1b];
	[sflag:s9] =	ssyncadd.s32 $0xFFFFC000  }
0xe1: {  	[hbm4b:s4+s2] =	stream.linear.scatter [tilespmem:s8], [sflag:$0xB], $0x4000, $0x38;
	[tilespmem:$0x1C000] =	vst v63  }
0xe2: {  	_ =	swait.ge [sflag:s18], $0x4000  }
0xe3: {  	[sflag:s18] =	ssyncset.done $0x0  }
0xe4: {  	s19 =	rddreg [dreg:$0x1c];
	[sflag:s18] =	ssyncadd.s32 $0xFFFFC000  }
0xe5: {  	[tilespmem:s30], [sflag:$0x7] =	stream.linear.gather [hbm4b:s19+s2], $0x4000, $0x38;
	[tilespmem:$0x1C000] =	vst v63  }
0xe6: {  	_ =	swait.ge [sflag:s7], $0x4000  }
0xe7: {  	[sflag:s7] =	ssyncset.done $0x0  }
0xe8: {  	s4 =	rddreg [dreg:$0x1d];
	[sflag:s7] =	ssyncadd.s32 $0xFFFFC000  }
0xe9: {  	[hbm4b:s4+s2] =	stream.linear.scatter [tilespmem:s6], [sflag:$0xC], $0x4000, $0x38;
	[tilespmem:$0x1C000] =	vst v63  }
0xea: {  	_ =	swait.ge [sflag:s29], $0x4000  }
0xeb: {  	[sflag:s29] =	ssyncset.done $0x0  }
0xec: {  	s19 =	rddreg [dreg:$0x1e];
	[sflag:s29] =	ssyncadd.s32 $0xFFFFC000  }
0xed: {  	[tilespmem:s2], [sflag:$0x1] =	stream.linear.gather [hbm4b:s19+s2], $0x4000, $0x38;
	[tilespmem:$0x1C000] =	vst v63  }
0xee: {  	_ =	swait.ge [sflag:s0], $0x4000  }
0xef: {  	[sflag:s0] =	ssyncset.done $0x0  }
0xf0: {  	s4 =	rddreg [dreg:$0x1f];
	[sflag:s0] =	ssyncadd.s32 $0xFFFFC000  }
0xf1: {  	[hbm4b:s4+s2] =	stream.linear.scatter [tilespmem:s31], [sflag:$0xD], $0x4000, $0x38;
	[tilespmem:$0x1C000] =	vst v63  }
0xf2: {  	_ =	swait.ge [sflag:s1], $0x4000  }
0xf3: {  	s19 =	sld [smem:$0x798]  }
0xf4: {  	[sflag:s1] =	ssyncset.done $0x0  }
0xf5: {  	[sflag:s1] =	ssyncadd.s32 $0xFFFFC000  }
0xf6: {  	[tilespmem:s12], [sflag:$0x2] =	stream.linear.gather [hbm4b:s19+s2], $0x4000, $0x38;
	[tilespmem:$0x1C000] =	vst v63  }
0xf7: {  	_ =	swait.ge [sflag:s25], $0x4000  }
0xf8: {  	s4 =	sld [smem:$0x799]  }
0xf9: {  	[sflag:s25] =	ssyncset.done $0x0  }
0xfa: {  	[sflag:s25] =	ssyncadd.s32 $0xFFFFC000  }
0xfb: {  	[hbm4b:s4+s2] =	stream.linear.scatter [tilespmem:s30], [sflag:$0xE], $0x4000, $0x38;
	[tilespmem:$0x1C000] =	vst v63  }
0xfc: {  	_ =	swait.ge [sflag:s23], $0x4000  }
0xfd: {  	s19 =	sld [smem:$0x79A]  }
0xfe: {  	[sflag:s23] =	ssyncset.done $0x0  }
0xff: {  	[sflag:s23] =	ssyncadd.s32 $0xFFFFC000  }
0x100: {  	[tilespmem:s10], [sflag:$0x3] =	stream.linear.gather [hbm4b:s19+s2], $0x4000, $0x38;
	[tilespmem:$0x1C000] =	vst v63  }
0x101: {  	_ =	swait.ge [sflag:s24], $0x4000  }
0x102: {  	s4 =	sld [smem:$0x79B]  }
0x103: {  	[sflag:s24] =	ssyncset.done $0x0  }
0x104: {  	[sflag:s24] =	ssyncadd.s32 $0xFFFFC000  }
0x105: {  	[hbm4b:s4+s2] =	stream.linear.scatter [tilespmem:s2], [sflag:$0x8], $0x4000, $0x38;
	[tilespmem:$0x1C000] =	vst v63  }
0x106: {  	_ =	swait.ge [sflag:s22], $0x4000  }
0x107: {  	s19 =	sld [smem:$0x79C]  }
0x108: {  	[sflag:s22] =	ssyncset.done $0x0  }
0x109: {  	[sflag:s22] =	ssyncadd.s32 $0xFFFFC000  }
0x10a: {  	[tilespmem:s8], [sflag:$0x4] =	stream.linear.gather [hbm4b:s19+s2], $0x4000, $0x38;
	[tilespmem:$0x1C000] =	vst v63  }
0x10b: {  	_ =	swait.ge [sflag:s13], $0x4000  }
0x10c: {  	s4 =	sld [smem:$0x79D]  }
0x10d: {  	[sflag:s13] =	ssyncset.done $0x0  }
0x10e: {  	[sflag:s13] =	ssyncadd.s32 $0xFFFFC000  }
0x10f: {  	[hbm4b:s4+s2] =	stream.linear.scatter [tilespmem:s12], [sflag:$0x9], $0x4000, $0x38;
	[tilespmem:$0x1C000] =	vst v63  }
0x110: {  	_ =	swait.ge [sflag:s21], $0x4000  }
0x111: {  	s19 =	sld [smem:$0x79E]  }
0x112: {  	[sflag:s21] =	ssyncset.done $0x0  }
0x113: {  	[sflag:s21] =	ssyncadd.s32 $0xFFFFC000  }
0x114: {  	[tilespmem:s6], [sflag:$0x5] =	stream.linear.gather [hbm4b:s19+s2], $0x4000, $0x38;
	[tilespmem:$0x1C000] =	vst v63  }
0x115: {  	_ =	swait.ge [sflag:s11], $0x4000  }
0x116: {  	s4 =	sld [smem:$0x79F]  }
0x117: {  	[sflag:s11] =	ssyncset.done $0x0  }
0x118: {  	[sflag:s11] =	ssyncadd.s32 $0xFFFFC000  }
0x119: {  	[hbm4b:s4+s2] =	stream.linear.scatter [tilespmem:s10], [sflag:$0xA], $0x4000, $0x38;
	[tilespmem:$0x1C000] =	vst v63  }
0x11a: {  	_ =	swait.ge [sflag:s20], $0x4000  }
0x11b: {  	s19 =	sld [smem:$0x7A0]  }
0x11c: {  	[sflag:s20] =	ssyncset.done $0x0  }
0x11d: {  	[sflag:s20] =	ssyncadd.s32 $0xFFFFC000  }
0x11e: {  	[tilespmem:s31], [sflag:$0x6] =	stream.linear.gather [hbm4b:s19+s2], $0x4000, $0x38;
	[tilespmem:$0x1C000] =	vst v63  }
0x11f: {  	_ =	swait.ge [sflag:s9], $0x4000  }
0x120: {  	s4 =	sld [smem:$0x7A1]  }
0x121: {  	[sflag:s9] =	ssyncset.done $0x0  }
0x122: {  	[sflag:s9] =	ssyncadd.s32 $0xFFFFC000  }
0x123: {  	[hbm4b:s4+s2] =	stream.linear.scatter [tilespmem:s8], [sflag:$0xB], $0x4000, $0x38;
	[tilespmem:$0x1C000] =	vst v63  }
0x124: {  	_ =	swait.ge [sflag:s18], $0x4000  }
0x125: {  	s19 =	sld [smem:$0x7A2]  }
0x126: {  	[sflag:s18] =	ssyncset.done $0x0  }
0x127: {  	[sflag:s18] =	ssyncadd.s32 $0xFFFFC000  }
0x128: {  	[tilespmem:s30], [sflag:$0x7] =	stream.linear.gather [hbm4b:s19+s2], $0x4000, $0x38;
	[tilespmem:$0x1C000] =	vst v63  }
0x129: {  	_ =	swait.ge [sflag:s7], $0x4000  }
0x12a: {  	s4 =	sld [smem:$0x7A3]  }
0x12b: {  	[sflag:s7] =	ssyncset.done $0x0  }
0x12c: {  	[sflag:s7] =	ssyncadd.s32 $0xFFFFC000  }
0x12d: {  	[hbm4b:s4+s2] =	stream.linear.scatter [tilespmem:s6], [sflag:$0xC], $0x4000, $0x38;
	[tilespmem:$0x1C000] =	vst v63  }
0x12e: {  	_ =	swait.ge [sflag:s29], $0x4000  }
0x12f: {  	s19 =	sld [smem:$0x7A4]  }
0x130: {  	[sflag:s29] =	ssyncset.done $0x0  }
0x131: {  	[sflag:s29] =	ssyncadd.s32 $0xFFFFC000  }
0x132: {  	[tilespmem:s2], [sflag:$0x1] =	stream.linear.gather [hbm4b:s19+s2], $0x4000, $0x38;
	[tilespmem:$0x1C000] =	vst v63  }
0x133: {  	_ =	swait.ge [sflag:s0], $0x4000  }
0x134: {  	s4 =	sld [smem:$0x7A5]  }
0x135: {  	[sflag:s0] =	ssyncset.done $0x0  }
0x136: {  	[sflag:s0] =	ssyncadd.s32 $0xFFFFC000  }
0x137: {  	[hbm4b:s4+s2] =	stream.linear.scatter [tilespmem:s31], [sflag:$0xD], $0x4000, $0x38;
	[tilespmem:$0x1C000] =	vst v63  }
0x138: {  	_ =	swait.ge [sflag:s1], $0x4000  }
0x139: {  	s19 =	sld [smem:$0x7A6]  }
0x13a: {  	[sflag:s1] =	ssyncset.done $0x0  }
0x13b: {  	[sflag:s1] =	ssyncadd.s32 $0xFFFFC000  }
0x13c: {  	[tilespmem:s12], [sflag:$0x2] =	stream.linear.gather [hbm4b:s19+s2], $0x4000, $0x38;
	[tilespmem:$0x1C000] =	vst v63  }
0x13d: {  	_ =	swait.ge [sflag:s25], $0x4000  }
0x13e: {  	s4 =	sld [smem:$0x7A7]  }
0x13f: {  	[sflag:s25] =	ssyncset.done $0x0  }
0x140: {  	[sflag:s25] =	ssyncadd.s32 $0xFFFFC000  }
0x141: {  	[hbm4b:s4+s2] =	stream.linear.scatter [tilespmem:s30], [sflag:$0xE], $0x4000, $0x38;
	[tilespmem:$0x1C000] =	vst v63  }
0x142: {  	_ =	swait.ge [sflag:s23], $0x4000  }
0x143: {  	s19 =	sld [smem:$0x7A8]  }
0x144: {  	[sflag:s23] =	ssyncset.done $0x0  }
0x145: {  	[sflag:s23] =	ssyncadd.s32 $0xFFFFC000  }
0x146: {  	[tilespmem:s10], [sflag:$0x3] =	stream.linear.gather [hbm4b:s19+s2], $0x4000, $0x38;
	[tilespmem:$0x1C000] =	vst v63  }
0x147: {  	_ =	swait.ge [sflag:s24], $0x4000  }
0x148: {  	s4 =	sld [smem:$0x7A9]  }
0x149: {  	[sflag:s24] =	ssyncset.done $0x0  }
0x14a: {  	[sflag:s24] =	ssyncadd.s32 $0xFFFFC000  }
0x14b: {  	[hbm4b:s4+s2] =	stream.linear.scatter [tilespmem:s2], [sflag:$0x8], $0x4000, $0x38;
	[tilespmem:$0x1C000] =	vst v63  }
0x14c: {  	_ =	swait.ge [sflag:s22], $0x4000  }
0x14d: {  	s19 =	sld [smem:$0x7AA]  }
0x14e: {  	[sflag:s22] =	ssyncset.done $0x0  }
0x14f: {  	[sflag:s22] =	ssyncadd.s32 $0xFFFFC000  }
0x150: {  	[tilespmem:s8], [sflag:$0x4] =	stream.linear.gather [hbm4b:s19+s2], $0x4000, $0x38;
	[tilespmem:$0x1C000] =	vst v63  }
0x151: {  	_ =	swait.ge [sflag:s13], $0x4000  }
0x152: {  	s4 =	sld [smem:$0x7AB]  }
0x153: {  	[sflag:s13] =	ssyncset.done $0x0  }
0x154: {  	[sflag:s13] =	ssyncadd.s32 $0xFFFFC000  }
0x155: {  	[hbm4b:s4+s2] =	stream.linear.scatter [tilespmem:s12], [sflag:$0x9], $0x4000, $0x38;
	[tilespmem:$0x1C000] =	vst v63  }
0x156: {  	_ =	swait.ge [sflag:s21], $0x4000  }
0x157: {  	s19 =	sld [smem:$0x7AC]  }
0x158: {  	[sflag:s21] =	ssyncset.done $0x0  }
0x159: {  	[sflag:s21] =	ssyncadd.s32 $0xFFFFC000  }
0x15a: {  	[tilespmem:s6], [sflag:$0x5] =	stream.linear.gather [hbm4b:s19+s2], $0x4000, $0x38;
	[tilespmem:$0x1C000] =	vst v63  }
0x15b: {  	_ =	swait.ge [sflag:s11], $0x4000  }
0x15c: {  	s4 =	sld [smem:$0x7AD]  }
0x15d: {  	[sflag:s11] =	ssyncset.done $0x0  }
0x15e: {  	[sflag:s11] =	ssyncadd.s32 $0xFFFFC000  }
0x15f: {  	[hbm4b:s4+s2] =	stream.linear.scatter [tilespmem:s10], [sflag:$0xA], $0x4000, $0x38;
	[tilespmem:$0x1C000] =	vst v63  }
0x160: {  	_ =	swait.ge [sflag:s20], $0x4000  }
0x161: {  	s19 =	sld [smem:$0x7AE]  }
0x162: {  	[sflag:s20] =	ssyncset.done $0x0  }
0x163: {  	[sflag:s20] =	ssyncadd.s32 $0xFFFFC000  }
0x164: {  	[tilespmem:s31], [sflag:$0x6] =	stream.linear.gather [hbm4b:s19+s2], $0x4000, $0x38;
	[tilespmem:$0x1C000] =	vst v63  }
0x165: {  	_ =	swait.ge [sflag:s9], $0x4000  }
0x166: {  	s4 =	sld [smem:$0x7AF]  }
0x167: {  	[sflag:s9] =	ssyncset.done $0x0  }
0x168: {  	[sflag:s9] =	ssyncadd.s32 $0xFFFFC000  }
0x169: {  	[hbm4b:s4+s2] =	stream.linear.scatter [tilespmem:s8], [sflag:$0xB], $0x4000, $0x38;
	[tilespmem:$0x1C000] =	vst v63  }
0x16a: {  	_ =	swait.ge [sflag:s18], $0x4000  }
0x16b: {  	s19 =	sld [smem:$0x7B0]  }
0x16c: {  	[sflag:s18] =	ssyncset.done $0x0  }
0x16d: {  	[sflag:s18] =	ssyncadd.s32 $0xFFFFC000  }
0x16e: {  	[tilespmem:s30], [sflag:$0x7] =	stream.linear.gather [hbm4b:s19+s2], $0x4000, $0x38;
	[tilespmem:$0x1C000] =	vst v63  }
0x16f: {  	_ =	swait.ge [sflag:s7], $0x4000  }
0x170: {  	s4 =	sld [smem:$0x7B1]  }
0x171: {  	[sflag:s7] =	ssyncset.done $0x0  }
0x172: {  	[sflag:s7] =	ssyncadd.s32 $0xFFFFC000  }
0x173: {  	[hbm4b:s4+s2] =	stream.linear.scatter [tilespmem:s6], [sflag:$0xC], $0x4000, $0x38;
	[tilespmem:$0x1C000] =	vst v63  }
0x174: {  	_ =	swait.ge [sflag:s29], $0x4000  }
0x175: {  	s19 =	sld [smem:$0x7B2]  }
0x176: {  	[sflag:s29] =	ssyncset.done $0x0  }
0x177: {  	[sflag:s29] =	ssyncadd.s32 $0xFFFFC000  }
0x178: {  	[tilespmem:s2], [sflag:$0x1] =	stream.linear.gather [hbm4b:s19+s2], $0x4000, $0x38;
	[tilespmem:$0x1C000] =	vst v63  }
0x179: {  	_ =	swait.ge [sflag:s0], $0x4000  }
0x17a: {  	s4 =	sld [smem:$0x7B3]  }
0x17b: {  	[sflag:s0] =	ssyncset.done $0x0  }
0x17c: {  	[sflag:s0] =	ssyncadd.s32 $0xFFFFC000  }
0x17d: {  	[hbm4b:s4+s2] =	stream.linear.scatter [tilespmem:s31], [sflag:$0xD], $0x4000, $0x38;
	[tilespmem:$0x1C000] =	vst v63  }
0x17e: {  	_ =	swait.ge [sflag:s1], $0x4000  }
0x17f: {  	s19 =	sld [smem:$0x7B4]  }
0x180: {  	[sflag:s1] =	ssyncset.done $0x0  }
0x181: {  	[sflag:s1] =	ssyncadd.s32 $0xFFFFC000  }
0x182: {  	[tilespmem:s12], [sflag:$0x2] =	stream.linear.gather [hbm4b:s19+s2], $0x4000, $0x38;
	[tilespmem:$0x1C000] =	vst v63  }
0x183: {  	_ =	swait.ge [sflag:s25], $0x4000  }
0x184: {  	s4 =	sld [smem:$0x7B5]  }
0x185: {  	[sflag:s25] =	ssyncset.done $0x0  }
0x186: {  	[sflag:s25] =	ssyncadd.s32 $0xFFFFC000  }
0x187: {  	[hbm4b:s4+s2] =	stream.linear.scatter [tilespmem:s30], [sflag:$0xE], $0x4000, $0x38;
	[tilespmem:$0x1C000] =	vst v63  }
0x188: {  	_ =	swait.ge [sflag:s23], $0x4000  }
0x189: {  	s19 =	sld [smem:$0x7B6]  }
0x18a: {  	[sflag:s23] =	ssyncset.done $0x0  }
0x18b: {  	[sflag:s23] =	ssyncadd.s32 $0xFFFFC000  }
0x18c: {  	[tilespmem:s10], [sflag:$0x3] =	stream.linear.gather [hbm4b:s19+s2], $0x4000, $0x38;
	[tilespmem:$0x1C000] =	vst v63  }
0x18d: {  	_ =	swait.ge [sflag:s24], $0x4000  }
0x18e: {  	s4 =	sld [smem:$0x7B7]  }
0x18f: {  	[sflag:s24] =	ssyncset.done $0x0  }
0x190: {  	[sflag:s24] =	ssyncadd.s32 $0xFFFFC000  }
0x191: {  	[hbm4b:s4+s2] =	stream.linear.scatter [tilespmem:s2], [sflag:$0x8], $0x4000, $0x38;
	[tilespmem:$0x1C000] =	vst v63  }
0x192: {  	_ =	swait.ge [sflag:s22], $0x4000  }
0x193: {  	s19 =	sld [smem:$0x7B8]  }
0x194: {  	[sflag:s22] =	ssyncset.done $0x0  }
0x195: {  	[sflag:s22] =	ssyncadd.s32 $0xFFFFC000  }
0x196: {  	[tilespmem:s8], [sflag:$0x4] =	stream.linear.gather [hbm4b:s19+s2], $0x4000, $0x38;
	[tilespmem:$0x1C000] =	vst v63  }
0x197: {  	_ =	swait.ge [sflag:s13], $0x4000  }
0x198: {  	s4 =	sld [smem:$0x7B9]  }
0x199: {  	[sflag:s13] =	ssyncset.done $0x0  }
0x19a: {  	[sflag:s13] =	ssyncadd.s32 $0xFFFFC000  }
0x19b: {  	[hbm4b:s4+s2] =	stream.linear.scatter [tilespmem:s12], [sflag:$0x9], $0x4000, $0x38;
	[tilespmem:$0x1C000] =	vst v63  }
0x19c: {  	_ =	swait.ge [sflag:s21], $0x4000  }
0x19d: {  	s19 =	sld [smem:$0x7BA]  }
0x19e: {  	[sflag:s21] =	ssyncset.done $0x0  }
0x19f: {  	[sflag:s21] =	ssyncadd.s32 $0xFFFFC000  }
0x1a0: {  	[tilespmem:s6], [sflag:$0x5] =	stream.linear.gather [hbm4b:s19+s2], $0x4000, $0x38;
	[tilespmem:$0x1C000] =	vst v63  }
0x1a1: {  	_ =	swait.ge [sflag:s11], $0x4000  }
0x1a2: {  	s4 =	sld [smem:$0x7BB]  }
0x1a3: {  	[sflag:s11] =	ssyncset.done $0x0  }
0x1a4: {  	[sflag:s11] =	ssyncadd.s32 $0xFFFFC000  }
0x1a5: {  	[hbm4b:s4+s2] =	stream.linear.scatter [tilespmem:s10], [sflag:$0xA], $0x4000, $0x38;
	[tilespmem:$0x1C000] =	vst v63  }
0x1a6: {  	_ =	swait.ge [sflag:s20], $0x4000  }
0x1a7: {  	s19 =	sld [smem:$0x7BC]  }
0x1a8: {  	[sflag:s20] =	ssyncset.done $0x0  }
0x1a9: {  	[sflag:s20] =	ssyncadd.s32 $0xFFFFC000  }
0x1aa: {  	[tilespmem:s31], [sflag:$0x6] =	stream.linear.gather [hbm4b:s19+s2], $0x4000, $0x38;
	[tilespmem:$0x1C000] =	vst v63  }
0x1ab: {  	_ =	swait.ge [sflag:s9], $0x4000  }
0x1ac: {  	s4 =	sld [smem:$0x7BD]  }
0x1ad: {  	[sflag:s9] =	ssyncset.done $0x0  }
0x1ae: {  	[sflag:s9] =	ssyncadd.s32 $0xFFFFC000  }
0x1af: {  	[hbm4b:s4+s2] =	stream.linear.scatter [tilespmem:s8], [sflag:$0xB], $0x4000, $0x38;
	[tilespmem:$0x1C000] =	vst v63  }
0x1b0: {  	_ =	swait.ge [sflag:s18], $0x4000  }
0x1b1: {  	s19 =	sld [smem:$0x7BE]  }
0x1b2: {  	[sflag:s18] =	ssyncset.done $0x0  }
0x1b3: {  	[sflag:s18] =	ssyncadd.s32 $0xFFFFC000  }
0x1b4: {  	[tilespmem:s30], [sflag:$0x7] =	stream.linear.gather [hbm4b:s19+s2], $0x4000, $0x38;
	[tilespmem:$0x1C000] =	vst v63  }
0x1b5: {  	_ =	swait.ge [sflag:s7], $0x4000  }
0x1b6: {  	s4 =	sld [smem:$0x7BF]  }
0x1b7: {  	[sflag:s7] =	ssyncset.done $0x0  }
0x1b8: {  	[sflag:s7] =	ssyncadd.s32 $0xFFFFC000  }
0x1b9: {  	[hbm4b:s4+s2] =	stream.linear.scatter [tilespmem:s6], [sflag:$0xC], $0x4000, $0x38;
	[tilespmem:$0x1C000] =	vst v63  }
0x1ba: {  	_ =	swait.ge [sflag:s29], $0x4000  }
0x1bb: {  	s19 =	sld [smem:$0x7C0]  }
0x1bc: {  	[sflag:s29] =	ssyncset.done $0x0  }
0x1bd: {  	[sflag:s29] =	ssyncadd.s32 $0xFFFFC000  }
0x1be: {  	[tilespmem:s2], [sflag:$0x1] =	stream.linear.gather [hbm4b:s19+s2], $0x4000, $0x38;
	[tilespmem:$0x1C000] =	vst v63  }
0x1bf: {  	_ =	swait.ge [sflag:s0], $0x4000  }
0x1c0: {  	s4 =	sld [smem:$0x7C1]  }
0x1c1: {  	[sflag:s0] =	ssyncset.done $0x0  }
0x1c2: {  	[sflag:s0] =	ssyncadd.s32 $0xFFFFC000  }
0x1c3: {  	[hbm4b:s4+s2] =	stream.linear.scatter [tilespmem:s31], [sflag:$0xD], $0x4000, $0x38;
	[tilespmem:$0x1C000] =	vst v63  }
0x1c4: {  	_ =	swait.ge [sflag:s1], $0x4000  }
0x1c5: {  	s19 =	sld [smem:$0x7C2]  }
0x1c6: {  	[sflag:s1] =	ssyncset.done $0x0  }
0x1c7: {  	[sflag:s1] =	ssyncadd.s32 $0xFFFFC000  }
0x1c8: {  	[tilespmem:s12], [sflag:$0x2] =	stream.linear.gather [hbm4b:s19+s2], $0x4000, $0x38;
	[tilespmem:$0x1C000] =	vst v63  }
0x1c9: {  	_ =	swait.ge [sflag:s25], $0x4000  }
0x1ca: {  	s4 =	sld [smem:$0x7C3]  }
0x1cb: {  	[sflag:s25] =	ssyncset.done $0x0  }
0x1cc: {  	[sflag:s25] =	ssyncadd.s32 $0xFFFFC000  }
0x1cd: {  	[hbm4b:s4+s2] =	stream.linear.scatter [tilespmem:s30], [sflag:$0xE], $0x4000, $0x38;
	[tilespmem:$0x1C000] =	vst v63  }
0x1ce: {  	_ =	swait.ge [sflag:s23], $0x4000  }
0x1cf: {  	s19 =	sld [smem:$0x7C4]  }
0x1d0: {  	[sflag:s23] =	ssyncset.done $0x0  }
0x1d1: {  	[sflag:s23] =	ssyncadd.s32 $0xFFFFC000  }
0x1d2: {  	[tilespmem:s10], [sflag:$0x3] =	stream.linear.gather [hbm4b:s19+s2], $0x4000, $0x38;
	[tilespmem:$0x1C000] =	vst v63  }
0x1d3: {  	_ =	swait.ge [sflag:s24], $0x4000  }
0x1d4: {  	s4 =	sld [smem:$0x7C5]  }
0x1d5: {  	[sflag:s24] =	ssyncset.done $0x0  }
0x1d6: {  	[sflag:s24] =	ssyncadd.s32 $0xFFFFC000  }
0x1d7: {  	[hbm4b:s4+s2] =	stream.linear.scatter [tilespmem:s2], [sflag:$0x8], $0x4000, $0x38;
	[tilespmem:$0x1C000] =	vst v63  }
0x1d8: {  	_ =	swait.ge [sflag:s22], $0x4000  }
0x1d9: {  	s19 =	sld [smem:$0x7C6]  }
0x1da: {  	[sflag:s22] =	ssyncset.done $0x0  }
0x1db: {  	[sflag:s22] =	ssyncadd.s32 $0xFFFFC000  }
0x1dc: {  	[tilespmem:s8], [sflag:$0x4] =	stream.linear.gather [hbm4b:s19+s2], $0x4000, $0x38;
	[tilespmem:$0x1C000] =	vst v63  }
0x1dd: {  	_ =	swait.ge [sflag:s13], $0x4000  }
0x1de: {  	s4 =	sld [smem:$0x7C7]  }
0x1df: {  	[sflag:s13] =	ssyncset.done $0x0  }
0x1e0: {  	[sflag:s13] =	ssyncadd.s32 $0xFFFFC000  }
0x1e1: {  	[hbm4b:s4+s2] =	stream.linear.scatter [tilespmem:s12], [sflag:$0x9], $0x4000, $0x38;
	[tilespmem:$0x1C000] =	vst v63  }
0x1e2: {  	_ =	swait.ge [sflag:s21], $0x4000  }
0x1e3: {  	s19 =	sld [smem:$0x7C8]  }
0x1e4: {  	[sflag:s21] =	ssyncset.done $0x0  }
0x1e5: {  	[sflag:s21] =	ssyncadd.s32 $0xFFFFC000  }
0x1e6: {  	[tilespmem:s6], [sflag:$0x5] =	stream.linear.gather [hbm4b:s19+s2], $0x4000, $0x38;
	[tilespmem:$0x1C000] =	vst v63  }
0x1e7: {  	_ =	swait.ge [sflag:s11], $0x4000  }
0x1e8: {  	s4 =	sld [smem:$0x7C9]  }
0x1e9: {  	[sflag:s11] =	ssyncset.done $0x0  }
0x1ea: {  	[sflag:s11] =	ssyncadd.s32 $0xFFFFC000  }
0x1eb: {  	[hbm4b:s4+s2] =	stream.linear.scatter [tilespmem:s10], [sflag:$0xA], $0x4000, $0x38;
	[tilespmem:$0x1C000] =	vst v63  }
0x1ec: {  	_ =	swait.ge [sflag:s20], $0x4000  }
0x1ed: {  	s19 =	sld [smem:$0x7CA]  }
0x1ee: {  	[sflag:s20] =	ssyncset.done $0x0  }
0x1ef: {  	[sflag:s20] =	ssyncadd.s32 $0xFFFFC000  }
0x1f0: {  	[tilespmem:s31], [sflag:$0x6] =	stream.linear.gather [hbm4b:s19+s2], $0x4000, $0x38;
	[tilespmem:$0x1C000] =	vst v63  }
0x1f1: {  	_ =	swait.ge [sflag:s9], $0x4000  }
0x1f2: {  	s4 =	sld [smem:$0x7CB]  }
0x1f3: {  	[sflag:s9] =	ssyncset.done $0x0  }
0x1f4: {  	[sflag:s9] =	ssyncadd.s32 $0xFFFFC000  }
0x1f5: {  	[hbm4b:s4+s2] =	stream.linear.scatter [tilespmem:s8], [sflag:$0xB], $0x4000, $0x38;
	[tilespmem:$0x1C000] =	vst v63  }
0x1f6: {  	_ =	swait.ge [sflag:s18], $0x4000  }
0x1f7: {  	s19 =	sld [smem:$0x7CC]  }
0x1f8: {  	[sflag:s18] =	ssyncset.done $0x0  }
0x1f9: {  	[sflag:s18] =	ssyncadd.s32 $0xFFFFC000  }
0x1fa: {  	[tilespmem:s30], [sflag:$0x7] =	stream.linear.gather [hbm4b:s19+s2], $0x4000, $0x38;
	[tilespmem:$0x1C000] =	vst v63  }
0x1fb: {  	_ =	swait.ge [sflag:s7], $0x4000  }
0x1fc: {  	s4 =	sld [smem:$0x7CD]  }
0x1fd: {  	[sflag:s7] =	ssyncset.done $0x0  }
0x1fe: {  	[sflag:s7] =	ssyncadd.s32 $0xFFFFC000  }
0x1ff: {  	[hbm4b:s4+s2] =	stream.linear.scatter [tilespmem:s6], [sflag:$0xC], $0x4000, $0x38;
	[tilespmem:$0x1C000] =	vst v63  }
0x200: {  	_ =	swait.ge [sflag:s29], $0x4000  }
0x201: {  	s19 =	sld [smem:$0x7CE]  }
0x202: {  	[sflag:s29] =	ssyncset.done $0x0  }
0x203: {  	[sflag:s29] =	ssyncadd.s32 $0xFFFFC000  }
0x204: {  	[tilespmem:s2], [sflag:$0x1] =	stream.linear.gather [hbm4b:s19+s2], $0x4000, $0x38;
	[tilespmem:$0x1C000] =	vst v63  }
0x205: {  	_ =	swait.ge [sflag:s0], $0x4000  }
0x206: {  	s4 =	sld [smem:$0x7CF]  }
0x207: {  	[sflag:s0] =	ssyncset.done $0x0  }
0x208: {  	[sflag:s0] =	ssyncadd.s32 $0xFFFFC000  }
0x209: {  	[hbm4b:s4+s2] =	stream.linear.scatter [tilespmem:s31], [sflag:$0xD], $0x4000, $0x38;
	[tilespmem:$0x1C000] =	vst v63  }
0x20a: {  	_ =	swait.ge [sflag:s1], $0x4000  }
0x20b: {  	s19 =	sld [smem:$0x7D0]  }
0x20c: {  	[sflag:s1] =	ssyncset.done $0x0  }
0x20d: {  	[sflag:s1] =	ssyncadd.s32 $0xFFFFC000  }
0x20e: {  	[tilespmem:s12], [sflag:$0x2] =	stream.linear.gather [hbm4b:s19+s2], $0x4000, $0x38;
	[tilespmem:$0x1C000] =	vst v63  }
0x20f: {  	_ =	swait.ge [sflag:s25], $0x4000  }
0x210: {  	s4 =	sld [smem:$0x7D1]  }
0x211: {  	[sflag:s25] =	ssyncset.done $0x0  }
0x212: {  	[sflag:s25] =	ssyncadd.s32 $0xFFFFC000  }
0x213: {  	[hbm4b:s4+s2] =	stream.linear.scatter [tilespmem:s30], [sflag:$0xE], $0x4000, $0x38;
	[tilespmem:$0x1C000] =	vst v63  }
0x214: {  	_ =	swait.ge [sflag:s23], $0x4000  }
0x215: {  	s19 =	sld [smem:$0x7D2]  }
0x216: {  	[sflag:s23] =	ssyncset.done $0x0  }
0x217: {  	[sflag:s23] =	ssyncadd.s32 $0xFFFFC000  }
0x218: {  	[tilespmem:s10], [sflag:$0x3] =	stream.linear.gather [hbm4b:s19+s2], $0x4000, $0x38;
	[tilespmem:$0x1C000] =	vst v63  }
0x219: {  	_ =	swait.ge [sflag:s24], $0x4000  }
0x21a: {  	s4 =	sld [smem:$0x7D3]  }
0x21b: {  	[sflag:s24] =	ssyncset.done $0x0  }
0x21c: {  	[sflag:s24] =	ssyncadd.s32 $0xFFFFC000  }
0x21d: {  	[hbm4b:s4+s2] =	stream.linear.scatter [tilespmem:s2], [sflag:$0x8], $0x4000, $0x38;
	[tilespmem:$0x1C000] =	vst v63  }
0x21e: {  	_ =	swait.ge [sflag:s22], $0x4000  }
0x21f: {  	s19 =	sld [smem:$0x7D4]  }
0x220: {  	[sflag:s22] =	ssyncset.done $0x0  }
0x221: {  	[sflag:s22] =	ssyncadd.s32 $0xFFFFC000  }
0x222: {  	[tilespmem:s8], [sflag:$0x4] =	stream.linear.gather [hbm4b:s19+s2], $0x4000, $0x38;
	[tilespmem:$0x1C000] =	vst v63  }
0x223: {  	_ =	swait.ge [sflag:s13], $0x4000  }
0x224: {  	s4 =	sld [smem:$0x7D5]  }
0x225: {  	[sflag:s13] =	ssyncset.done $0x0  }
0x226: {  	[sflag:s13] =	ssyncadd.s32 $0xFFFFC000  }
0x227: {  	[hbm4b:s4+s2] =	stream.linear.scatter [tilespmem:s12], [sflag:$0x9], $0x4000, $0x38;
	[tilespmem:$0x1C000] =	vst v63  }
0x228: {  	_ =	swait.ge [sflag:s21], $0x4000  }
0x229: {  	s19 =	sld [smem:$0x7D6]  }
0x22a: {  	[sflag:s21] =	ssyncset.done $0x0  }
0x22b: {  	[sflag:s21] =	ssyncadd.s32 $0xFFFFC000  }
0x22c: {  	[tilespmem:s6], [sflag:$0x5] =	stream.linear.gather [hbm4b:s19+s2], $0x4000, $0x38;
	[tilespmem:$0x1C000] =	vst v63  }
0x22d: {  	_ =	swait.ge [sflag:s11], $0x4000  }
0x22e: {  	s4 =	sld [smem:$0x7D7]  }
0x22f: {  	[sflag:s11] =	ssyncset.done $0x0  }
0x230: {  	[sflag:s11] =	ssyncadd.s32 $0xFFFFC000  }
0x231: {  	[hbm4b:s4+s2] =	stream.linear.scatter [tilespmem:s10], [sflag:$0xA], $0x4000, $0x38;
	[tilespmem:$0x1C000] =	vst v63  }
0x232: {  	_ =	swait.ge [sflag:s20], $0x4000  }
0x233: {  	s19 =	sld [smem:$0x7D8]  }
0x234: {  	[sflag:s20] =	ssyncset.done $0x0  }
0x235: {  	[sflag:s20] =	ssyncadd.s32 $0xFFFFC000  }
0x236: {  	[tilespmem:s31], [sflag:$0x6] =	stream.linear.gather [hbm4b:s19+s2], $0x4000, $0x38;
	[tilespmem:$0x1C000] =	vst v63  }
0x237: {  	_ =	swait.ge [sflag:s9], $0x4000  }
0x238: {  	s4 =	sld [smem:$0x7D9]  }
0x239: {  	[sflag:s9] =	ssyncset.done $0x0  }
0x23a: {  	[sflag:s9] =	ssyncadd.s32 $0xFFFFC000  }
0x23b: {  	[hbm4b:s4+s2] =	stream.linear.scatter [tilespmem:s8], [sflag:$0xB], $0x4000, $0x38;
	[tilespmem:$0x1C000] =	vst v63  }
0x23c: {  	_ =	swait.ge [sflag:s18], $0x4000  }
0x23d: {  	s19 =	sld [smem:$0x7DA]  }
0x23e: {  	[sflag:s18] =	ssyncset.done $0x0  }
0x23f: {  	[sflag:s18] =	ssyncadd.s32 $0xFFFFC000  }
0x240: {  	[tilespmem:s30], [sflag:$0x7] =	stream.linear.gather [hbm4b:s19+s2], $0x4000, $0x38;
	[tilespmem:$0x1C000] =	vst v63  }
0x241: {  	_ =	swait.ge [sflag:s7], $0x4000  }
0x242: {  	s4 =	sld [smem:$0x7DB]  }
0x243: {  	[sflag:s7] =	ssyncset.done $0x0  }
0x244: {  	[sflag:s7] =	ssyncadd.s32 $0xFFFFC000  }
0x245: {  	[hbm4b:s4+s2] =	stream.linear.scatter [tilespmem:s6], [sflag:$0xC], $0x4000, $0x38;
	[tilespmem:$0x1C000] =	vst v63  }
0x246: {  	_ =	swait.ge [sflag:s29], $0x4000  }
0x247: {  	s19 =	sld [smem:$0x7DC]  }
0x248: {  	[sflag:s29] =	ssyncset.done $0x0  }
0x249: {  	[sflag:s29] =	ssyncadd.s32 $0xFFFFC000  }
0x24a: {  	[tilespmem:s2], [sflag:$0x1] =	stream.linear.gather [hbm4b:s19+s2], $0x4000, $0x38;
	[tilespmem:$0x1C000] =	vst v63  }
0x24b: {  	_ =	swait.ge [sflag:s0], $0x4000  }
0x24c: {  	s4 =	sld [smem:$0x7DD]  }
0x24d: {  	[sflag:s0] =	ssyncset.done $0x0  }
0x24e: {  	[sflag:s0] =	ssyncadd.s32 $0xFFFFC000  }
0x24f: {  	[hbm4b:s4+s2] =	stream.linear.scatter [tilespmem:s31], [sflag:$0xD], $0x4000, $0x38;
	[tilespmem:$0x1C000] =	vst v63  }
0x250: {  	_ =	swait.ge [sflag:s1], $0x4000  }
0x251: {  	s19 =	sld [smem:$0x7DE]  }
0x252: {  	[sflag:s1] =	ssyncset.done $0x0  }
0x253: {  	[sflag:s1] =	ssyncadd.s32 $0xFFFFC000  }
0x254: {  	[tilespmem:s12], [sflag:$0x2] =	stream.linear.gather [hbm4b:s19+s2], $0x4000, $0x38;
	[tilespmem:$0x1C000] =	vst v63  }
0x255: {  	_ =	swait.ge [sflag:s25], $0x4000  }
0x256: {  	s4 =	sld [smem:$0x7DF]  }
0x257: {  	[sflag:s25] =	ssyncset.done $0x0  }
0x258: {  	[sflag:s25] =	ssyncadd.s32 $0xFFFFC000  }
0x259: {  	[hbm4b:s4+s2] =	stream.linear.scatter [tilespmem:s30], [sflag:$0xE], $0x4000, $0x38;
	[tilespmem:$0x1C000] =	vst v63  }
0x25a: {  	_ =	swait.ge [sflag:s23], $0x4000  }
0x25b: {  	s19 =	sld [smem:$0x7E0]  }
0x25c: {  	[sflag:s23] =	ssyncset.done $0x0  }
0x25d: {  	[sflag:s23] =	ssyncadd.s32 $0xFFFFC000  }
0x25e: {  	[tilespmem:s10], [sflag:$0x3] =	stream.linear.gather [hbm4b:s19+s2], $0x4000, $0x38;
	[tilespmem:$0x1C000] =	vst v63  }
0x25f: {  	_ =	swait.ge [sflag:s24], $0x4000  }
0x260: {  	s4 =	sld [smem:$0x7E1]  }
0x261: {  	[sflag:s24] =	ssyncset.done $0x0  }
0x262: {  	[sflag:s24] =	ssyncadd.s32 $0xFFFFC000  }
0x263: {  	[hbm4b:s4+s2] =	stream.linear.scatter [tilespmem:s2], [sflag:$0x8], $0x4000, $0x38;
	[tilespmem:$0x1C000] =	vst v63  }
0x264: {  	_ =	swait.ge [sflag:s22], $0x4000  }
0x265: {  	s19 =	sld [smem:$0x7E2]  }
0x266: {  	[sflag:s22] =	ssyncset.done $0x0  }
0x267: {  	[sflag:s22] =	ssyncadd.s32 $0xFFFFC000  }
0x268: {  	[tilespmem:s8], [sflag:$0x4] =	stream.linear.gather [hbm4b:s19+s2], $0x4000, $0x38;
	[tilespmem:$0x1C000] =	vst v63  }
0x269: {  	_ =	swait.ge [sflag:s13], $0x4000  }
0x26a: {  	s4 =	sld [smem:$0x7E3]  }
0x26b: {  	[sflag:s13] =	ssyncset.done $0x0  }
0x26c: {  	[sflag:s13] =	ssyncadd.s32 $0xFFFFC000  }
0x26d: {  	[hbm4b:s4+s2] =	stream.linear.scatter [tilespmem:s12], [sflag:$0x9], $0x4000, $0x38;
	[tilespmem:$0x1C000] =	vst v63  }
0x26e: {  	_ =	swait.ge [sflag:s21], $0x4000  }
0x26f: {  	s19 =	sld [smem:$0x7E4]  }
0x270: {  	[sflag:s21] =	ssyncset.done $0x0  }
0x271: {  	[sflag:s21] =	ssyncadd.s32 $0xFFFFC000  }
0x272: {  	[tilespmem:s6], [sflag:$0x5] =	stream.linear.gather [hbm4b:s19+s2], $0x4000, $0x38;
	[tilespmem:$0x1C000] =	vst v63  }
0x273: {  	_ =	swait.ge [sflag:s11], $0x4000  }
0x274: {  	s4 =	sld [smem:$0x7E5]  }
0x275: {  	[sflag:s11] =	ssyncset.done $0x0  }
0x276: {  	[sflag:s11] =	ssyncadd.s32 $0xFFFFC000  }
0x277: {  	[hbm4b:s4+s2] =	stream.linear.scatter [tilespmem:s10], [sflag:$0xA], $0x4000, $0x38;
	[tilespmem:$0x1C000] =	vst v63  }
0x278: {  	_ =	swait.ge [sflag:s20], $0x4000  }
0x279: {  	s19 =	sld [smem:$0x7E6]  }
0x27a: {  	[sflag:s20] =	ssyncset.done $0x0  }
0x27b: {  	[sflag:s20] =	ssyncadd.s32 $0xFFFFC000  }
0x27c: {  	[tilespmem:s31], [sflag:$0x6] =	stream.linear.gather [hbm4b:s19+s2], $0x4000, $0x38;
	[tilespmem:$0x1C000] =	vst v63  }
0x27d: {  	_ =	swait.ge [sflag:s9], $0x4000  }
0x27e: {  	s4 =	sld [smem:$0x7E7]  }
0x27f: {  	[sflag:s9] =	ssyncset.done $0x0  }
0x280: {  	[sflag:s9] =	ssyncadd.s32 $0xFFFFC000  }
0x281: {  	[hbm4b:s4+s2] =	stream.linear.scatter [tilespmem:s8], [sflag:$0xB], $0x4000, $0x38;
	[tilespmem:$0x1C000] =	vst v63  }
0x282: {  	_ =	swait.ge [sflag:s18], $0x4000  }
0x283: {  	s19 =	sld [smem:$0x7E8]  }
0x284: {  	[sflag:s18] =	ssyncset.done $0x0  }
0x285: {  	[sflag:s18] =	ssyncadd.s32 $0xFFFFC000  }
0x286: {  	[tilespmem:s30], [sflag:$0x7] =	stream.linear.gather [hbm4b:s19+s2], $0x4000, $0x38;
	[tilespmem:$0x1C000] =	vst v63  }
0x287: {  	_ =	swait.ge [sflag:s7], $0x4000  }
0x288: {  	s4 =	sld [smem:$0x7E9]  }
0x289: {  	[sflag:s7] =	ssyncset.done $0x0  }
0x28a: {  	[sflag:s7] =	ssyncadd.s32 $0xFFFFC000  }
0x28b: {  	[hbm4b:s4+s2] =	stream.linear.scatter [tilespmem:s6], [sflag:$0xC], $0x4000, $0x38;
	[tilespmem:$0x1C000] =	vst v63  }
0x28c: {  	_ =	swait.ge [sflag:s29], $0x4000  }
0x28d: {  	s19 =	sld [smem:$0x7EA]  }
0x28e: {  	[sflag:s29] =	ssyncset.done $0x0  }
0x28f: {  	[sflag:s29] =	ssyncadd.s32 $0xFFFFC000  }
0x290: {  	[tilespmem:s2], [sflag:$0x1] =	stream.linear.gather [hbm4b:s19+s2], $0x4000, $0x38;
	[tilespmem:$0x1C000] =	vst v63  }
0x291: {  	_ =	swait.ge [sflag:s0], $0x4000  }
0x292: {  	s4 =	sld [smem:$0x7EB]  }
0x293: {  	[sflag:s0] =	ssyncset.done $0x0  }
0x294: {  	[sflag:s0] =	ssyncadd.s32 $0xFFFFC000  }
0x295: {  	[hbm4b:s4+s2] =	stream.linear.scatter [tilespmem:s31], [sflag:$0xD], $0x4000, $0x38;
	[tilespmem:$0x1C000] =	vst v63  }
0x296: {  	_ =	swait.ge [sflag:s1], $0x4000  }
0x297: {  	s19 =	sld [smem:$0x7EC]  }
0x298: {  	[sflag:s1] =	ssyncset.done $0x0  }
0x299: {  	[sflag:s1] =	ssyncadd.s32 $0xFFFFC000  }
0x29a: {  	[tilespmem:s12], [sflag:$0x2] =	stream.linear.gather [hbm4b:s19+s2], $0x4000, $0x38;
	[tilespmem:$0x1C000] =	vst v63  }
0x29b: {  	_ =	swait.ge [sflag:s25], $0x4000  }
0x29c: {  	s4 =	sld [smem:$0x7ED]  }
0x29d: {  	[sflag:s25] =	ssyncset.done $0x0  }
0x29e: {  	[sflag:s25] =	ssyncadd.s32 $0xFFFFC000  }
0x29f: {  	[hbm4b:s4+s2] =	stream.linear.scatter [tilespmem:s30], [sflag:$0xE], $0x4000, $0x38;
	[tilespmem:$0x1C000] =	vst v63  }
0x2a0: {  	_ =	swait.ge [sflag:s23], $0x4000  }
0x2a1: {  	s19 =	sld [smem:$0x7EE]  }
0x2a2: {  	[sflag:s23] =	ssyncset.done $0x0  }
0x2a3: {  	[sflag:s23] =	ssyncadd.s32 $0xFFFFC000  }
0x2a4: {  	[tilespmem:s10], [sflag:$0x3] =	stream.linear.gather [hbm4b:s19+s2], $0x4000, $0x38;
	[tilespmem:$0x1C000] =	vst v63  }
0x2a5: {  	_ =	swait.ge [sflag:s24], $0x4000  }
0x2a6: {  	s4 =	sld [smem:$0x7EF]  }
0x2a7: {  	[sflag:s24] =	ssyncset.done $0x0  }
0x2a8: {  	[sflag:s24] =	ssyncadd.s32 $0xFFFFC000  }
0x2a9: {  	[hbm4b:s4+s2] =	stream.linear.scatter [tilespmem:s2], [sflag:$0x8], $0x4000, $0x38;
	[tilespmem:$0x1C000] =	vst v63  }
0x2aa: {  	_ =	swait.ge [sflag:s22], $0x4000  }
0x2ab: {  	s19 =	sld [smem:$0x7F0]  }
0x2ac: {  	[sflag:s22] =	ssyncset.done $0x0  }
0x2ad: {  	[sflag:s22] =	ssyncadd.s32 $0xFFFFC000  }
0x2ae: {  	[tilespmem:s8], [sflag:$0x4] =	stream.linear.gather [hbm4b:s19+s2], $0x4000, $0x38;
	[tilespmem:$0x1C000] =	vst v63  }
0x2af: {  	_ =	swait.ge [sflag:s13], $0x4000  }
0x2b0: {  	s4 =	sld [smem:$0x7F1]  }
0x2b1: {  	[sflag:s13] =	ssyncset.done $0x0  }
0x2b2: {  	[sflag:s13] =	ssyncadd.s32 $0xFFFFC000  }
0x2b3: {  	[hbm4b:s4+s2] =	stream.linear.scatter [tilespmem:s12], [sflag:$0x9], $0x4000, $0x38;
	[tilespmem:$0x1C000] =	vst v63  }
0x2b4: {  	_ =	swait.ge [sflag:s21], $0x4000  }
0x2b5: {  	s19 =	sld [smem:$0x7F2]  }
0x2b6: {  	[sflag:s21] =	ssyncset.done $0x0  }
0x2b7: {  	[sflag:s21] =	ssyncadd.s32 $0xFFFFC000  }
0x2b8: {  	[tilespmem:s6], [sflag:$0x5] =	stream.linear.gather [hbm4b:s19+s2], $0x4000, $0x38;
	[tilespmem:$0x1C000] =	vst v63  }
0x2b9: {  	_ =	swait.ge [sflag:s11], $0x4000  }
0x2ba: {  	s4 =	sld [smem:$0x7F3]  }
0x2bb: {  	[sflag:s11] =	ssyncset.done $0x0  }
0x2bc: {  	[sflag:s11] =	ssyncadd.s32 $0xFFFFC000  }
0x2bd: {  	[hbm4b:s4+s2] =	stream.linear.scatter [tilespmem:s10], [sflag:$0xA], $0x4000, $0x38;
	[tilespmem:$0x1C000] =	vst v63  }
0x2be: {  	_ =	swait.ge [sflag:s20], $0x4000  }
0x2bf: {  	s12 =	sld [smem:$0x7F4]  }
0x2c0: {  	[sflag:s20] =	ssyncset.done $0x0  }
0x2c1: {  	[sflag:s20] =	ssyncadd.s32 $0xFFFFC000  }
0x2c2: {  	[tilespmem:s31], [sflag:$0x6] =	stream.linear.gather [hbm4b:s12+s2], $0x4000, $0x38;
	[tilespmem:$0x1C000] =	vst v63  }
0x2c3: {  	_ =	swait.ge [sflag:s9], $0x4000  }
0x2c4: {  	s19 =	sld [smem:$0x7F5]  }
0x2c5: {  	[sflag:s9] =	ssyncset.done $0x0  }
0x2c6: {  	[sflag:s9] =	ssyncadd.s32 $0xFFFFC000  }
0x2c7: {  	[hbm4b:s19+s2] =	stream.linear.scatter [tilespmem:s8], [sflag:$0xB], $0x4000, $0x38;
	[tilespmem:$0x1C000] =	vst v63  }
0x2c8: {  	_ =	swait.ge [sflag:s18], $0x4000  }
0x2c9: {  	s4 =	sld [smem:$0x7F6]  }
0x2ca: {  	[sflag:s18] =	ssyncset.done $0x0  }
0x2cb: {  	[sflag:s18] =	ssyncadd.s32 $0xFFFFC000  }
0x2cc: {  	[tilespmem:s30], [sflag:$0x7] =	stream.linear.gather [hbm4b:s4+s2], $0x4000, $0x38;
	[tilespmem:$0x1C000] =	vst v63  }
0x2cd: {  	_ =	swait.ge [sflag:s7], $0x4000  }
0x2ce: {  	s9 =	sld [smem:$0x7F7]  }
0x2cf: {  	[sflag:s7] =	ssyncset.done $0x0  }
0x2d0: {  	[sflag:s7] =	ssyncadd.s32 $0xFFFFC000  }
0x2d1: {  	[hbm4b:s9+s2] =	stream.linear.scatter [tilespmem:s6], [sflag:$0xC], $0x4000, $0x38;
	[tilespmem:$0x1C000] =	vst v63  }
0x2d2: {  	_ =	swait.ge [sflag:s29], $0x4000  }
0x2d3: {  	s10 =	sld [smem:$0x7F8]  }
0x2d4: {  	[sflag:s29] =	ssyncset.done $0x0  }
0x2d5: {  	[sflag:s29] =	ssyncadd.s32 $0xFFFFC000  }
0x2d6: {  	[tilespmem:s2], [sflag:$0x1] =	stream.linear.gather [hbm4b:s10+s2], $0x4000, $0x38;
	[tilespmem:$0x1C000] =	vst v63  }
0x2d7: {  	_ =	swait.ge [sflag:s0], $0x4000  }
0x2d8: {  	s12 =	sld [smem:$0x7F9]  }
0x2d9: {  	[sflag:s0] =	ssyncset.done $0x0  }
0x2da: {  	[sflag:s0] =	ssyncadd.s32 $0xFFFFC000  }
0x2db: {  	[hbm4b:s12+s2] =	stream.linear.scatter [tilespmem:s31], [sflag:$0xD], $0x4000, $0x38;
	[tilespmem:$0x1C000] =	vst v63  }
0x2dc: {  	_ =	swait.ge [sflag:s25], $0x4000  }
0x2dd: {  	s19 =	sld [smem:$0x7FA]  }
0x2de: {  	[sflag:s25] =	ssyncset.done $0x0  }
0x2df: {  	[sflag:s25] =	ssyncadd.s32 $0xFFFFC000  }
0x2e0: {  	[hbm4b:s19+s2] =	stream.linear.scatter [tilespmem:s30], [sflag:$0xE], $0x4000, $0x38;
	[tilespmem:$0x1C000] =	vst v63  }
0x2e1: {  	_ =	swait.ge [sflag:s24], $0x4000  }
0x2e2: {  	s0 =	sld [smem:$0x7FB]  }
0x2e3: {  	[sflag:s24] =	ssyncset.done $0x0  }
0x2e4: {  	[sflag:s24] =	ssyncadd.s32 $0xFFFFC000  }
0x2e5: {  	[hbm4b:s0+s2] =	stream.linear.scatter [tilespmem:s2], [sflag:$0x8], $0x4000, $0x38;
	[tilespmem:$0x1C000] =	vst v63  }
0x2e6: {  	_ =	swait.ge [sflag:s29], $0x4000  }
0x2e7: {  	[sflag:s29] =	ssyncset.done $0x0  }
0x2e8: {  	[sflag:s29] =	ssyncadd.s32 $0xFFFFC000  }
0x2e9: {  	_ =	swait.ge [sflag:s1], $0x4000  }
0x2ea: {  	[sflag:s1] =	ssyncset.done $0x0  }
0x2eb: {  	[sflag:s1] =	ssyncadd.s32 $0xFFFFC000  }
0x2ec: {  	_ =	swait.ge [sflag:s23], $0x4000  }
0x2ed: {  	[sflag:s23] =	ssyncset.done $0x0  }
0x2ee: {  	[sflag:s23] =	ssyncadd.s32 $0xFFFFC000  }
0x2ef: {  	_ =	swait.ge [sflag:s22], $0x4000  }
0x2f0: {  	[sflag:s22] =	ssyncset.done $0x0  }
0x2f1: {  	[sflag:s22] =	ssyncadd.s32 $0xFFFFC000  }
0x2f2: {  	_ =	swait.ge [sflag:s21], $0x4000  }
0x2f3: {  	[sflag:s21] =	ssyncset.done $0x0  }
0x2f4: {  	[sflag:s21] =	ssyncadd.s32 $0xFFFFC000  }
0x2f5: {  	_ =	swait.ge [sflag:s20], $0x4000  }
0x2f6: {  	[sflag:s20] =	ssyncset.done $0x0  }
0x2f7: {  	[sflag:s20] =	ssyncadd.s32 $0xFFFFC000  }
0x2f8: {  	_ =	swait.ge [sflag:s18], $0x4000  }
0x2f9: {  	s19 =	sld [smem:$0x7FD]  }
0x2fa: {  	[sflag:s18] =	ssyncset.done $0x0  }
0x2fb: {  	[sflag:s18] =	ssyncadd.s32 $0xFFFFC000  }
0x2fc: {  	[tilespmem:s2], [sflag:$0xF] =	stream.linear.gather [hbm4b:s19+s2], $0x200, $0x38;
	[tilespmem:$0x1C000] =	vst v63  }
0x2fd: {  	s7 =	sadd.s32 $0x80, s19  }
0x2fe: {  	s4 =	simm.s32 $0x400;
	s9 =	sadd.s32 $0x100, s19;
	[smem:$0x779] =	sst s7  }
0x2ff: {  	[tilespmem:s4], [sflag:$0xF] =	stream.linear.gather [hbm4b:s7+s2], $0x200, $0x38;
	[tilespmem:$0x1C000] =	vst v63  }
0x300: {  	s10 =	sadd.s32 $0x180, s19;
	[smem:$0x77A] =	sst s9  }
0x301: {  	[tilespmem:s14], [sflag:$0xF] =	stream.linear.gather [hbm4b:s9+s2], $0x200, $0x38;
	[tilespmem:$0x1C000] =	vst v63  }
0x302: {  	s12 =	sadd.s32 $0x200, s19;
	[smem:$0x77B] =	sst s10;
	s14 =	simm.s32 $0xC00  }
0x303: {  	[tilespmem:s14], [sflag:$0xF] =	stream.linear.gather [hbm4b:s10+s2], $0x200, $0x38;
	[tilespmem:$0x1C000] =	vst v63  }
0x304: {  	s18 =	sadd.s32 $0x280, s19;
	[smem:$0x77C] =	sst s12  }
0x305: {  	[tilespmem:s15], [sflag:$0xF] =	stream.linear.gather [hbm4b:s12+s2], $0x200, $0x38;
	[tilespmem:$0x1C000] =	vst v63  }
0x306: {  	s20 =	sadd.s32 $0x300, s19;
	[smem:$0x77D] =	sst s18;
	s15 =	simm.s32 $0x1400  }
0x307: {  	[tilespmem:s15], [sflag:$0xF] =	stream.linear.gather [hbm4b:s18+s2], $0x200, $0x38;
	[tilespmem:$0x1C000] =	vst v63  }
0x308: {  	s21 =	sadd.s32 $0x380, s19;
	[smem:$0x77E] =	sst s20  }
0x309: {  	[tilespmem:s16], [sflag:$0xF] =	stream.linear.gather [hbm4b:s20+s2], $0x200, $0x38;
	[tilespmem:$0x1C000] =	vst v63  }
0x30a: {  	s22 =	sadd.s32 $0x400, s19;
	[smem:$0x77F] =	sst s21;
	s16 =	simm.s32 $0x1C00  }
0x30b: {  	[tilespmem:s16], [sflag:$0xF] =	stream.linear.gather [hbm4b:s21+s2], $0x200, $0x38;
	[tilespmem:$0x1C000] =	vst v63  }
0x30c: {  	s23 =	sadd.s32 $0x480, s19;
	[smem:$0x780] =	sst s22  }
0x30d: {  	[tilespmem:s17], [sflag:$0xF] =	stream.linear.gather [hbm4b:s22+s2], $0x200, $0x38;
	[tilespmem:$0x1C000] =	vst v63  }
0x30e: {  	s25 =	simm.s32 $0x2400;
	s0 =	sadd.s32 $0x500, s19;
	[smem:$0x781] =	sst s23  }
0x30f: {  	[tilespmem:s25], [sflag:$0xF] =	stream.linear.gather [hbm4b:s23+s2], $0x200, $0x38;
	[tilespmem:$0x1C000] =	vst v63  }
0x310: {  	s1 =	simm.s32 $0x2800;
	[smem:$0x782] =	sst s0;
	s4 =	sadd.s32 $0x580, s19  }
0x311: {  	[tilespmem:s1], [sflag:$0xF] =	stream.linear.gather [hbm4b:s0+s2], $0x200, $0x38;
	[tilespmem:$0x1C000] =	vst v63  }
0x312: {  	[smem:$0x783] =	sst s4;
	s20 =	simm.s32 $0x2C00;
	s22 =	sadd.s32 $0x600, s19  }
0x313: {  	[tilespmem:s20], [sflag:$0xF] =	stream.linear.gather [hbm4b:s4+s2], $0x200, $0x38;
	[tilespmem:$0x1C000] =	vst v63  }
0x314: {  	s3 =	simm.s32 $0x3000;
	[smem:$0x784] =	sst s22;
	s4 =	sadd.s32 $0x680, s19  }
0x315: {  	[tilespmem:s3], [sflag:$0xF] =	stream.linear.gather [hbm4b:s22+s2], $0x200, $0x38;
	[tilespmem:$0x1C000] =	vst v63  }
0x316: {  	s18 =	simm.s32 $0x3400;
	s20 =	sadd.s32 $0x780, s19;
	[smem:$0x785] =	sst s4  }
0x317: {  	[tilespmem:s18], [sflag:$0xF] =	stream.linear.gather [hbm4b:s4+s2], $0x200, $0x38;
	[tilespmem:$0x1C000] =	vst v63  }
0x318: {  	[smem:$0x787] =	sst s20;
	s18 =	sadd.s32 $0x700, s19  }
0x319: {  	[tilespmem:s26], [sflag:$0xF] =	stream.linear.gather [hbm4b:s18+s2], $0x200, $0x38;
	[tilespmem:$0x1C000] =	vst v63  }
0x31a: {  	[smem:$0x786] =	sst s18;
	s18 =	simm.s32 $0x3C00  }
0x31b: {  	[tilespmem:s18], [sflag:$0xF] =	stream.linear.gather [hbm4b:s20+s2], $0x200, $0x38;
	[tilespmem:$0x1C000] =	vst v63  }
0x31c: {  	_ =	swait.ge [sflag:s5], $0x2000  }
0x31d: {  	s20 =	sld [smem:$0x7FC]  }
0x31e: {  	[sflag:s5] =	ssyncset.done $0x0  }
0x31f: {  	[sflag:s5] =	ssyncadd.s32 $0xFFFFE000  }
0x320: {  	[hbm4b:s20+s2] =	stream.linear.scatter [tilespmem:s2], [sflag:$0xF], $0x200, $0x38;
	[tilespmem:$0x1C000] =	vst v63  }
0x321: {  	s19 =	simm.s32 $0x400;
	s4 =	sadd.s32 $0x80, s20  }
0x322: {  	[hbm4b:s4+s2] =	stream.linear.scatter [tilespmem:s19], [sflag:$0xF], $0x200, $0x38;
	[tilespmem:$0x1C000] =	vst v63  }
0x323: {  	s10 =	sadd.s32 $0x100, s20;
	[smem:$0x788] =	sst s4;
	s4 =	simm.s32 $0x800  }
0x324: {  	[hbm4b:s10+s2] =	stream.linear.scatter [tilespmem:s4], [sflag:$0xF], $0x200, $0x38;
	[tilespmem:$0x1C000] =	vst v63  }
0x325: {  	s28 =	simm.s32 $0xA;
	p0 =	por $0x1, $0x1;
	s4 =	sadd.s32 $0x180, s20  }
0x326: {  	[hbm4b:s4+s2] =	stream.linear.scatter [tilespmem:s14], [sflag:$0xF], $0x200, $0x38;
	[tilespmem:$0x1C000] =	vst v63  }
0x327: {  	[smem:$0x78A] =	sst s4;
	s4 =	sadd.s32 $0x200, s20;
	s14 =	simm.s32 $0x1000  }
0x328: {  	[hbm4b:s4+s2] =	stream.linear.scatter [tilespmem:s14], [sflag:$0xF], $0x200, $0x38;
	[tilespmem:$0x1C000] =	vst v63  }
0x329: {  	s7 =	simm.s32 $0x6;
	[smem:$0x78B] =	sst s4;
	s4 =	sadd.s32 $0x280, s20  }
0x32a: {  	s9 =	simm.s32 $0x5;
	s14 =	sadd.s32 $0x300, s20;
	[smem:$0x78C] =	sst s4  }
0x32b: {  	[hbm4b:s4+s2] =	stream.linear.scatter [tilespmem:s15], [sflag:$0xF], $0x200, $0x38;
	[tilespmem:$0x1C000] =	vst v63  }
0x32c: {  	[smem:$0x78D] =	sst s14;
	s15 =	simm.s32 $0x1800;
	s4 =	sadd.s32 $0x380, s20  }
0x32d: {  	[hbm4b:s14+s2] =	stream.linear.scatter [tilespmem:s15], [sflag:$0xF], $0x200, $0x38;
	[tilespmem:$0x1C000] =	vst v63  }
0x32e: {  	s12 =	simm.s32 $0x8000;
	[smem:$0x78E] =	sst s4;
	s14 =	sadd.s32 $0x400, s20  }
0x32f: {  	[hbm4b:s4+s2] =	stream.linear.scatter [tilespmem:s16], [sflag:$0xF], $0x200, $0x38;
	[tilespmem:$0x1C000] =	vst v63  }
0x330: {  	s15 =	simm.s32 $0x2000;
	[smem:$0x78F] =	sst s14;
	s16 =	sadd.s32 $0x480, s20  }
0x331: {  	[hbm4b:s14+s2] =	stream.linear.scatter [tilespmem:s15], [sflag:$0xF], $0x200, $0x38;
	[tilespmem:$0x1C000] =	vst v63  }
0x332: {  	s4 =	simm.s32 $0x2400;
	[smem:$0x790] =	sst s16;
	s15 =	sadd.s32 $0x500, s20  }
0x333: {  	[hbm4b:s16+s2] =	stream.linear.scatter [tilespmem:s4], [sflag:$0xF], $0x200, $0x38;
	[tilespmem:$0x1C000] =	vst v63  }
0x334: {  	s14 =	sadd.s32 $0x580, s20;
	[smem:$0x791] =	sst s15;
	s16 =	simm.s32 $0x2800  }
0x335: {  	[hbm4b:s15+s2] =	stream.linear.scatter [tilespmem:s16], [sflag:$0xF], $0x200, $0x38;
	[tilespmem:$0x1C000] =	vst v63  }
0x336: {  	[smem:$0x792] =	sst s14;
	s15 =	simm.s32 $0x2C00;
	s16 =	sadd.s32 $0x600, s20  }
0x337: {  	[hbm4b:s14+s2] =	stream.linear.scatter [tilespmem:s15], [sflag:$0xF], $0x200, $0x38;
	[tilespmem:$0x1C000] =	vst v63  }
0x338: {  	s21 =	simm.s32 $0x4000;
	s4 =	sadd.s32 $0x680, s20;
	[smem:$0x793] =	sst s16  }
0x339: {  	[hbm4b:s16+s2] =	stream.linear.scatter [tilespmem:s3], [sflag:$0xF], $0x200, $0x38;
	[tilespmem:$0x1C000] =	vst v63  }
0x33a: {  	s14 =	sadd.s32 $0x700, s20;
	s16 =	sadd.s32 $0x780, s20;
	s20 =	sld [smem:$0x797]  }
0x33b: {  	s17 =	simm.s32 $0x4;
	[smem:$0x789] =	sst s10;
	s10 =	simm.s32 $0x3400  }
0x33c: {  	[hbm4b:s4+s2] =	stream.linear.scatter [tilespmem:s10], [sflag:$0xF], $0x200, $0x38;
	[tilespmem:$0x1C000] =	vst v63  }
0x33d: {  	[smem:$0x794] =	sst s4;
	s15 =	simm.s32 $0x3800;
	p1 =	sne.s32 s20, $0x1  }
0x33e: {  	[hbm4b:s14+s2] =	stream.linear.scatter [tilespmem:s15], [sflag:$0xF], $0x200, $0x38;
	[tilespmem:$0x1C000] =	vst v63  }
.Ltmp1:
0x33f: {  	s23 =	simm.s32 $0xD;
	[smem:$0x795] =	sst s14;
	(pc) =	sbr.rel @!p1 .LBB2_6-.Ltmp1, $4  }
0x340: {  	s25 =	simm.s32 $0xC;
	s1 =	simm.s32 $0x9;
	[smem:$0x796] =	sst s16  }
0x341: {  	[hbm4b:s16+s2] =	stream.linear.scatter [tilespmem:s18], [sflag:$0xF], $0x200, $0x38;
	[tilespmem:$0x1C000] =	vst v63  }
0x342: {  	s0 =	simm.s32 $0x7;
	s22 =	simm.s32 $0xE;
	_ =	swait.ge [sflag:s5], $0x2000  }
0x343: {  	s26 =	simm.s32 $0xB;
	s3 =	sadd.s32 $0xFFFFFFFF, s20;
	[sflag:s5] =	ssyncset.done $0x0  }
0x344: {  	s16 =	simm.s32 $0x1400;
	s15 =	simm.s32 $0x1C00;
	s14 =	simm.s32 $0x2800  }
.LBB2_3:
0x345: {  	s18 =	rddreg [dreg:$0x4]  }
0x346: {  	[sflag:s5] =	ssyncadd.s32 $0xFFFFE000;
	s19 =	rddreg [dreg:$0x5]  }
0x347: {  	[tilespmem:s2], [sflag:$0x1] =	stream.linear.gather [hbm4b:s18+s2], $0x4000, $0x38;
	[tilespmem:$0x1C000] =	vst v63  }
0x348: {  	s10 =	rddreg [dreg:$0x6];
	s5 =	sadd.s32 $0xFFFFFFFF, s3  }
0x349: {  	[tilespmem:s21], [sflag:$0x2] =	stream.linear.gather [hbm4b:s19+s2], $0x4000, $0x38;
	[tilespmem:$0x1C000] =	vst v63  }
0x34a: {  	[smem:$0x778] =	sst s5  }
0x34b: {  	[tilespmem:s12], [sflag:$0x3] =	stream.linear.gather [hbm4b:s10+s2], $0x4000, $0x38;
	[tilespmem:$0x1C000] =	vst v63  }
0x34c: {  	_ =	swait.ge [sflag:s24], $0x4000  }
0x34d: {  	[sflag:s24] =	ssyncset.done $0x0  }
0x34e: {  	s20 =	rddreg [dreg:$0x7];
	[sflag:s24] =	ssyncadd.s32 $0xFFFFC000  }
0x34f: {  	[hbm4b:s20+s2] =	stream.linear.scatter [tilespmem:s2], [sflag:$0x8], $0x4000, $0x38;
	[tilespmem:$0x1C000] =	vst v63  }
0x350: {  	p1 =	sne.s32 s3, $0x1;
	s3 =	rddreg [dreg:$0x8]  }
0x351: {  	[tilespmem:s8], [sflag:$0x4] =	stream.linear.gather [hbm4b:s3+s2], $0x4000, $0x38;
	[tilespmem:$0x1C000] =	vst v63  }
0x352: {  	_ =	swait.ge [sflag:s13], $0x4000  }
0x353: {  	[sflag:s13] =	ssyncset.done $0x0  }
0x354: {  	s5 =	rddreg [dreg:$0x9];
	[sflag:s13] =	ssyncadd.s32 $0xFFFFC000  }
0x355: {  	[hbm4b:s5+s2] =	stream.linear.scatter [tilespmem:s21], [sflag:$0x9], $0x4000, $0x38;
	[tilespmem:$0x1C000] =	vst v63  }
0x356: {  	s10 =	rddreg [dreg:$0xa]  }
0x357: {  	[tilespmem:s6], [sflag:$0x5] =	stream.linear.gather [hbm4b:s10+s2], $0x4000, $0x38;
	[tilespmem:$0x1C000] =	vst v63  }
0x358: {  	_ =	swait.ge [sflag:s11], $0x4000  }
0x359: {  	[sflag:s11] =	ssyncset.done $0x0  }
0x35a: {  	s20 =	rddreg [dreg:$0xb];
	[sflag:s11] =	ssyncadd.s32 $0xFFFFC000  }
0x35b: {  	[hbm4b:s20+s2] =	stream.linear.scatter [tilespmem:s12], [sflag:$0xA], $0x4000, $0x38;
	[tilespmem:$0x1C000] =	vst v63  }
0x35c: {  	s3 =	rddreg [dreg:$0xc]  }
0x35d: {  	[tilespmem:s31], [sflag:$0x6] =	stream.linear.gather [hbm4b:s3+s2], $0x4000, $0x38;
	[tilespmem:$0x1C000] =	vst v63  }
0x35e: {  	_ =	swait.ge [sflag:s17], $0x4000  }
0x35f: {  	[sflag:s17] =	ssyncset.done $0x0  }
0x360: {  	s5 =	rddreg [dreg:$0xd];
	[sflag:s17] =	ssyncadd.s32 $0xFFFFC000  }
0x361: {  	[hbm4b:s5+s2] =	stream.linear.scatter [tilespmem:s8], [sflag:$0xB], $0x4000, $0x38;
	[tilespmem:$0x1C000] =	vst v63  }
0x362: {  	s10 =	rddreg [dreg:$0xe]  }
0x363: {  	[tilespmem:s30], [sflag:$0x7] =	stream.linear.gather [hbm4b:s10+s2], $0x4000, $0x38;
	[tilespmem:$0x1C000] =	vst v63  }
0x364: {  	s3 =	sld [smem:$0x7FD];
	_ =	swait.ge [sflag:s9], $0x4000  }
0x365: {  	[sflag:s9] =	ssyncset.done $0x0  }
0x366: {  	s20 =	rddreg [dreg:$0xf];
	[sflag:s9] =	ssyncadd.s32 $0xFFFFC000  }
0x367: {  	[hbm4b:s20+s2] =	stream.linear.scatter [tilespmem:s6], [sflag:$0xC], $0x4000, $0x38;
	[tilespmem:$0x1C000] =	vst v63  }
0x368: {  	_ =	swait.ge [sflag:s29], $0x4000  }
0x369: {  	[sflag:s29] =	ssyncset.done $0x0  }
0x36a: {  	s5 =	rddreg [dreg:$0x10];
	[sflag:s29] =	ssyncadd.s32 $0xFFFFC000  }
0x36b: {  	[tilespmem:s2], [sflag:$0x1] =	stream.linear.gather [hbm4b:s5+s2], $0x4000, $0x38;
	[tilespmem:$0x1C000] =	vst v63  }
0x36c: {  	_ =	swait.ge [sflag:s7], $0x4000  }
0x36d: {  	[sflag:s7] =	ssyncset.done $0x0  }
0x36e: {  	s10 =	rddreg [dreg:$0x11];
	[sflag:s7] =	ssyncadd.s32 $0xFFFFC000  }
0x36f: {  	[hbm4b:s10+s2] =	stream.linear.scatter [tilespmem:s31], [sflag:$0xD], $0x4000, $0x38;
	[tilespmem:$0x1C000] =	vst v63  }
0x370: {  	_ =	swait.ge [sflag:s1], $0x4000  }
0x371: {  	[sflag:s1] =	ssyncset.done $0x0  }
0x372: {  	s19 =	rddreg [dreg:$0x12];
	[sflag:s1] =	ssyncadd.s32 $0xFFFFC000  }
0x373: {  	[tilespmem:s21], [sflag:$0x2] =	stream.linear.gather [hbm4b:s19+s2], $0x4000, $0x38;
	[tilespmem:$0x1C000] =	vst v63  }
0x374: {  	_ =	swait.ge [sflag:s0], $0x4000  }
0x375: {  	[sflag:s0] =	ssyncset.done $0x0  }
0x376: {  	s20 =	rddreg [dreg:$0x13];
	[sflag:s0] =	ssyncadd.s32 $0xFFFFC000  }
0x377: {  	[hbm4b:s20+s2] =	stream.linear.scatter [tilespmem:s30], [sflag:$0xE], $0x4000, $0x38;
	[tilespmem:$0x1C000] =	vst v63  }
0x378: {  	_ =	swait.ge [sflag:s28], $0x4000  }
0x379: {  	[sflag:s28] =	ssyncset.done $0x0  }
0x37a: {  	s5 =	rddreg [dreg:$0x14];
	[sflag:s28] =	ssyncadd.s32 $0xFFFFC000  }
0x37b: {  	[tilespmem:s12], [sflag:$0x3] =	stream.linear.gather [hbm4b:s5+s2], $0x4000, $0x38;
	[tilespmem:$0x1C000] =	vst v63  }
0x37c: {  	_ =	swait.ge [sflag:s24], $0x4000  }
0x37d: {  	[sflag:s24] =	ssyncset.done $0x0  }
0x37e: {  	s10 =	rddreg [dreg:$0x15];
	[sflag:s24] =	ssyncadd.s32 $0xFFFFC000  }
0x37f: {  	[hbm4b:s10+s2] =	stream.linear.scatter [tilespmem:s2], [sflag:$0x8], $0x4000, $0x38;
	[tilespmem:$0x1C000] =	vst v63  }
0x380: {  	_ =	swait.ge [sflag:s26], $0x4000  }
0x381: {  	[sflag:s26] =	ssyncset.done $0x0  }
0x382: {  	s19 =	rddreg [dreg:$0x16];
	[sflag:s26] =	ssyncadd.s32 $0xFFFFC000  }
0x383: {  	[tilespmem:s8], [sflag:$0x4] =	stream.linear.gather [hbm4b:s19+s2], $0x4000, $0x38;
	[tilespmem:$0x1C000] =	vst v63  }
0x384: {  	_ =	swait.ge [sflag:s13], $0x4000  }
0x385: {  	[sflag:s13] =	ssyncset.done $0x0  }
0x386: {  	s20 =	rddreg [dreg:$0x17];
	[sflag:s13] =	ssyncadd.s32 $0xFFFFC000  }
0x387: {  	[hbm4b:s20+s2] =	stream.linear.scatter [tilespmem:s21], [sflag:$0x9], $0x4000, $0x38;
	[tilespmem:$0x1C000] =	vst v63  }
0x388: {  	_ =	swait.ge [sflag:s25], $0x4000  }
0x389: {  	[sflag:s25] =	ssyncset.done $0x0  }
0x38a: {  	s5 =	rddreg [dreg:$0x18];
	[sflag:s25] =	ssyncadd.s32 $0xFFFFC000  }
0x38b: {  	[tilespmem:s6], [sflag:$0x5] =	stream.linear.gather [hbm4b:s5+s2], $0x4000, $0x38;
	[tilespmem:$0x1C000] =	vst v63  }
0x38c: {  	_ =	swait.ge [sflag:s11], $0x4000  }
0x38d: {  	[sflag:s11] =	ssyncset.done $0x0  }
0x38e: {  	s10 =	rddreg [dreg:$0x19];
	[sflag:s11] =	ssyncadd.s32 $0xFFFFC000  }
0x38f: {  	[hbm4b:s10+s2] =	stream.linear.scatter [tilespmem:s12], [sflag:$0xA], $0x4000, $0x38;
	[tilespmem:$0x1C000] =	vst v63  }
0x390: {  	_ =	swait.ge [sflag:s23], $0x4000  }
0x391: {  	[sflag:s23] =	ssyncset.done $0x0  }
0x392: {  	s19 =	rddreg [dreg:$0x1a];
	[sflag:s23] =	ssyncadd.s32 $0xFFFFC000  }
0x393: {  	[tilespmem:s31], [sflag:$0x6] =	stream.linear.gather [hbm4b:s19+s2], $0x4000, $0x38;
	[tilespmem:$0x1C000] =	vst v63  }
0x394: {  	_ =	swait.ge [sflag:s17], $0x4000  }
0x395: {  	s20 =	rddreg [dreg:$0x1b];
	[sflag:s17] =	ssyncset.done $0x0  }
0x396: {  	[sflag:s17] =	ssyncadd.s32 $0xFFFFC000  }
0x397: {  	[hbm4b:s20+s2] =	stream.linear.scatter [tilespmem:s8], [sflag:$0xB], $0x4000, $0x38;
	[tilespmem:$0x1C000] =	vst v63  }
0x398: {  	_ =	swait.ge [sflag:s22], $0x4000  }
0x399: {  	[sflag:s22] =	ssyncset.done $0x0  }
0x39a: {  	s5 =	rddreg [dreg:$0x1c];
	[sflag:s22] =	ssyncadd.s32 $0xFFFFC000  }
0x39b: {  	[tilespmem:s30], [sflag:$0x7] =	stream.linear.gather [hbm4b:s5+s2], $0x4000, $0x38;
	[tilespmem:$0x1C000] =	vst v63  }
0x39c: {  	_ =	swait.ge [sflag:s9], $0x4000  }
0x39d: {  	[sflag:s9] =	ssyncset.done $0x0  }
0x39e: {  	s10 =	rddreg [dreg:$0x1d];
	[sflag:s9] =	ssyncadd.s32 $0xFFFFC000  }
0x39f: {  	[hbm4b:s10+s2] =	stream.linear.scatter [tilespmem:s6], [sflag:$0xC], $0x4000, $0x38;
	[tilespmem:$0x1C000] =	vst v63  }
0x3a0: {  	_ =	swait.ge [sflag:s29], $0x4000  }
0x3a1: {  	[sflag:s29] =	ssyncset.done $0x0  }
0x3a2: {  	s19 =	rddreg [dreg:$0x1e];
	[sflag:s29] =	ssyncadd.s32 $0xFFFFC000  }
0x3a3: {  	[tilespmem:s2], [sflag:$0x1] =	stream.linear.gather [hbm4b:s19+s2], $0x4000, $0x38;
	[tilespmem:$0x1C000] =	vst v63  }
0x3a4: {  	_ =	swait.ge [sflag:s7], $0x4000  }
0x3a5: {  	[sflag:s7] =	ssyncset.done $0x0  }
0x3a6: {  	s20 =	rddreg [dreg:$0x1f];
	[sflag:s7] =	ssyncadd.s32 $0xFFFFC000  }
0x3a7: {  	[hbm4b:s20+s2] =	stream.linear.scatter [tilespmem:s31], [sflag:$0xD], $0x4000, $0x38;
	[tilespmem:$0x1C000] =	vst v63  }
0x3a8: {  	_ =	swait.ge [sflag:s1], $0x4000  }
0x3a9: {  	s5 =	sld [smem:$0x798]  }
0x3aa: {  	[sflag:s1] =	ssyncset.done $0x0  }
0x3ab: {  	[sflag:s1] =	ssyncadd.s32 $0xFFFFC000  }
0x3ac: {  	[tilespmem:s21], [sflag:$0x2] =	stream.linear.gather [hbm4b:s5+s2], $0x4000, $0x38;
	[tilespmem:$0x1C000] =	vst v63  }
0x3ad: {  	_ =	swait.ge [sflag:s0], $0x4000  }
0x3ae: {  	s10 =	sld [smem:$0x799]  }
0x3af: {  	[sflag:s0] =	ssyncset.done $0x0  }
0x3b0: {  	[sflag:s0] =	ssyncadd.s32 $0xFFFFC000  }
0x3b1: {  	[hbm4b:s10+s2] =	stream.linear.scatter [tilespmem:s30], [sflag:$0xE], $0x4000, $0x38;
	[tilespmem:$0x1C000] =	vst v63  }
0x3b2: {  	_ =	swait.ge [sflag:s28], $0x4000  }
0x3b3: {  	s19 =	sld [smem:$0x79A]  }
0x3b4: {  	[sflag:s28] =	ssyncset.done $0x0  }
0x3b5: {  	[sflag:s28] =	ssyncadd.s32 $0xFFFFC000  }
0x3b6: {  	[tilespmem:s12], [sflag:$0x3] =	stream.linear.gather [hbm4b:s19+s2], $0x4000, $0x38;
	[tilespmem:$0x1C000] =	vst v63  }
0x3b7: {  	_ =	swait.ge [sflag:s24], $0x4000  }
0x3b8: {  	s20 =	sld [smem:$0x79B]  }
0x3b9: {  	[sflag:s24] =	ssyncset.done $0x0  }
0x3ba: {  	[sflag:s24] =	ssyncadd.s32 $0xFFFFC000  }
0x3bb: {  	[hbm4b:s20+s2] =	stream.linear.scatter [tilespmem:s2], [sflag:$0x8], $0x4000, $0x38;
	[tilespmem:$0x1C000] =	vst v63  }
0x3bc: {  	_ =	swait.ge [sflag:s26], $0x4000  }
0x3bd: {  	s5 =	sld [smem:$0x79C]  }
0x3be: {  	[sflag:s26] =	ssyncset.done $0x0  }
0x3bf: {  	[sflag:s26] =	ssyncadd.s32 $0xFFFFC000  }
0x3c0: {  	[tilespmem:s8], [sflag:$0x4] =	stream.linear.gather [hbm4b:s5+s2], $0x4000, $0x38;
	[tilespmem:$0x1C000] =	vst v63  }
0x3c1: {  	_ =	swait.ge [sflag:s13], $0x4000  }
0x3c2: {  	s10 =	sld [smem:$0x79D]  }
0x3c3: {  	[sflag:s13] =	ssyncset.done $0x0  }
0x3c4: {  	[sflag:s13] =	ssyncadd.s32 $0xFFFFC000  }
0x3c5: {  	[hbm4b:s10+s2] =	stream.linear.scatter [tilespmem:s21], [sflag:$0x9], $0x4000, $0x38;
	[tilespmem:$0x1C000] =	vst v63  }
0x3c6: {  	_ =	swait.ge [sflag:s25], $0x4000  }
0x3c7: {  	s19 =	sld [smem:$0x79E]  }
0x3c8: {  	[sflag:s25] =	ssyncset.done $0x0  }
0x3c9: {  	[sflag:s25] =	ssyncadd.s32 $0xFFFFC000  }
0x3ca: {  	[tilespmem:s6], [sflag:$0x5] =	stream.linear.gather [hbm4b:s19+s2], $0x4000, $0x38;
	[tilespmem:$0x1C000] =	vst v63  }
0x3cb: {  	_ =	swait.ge [sflag:s11], $0x4000  }
0x3cc: {  	s20 =	sld [smem:$0x79F]  }
0x3cd: {  	[sflag:s11] =	ssyncset.done $0x0  }
0x3ce: {  	[sflag:s11] =	ssyncadd.s32 $0xFFFFC000  }
0x3cf: {  	[hbm4b:s20+s2] =	stream.linear.scatter [tilespmem:s12], [sflag:$0xA], $0x4000, $0x38;
	[tilespmem:$0x1C000] =	vst v63  }
0x3d0: {  	_ =	swait.ge [sflag:s23], $0x4000  }
0x3d1: {  	s5 =	sld [smem:$0x7A0]  }
0x3d2: {  	[sflag:s23] =	ssyncset.done $0x0  }
0x3d3: {  	[sflag:s23] =	ssyncadd.s32 $0xFFFFC000  }
0x3d4: {  	[tilespmem:s31], [sflag:$0x6] =	stream.linear.gather [hbm4b:s5+s2], $0x4000, $0x38;
	[tilespmem:$0x1C000] =	vst v63  }
0x3d5: {  	_ =	swait.ge [sflag:s17], $0x4000  }
0x3d6: {  	s10 =	sld [smem:$0x7A1]  }
0x3d7: {  	[sflag:s17] =	ssyncset.done $0x0  }
0x3d8: {  	[sflag:s17] =	ssyncadd.s32 $0xFFFFC000  }
0x3d9: {  	[hbm4b:s10+s2] =	stream.linear.scatter [tilespmem:s8], [sflag:$0xB], $0x4000, $0x38;
	[tilespmem:$0x1C000] =	vst v63  }
0x3da: {  	_ =	swait.ge [sflag:s22], $0x4000  }
0x3db: {  	s19 =	sld [smem:$0x7A2]  }
0x3dc: {  	[sflag:s22] =	ssyncset.done $0x0  }
0x3dd: {  	[sflag:s22] =	ssyncadd.s32 $0xFFFFC000  }
0x3de: {  	[tilespmem:s30], [sflag:$0x7] =	stream.linear.gather [hbm4b:s19+s2], $0x4000, $0x38;
	[tilespmem:$0x1C000] =	vst v63  }
0x3df: {  	_ =	swait.ge [sflag:s9], $0x4000  }
0x3e0: {  	s20 =	sld [smem:$0x7A3]  }
0x3e1: {  	[sflag:s9] =	ssyncset.done $0x0  }
0x3e2: {  	[sflag:s9] =	ssyncadd.s32 $0xFFFFC000  }
0x3e3: {  	[hbm4b:s20+s2] =	stream.linear.scatter [tilespmem:s6], [sflag:$0xC], $0x4000, $0x38;
	[tilespmem:$0x1C000] =	vst v63  }
0x3e4: {  	_ =	swait.ge [sflag:s29], $0x4000  }
0x3e5: {  	s5 =	sld [smem:$0x7A4]  }
0x3e6: {  	[sflag:s29] =	ssyncset.done $0x0  }
0x3e7: {  	[sflag:s29] =	ssyncadd.s32 $0xFFFFC000  }
0x3e8: {  	[tilespmem:s2], [sflag:$0x1] =	stream.linear.gather [hbm4b:s5+s2], $0x4000, $0x38;
	[tilespmem:$0x1C000] =	vst v63  }
0x3e9: {  	_ =	swait.ge [sflag:s7], $0x4000  }
0x3ea: {  	s10 =	sld [smem:$0x7A5]  }
0x3eb: {  	[sflag:s7] =	ssyncset.done $0x0  }
0x3ec: {  	[sflag:s7] =	ssyncadd.s32 $0xFFFFC000  }
0x3ed: {  	[hbm4b:s10+s2] =	stream.linear.scatter [tilespmem:s31], [sflag:$0xD], $0x4000, $0x38;
	[tilespmem:$0x1C000] =	vst v63  }
0x3ee: {  	_ =	swait.ge [sflag:s1], $0x4000  }
0x3ef: {  	s19 =	sld [smem:$0x7A6]  }
0x3f0: {  	[sflag:s1] =	ssyncset.done $0x0  }
0x3f1: {  	[sflag:s1] =	ssyncadd.s32 $0xFFFFC000  }
0x3f2: {  	[tilespmem:s21], [sflag:$0x2] =	stream.linear.gather [hbm4b:s19+s2], $0x4000, $0x38;
	[tilespmem:$0x1C000] =	vst v63  }
0x3f3: {  	_ =	swait.ge [sflag:s0], $0x4000  }
0x3f4: {  	s20 =	sld [smem:$0x7A7]  }
0x3f5: {  	[sflag:s0] =	ssyncset.done $0x0  }
0x3f6: {  	[sflag:s0] =	ssyncadd.s32 $0xFFFFC000  }
0x3f7: {  	[hbm4b:s20+s2] =	stream.linear.scatter [tilespmem:s30], [sflag:$0xE], $0x4000, $0x38;
	[tilespmem:$0x1C000] =	vst v63  }
0x3f8: {  	_ =	swait.ge [sflag:s28], $0x4000  }
0x3f9: {  	s5 =	sld [smem:$0x7A8]  }
0x3fa: {  	[sflag:s28] =	ssyncset.done $0x0  }
0x3fb: {  	[sflag:s28] =	ssyncadd.s32 $0xFFFFC000  }
0x3fc: {  	[tilespmem:s12], [sflag:$0x3] =	stream.linear.gather [hbm4b:s5+s2], $0x4000, $0x38;
	[tilespmem:$0x1C000] =	vst v63  }
0x3fd: {  	_ =	swait.ge [sflag:s24], $0x4000  }
0x3fe: {  	s10 =	sld [smem:$0x7A9]  }
0x3ff: {  	[sflag:s24] =	ssyncset.done $0x0  }
0x400: {  	[sflag:s24] =	ssyncadd.s32 $0xFFFFC000  }
0x401: {  	[hbm4b:s10+s2] =	stream.linear.scatter [tilespmem:s2], [sflag:$0x8], $0x4000, $0x38;
	[tilespmem:$0x1C000] =	vst v63  }
0x402: {  	_ =	swait.ge [sflag:s26], $0x4000  }
0x403: {  	s19 =	sld [smem:$0x7AA]  }
0x404: {  	[sflag:s26] =	ssyncset.done $0x0  }
0x405: {  	[sflag:s26] =	ssyncadd.s32 $0xFFFFC000  }
0x406: {  	[tilespmem:s8], [sflag:$0x4] =	stream.linear.gather [hbm4b:s19+s2], $0x4000, $0x38;
	[tilespmem:$0x1C000] =	vst v63  }
0x407: {  	_ =	swait.ge [sflag:s13], $0x4000  }
0x408: {  	s20 =	sld [smem:$0x7AB]  }
0x409: {  	[sflag:s13] =	ssyncset.done $0x0  }
0x40a: {  	[sflag:s13] =	ssyncadd.s32 $0xFFFFC000  }
0x40b: {  	[hbm4b:s20+s2] =	stream.linear.scatter [tilespmem:s21], [sflag:$0x9], $0x4000, $0x38;
	[tilespmem:$0x1C000] =	vst v63  }
0x40c: {  	_ =	swait.ge [sflag:s25], $0x4000  }
0x40d: {  	s5 =	sld [smem:$0x7AC]  }
0x40e: {  	[sflag:s25] =	ssyncset.done $0x0  }
0x40f: {  	[sflag:s25] =	ssyncadd.s32 $0xFFFFC000  }
0x410: {  	[tilespmem:s6], [sflag:$0x5] =	stream.linear.gather [hbm4b:s5+s2], $0x4000, $0x38;
	[tilespmem:$0x1C000] =	vst v63  }
0x411: {  	_ =	swait.ge [sflag:s11], $0x4000  }
0x412: {  	s10 =	sld [smem:$0x7AD]  }
0x413: {  	[sflag:s11] =	ssyncset.done $0x0  }
0x414: {  	[sflag:s11] =	ssyncadd.s32 $0xFFFFC000  }
0x415: {  	[hbm4b:s10+s2] =	stream.linear.scatter [tilespmem:s12], [sflag:$0xA], $0x4000, $0x38;
	[tilespmem:$0x1C000] =	vst v63  }
0x416: {  	_ =	swait.ge [sflag:s23], $0x4000  }
0x417: {  	s19 =	sld [smem:$0x7AE]  }
0x418: {  	[sflag:s23] =	ssyncset.done $0x0  }
0x419: {  	[sflag:s23] =	ssyncadd.s32 $0xFFFFC000  }
0x41a: {  	[tilespmem:s31], [sflag:$0x6] =	stream.linear.gather [hbm4b:s19+s2], $0x4000, $0x38;
	[tilespmem:$0x1C000] =	vst v63  }
0x41b: {  	_ =	swait.ge [sflag:s17], $0x4000  }
0x41c: {  	s20 =	sld [smem:$0x7AF]  }
0x41d: {  	[sflag:s17] =	ssyncset.done $0x0  }
0x41e: {  	[sflag:s17] =	ssyncadd.s32 $0xFFFFC000  }
0x41f: {  	[hbm4b:s20+s2] =	stream.linear.scatter [tilespmem:s8], [sflag:$0xB], $0x4000, $0x38;
	[tilespmem:$0x1C000] =	vst v63  }
0x420: {  	_ =	swait.ge [sflag:s22], $0x4000  }
0x421: {  	s5 =	sld [smem:$0x7B0]  }
0x422: {  	[sflag:s22] =	ssyncset.done $0x0  }
0x423: {  	[sflag:s22] =	ssyncadd.s32 $0xFFFFC000  }
0x424: {  	[tilespmem:s30], [sflag:$0x7] =	stream.linear.gather [hbm4b:s5+s2], $0x4000, $0x38;
	[tilespmem:$0x1C000] =	vst v63  }
0x425: {  	_ =	swait.ge [sflag:s9], $0x4000  }
0x426: {  	s10 =	sld [smem:$0x7B1]  }
0x427: {  	[sflag:s9] =	ssyncset.done $0x0  }
0x428: {  	[sflag:s9] =	ssyncadd.s32 $0xFFFFC000  }
0x429: {  	[hbm4b:s10+s2] =	stream.linear.scatter [tilespmem:s6], [sflag:$0xC], $0x4000, $0x38;
	[tilespmem:$0x1C000] =	vst v63  }
0x42a: {  	_ =	swait.ge [sflag:s29], $0x4000  }
0x42b: {  	s19 =	sld [smem:$0x7B2]  }
0x42c: {  	[sflag:s29] =	ssyncset.done $0x0  }
0x42d: {  	[sflag:s29] =	ssyncadd.s32 $0xFFFFC000  }
0x42e: {  	[tilespmem:s2], [sflag:$0x1] =	stream.linear.gather [hbm4b:s19+s2], $0x4000, $0x38;
	[tilespmem:$0x1C000] =	vst v63  }
0x42f: {  	_ =	swait.ge [sflag:s7], $0x4000  }
0x430: {  	s20 =	sld [smem:$0x7B3]  }
0x431: {  	[sflag:s7] =	ssyncset.done $0x0  }
0x432: {  	[sflag:s7] =	ssyncadd.s32 $0xFFFFC000  }
0x433: {  	[hbm4b:s20+s2] =	stream.linear.scatter [tilespmem:s31], [sflag:$0xD], $0x4000, $0x38;
	[tilespmem:$0x1C000] =	vst v63  }
0x434: {  	_ =	swait.ge [sflag:s1], $0x4000  }
0x435: {  	s5 =	sld [smem:$0x7B4]  }
0x436: {  	[sflag:s1] =	ssyncset.done $0x0  }
0x437: {  	[sflag:s1] =	ssyncadd.s32 $0xFFFFC000  }
0x438: {  	[tilespmem:s21], [sflag:$0x2] =	stream.linear.gather [hbm4b:s5+s2], $0x4000, $0x38;
	[tilespmem:$0x1C000] =	vst v63  }
0x439: {  	_ =	swait.ge [sflag:s0], $0x4000  }
0x43a: {  	s10 =	sld [smem:$0x7B5]  }
0x43b: {  	[sflag:s0] =	ssyncset.done $0x0  }
0x43c: {  	[sflag:s0] =	ssyncadd.s32 $0xFFFFC000  }
0x43d: {  	[hbm4b:s10+s2] =	stream.linear.scatter [tilespmem:s30], [sflag:$0xE], $0x4000, $0x38;
	[tilespmem:$0x1C000] =	vst v63  }
0x43e: {  	_ =	swait.ge [sflag:s28], $0x4000  }
0x43f: {  	s19 =	sld [smem:$0x7B6]  }
0x440: {  	[sflag:s28] =	ssyncset.done $0x0  }
0x441: {  	[sflag:s28] =	ssyncadd.s32 $0xFFFFC000  }
0x442: {  	[tilespmem:s12], [sflag:$0x3] =	stream.linear.gather [hbm4b:s19+s2], $0x4000, $0x38;
	[tilespmem:$0x1C000] =	vst v63  }
0x443: {  	_ =	swait.ge [sflag:s24], $0x4000  }
0x444: {  	s20 =	sld [smem:$0x7B7]  }
0x445: {  	[sflag:s24] =	ssyncset.done $0x0  }
0x446: {  	[sflag:s24] =	ssyncadd.s32 $0xFFFFC000  }
0x447: {  	[hbm4b:s20+s2] =	stream.linear.scatter [tilespmem:s2], [sflag:$0x8], $0x4000, $0x38;
	[tilespmem:$0x1C000] =	vst v63  }
0x448: {  	_ =	swait.ge [sflag:s26], $0x4000  }
0x449: {  	s5 =	sld [smem:$0x7B8]  }
0x44a: {  	[sflag:s26] =	ssyncset.done $0x0  }
0x44b: {  	[sflag:s26] =	ssyncadd.s32 $0xFFFFC000  }
0x44c: {  	[tilespmem:s8], [sflag:$0x4] =	stream.linear.gather [hbm4b:s5+s2], $0x4000, $0x38;
	[tilespmem:$0x1C000] =	vst v63  }
0x44d: {  	_ =	swait.ge [sflag:s13], $0x4000  }
0x44e: {  	s10 =	sld [smem:$0x7B9]  }
0x44f: {  	[sflag:s13] =	ssyncset.done $0x0  }
0x450: {  	[sflag:s13] =	ssyncadd.s32 $0xFFFFC000  }
0x451: {  	[hbm4b:s10+s2] =	stream.linear.scatter [tilespmem:s21], [sflag:$0x9], $0x4000, $0x38;
	[tilespmem:$0x1C000] =	vst v63  }
0x452: {  	_ =	swait.ge [sflag:s25], $0x4000  }
0x453: {  	s19 =	sld [smem:$0x7BA]  }
0x454: {  	[sflag:s25] =	ssyncset.done $0x0  }
0x455: {  	[sflag:s25] =	ssyncadd.s32 $0xFFFFC000  }
0x456: {  	[tilespmem:s6], [sflag:$0x5] =	stream.linear.gather [hbm4b:s19+s2], $0x4000, $0x38;
	[tilespmem:$0x1C000] =	vst v63  }
0x457: {  	_ =	swait.ge [sflag:s11], $0x4000  }
0x458: {  	s20 =	sld [smem:$0x7BB]  }
0x459: {  	[sflag:s11] =	ssyncset.done $0x0  }
0x45a: {  	[sflag:s11] =	ssyncadd.s32 $0xFFFFC000  }
0x45b: {  	[hbm4b:s20+s2] =	stream.linear.scatter [tilespmem:s12], [sflag:$0xA], $0x4000, $0x38;
	[tilespmem:$0x1C000] =	vst v63  }
0x45c: {  	_ =	swait.ge [sflag:s23], $0x4000  }
0x45d: {  	s5 =	sld [smem:$0x7BC]  }
0x45e: {  	[sflag:s23] =	ssyncset.done $0x0  }
0x45f: {  	[sflag:s23] =	ssyncadd.s32 $0xFFFFC000  }
0x460: {  	[tilespmem:s31], [sflag:$0x6] =	stream.linear.gather [hbm4b:s5+s2], $0x4000, $0x38;
	[tilespmem:$0x1C000] =	vst v63  }
0x461: {  	_ =	swait.ge [sflag:s17], $0x4000  }
0x462: {  	s10 =	sld [smem:$0x7BD]  }
0x463: {  	[sflag:s17] =	ssyncset.done $0x0  }
0x464: {  	[sflag:s17] =	ssyncadd.s32 $0xFFFFC000  }
0x465: {  	[hbm4b:s10+s2] =	stream.linear.scatter [tilespmem:s8], [sflag:$0xB], $0x4000, $0x38;
	[tilespmem:$0x1C000] =	vst v63  }
0x466: {  	_ =	swait.ge [sflag:s22], $0x4000  }
0x467: {  	s19 =	sld [smem:$0x7BE]  }
0x468: {  	[sflag:s22] =	ssyncset.done $0x0  }
0x469: {  	[sflag:s22] =	ssyncadd.s32 $0xFFFFC000  }
0x46a: {  	[tilespmem:s30], [sflag:$0x7] =	stream.linear.gather [hbm4b:s19+s2], $0x4000, $0x38;
	[tilespmem:$0x1C000] =	vst v63  }
0x46b: {  	_ =	swait.ge [sflag:s9], $0x4000  }
0x46c: {  	s20 =	sld [smem:$0x7BF]  }
0x46d: {  	[sflag:s9] =	ssyncset.done $0x0  }
0x46e: {  	[sflag:s9] =	ssyncadd.s32 $0xFFFFC000  }
0x46f: {  	[hbm4b:s20+s2] =	stream.linear.scatter [tilespmem:s6], [sflag:$0xC], $0x4000, $0x38;
	[tilespmem:$0x1C000] =	vst v63  }
0x470: {  	_ =	swait.ge [sflag:s29], $0x4000  }
0x471: {  	s5 =	sld [smem:$0x7C0]  }
0x472: {  	[sflag:s29] =	ssyncset.done $0x0  }
0x473: {  	[sflag:s29] =	ssyncadd.s32 $0xFFFFC000  }
0x474: {  	[tilespmem:s2], [sflag:$0x1] =	stream.linear.gather [hbm4b:s5+s2], $0x4000, $0x38;
	[tilespmem:$0x1C000] =	vst v63  }
0x475: {  	_ =	swait.ge [sflag:s7], $0x4000  }
0x476: {  	s10 =	sld [smem:$0x7C1]  }
0x477: {  	[sflag:s7] =	ssyncset.done $0x0  }
0x478: {  	[sflag:s7] =	ssyncadd.s32 $0xFFFFC000  }
0x479: {  	[hbm4b:s10+s2] =	stream.linear.scatter [tilespmem:s31], [sflag:$0xD], $0x4000, $0x38;
	[tilespmem:$0x1C000] =	vst v63  }
0x47a: {  	_ =	swait.ge [sflag:s1], $0x4000  }
0x47b: {  	s19 =	sld [smem:$0x7C2]  }
0x47c: {  	[sflag:s1] =	ssyncset.done $0x0  }
0x47d: {  	[sflag:s1] =	ssyncadd.s32 $0xFFFFC000  }
0x47e: {  	[tilespmem:s21], [sflag:$0x2] =	stream.linear.gather [hbm4b:s19+s2], $0x4000, $0x38;
	[tilespmem:$0x1C000] =	vst v63  }
0x47f: {  	_ =	swait.ge [sflag:s0], $0x4000  }
0x480: {  	s20 =	sld [smem:$0x7C3]  }
0x481: {  	[sflag:s0] =	ssyncset.done $0x0  }
0x482: {  	[sflag:s0] =	ssyncadd.s32 $0xFFFFC000  }
0x483: {  	[hbm4b:s20+s2] =	stream.linear.scatter [tilespmem:s30], [sflag:$0xE], $0x4000, $0x38;
	[tilespmem:$0x1C000] =	vst v63  }
0x484: {  	_ =	swait.ge [sflag:s28], $0x4000  }
0x485: {  	s5 =	sld [smem:$0x7C4]  }
0x486: {  	[sflag:s28] =	ssyncset.done $0x0  }
0x487: {  	[sflag:s28] =	ssyncadd.s32 $0xFFFFC000  }
0x488: {  	[tilespmem:s12], [sflag:$0x3] =	stream.linear.gather [hbm4b:s5+s2], $0x4000, $0x38;
	[tilespmem:$0x1C000] =	vst v63  }
0x489: {  	_ =	swait.ge [sflag:s24], $0x4000  }
0x48a: {  	s10 =	sld [smem:$0x7C5]  }
0x48b: {  	[sflag:s24] =	ssyncset.done $0x0  }
0x48c: {  	[sflag:s24] =	ssyncadd.s32 $0xFFFFC000  }
0x48d: {  	[hbm4b:s10+s2] =	stream.linear.scatter [tilespmem:s2], [sflag:$0x8], $0x4000, $0x38;
	[tilespmem:$0x1C000] =	vst v63  }
0x48e: {  	_ =	swait.ge [sflag:s26], $0x4000  }
0x48f: {  	s19 =	sld [smem:$0x7C6]  }
0x490: {  	[sflag:s26] =	ssyncset.done $0x0  }
0x491: {  	[sflag:s26] =	ssyncadd.s32 $0xFFFFC000  }
0x492: {  	[tilespmem:s8], [sflag:$0x4] =	stream.linear.gather [hbm4b:s19+s2], $0x4000, $0x38;
	[tilespmem:$0x1C000] =	vst v63  }
0x493: {  	_ =	swait.ge [sflag:s13], $0x4000  }
0x494: {  	s20 =	sld [smem:$0x7C7]  }
0x495: {  	[sflag:s13] =	ssyncset.done $0x0  }
0x496: {  	[sflag:s13] =	ssyncadd.s32 $0xFFFFC000  }
0x497: {  	[hbm4b:s20+s2] =	stream.linear.scatter [tilespmem:s21], [sflag:$0x9], $0x4000, $0x38;
	[tilespmem:$0x1C000] =	vst v63  }
0x498: {  	_ =	swait.ge [sflag:s25], $0x4000  }
0x499: {  	s5 =	sld [smem:$0x7C8]  }
0x49a: {  	[sflag:s25] =	ssyncset.done $0x0  }
0x49b: {  	[sflag:s25] =	ssyncadd.s32 $0xFFFFC000  }
0x49c: {  	[tilespmem:s6], [sflag:$0x5] =	stream.linear.gather [hbm4b:s5+s2], $0x4000, $0x38;
	[tilespmem:$0x1C000] =	vst v63  }
0x49d: {  	_ =	swait.ge [sflag:s11], $0x4000  }
0x49e: {  	s10 =	sld [smem:$0x7C9]  }
0x49f: {  	[sflag:s11] =	ssyncset.done $0x0  }
0x4a0: {  	[sflag:s11] =	ssyncadd.s32 $0xFFFFC000  }
0x4a1: {  	[hbm4b:s10+s2] =	stream.linear.scatter [tilespmem:s12], [sflag:$0xA], $0x4000, $0x38;
	[tilespmem:$0x1C000] =	vst v63  }
0x4a2: {  	_ =	swait.ge [sflag:s23], $0x4000  }
0x4a3: {  	s19 =	sld [smem:$0x7CA]  }
0x4a4: {  	[sflag:s23] =	ssyncset.done $0x0  }
0x4a5: {  	[sflag:s23] =	ssyncadd.s32 $0xFFFFC000  }
0x4a6: {  	[tilespmem:s31], [sflag:$0x6] =	stream.linear.gather [hbm4b:s19+s2], $0x4000, $0x38;
	[tilespmem:$0x1C000] =	vst v63  }
0x4a7: {  	_ =	swait.ge [sflag:s17], $0x4000  }
0x4a8: {  	s20 =	sld [smem:$0x7CB]  }
0x4a9: {  	[sflag:s17] =	ssyncset.done $0x0  }
0x4aa: {  	[sflag:s17] =	ssyncadd.s32 $0xFFFFC000  }
0x4ab: {  	[hbm4b:s20+s2] =	stream.linear.scatter [tilespmem:s8], [sflag:$0xB], $0x4000, $0x38;
	[tilespmem:$0x1C000] =	vst v63  }
0x4ac: {  	_ =	swait.ge [sflag:s22], $0x4000  }
0x4ad: {  	s5 =	sld [smem:$0x7CC]  }
0x4ae: {  	[sflag:s22] =	ssyncset.done $0x0  }
0x4af: {  	[sflag:s22] =	ssyncadd.s32 $0xFFFFC000  }
0x4b0: {  	[tilespmem:s30], [sflag:$0x7] =	stream.linear.gather [hbm4b:s5+s2], $0x4000, $0x38;
	[tilespmem:$0x1C000] =	vst v63  }
0x4b1: {  	_ =	swait.ge [sflag:s9], $0x4000  }
0x4b2: {  	s10 =	sld [smem:$0x7CD]  }
0x4b3: {  	[sflag:s9] =	ssyncset.done $0x0  }
0x4b4: {  	[sflag:s9] =	ssyncadd.s32 $0xFFFFC000  }
0x4b5: {  	[hbm4b:s10+s2] =	stream.linear.scatter [tilespmem:s6], [sflag:$0xC], $0x4000, $0x38;
	[tilespmem:$0x1C000] =	vst v63  }
0x4b6: {  	_ =	swait.ge [sflag:s29], $0x4000  }
0x4b7: {  	s19 =	sld [smem:$0x7CE]  }
0x4b8: {  	[sflag:s29] =	ssyncset.done $0x0  }
0x4b9: {  	[sflag:s29] =	ssyncadd.s32 $0xFFFFC000  }
0x4ba: {  	[tilespmem:s2], [sflag:$0x1] =	stream.linear.gather [hbm4b:s19+s2], $0x4000, $0x38;
	[tilespmem:$0x1C000] =	vst v63  }
0x4bb: {  	_ =	swait.ge [sflag:s7], $0x4000  }
0x4bc: {  	s20 =	sld [smem:$0x7CF]  }
0x4bd: {  	[sflag:s7] =	ssyncset.done $0x0  }
0x4be: {  	[sflag:s7] =	ssyncadd.s32 $0xFFFFC000  }
0x4bf: {  	[hbm4b:s20+s2] =	stream.linear.scatter [tilespmem:s31], [sflag:$0xD], $0x4000, $0x38;
	[tilespmem:$0x1C000] =	vst v63  }
0x4c0: {  	_ =	swait.ge [sflag:s1], $0x4000  }
0x4c1: {  	s5 =	sld [smem:$0x7D0]  }
0x4c2: {  	[sflag:s1] =	ssyncset.done $0x0  }
0x4c3: {  	[sflag:s1] =	ssyncadd.s32 $0xFFFFC000  }
0x4c4: {  	[tilespmem:s21], [sflag:$0x2] =	stream.linear.gather [hbm4b:s5+s2], $0x4000, $0x38;
	[tilespmem:$0x1C000] =	vst v63  }
0x4c5: {  	_ =	swait.ge [sflag:s0], $0x4000  }
0x4c6: {  	s10 =	sld [smem:$0x7D1]  }
0x4c7: {  	[sflag:s0] =	ssyncset.done $0x0  }
0x4c8: {  	[sflag:s0] =	ssyncadd.s32 $0xFFFFC000  }
0x4c9: {  	[hbm4b:s10+s2] =	stream.linear.scatter [tilespmem:s30], [sflag:$0xE], $0x4000, $0x38;
	[tilespmem:$0x1C000] =	vst v63  }
0x4ca: {  	_ =	swait.ge [sflag:s28], $0x4000  }
0x4cb: {  	s19 =	sld [smem:$0x7D2]  }
0x4cc: {  	[sflag:s28] =	ssyncset.done $0x0  }
0x4cd: {  	[sflag:s28] =	ssyncadd.s32 $0xFFFFC000  }
0x4ce: {  	[tilespmem:s12], [sflag:$0x3] =	stream.linear.gather [hbm4b:s19+s2], $0x4000, $0x38;
	[tilespmem:$0x1C000] =	vst v63  }
0x4cf: {  	_ =	swait.ge [sflag:s24], $0x4000  }
0x4d0: {  	s20 =	sld [smem:$0x7D3]  }
0x4d1: {  	[sflag:s24] =	ssyncset.done $0x0  }
0x4d2: {  	[sflag:s24] =	ssyncadd.s32 $0xFFFFC000  }
0x4d3: {  	[hbm4b:s20+s2] =	stream.linear.scatter [tilespmem:s2], [sflag:$0x8], $0x4000, $0x38;
	[tilespmem:$0x1C000] =	vst v63  }
0x4d4: {  	_ =	swait.ge [sflag:s26], $0x4000  }
0x4d5: {  	s5 =	sld [smem:$0x7D4]  }
0x4d6: {  	[sflag:s26] =	ssyncset.done $0x0  }
0x4d7: {  	[sflag:s26] =	ssyncadd.s32 $0xFFFFC000  }
0x4d8: {  	[tilespmem:s8], [sflag:$0x4] =	stream.linear.gather [hbm4b:s5+s2], $0x4000, $0x38;
	[tilespmem:$0x1C000] =	vst v63  }
0x4d9: {  	_ =	swait.ge [sflag:s13], $0x4000  }
0x4da: {  	s10 =	sld [smem:$0x7D5]  }
0x4db: {  	[sflag:s13] =	ssyncset.done $0x0  }
0x4dc: {  	[sflag:s13] =	ssyncadd.s32 $0xFFFFC000  }
0x4dd: {  	[hbm4b:s10+s2] =	stream.linear.scatter [tilespmem:s21], [sflag:$0x9], $0x4000, $0x38;
	[tilespmem:$0x1C000] =	vst v63  }
0x4de: {  	_ =	swait.ge [sflag:s25], $0x4000  }
0x4df: {  	s19 =	sld [smem:$0x7D6]  }
0x4e0: {  	[sflag:s25] =	ssyncset.done $0x0  }
0x4e1: {  	[sflag:s25] =	ssyncadd.s32 $0xFFFFC000  }
0x4e2: {  	[tilespmem:s6], [sflag:$0x5] =	stream.linear.gather [hbm4b:s19+s2], $0x4000, $0x38;
	[tilespmem:$0x1C000] =	vst v63  }
0x4e3: {  	_ =	swait.ge [sflag:s11], $0x4000  }
0x4e4: {  	s20 =	sld [smem:$0x7D7]  }
0x4e5: {  	[sflag:s11] =	ssyncset.done $0x0  }
0x4e6: {  	[sflag:s11] =	ssyncadd.s32 $0xFFFFC000  }
0x4e7: {  	[hbm4b:s20+s2] =	stream.linear.scatter [tilespmem:s12], [sflag:$0xA], $0x4000, $0x38;
	[tilespmem:$0x1C000] =	vst v63  }
0x4e8: {  	_ =	swait.ge [sflag:s23], $0x4000  }
0x4e9: {  	s5 =	sld [smem:$0x7D8]  }
0x4ea: {  	[sflag:s23] =	ssyncset.done $0x0  }
0x4eb: {  	[sflag:s23] =	ssyncadd.s32 $0xFFFFC000  }
0x4ec: {  	[tilespmem:s31], [sflag:$0x6] =	stream.linear.gather [hbm4b:s5+s2], $0x4000, $0x38;
	[tilespmem:$0x1C000] =	vst v63  }
0x4ed: {  	_ =	swait.ge [sflag:s17], $0x4000  }
0x4ee: {  	s10 =	sld [smem:$0x7D9]  }
0x4ef: {  	[sflag:s17] =	ssyncset.done $0x0  }
0x4f0: {  	[sflag:s17] =	ssyncadd.s32 $0xFFFFC000  }
0x4f1: {  	[hbm4b:s10+s2] =	stream.linear.scatter [tilespmem:s8], [sflag:$0xB], $0x4000, $0x38;
	[tilespmem:$0x1C000] =	vst v63  }
0x4f2: {  	_ =	swait.ge [sflag:s22], $0x4000  }
0x4f3: {  	s19 =	sld [smem:$0x7DA]  }
0x4f4: {  	[sflag:s22] =	ssyncset.done $0x0  }
0x4f5: {  	[sflag:s22] =	ssyncadd.s32 $0xFFFFC000  }
0x4f6: {  	[tilespmem:s30], [sflag:$0x7] =	stream.linear.gather [hbm4b:s19+s2], $0x4000, $0x38;
	[tilespmem:$0x1C000] =	vst v63  }
0x4f7: {  	_ =	swait.ge [sflag:s9], $0x4000  }
0x4f8: {  	s20 =	sld [smem:$0x7DB]  }
0x4f9: {  	[sflag:s9] =	ssyncset.done $0x0  }
0x4fa: {  	[sflag:s9] =	ssyncadd.s32 $0xFFFFC000  }
0x4fb: {  	[hbm4b:s20+s2] =	stream.linear.scatter [tilespmem:s6], [sflag:$0xC], $0x4000, $0x38;
	[tilespmem:$0x1C000] =	vst v63  }
0x4fc: {  	_ =	swait.ge [sflag:s29], $0x4000  }
0x4fd: {  	s5 =	sld [smem:$0x7DC]  }
0x4fe: {  	[sflag:s29] =	ssyncset.done $0x0  }
0x4ff: {  	[sflag:s29] =	ssyncadd.s32 $0xFFFFC000  }
0x500: {  	[tilespmem:s2], [sflag:$0x1] =	stream.linear.gather [hbm4b:s5+s2], $0x4000, $0x38;
	[tilespmem:$0x1C000] =	vst v63  }
0x501: {  	_ =	swait.ge [sflag:s7], $0x4000  }
0x502: {  	s10 =	sld [smem:$0x7DD]  }
0x503: {  	[sflag:s7] =	ssyncset.done $0x0  }
0x504: {  	[sflag:s7] =	ssyncadd.s32 $0xFFFFC000  }
0x505: {  	[hbm4b:s10+s2] =	stream.linear.scatter [tilespmem:s31], [sflag:$0xD], $0x4000, $0x38;
	[tilespmem:$0x1C000] =	vst v63  }
0x506: {  	_ =	swait.ge [sflag:s1], $0x4000  }
0x507: {  	s19 =	sld [smem:$0x7DE]  }
0x508: {  	[sflag:s1] =	ssyncset.done $0x0  }
0x509: {  	[sflag:s1] =	ssyncadd.s32 $0xFFFFC000  }
0x50a: {  	[tilespmem:s21], [sflag:$0x2] =	stream.linear.gather [hbm4b:s19+s2], $0x4000, $0x38;
	[tilespmem:$0x1C000] =	vst v63  }
0x50b: {  	_ =	swait.ge [sflag:s0], $0x4000  }
0x50c: {  	s20 =	sld [smem:$0x7DF]  }
0x50d: {  	[sflag:s0] =	ssyncset.done $0x0  }
0x50e: {  	[sflag:s0] =	ssyncadd.s32 $0xFFFFC000  }
0x50f: {  	[hbm4b:s20+s2] =	stream.linear.scatter [tilespmem:s30], [sflag:$0xE], $0x4000, $0x38;
	[tilespmem:$0x1C000] =	vst v63  }
0x510: {  	_ =	swait.ge [sflag:s28], $0x4000  }
0x511: {  	s5 =	sld [smem:$0x7E0]  }
0x512: {  	[sflag:s28] =	ssyncset.done $0x0  }
0x513: {  	[sflag:s28] =	ssyncadd.s32 $0xFFFFC000  }
0x514: {  	[tilespmem:s12], [sflag:$0x3] =	stream.linear.gather [hbm4b:s5+s2], $0x4000, $0x38;
	[tilespmem:$0x1C000] =	vst v63  }
0x515: {  	_ =	swait.ge [sflag:s24], $0x4000  }
0x516: {  	s10 =	sld [smem:$0x7E1]  }
0x517: {  	[sflag:s24] =	ssyncset.done $0x0  }
0x518: {  	[sflag:s24] =	ssyncadd.s32 $0xFFFFC000  }
0x519: {  	[hbm4b:s10+s2] =	stream.linear.scatter [tilespmem:s2], [sflag:$0x8], $0x4000, $0x38;
	[tilespmem:$0x1C000] =	vst v63  }
0x51a: {  	_ =	swait.ge [sflag:s26], $0x4000  }
0x51b: {  	s19 =	sld [smem:$0x7E2]  }
0x51c: {  	[sflag:s26] =	ssyncset.done $0x0  }
0x51d: {  	[sflag:s26] =	ssyncadd.s32 $0xFFFFC000  }
0x51e: {  	[tilespmem:s8], [sflag:$0x4] =	stream.linear.gather [hbm4b:s19+s2], $0x4000, $0x38;
	[tilespmem:$0x1C000] =	vst v63  }
0x51f: {  	_ =	swait.ge [sflag:s13], $0x4000  }
0x520: {  	s20 =	sld [smem:$0x7E3]  }
0x521: {  	[sflag:s13] =	ssyncset.done $0x0  }
0x522: {  	[sflag:s13] =	ssyncadd.s32 $0xFFFFC000  }
0x523: {  	[hbm4b:s20+s2] =	stream.linear.scatter [tilespmem:s21], [sflag:$0x9], $0x4000, $0x38;
	[tilespmem:$0x1C000] =	vst v63  }
0x524: {  	_ =	swait.ge [sflag:s25], $0x4000  }
0x525: {  	s5 =	sld [smem:$0x7E4]  }
0x526: {  	[sflag:s25] =	ssyncset.done $0x0  }
0x527: {  	[sflag:s25] =	ssyncadd.s32 $0xFFFFC000  }
0x528: {  	[tilespmem:s6], [sflag:$0x5] =	stream.linear.gather [hbm4b:s5+s2], $0x4000, $0x38;
	[tilespmem:$0x1C000] =	vst v63  }
0x529: {  	_ =	swait.ge [sflag:s11], $0x4000  }
0x52a: {  	s10 =	sld [smem:$0x7E5]  }
0x52b: {  	[sflag:s11] =	ssyncset.done $0x0  }
0x52c: {  	[sflag:s11] =	ssyncadd.s32 $0xFFFFC000  }
0x52d: {  	[hbm4b:s10+s2] =	stream.linear.scatter [tilespmem:s12], [sflag:$0xA], $0x4000, $0x38;
	[tilespmem:$0x1C000] =	vst v63  }
0x52e: {  	_ =	swait.ge [sflag:s23], $0x4000  }
0x52f: {  	s19 =	sld [smem:$0x7E6]  }
0x530: {  	[sflag:s23] =	ssyncset.done $0x0  }
0x531: {  	[sflag:s23] =	ssyncadd.s32 $0xFFFFC000  }
0x532: {  	[tilespmem:s31], [sflag:$0x6] =	stream.linear.gather [hbm4b:s19+s2], $0x4000, $0x38;
	[tilespmem:$0x1C000] =	vst v63  }
0x533: {  	_ =	swait.ge [sflag:s17], $0x4000  }
0x534: {  	s20 =	sld [smem:$0x7E7]  }
0x535: {  	[sflag:s17] =	ssyncset.done $0x0  }
0x536: {  	[sflag:s17] =	ssyncadd.s32 $0xFFFFC000  }
0x537: {  	[hbm4b:s20+s2] =	stream.linear.scatter [tilespmem:s8], [sflag:$0xB], $0x4000, $0x38;
	[tilespmem:$0x1C000] =	vst v63  }
0x538: {  	_ =	swait.ge [sflag:s22], $0x4000  }
0x539: {  	s5 =	sld [smem:$0x7E8]  }
0x53a: {  	[sflag:s22] =	ssyncset.done $0x0  }
0x53b: {  	[sflag:s22] =	ssyncadd.s32 $0xFFFFC000  }
0x53c: {  	[tilespmem:s30], [sflag:$0x7] =	stream.linear.gather [hbm4b:s5+s2], $0x4000, $0x38;
	[tilespmem:$0x1C000] =	vst v63  }
0x53d: {  	_ =	swait.ge [sflag:s9], $0x4000  }
0x53e: {  	s10 =	sld [smem:$0x7E9]  }
0x53f: {  	[sflag:s9] =	ssyncset.done $0x0  }
0x540: {  	[sflag:s9] =	ssyncadd.s32 $0xFFFFC000  }
0x541: {  	[hbm4b:s10+s2] =	stream.linear.scatter [tilespmem:s6], [sflag:$0xC], $0x4000, $0x38;
	[tilespmem:$0x1C000] =	vst v63  }
0x542: {  	_ =	swait.ge [sflag:s29], $0x4000  }
0x543: {  	s19 =	sld [smem:$0x7EA]  }
0x544: {  	[sflag:s29] =	ssyncset.done $0x0  }
0x545: {  	[sflag:s29] =	ssyncadd.s32 $0xFFFFC000  }
0x546: {  	[tilespmem:s2], [sflag:$0x1] =	stream.linear.gather [hbm4b:s19+s2], $0x4000, $0x38;
	[tilespmem:$0x1C000] =	vst v63  }
0x547: {  	_ =	swait.ge [sflag:s7], $0x4000  }
0x548: {  	s20 =	sld [smem:$0x7EB]  }
0x549: {  	[sflag:s7] =	ssyncset.done $0x0  }
0x54a: {  	[sflag:s7] =	ssyncadd.s32 $0xFFFFC000  }
0x54b: {  	[hbm4b:s20+s2] =	stream.linear.scatter [tilespmem:s31], [sflag:$0xD], $0x4000, $0x38;
	[tilespmem:$0x1C000] =	vst v63  }
0x54c: {  	_ =	swait.ge [sflag:s1], $0x4000  }
0x54d: {  	s5 =	sld [smem:$0x7EC]  }
0x54e: {  	[sflag:s1] =	ssyncset.done $0x0  }
0x54f: {  	[sflag:s1] =	ssyncadd.s32 $0xFFFFC000  }
0x550: {  	[tilespmem:s21], [sflag:$0x2] =	stream.linear.gather [hbm4b:s5+s2], $0x4000, $0x38;
	[tilespmem:$0x1C000] =	vst v63  }
0x551: {  	_ =	swait.ge [sflag:s0], $0x4000  }
0x552: {  	s10 =	sld [smem:$0x7ED]  }
0x553: {  	[sflag:s0] =	ssyncset.done $0x0  }
0x554: {  	[sflag:s0] =	ssyncadd.s32 $0xFFFFC000  }
0x555: {  	[hbm4b:s10+s2] =	stream.linear.scatter [tilespmem:s30], [sflag:$0xE], $0x4000, $0x38;
	[tilespmem:$0x1C000] =	vst v63  }
0x556: {  	_ =	swait.ge [sflag:s28], $0x4000  }
0x557: {  	s19 =	sld [smem:$0x7EE]  }
0x558: {  	[sflag:s28] =	ssyncset.done $0x0  }
0x559: {  	[sflag:s28] =	ssyncadd.s32 $0xFFFFC000  }
0x55a: {  	[tilespmem:s12], [sflag:$0x3] =	stream.linear.gather [hbm4b:s19+s2], $0x4000, $0x38;
	[tilespmem:$0x1C000] =	vst v63  }
0x55b: {  	_ =	swait.ge [sflag:s24], $0x4000  }
0x55c: {  	s20 =	sld [smem:$0x7EF]  }
0x55d: {  	[sflag:s24] =	ssyncset.done $0x0  }
0x55e: {  	[sflag:s24] =	ssyncadd.s32 $0xFFFFC000  }
0x55f: {  	[hbm4b:s20+s2] =	stream.linear.scatter [tilespmem:s2], [sflag:$0x8], $0x4000, $0x38;
	[tilespmem:$0x1C000] =	vst v63  }
0x560: {  	_ =	swait.ge [sflag:s26], $0x4000  }
0x561: {  	s5 =	sld [smem:$0x7F0]  }
0x562: {  	[sflag:s26] =	ssyncset.done $0x0  }
0x563: {  	[sflag:s26] =	ssyncadd.s32 $0xFFFFC000  }
0x564: {  	[tilespmem:s8], [sflag:$0x4] =	stream.linear.gather [hbm4b:s5+s2], $0x4000, $0x38;
	[tilespmem:$0x1C000] =	vst v63  }
0x565: {  	_ =	swait.ge [sflag:s13], $0x4000  }
0x566: {  	s10 =	sld [smem:$0x7F1]  }
0x567: {  	[sflag:s13] =	ssyncset.done $0x0  }
0x568: {  	[sflag:s13] =	ssyncadd.s32 $0xFFFFC000  }
0x569: {  	[hbm4b:s10+s2] =	stream.linear.scatter [tilespmem:s21], [sflag:$0x9], $0x4000, $0x38;
	[tilespmem:$0x1C000] =	vst v63  }
0x56a: {  	_ =	swait.ge [sflag:s25], $0x4000  }
0x56b: {  	s13 =	sld [smem:$0x7F2]  }
0x56c: {  	[sflag:s25] =	ssyncset.done $0x0  }
0x56d: {  	[sflag:s25] =	ssyncadd.s32 $0xFFFFC000  }
0x56e: {  	[tilespmem:s6], [sflag:$0x5] =	stream.linear.gather [hbm4b:s13+s2], $0x4000, $0x38;
	[tilespmem:$0x1C000] =	vst v63  }
0x56f: {  	_ =	swait.ge [sflag:s11], $0x4000  }
0x570: {  	s19 =	sld [smem:$0x7F3]  }
0x571: {  	[sflag:s11] =	ssyncset.done $0x0  }
0x572: {  	[sflag:s11] =	ssyncadd.s32 $0xFFFFC000  }
0x573: {  	[hbm4b:s19+s2] =	stream.linear.scatter [tilespmem:s12], [sflag:$0xA], $0x4000, $0x38;
	[tilespmem:$0x1C000] =	vst v63  }
0x574: {  	_ =	swait.ge [sflag:s23], $0x4000  }
0x575: {  	s20 =	sld [smem:$0x7F4]  }
0x576: {  	[sflag:s23] =	ssyncset.done $0x0  }
0x577: {  	[sflag:s23] =	ssyncadd.s32 $0xFFFFC000  }
0x578: {  	[tilespmem:s31], [sflag:$0x6] =	stream.linear.gather [hbm4b:s20+s2], $0x4000, $0x38;
	[tilespmem:$0x1C000] =	vst v63  }
0x579: {  	_ =	swait.ge [sflag:s17], $0x4000  }
0x57a: {  	s5 =	sld [smem:$0x7F5]  }
0x57b: {  	[sflag:s17] =	ssyncset.done $0x0  }
0x57c: {  	[sflag:s17] =	ssyncadd.s32 $0xFFFFC000  }
0x57d: {  	[hbm4b:s5+s2] =	stream.linear.scatter [tilespmem:s8], [sflag:$0xB], $0x4000, $0x38;
	[tilespmem:$0x1C000] =	vst v63  }
0x57e: {  	_ =	swait.ge [sflag:s22], $0x4000  }
0x57f: {  	s8 =	sld [smem:$0x7F6]  }
0x580: {  	[sflag:s22] =	ssyncset.done $0x0  }
0x581: {  	[sflag:s22] =	ssyncadd.s32 $0xFFFFC000  }
0x582: {  	[tilespmem:s30], [sflag:$0x7] =	stream.linear.gather [hbm4b:s8+s2], $0x4000, $0x38;
	[tilespmem:$0x1C000] =	vst v63  }
0x583: {  	_ =	swait.ge [sflag:s9], $0x4000  }
0x584: {  	s10 =	sld [smem:$0x7F7]  }
0x585: {  	[sflag:s9] =	ssyncset.done $0x0  }
0x586: {  	[sflag:s9] =	ssyncadd.s32 $0xFFFFC000  }
0x587: {  	[hbm4b:s10+s2] =	stream.linear.scatter [tilespmem:s6], [sflag:$0xC], $0x4000, $0x38;
	[tilespmem:$0x1C000] =	vst v63  }
0x588: {  	_ =	swait.ge [sflag:s29], $0x4000  }
0x589: {  	s11 =	sld [smem:$0x7F8]  }
0x58a: {  	[sflag:s29] =	ssyncset.done $0x0  }
0x58b: {  	[sflag:s29] =	ssyncadd.s32 $0xFFFFC000  }
0x58c: {  	[tilespmem:s2], [sflag:$0x1] =	stream.linear.gather [hbm4b:s11+s2], $0x4000, $0x38;
	[tilespmem:$0x1C000] =	vst v63  }
0x58d: {  	_ =	swait.ge [sflag:s7], $0x4000  }
0x58e: {  	s13 =	sld [smem:$0x7F9]  }
0x58f: {  	[sflag:s7] =	ssyncset.done $0x0  }
0x590: {  	[sflag:s7] =	ssyncadd.s32 $0xFFFFC000  }
0x591: {  	[hbm4b:s13+s2] =	stream.linear.scatter [tilespmem:s31], [sflag:$0xD], $0x4000, $0x38;
	[tilespmem:$0x1C000] =	vst v63  }
0x592: {  	_ =	swait.ge [sflag:s0], $0x4000  }
0x593: {  	s19 =	sld [smem:$0x7FA]  }
0x594: {  	[sflag:s0] =	ssyncset.done $0x0  }
0x595: {  	[sflag:s0] =	ssyncadd.s32 $0xFFFFC000  }
0x596: {  	[hbm4b:s19+s2] =	stream.linear.scatter [tilespmem:s30], [sflag:$0xE], $0x4000, $0x38;
	[tilespmem:$0x1C000] =	vst v63  }
0x597: {  	_ =	swait.ge [sflag:s24], $0x4000  }
0x598: {  	s20 =	sld [smem:$0x7FB]  }
0x599: {  	[sflag:s24] =	ssyncset.done $0x0  }
0x59a: {  	[sflag:s24] =	ssyncadd.s32 $0xFFFFC000  }
0x59b: {  	[hbm4b:s20+s2] =	stream.linear.scatter [tilespmem:s2], [sflag:$0x8], $0x4000, $0x38;
	[tilespmem:$0x1C000] =	vst v63  }
0x59c: {  	s20 =	sld [smem:$0x7FC];
	_ =	swait.ge [sflag:s29], $0x4000  }
0x59d: {  	[sflag:s29] =	ssyncset.done $0x0  }
0x59e: {  	[sflag:s29] =	ssyncadd.s32 $0xFFFFC000  }
0x59f: {  	_ =	swait.ge [sflag:s1], $0x4000  }
0x5a0: {  	[sflag:s1] =	ssyncset.done $0x0  }
0x5a1: {  	[sflag:s1] =	ssyncadd.s32 $0xFFFFC000  }
0x5a2: {  	_ =	swait.ge [sflag:s28], $0x4000  }
0x5a3: {  	[sflag:s28] =	ssyncset.done $0x0  }
0x5a4: {  	[sflag:s28] =	ssyncadd.s32 $0xFFFFC000  }
0x5a5: {  	_ =	swait.ge [sflag:s26], $0x4000  }
0x5a6: {  	[sflag:s26] =	ssyncset.done $0x0  }
0x5a7: {  	[sflag:s26] =	ssyncadd.s32 $0xFFFFC000  }
0x5a8: {  	_ =	swait.ge [sflag:s25], $0x4000  }
0x5a9: {  	[sflag:s25] =	ssyncset.done $0x0  }
0x5aa: {  	[sflag:s25] =	ssyncadd.s32 $0xFFFFC000  }
0x5ab: {  	_ =	swait.ge [sflag:s23], $0x4000  }
0x5ac: {  	[sflag:s23] =	ssyncset.done $0x0  }
0x5ad: {  	[sflag:s23] =	ssyncadd.s32 $0xFFFFC000  }
0x5ae: {  	_ =	swait.ge [sflag:s22], $0x4000  }
0x5af: {  	[sflag:s22] =	ssyncset.done $0x0  }
0x5b0: {  	s5 =	sld [smem:$0x779];
	[sflag:s22] =	ssyncadd.s32 $0xFFFFC000  }
0x5b1: {  	[tilespmem:s2], [sflag:$0xF] =	stream.linear.gather [hbm4b:s3+s2], $0x200, $0x38;
	[tilespmem:$0x1C000] =	vst v63  }
0x5b2: {  	s4 =	simm.s32 $0x400;
	s6 =	sld [smem:$0x77A]  }
0x5b3: {  	[tilespmem:s4], [sflag:$0xF] =	stream.linear.gather [hbm4b:s5+s2], $0x200, $0x38;
	[tilespmem:$0x1C000] =	vst v63  }
0x5b4: {  	s18 =	simm.s32 $0x800;
	s8 =	sld [smem:$0x77B]  }
0x5b5: {  	[tilespmem:s18], [sflag:$0xF] =	stream.linear.gather [hbm4b:s6+s2], $0x200, $0x38;
	[tilespmem:$0x1C000] =	vst v63  }
0x5b6: {  	s10 =	sld [smem:$0x77C];
	s5 =	simm.s32 $0xC00  }
0x5b7: {  	[tilespmem:s5], [sflag:$0xF] =	stream.linear.gather [hbm4b:s8+s2], $0x200, $0x38;
	[tilespmem:$0x1C000] =	vst v63  }
0x5b8: {  	s31 =	simm.s32 $0x1000;
	s11 =	sld [smem:$0x77D]  }
0x5b9: {  	[tilespmem:s31], [sflag:$0xF] =	stream.linear.gather [hbm4b:s10+s2], $0x200, $0x38;
	[tilespmem:$0x1C000] =	vst v63  }
0x5ba: {  	s13 =	sld [smem:$0x77E]  }
0x5bb: {  	[tilespmem:s16], [sflag:$0xF] =	stream.linear.gather [hbm4b:s11+s2], $0x200, $0x38;
	[tilespmem:$0x1C000] =	vst v63  }
0x5bc: {  	s24 =	sld [smem:$0x77F];
	s6 =	simm.s32 $0x1800  }
0x5bd: {  	[tilespmem:s6], [sflag:$0xF] =	stream.linear.gather [hbm4b:s13+s2], $0x200, $0x38;
	[tilespmem:$0x1C000] =	vst v63  }
0x5be: {  	s4 =	sld [smem:$0x780]  }
0x5bf: {  	[tilespmem:s15], [sflag:$0xF] =	stream.linear.gather [hbm4b:s24+s2], $0x200, $0x38;
	[tilespmem:$0x1C000] =	vst v63  }
0x5c0: {  	s8 =	simm.s32 $0x2000;
	s10 =	sld [smem:$0x781]  }
0x5c1: {  	[tilespmem:s8], [sflag:$0xF] =	stream.linear.gather [hbm4b:s4+s2], $0x200, $0x38;
	[tilespmem:$0x1C000] =	vst v63  }
0x5c2: {  	s11 =	sld [smem:$0x782];
	s4 =	simm.s32 $0x2400  }
0x5c3: {  	[tilespmem:s4], [sflag:$0xF] =	stream.linear.gather [hbm4b:s10+s2], $0x200, $0x38;
	[tilespmem:$0x1C000] =	vst v63  }
0x5c4: {  	s10 =	sld [smem:$0x783]  }
0x5c5: {  	[tilespmem:s14], [sflag:$0xF] =	stream.linear.gather [hbm4b:s11+s2], $0x200, $0x38;
	[tilespmem:$0x1C000] =	vst v63  }
0x5c6: {  	s3 =	simm.s32 $0x2C00;
	s13 =	sld [smem:$0x784]  }
0x5c7: {  	[tilespmem:s3], [sflag:$0xF] =	stream.linear.gather [hbm4b:s10+s2], $0x200, $0x38;
	[tilespmem:$0x1C000] =	vst v63  }
0x5c8: {  	s24 =	sld [smem:$0x785];
	s11 =	simm.s32 $0x3000  }
0x5c9: {  	[tilespmem:s11], [sflag:$0xF] =	stream.linear.gather [hbm4b:s13+s2], $0x200, $0x38;
	[tilespmem:$0x1C000] =	vst v63  }
0x5ca: {  	s10 =	sld [smem:$0x786];
	s13 =	simm.s32 $0x3400  }
0x5cb: {  	[tilespmem:s13], [sflag:$0xF] =	stream.linear.gather [hbm4b:s24+s2], $0x200, $0x38;
	[tilespmem:$0x1C000] =	vst v63  }
0x5cc: {  	s24 =	simm.s32 $0x3800  }
0x5cd: {  	[tilespmem:s24], [sflag:$0xF] =	stream.linear.gather [hbm4b:s10+s2], $0x200, $0x38;
	[tilespmem:$0x1C000] =	vst v63  }
0x5ce: {  	s10 =	sld [smem:$0x787];
	_ =	sdelay $0x1  }
0x5cf: {  	s30 =	simm.s32 $0x3C00;
	s19 =	simm.s32 $0xF  }
0x5d0: {  	[tilespmem:s30], [sflag:$0xF] =	stream.linear.gather [hbm4b:s10+s2], $0x200, $0x38;
	[tilespmem:$0x1C000] =	vst v63  }
0x5d1: {  	_ =	swait.ge [sflag:s19], $0x2000  }
0x5d2: {  	[sflag:s19] =	ssyncset.done $0x0  }
0x5d3: {  	[sflag:s19] =	ssyncadd.s32 $0xFFFFE000  }
0x5d4: {  	[hbm4b:s20+s2] =	stream.linear.scatter [tilespmem:s2], [sflag:$0xF], $0x200, $0x38;
	[tilespmem:$0x1C000] =	vst v63  }
0x5d5: {  	s20 =	sld [smem:$0x788];
	_ =	sdelay $0x1  }
0x5d6: {  	s19 =	simm.s32 $0x400  }
0x5d7: {  	[hbm4b:s20+s2] =	stream.linear.scatter [tilespmem:s19], [sflag:$0xF], $0x200, $0x38;
	[tilespmem:$0x1C000] =	vst v63  }
0x5d8: {  	s20 =	sld [smem:$0x789];
	_ =	sdelay $0x2  }
0x5d9: {  	[hbm4b:s20+s2] =	stream.linear.scatter [tilespmem:s18], [sflag:$0xF], $0x200, $0x38;
	[tilespmem:$0x1C000] =	vst v63  }
0x5da: {  	s20 =	sld [smem:$0x78A];
	_ =	sdelay $0x1  }
0x5db: {  	s18 =	sld [smem:$0x78B]  }
0x5dc: {  	[hbm4b:s20+s2] =	stream.linear.scatter [tilespmem:s5], [sflag:$0xF], $0x200, $0x38;
	[tilespmem:$0x1C000] =	vst v63  }
0x5dd: {  	s20 =	sld [smem:$0x78C]  }
0x5de: {  	[hbm4b:s18+s2] =	stream.linear.scatter [tilespmem:s31], [sflag:$0xF], $0x200, $0x38;
	[tilespmem:$0x1C000] =	vst v63  }
0x5df: {  	s18 =	sld [smem:$0x78D]  }
0x5e0: {  	[hbm4b:s20+s2] =	stream.linear.scatter [tilespmem:s16], [sflag:$0xF], $0x200, $0x38;
	[tilespmem:$0x1C000] =	vst v63  }
0x5e1: {  	s20 =	sld [smem:$0x78E]  }
0x5e2: {  	[hbm4b:s18+s2] =	stream.linear.scatter [tilespmem:s6], [sflag:$0xF], $0x200, $0x38;
	[tilespmem:$0x1C000] =	vst v63  }
0x5e3: {  	s18 =	sld [smem:$0x78F]  }
0x5e4: {  	[hbm4b:s20+s2] =	stream.linear.scatter [tilespmem:s15], [sflag:$0xF], $0x200, $0x38;
	[tilespmem:$0x1C000] =	vst v63  }
0x5e5: {  	s20 =	sld [smem:$0x790]  }
0x5e6: {  	[hbm4b:s18+s2] =	stream.linear.scatter [tilespmem:s8], [sflag:$0xF], $0x200, $0x38;
	[tilespmem:$0x1C000] =	vst v63  }
0x5e7: {  	s18 =	sld [smem:$0x791]  }
0x5e8: {  	[hbm4b:s20+s2] =	stream.linear.scatter [tilespmem:s4], [sflag:$0xF], $0x200, $0x38;
	[tilespmem:$0x1C000] =	vst v63  }
0x5e9: {  	s20 =	sld [smem:$0x792]  }
0x5ea: {  	[hbm4b:s18+s2] =	stream.linear.scatter [tilespmem:s14], [sflag:$0xF], $0x200, $0x38;
	[tilespmem:$0x1C000] =	vst v63  }
0x5eb: {  	s4 =	sld [smem:$0x793]  }
0x5ec: {  	[hbm4b:s20+s2] =	stream.linear.scatter [tilespmem:s3], [sflag:$0xF], $0x200, $0x38;
	[tilespmem:$0x1C000] =	vst v63  }
0x5ed: {  	s10 =	sld [smem:$0x794]  }
0x5ee: {  	[hbm4b:s4+s2] =	stream.linear.scatter [tilespmem:s11], [sflag:$0xF], $0x200, $0x38;
	[tilespmem:$0x1C000] =	vst v63  }
0x5ef: {  	s18 =	sld [smem:$0x795]  }
0x5f0: {  	[hbm4b:s10+s2] =	stream.linear.scatter [tilespmem:s13], [sflag:$0xF], $0x200, $0x38;
	[tilespmem:$0x1C000] =	vst v63  }
0x5f1: {  	s20 =	sld [smem:$0x796]  }
0x5f2: {  	[hbm4b:s18+s2] =	stream.linear.scatter [tilespmem:s24], [sflag:$0xF], $0x200, $0x38;
	[tilespmem:$0x1C000] =	vst v63  }
.Ltmp2:
0x5f3: {  	s5 =	simm.s32 $0xF;
	s31 =	simm.s32 $0x14000;
	(pc) =	sbr.rel @p1 .LBB2_3-.Ltmp2, $4  }
0x5f4: {  	s6 =	simm.s32 $0x10000;
	s8 =	simm.s32 $0xC000;
	s3 =	sld [smem:$0x778]  }
0x5f5: {  	[hbm4b:s20+s2] =	stream.linear.scatter [tilespmem:s30], [sflag:$0xF], $0x200, $0x38;
	[tilespmem:$0x1C000] =	vst v63  }
0x5f6: {  	s11 =	simm.s32 $0x3;
	s13 =	simm.s32 $0x2;
	_ =	swait.ge [sflag:s5], $0x2000  }
0x5f7: {  	s24 =	simm.s32 $0x1;
	s30 =	simm.s32 $0x18000;
	[sflag:s5] =	ssyncset.done $0x0  }
0x5f8: {  	s26 =	simm.s32 $0x3800;
	s28 =	simm.s32 $0x3400;
	s17 =	simm.s32 $0x2000  }
0x5f9: {  	s16 =	simm.s32 $0x1800;
	s15 =	simm.s32 $0x1000;
	s14 =	simm.s32 $0x800  }
0x5fa: {  	s10 =	simm.s32 $0x8000;
	s12 =	simm.s32 $0x4000;
	s18 =	simm.s32 $0xE  }
0x5fb: {  	s20 =	simm.s32 $0xD;
	s21 =	simm.s32 $0xC;
	s22 =	simm.s32 $0xB  }
0x5fc: {  	s23 =	simm.s32 $0xA;
	s1 =	simm.s32 $0x9;
	s25 =	simm.s32 $0x7  }
0x5fd: {  	s0 =	simm.s32 $0x6;
	s7 =	simm.s32 $0x5;
	s9 =	simm.s32 $0x4  }
.LBB2_5:
0x5fe: {  	s3 =	rddreg [dreg:$0x4];
	[sflag:s5] =	ssyncadd.s32 @p0 $0xFFFFE000  }
0x5ff: {  	[tilespmem:s2], [sflag:$0x1] =	stream.linear.gather [hbm4b:s3+s2], $0x4000, $0x38;
	[tilespmem:$0x1C000] =	vst v63  }
0x600: {  	s4 =	rddreg [dreg:$0x5]  }
0x601: {  	[tilespmem:s12], [sflag:$0x2] =	stream.linear.gather [hbm4b:s4+s2], $0x4000, $0x38;
	[tilespmem:$0x1C000] =	vst v63  }
0x602: {  	s5 =	rddreg [dreg:$0x6]  }
0x603: {  	[tilespmem:s10], [sflag:$0x3] =	stream.linear.gather [hbm4b:s5+s2], $0x4000, $0x38;
	[tilespmem:$0x1C000] =	vst v63  }
0x604: {  	_ =	swait.ge [sflag:s24], $0x4000  }
0x605: {  	[sflag:s24] =	ssyncset.done $0x0  }
0x606: {  	s4 =	rddreg [dreg:$0x7];
	[sflag:s24] =	ssyncadd.s32 $0xFFFFC000  }
0x607: {  	[hbm4b:s4+s2] =	stream.linear.scatter [tilespmem:s2], [sflag:$0x8], $0x4000, $0x38;
	[tilespmem:$0x1C000] =	vst v63  }
0x608: {  	s5 =	rddreg [dreg:$0x8]  }
0x609: {  	[tilespmem:s8], [sflag:$0x4] =	stream.linear.gather [hbm4b:s5+s2], $0x4000, $0x38;
	[tilespmem:$0x1C000] =	vst v63  }
0x60a: {  	_ =	swait.ge [sflag:s13], $0x4000  }
0x60b: {  	[sflag:s13] =	ssyncset.done $0x0  }
0x60c: {  	s4 =	rddreg [dreg:$0x9];
	[sflag:s13] =	ssyncadd.s32 $0xFFFFC000  }
0x60d: {  	[hbm4b:s4+s2] =	stream.linear.scatter [tilespmem:s12], [sflag:$0x9], $0x4000, $0x38;
	[tilespmem:$0x1C000] =	vst v63  }
0x60e: {  	s5 =	rddreg [dreg:$0xa]  }
0x60f: {  	[tilespmem:s6], [sflag:$0x5] =	stream.linear.gather [hbm4b:s5+s2], $0x4000, $0x38;
	[tilespmem:$0x1C000] =	vst v63  }
0x610: {  	_ =	swait.ge [sflag:s11], $0x4000  }
0x611: {  	[sflag:s11] =	ssyncset.done $0x0  }
0x612: {  	s4 =	rddreg [dreg:$0xb];
	[sflag:s11] =	ssyncadd.s32 $0xFFFFC000  }
0x613: {  	[hbm4b:s4+s2] =	stream.linear.scatter [tilespmem:s10], [sflag:$0xA], $0x4000, $0x38;
	[tilespmem:$0x1C000] =	vst v63  }
0x614: {  	s5 =	rddreg [dreg:$0xc]  }
0x615: {  	[tilespmem:s31], [sflag:$0x6] =	stream.linear.gather [hbm4b:s5+s2], $0x4000, $0x38;
	[tilespmem:$0x1C000] =	vst v63  }
0x616: {  	_ =	swait.ge [sflag:s9], $0x4000  }
0x617: {  	[sflag:s9] =	ssyncset.done $0x0  }
0x618: {  	s4 =	rddreg [dreg:$0xd];
	[sflag:s9] =	ssyncadd.s32 $0xFFFFC000  }
0x619: {  	[hbm4b:s4+s2] =	stream.linear.scatter [tilespmem:s8], [sflag:$0xB], $0x4000, $0x38;
	[tilespmem:$0x1C000] =	vst v63  }
0x61a: {  	s5 =	rddreg [dreg:$0xe]  }
0x61b: {  	[tilespmem:s30], [sflag:$0x7] =	stream.linear.gather [hbm4b:s5+s2], $0x4000, $0x38;
	[tilespmem:$0x1C000] =	vst v63  }
0x61c: {  	_ =	swait.ge [sflag:s7], $0x4000  }
0x61d: {  	[sflag:s7] =	ssyncset.done $0x0  }
0x61e: {  	s5 =	rddreg [dreg:$0xf];
	[sflag:s7] =	ssyncadd.s32 $0xFFFFC000  }
0x61f: {  	[hbm4b:s5+s2] =	stream.linear.scatter [tilespmem:s6], [sflag:$0xC], $0x4000, $0x38;
	[tilespmem:$0x1C000] =	vst v63  }
0x620: {  	_ =	swait.ge [sflag:s29], $0x4000  }
0x621: {  	[sflag:s29] =	ssyncset.done $0x0  }
0x622: {  	s4 =	rddreg [dreg:$0x10];
	[sflag:s29] =	ssyncadd.s32 $0xFFFFC000  }
0x623: {  	[tilespmem:s2], [sflag:$0x1] =	stream.linear.gather [hbm4b:s4+s2], $0x4000, $0x38;
	[tilespmem:$0x1C000] =	vst v63  }
0x624: {  	_ =	swait.ge [sflag:s0], $0x4000  }
0x625: {  	[sflag:s0] =	ssyncset.done $0x0  }
0x626: {  	s5 =	rddreg [dreg:$0x11];
	[sflag:s0] =	ssyncadd.s32 $0xFFFFC000  }
0x627: {  	[hbm4b:s5+s2] =	stream.linear.scatter [tilespmem:s31], [sflag:$0xD], $0x4000, $0x38;
	[tilespmem:$0x1C000] =	vst v63  }
0x628: {  	_ =	swait.ge [sflag:s1], $0x4000  }
0x629: {  	[sflag:s1] =	ssyncset.done $0x0  }
0x62a: {  	s4 =	rddreg [dreg:$0x12];
	[sflag:s1] =	ssyncadd.s32 $0xFFFFC000  }
0x62b: {  	[tilespmem:s12], [sflag:$0x2] =	stream.linear.gather [hbm4b:s4+s2], $0x4000, $0x38;
	[tilespmem:$0x1C000] =	vst v63  }
0x62c: {  	_ =	swait.ge [sflag:s25], $0x4000  }
0x62d: {  	[sflag:s25] =	ssyncset.done $0x0  }
0x62e: {  	s5 =	rddreg [dreg:$0x13];
	[sflag:s25] =	ssyncadd.s32 $0xFFFFC000  }
0x62f: {  	[hbm4b:s5+s2] =	stream.linear.scatter [tilespmem:s30], [sflag:$0xE], $0x4000, $0x38;
	[tilespmem:$0x1C000] =	vst v63  }
0x630: {  	_ =	swait.ge [sflag:s23], $0x4000  }
0x631: {  	[sflag:s23] =	ssyncset.done $0x0  }
0x632: {  	s4 =	rddreg [dreg:$0x14];
	[sflag:s23] =	ssyncadd.s32 $0xFFFFC000  }
0x633: {  	[tilespmem:s10], [sflag:$0x3] =	stream.linear.gather [hbm4b:s4+s2], $0x4000, $0x38;
	[tilespmem:$0x1C000] =	vst v63  }
0x634: {  	_ =	swait.ge [sflag:s24], $0x4000  }
0x635: {  	[sflag:s24] =	ssyncset.done $0x0  }
0x636: {  	s5 =	rddreg [dreg:$0x15];
	[sflag:s24] =	ssyncadd.s32 $0xFFFFC000  }
0x637: {  	[hbm4b:s5+s2] =	stream.linear.scatter [tilespmem:s2], [sflag:$0x8], $0x4000, $0x38;
	[tilespmem:$0x1C000] =	vst v63  }
0x638: {  	_ =	swait.ge [sflag:s22], $0x4000  }
0x639: {  	[sflag:s22] =	ssyncset.done $0x0  }
0x63a: {  	s4 =	rddreg [dreg:$0x16];
	[sflag:s22] =	ssyncadd.s32 $0xFFFFC000  }
0x63b: {  	[tilespmem:s8], [sflag:$0x4] =	stream.linear.gather [hbm4b:s4+s2], $0x4000, $0x38;
	[tilespmem:$0x1C000] =	vst v63  }
0x63c: {  	_ =	swait.ge [sflag:s13], $0x4000  }
0x63d: {  	[sflag:s13] =	ssyncset.done $0x0  }
0x63e: {  	s5 =	rddreg [dreg:$0x17];
	[sflag:s13] =	ssyncadd.s32 $0xFFFFC000  }
0x63f: {  	[hbm4b:s5+s2] =	stream.linear.scatter [tilespmem:s12], [sflag:$0x9], $0x4000, $0x38;
	[tilespmem:$0x1C000] =	vst v63  }
0x640: {  	_ =	swait.ge [sflag:s21], $0x4000  }
0x641: {  	[sflag:s21] =	ssyncset.done $0x0  }
0x642: {  	s4 =	rddreg [dreg:$0x18];
	[sflag:s21] =	ssyncadd.s32 $0xFFFFC000  }
0x643: {  	[tilespmem:s6], [sflag:$0x5] =	stream.linear.gather [hbm4b:s4+s2], $0x4000, $0x38;
	[tilespmem:$0x1C000] =	vst v63  }
0x644: {  	_ =	swait.ge [sflag:s11], $0x4000  }
0x645: {  	[sflag:s11] =	ssyncset.done $0x0  }
0x646: {  	s5 =	rddreg [dreg:$0x19];
	[sflag:s11] =	ssyncadd.s32 $0xFFFFC000  }
0x647: {  	[hbm4b:s5+s2] =	stream.linear.scatter [tilespmem:s10], [sflag:$0xA], $0x4000, $0x38;
	[tilespmem:$0x1C000] =	vst v63  }
0x648: {  	_ =	swait.ge [sflag:s20], $0x4000  }
0x649: {  	[sflag:s20] =	ssyncset.done $0x0  }
0x64a: {  	s4 =	rddreg [dreg:$0x1a];
	[sflag:s20] =	ssyncadd.s32 $0xFFFFC000  }
0x64b: {  	[tilespmem:s31], [sflag:$0x6] =	stream.linear.gather [hbm4b:s4+s2], $0x4000, $0x38;
	[tilespmem:$0x1C000] =	vst v63  }
0x64c: {  	_ =	swait.ge [sflag:s9], $0x4000  }
0x64d: {  	[sflag:s9] =	ssyncset.done $0x0  }
0x64e: {  	s5 =	rddreg [dreg:$0x1b];
	[sflag:s9] =	ssyncadd.s32 $0xFFFFC000  }
0x64f: {  	[hbm4b:s5+s2] =	stream.linear.scatter [tilespmem:s8], [sflag:$0xB], $0x4000, $0x38;
	[tilespmem:$0x1C000] =	vst v63  }
0x650: {  	_ =	swait.ge [sflag:s18], $0x4000  }
0x651: {  	[sflag:s18] =	ssyncset.done $0x0  }
0x652: {  	s4 =	rddreg [dreg:$0x1c];
	[sflag:s18] =	ssyncadd.s32 $0xFFFFC000  }
0x653: {  	[tilespmem:s30], [sflag:$0x7] =	stream.linear.gather [hbm4b:s4+s2], $0x4000, $0x38;
	[tilespmem:$0x1C000] =	vst v63  }
0x654: {  	_ =	swait.ge [sflag:s7], $0x4000  }
0x655: {  	[sflag:s7] =	ssyncset.done $0x0  }
0x656: {  	s5 =	rddreg [dreg:$0x1d];
	[sflag:s7] =	ssyncadd.s32 $0xFFFFC000  }
0x657: {  	[hbm4b:s5+s2] =	stream.linear.scatter [tilespmem:s6], [sflag:$0xC], $0x4000, $0x38;
	[tilespmem:$0x1C000] =	vst v63  }
0x658: {  	_ =	swait.ge [sflag:s29], $0x4000  }
0x659: {  	[sflag:s29] =	ssyncset.done $0x0  }
0x65a: {  	s4 =	rddreg [dreg:$0x1e];
	[sflag:s29] =	ssyncadd.s32 $0xFFFFC000  }
0x65b: {  	[tilespmem:s2], [sflag:$0x1] =	stream.linear.gather [hbm4b:s4+s2], $0x4000, $0x38;
	[tilespmem:$0x1C000] =	vst v63  }
0x65c: {  	_ =	swait.ge [sflag:s0], $0x4000  }
0x65d: {  	[sflag:s0] =	ssyncset.done $0x0  }
0x65e: {  	s5 =	rddreg [dreg:$0x1f];
	[sflag:s0] =	ssyncadd.s32 $0xFFFFC000  }
0x65f: {  	[hbm4b:s5+s2] =	stream.linear.scatter [tilespmem:s31], [sflag:$0xD], $0x4000, $0x38;
	[tilespmem:$0x1C000] =	vst v63  }
0x660: {  	_ =	swait.ge [sflag:s1], $0x4000  }
0x661: {  	s4 =	sld [smem:$0x798]  }
0x662: {  	[sflag:s1] =	ssyncset.done $0x0  }
0x663: {  	[sflag:s1] =	ssyncadd.s32 $0xFFFFC000  }
0x664: {  	[tilespmem:s12], [sflag:$0x2] =	stream.linear.gather [hbm4b:s4+s2], $0x4000, $0x38;
	[tilespmem:$0x1C000] =	vst v63  }
0x665: {  	_ =	swait.ge [sflag:s25], $0x4000  }
0x666: {  	s5 =	sld [smem:$0x799]  }
0x667: {  	[sflag:s25] =	ssyncset.done $0x0  }
0x668: {  	[sflag:s25] =	ssyncadd.s32 $0xFFFFC000  }
0x669: {  	[hbm4b:s5+s2] =	stream.linear.scatter [tilespmem:s30], [sflag:$0xE], $0x4000, $0x38;
	[tilespmem:$0x1C000] =	vst v63  }
0x66a: {  	_ =	swait.ge [sflag:s23], $0x4000  }
0x66b: {  	s4 =	sld [smem:$0x79A]  }
0x66c: {  	[sflag:s23] =	ssyncset.done $0x0  }
0x66d: {  	[sflag:s23] =	ssyncadd.s32 $0xFFFFC000  }
0x66e: {  	[tilespmem:s10], [sflag:$0x3] =	stream.linear.gather [hbm4b:s4+s2], $0x4000, $0x38;
	[tilespmem:$0x1C000] =	vst v63  }
0x66f: {  	_ =	swait.ge [sflag:s24], $0x4000  }
0x670: {  	s5 =	sld [smem:$0x79B]  }
0x671: {  	[sflag:s24] =	ssyncset.done $0x0  }
0x672: {  	[sflag:s24] =	ssyncadd.s32 $0xFFFFC000  }
0x673: {  	[hbm4b:s5+s2] =	stream.linear.scatter [tilespmem:s2], [sflag:$0x8], $0x4000, $0x38;
	[tilespmem:$0x1C000] =	vst v63  }
0x674: {  	_ =	swait.ge [sflag:s22], $0x4000  }
0x675: {  	s4 =	sld [smem:$0x79C]  }
0x676: {  	[sflag:s22] =	ssyncset.done $0x0  }
0x677: {  	[sflag:s22] =	ssyncadd.s32 $0xFFFFC000  }
0x678: {  	[tilespmem:s8], [sflag:$0x4] =	stream.linear.gather [hbm4b:s4+s2], $0x4000, $0x38;
	[tilespmem:$0x1C000] =	vst v63  }
0x679: {  	_ =	swait.ge [sflag:s13], $0x4000  }
0x67a: {  	s5 =	sld [smem:$0x79D]  }
0x67b: {  	[sflag:s13] =	ssyncset.done $0x0  }
0x67c: {  	[sflag:s13] =	ssyncadd.s32 $0xFFFFC000  }
0x67d: {  	[hbm4b:s5+s2] =	stream.linear.scatter [tilespmem:s12], [sflag:$0x9], $0x4000, $0x38;
	[tilespmem:$0x1C000] =	vst v63  }
0x67e: {  	_ =	swait.ge [sflag:s21], $0x4000  }
0x67f: {  	s4 =	sld [smem:$0x79E]  }
0x680: {  	[sflag:s21] =	ssyncset.done $0x0  }
0x681: {  	[sflag:s21] =	ssyncadd.s32 $0xFFFFC000  }
0x682: {  	[tilespmem:s6], [sflag:$0x5] =	stream.linear.gather [hbm4b:s4+s2], $0x4000, $0x38;
	[tilespmem:$0x1C000] =	vst v63  }
0x683: {  	_ =	swait.ge [sflag:s11], $0x4000  }
0x684: {  	s5 =	sld [smem:$0x79F]  }
0x685: {  	[sflag:s11] =	ssyncset.done $0x0  }
0x686: {  	[sflag:s11] =	ssyncadd.s32 $0xFFFFC000  }
0x687: {  	[hbm4b:s5+s2] =	stream.linear.scatter [tilespmem:s10], [sflag:$0xA], $0x4000, $0x38;
	[tilespmem:$0x1C000] =	vst v63  }
0x688: {  	_ =	swait.ge [sflag:s20], $0x4000  }
0x689: {  	s4 =	sld [smem:$0x7A0]  }
0x68a: {  	[sflag:s20] =	ssyncset.done $0x0  }
0x68b: {  	[sflag:s20] =	ssyncadd.s32 $0xFFFFC000  }
0x68c: {  	[tilespmem:s31], [sflag:$0x6] =	stream.linear.gather [hbm4b:s4+s2], $0x4000, $0x38;
	[tilespmem:$0x1C000] =	vst v63  }
0x68d: {  	_ =	swait.ge [sflag:s9], $0x4000  }
0x68e: {  	s5 =	sld [smem:$0x7A1]  }
0x68f: {  	[sflag:s9] =	ssyncset.done $0x0  }
0x690: {  	[sflag:s9] =	ssyncadd.s32 $0xFFFFC000  }
0x691: {  	[hbm4b:s5+s2] =	stream.linear.scatter [tilespmem:s8], [sflag:$0xB], $0x4000, $0x38;
	[tilespmem:$0x1C000] =	vst v63  }
0x692: {  	_ =	swait.ge [sflag:s18], $0x4000  }
0x693: {  	s4 =	sld [smem:$0x7A2]  }
0x694: {  	[sflag:s18] =	ssyncset.done $0x0  }
0x695: {  	[sflag:s18] =	ssyncadd.s32 $0xFFFFC000  }
0x696: {  	[tilespmem:s30], [sflag:$0x7] =	stream.linear.gather [hbm4b:s4+s2], $0x4000, $0x38;
	[tilespmem:$0x1C000] =	vst v63  }
0x697: {  	_ =	swait.ge [sflag:s7], $0x4000  }
0x698: {  	s5 =	sld [smem:$0x7A3]  }
0x699: {  	[sflag:s7] =	ssyncset.done $0x0  }
0x69a: {  	[sflag:s7] =	ssyncadd.s32 $0xFFFFC000  }
0x69b: {  	[hbm4b:s5+s2] =	stream.linear.scatter [tilespmem:s6], [sflag:$0xC], $0x4000, $0x38;
	[tilespmem:$0x1C000] =	vst v63  }
0x69c: {  	_ =	swait.ge [sflag:s29], $0x4000  }
0x69d: {  	s4 =	sld [smem:$0x7A4]  }
0x69e: {  	[sflag:s29] =	ssyncset.done $0x0  }
0x69f: {  	[sflag:s29] =	ssyncadd.s32 $0xFFFFC000  }
0x6a0: {  	[tilespmem:s2], [sflag:$0x1] =	stream.linear.gather [hbm4b:s4+s2], $0x4000, $0x38;
	[tilespmem:$0x1C000] =	vst v63  }
0x6a1: {  	_ =	swait.ge [sflag:s0], $0x4000  }
0x6a2: {  	s5 =	sld [smem:$0x7A5]  }
0x6a3: {  	[sflag:s0] =	ssyncset.done $0x0  }
0x6a4: {  	[sflag:s0] =	ssyncadd.s32 $0xFFFFC000  }
0x6a5: {  	[hbm4b:s5+s2] =	stream.linear.scatter [tilespmem:s31], [sflag:$0xD], $0x4000, $0x38;
	[tilespmem:$0x1C000] =	vst v63  }
0x6a6: {  	_ =	swait.ge [sflag:s1], $0x4000  }
0x6a7: {  	s4 =	sld [smem:$0x7A6]  }
0x6a8: {  	[sflag:s1] =	ssyncset.done $0x0  }
0x6a9: {  	[sflag:s1] =	ssyncadd.s32 $0xFFFFC000  }
0x6aa: {  	[tilespmem:s12], [sflag:$0x2] =	stream.linear.gather [hbm4b:s4+s2], $0x4000, $0x38;
	[tilespmem:$0x1C000] =	vst v63  }
0x6ab: {  	_ =	swait.ge [sflag:s25], $0x4000  }
0x6ac: {  	s5 =	sld [smem:$0x7A7]  }
0x6ad: {  	[sflag:s25] =	ssyncset.done $0x0  }
0x6ae: {  	[sflag:s25] =	ssyncadd.s32 $0xFFFFC000  }
0x6af: {  	[hbm4b:s5+s2] =	stream.linear.scatter [tilespmem:s30], [sflag:$0xE], $0x4000, $0x38;
	[tilespmem:$0x1C000] =	vst v63  }
0x6b0: {  	_ =	swait.ge [sflag:s23], $0x4000  }
0x6b1: {  	s4 =	sld [smem:$0x7A8]  }
0x6b2: {  	[sflag:s23] =	ssyncset.done $0x0  }
0x6b3: {  	[sflag:s23] =	ssyncadd.s32 $0xFFFFC000  }
0x6b4: {  	[tilespmem:s10], [sflag:$0x3] =	stream.linear.gather [hbm4b:s4+s2], $0x4000, $0x38;
	[tilespmem:$0x1C000] =	vst v63  }
0x6b5: {  	_ =	swait.ge [sflag:s24], $0x4000  }
0x6b6: {  	s5 =	sld [smem:$0x7A9]  }
0x6b7: {  	[sflag:s24] =	ssyncset.done $0x0  }
0x6b8: {  	[sflag:s24] =	ssyncadd.s32 $0xFFFFC000  }
0x6b9: {  	[hbm4b:s5+s2] =	stream.linear.scatter [tilespmem:s2], [sflag:$0x8], $0x4000, $0x38;
	[tilespmem:$0x1C000] =	vst v63  }
0x6ba: {  	_ =	swait.ge [sflag:s22], $0x4000  }
0x6bb: {  	s4 =	sld [smem:$0x7AA]  }
0x6bc: {  	[sflag:s22] =	ssyncset.done $0x0  }
0x6bd: {  	[sflag:s22] =	ssyncadd.s32 $0xFFFFC000  }
0x6be: {  	[tilespmem:s8], [sflag:$0x4] =	stream.linear.gather [hbm4b:s4+s2], $0x4000, $0x38;
	[tilespmem:$0x1C000] =	vst v63  }
0x6bf: {  	_ =	swait.ge [sflag:s13], $0x4000  }
0x6c0: {  	s5 =	sld [smem:$0x7AB]  }
0x6c1: {  	[sflag:s13] =	ssyncset.done $0x0  }
0x6c2: {  	[sflag:s13] =	ssyncadd.s32 $0xFFFFC000  }
0x6c3: {  	[hbm4b:s5+s2] =	stream.linear.scatter [tilespmem:s12], [sflag:$0x9], $0x4000, $0x38;
	[tilespmem:$0x1C000] =	vst v63  }
0x6c4: {  	_ =	swait.ge [sflag:s21], $0x4000  }
0x6c5: {  	s4 =	sld [smem:$0x7AC]  }
0x6c6: {  	[sflag:s21] =	ssyncset.done $0x0  }
0x6c7: {  	[sflag:s21] =	ssyncadd.s32 $0xFFFFC000  }
0x6c8: {  	[tilespmem:s6], [sflag:$0x5] =	stream.linear.gather [hbm4b:s4+s2], $0x4000, $0x38;
	[tilespmem:$0x1C000] =	vst v63  }
0x6c9: {  	_ =	swait.ge [sflag:s11], $0x4000  }
0x6ca: {  	s5 =	sld [smem:$0x7AD]  }
0x6cb: {  	[sflag:s11] =	ssyncset.done $0x0  }
0x6cc: {  	[sflag:s11] =	ssyncadd.s32 $0xFFFFC000  }
0x6cd: {  	[hbm4b:s5+s2] =	stream.linear.scatter [tilespmem:s10], [sflag:$0xA], $0x4000, $0x38;
	[tilespmem:$0x1C000] =	vst v63  }
0x6ce: {  	_ =	swait.ge [sflag:s20], $0x4000  }
0x6cf: {  	s4 =	sld [smem:$0x7AE]  }
0x6d0: {  	[sflag:s20] =	ssyncset.done $0x0  }
0x6d1: {  	[sflag:s20] =	ssyncadd.s32 $0xFFFFC000  }
0x6d2: {  	[tilespmem:s31], [sflag:$0x6] =	stream.linear.gather [hbm4b:s4+s2], $0x4000, $0x38;
	[tilespmem:$0x1C000] =	vst v63  }
0x6d3: {  	_ =	swait.ge [sflag:s9], $0x4000  }
0x6d4: {  	s5 =	sld [smem:$0x7AF]  }
0x6d5: {  	[sflag:s9] =	ssyncset.done $0x0  }
0x6d6: {  	[sflag:s9] =	ssyncadd.s32 $0xFFFFC000  }
0x6d7: {  	[hbm4b:s5+s2] =	stream.linear.scatter [tilespmem:s8], [sflag:$0xB], $0x4000, $0x38;
	[tilespmem:$0x1C000] =	vst v63  }
0x6d8: {  	_ =	swait.ge [sflag:s18], $0x4000  }
0x6d9: {  	s4 =	sld [smem:$0x7B0]  }
0x6da: {  	[sflag:s18] =	ssyncset.done $0x0  }
0x6db: {  	[sflag:s18] =	ssyncadd.s32 $0xFFFFC000  }
0x6dc: {  	[tilespmem:s30], [sflag:$0x7] =	stream.linear.gather [hbm4b:s4+s2], $0x4000, $0x38;
	[tilespmem:$0x1C000] =	vst v63  }
0x6dd: {  	_ =	swait.ge [sflag:s7], $0x4000  }
0x6de: {  	s5 =	sld [smem:$0x7B1]  }
0x6df: {  	[sflag:s7] =	ssyncset.done $0x0  }
0x6e0: {  	[sflag:s7] =	ssyncadd.s32 $0xFFFFC000  }
0x6e1: {  	[hbm4b:s5+s2] =	stream.linear.scatter [tilespmem:s6], [sflag:$0xC], $0x4000, $0x38;
	[tilespmem:$0x1C000] =	vst v63  }
0x6e2: {  	_ =	swait.ge [sflag:s29], $0x4000  }
0x6e3: {  	s4 =	sld [smem:$0x7B2]  }
0x6e4: {  	[sflag:s29] =	ssyncset.done $0x0  }
0x6e5: {  	[sflag:s29] =	ssyncadd.s32 $0xFFFFC000  }
0x6e6: {  	[tilespmem:s2], [sflag:$0x1] =	stream.linear.gather [hbm4b:s4+s2], $0x4000, $0x38;
	[tilespmem:$0x1C000] =	vst v63  }
0x6e7: {  	_ =	swait.ge [sflag:s0], $0x4000  }
0x6e8: {  	s5 =	sld [smem:$0x7B3]  }
0x6e9: {  	[sflag:s0] =	ssyncset.done $0x0  }
0x6ea: {  	[sflag:s0] =	ssyncadd.s32 $0xFFFFC000  }
0x6eb: {  	[hbm4b:s5+s2] =	stream.linear.scatter [tilespmem:s31], [sflag:$0xD], $0x4000, $0x38;
	[tilespmem:$0x1C000] =	vst v63  }
0x6ec: {  	_ =	swait.ge [sflag:s1], $0x4000  }
0x6ed: {  	s4 =	sld [smem:$0x7B4]  }
0x6ee: {  	[sflag:s1] =	ssyncset.done $0x0  }
0x6ef: {  	[sflag:s1] =	ssyncadd.s32 $0xFFFFC000  }
0x6f0: {  	[tilespmem:s12], [sflag:$0x2] =	stream.linear.gather [hbm4b:s4+s2], $0x4000, $0x38;
	[tilespmem:$0x1C000] =	vst v63  }
0x6f1: {  	_ =	swait.ge [sflag:s25], $0x4000  }
0x6f2: {  	s5 =	sld [smem:$0x7B5]  }
0x6f3: {  	[sflag:s25] =	ssyncset.done $0x0  }
0x6f4: {  	[sflag:s25] =	ssyncadd.s32 $0xFFFFC000  }
0x6f5: {  	[hbm4b:s5+s2] =	stream.linear.scatter [tilespmem:s30], [sflag:$0xE], $0x4000, $0x38;
	[tilespmem:$0x1C000] =	vst v63  }
0x6f6: {  	_ =	swait.ge [sflag:s23], $0x4000  }
0x6f7: {  	s4 =	sld [smem:$0x7B6]  }
0x6f8: {  	[sflag:s23] =	ssyncset.done $0x0  }
0x6f9: {  	[sflag:s23] =	ssyncadd.s32 $0xFFFFC000  }
0x6fa: {  	[tilespmem:s10], [sflag:$0x3] =	stream.linear.gather [hbm4b:s4+s2], $0x4000, $0x38;
	[tilespmem:$0x1C000] =	vst v63  }
0x6fb: {  	_ =	swait.ge [sflag:s24], $0x4000  }
0x6fc: {  	s5 =	sld [smem:$0x7B7]  }
0x6fd: {  	[sflag:s24] =	ssyncset.done $0x0  }
0x6fe: {  	[sflag:s24] =	ssyncadd.s32 $0xFFFFC000  }
0x6ff: {  	[hbm4b:s5+s2] =	stream.linear.scatter [tilespmem:s2], [sflag:$0x8], $0x4000, $0x38;
	[tilespmem:$0x1C000] =	vst v63  }
0x700: {  	_ =	swait.ge [sflag:s22], $0x4000  }
0x701: {  	s4 =	sld [smem:$0x7B8]  }
0x702: {  	[sflag:s22] =	ssyncset.done $0x0  }
0x703: {  	[sflag:s22] =	ssyncadd.s32 $0xFFFFC000  }
0x704: {  	[tilespmem:s8], [sflag:$0x4] =	stream.linear.gather [hbm4b:s4+s2], $0x4000, $0x38;
	[tilespmem:$0x1C000] =	vst v63  }
0x705: {  	_ =	swait.ge [sflag:s13], $0x4000  }
0x706: {  	s5 =	sld [smem:$0x7B9]  }
0x707: {  	[sflag:s13] =	ssyncset.done $0x0  }
0x708: {  	[sflag:s13] =	ssyncadd.s32 $0xFFFFC000  }
0x709: {  	[hbm4b:s5+s2] =	stream.linear.scatter [tilespmem:s12], [sflag:$0x9], $0x4000, $0x38;
	[tilespmem:$0x1C000] =	vst v63  }
0x70a: {  	_ =	swait.ge [sflag:s21], $0x4000  }
0x70b: {  	s4 =	sld [smem:$0x7BA]  }
0x70c: {  	[sflag:s21] =	ssyncset.done $0x0  }
0x70d: {  	[sflag:s21] =	ssyncadd.s32 $0xFFFFC000  }
0x70e: {  	[tilespmem:s6], [sflag:$0x5] =	stream.linear.gather [hbm4b:s4+s2], $0x4000, $0x38;
	[tilespmem:$0x1C000] =	vst v63  }
0x70f: {  	_ =	swait.ge [sflag:s11], $0x4000  }
0x710: {  	s5 =	sld [smem:$0x7BB]  }
0x711: {  	[sflag:s11] =	ssyncset.done $0x0  }
0x712: {  	[sflag:s11] =	ssyncadd.s32 $0xFFFFC000  }
0x713: {  	[hbm4b:s5+s2] =	stream.linear.scatter [tilespmem:s10], [sflag:$0xA], $0x4000, $0x38;
	[tilespmem:$0x1C000] =	vst v63  }
0x714: {  	_ =	swait.ge [sflag:s20], $0x4000  }
0x715: {  	s4 =	sld [smem:$0x7BC]  }
0x716: {  	[sflag:s20] =	ssyncset.done $0x0  }
0x717: {  	[sflag:s20] =	ssyncadd.s32 $0xFFFFC000  }
0x718: {  	[tilespmem:s31], [sflag:$0x6] =	stream.linear.gather [hbm4b:s4+s2], $0x4000, $0x38;
	[tilespmem:$0x1C000] =	vst v63  }
0x719: {  	_ =	swait.ge [sflag:s9], $0x4000  }
0x71a: {  	s5 =	sld [smem:$0x7BD]  }
0x71b: {  	[sflag:s9] =	ssyncset.done $0x0  }
0x71c: {  	[sflag:s9] =	ssyncadd.s32 $0xFFFFC000  }
0x71d: {  	[hbm4b:s5+s2] =	stream.linear.scatter [tilespmem:s8], [sflag:$0xB], $0x4000, $0x38;
	[tilespmem:$0x1C000] =	vst v63  }
0x71e: {  	_ =	swait.ge [sflag:s18], $0x4000  }
0x71f: {  	s4 =	sld [smem:$0x7BE]  }
0x720: {  	[sflag:s18] =	ssyncset.done $0x0  }
0x721: {  	[sflag:s18] =	ssyncadd.s32 $0xFFFFC000  }
0x722: {  	[tilespmem:s30], [sflag:$0x7] =	stream.linear.gather [hbm4b:s4+s2], $0x4000, $0x38;
	[tilespmem:$0x1C000] =	vst v63  }
0x723: {  	_ =	swait.ge [sflag:s7], $0x4000  }
0x724: {  	s5 =	sld [smem:$0x7BF]  }
0x725: {  	[sflag:s7] =	ssyncset.done $0x0  }
0x726: {  	[sflag:s7] =	ssyncadd.s32 $0xFFFFC000  }
0x727: {  	[hbm4b:s5+s2] =	stream.linear.scatter [tilespmem:s6], [sflag:$0xC], $0x4000, $0x38;
	[tilespmem:$0x1C000] =	vst v63  }
0x728: {  	_ =	swait.ge [sflag:s29], $0x4000  }
0x729: {  	s4 =	sld [smem:$0x7C0]  }
0x72a: {  	[sflag:s29] =	ssyncset.done $0x0  }
0x72b: {  	[sflag:s29] =	ssyncadd.s32 $0xFFFFC000  }
0x72c: {  	[tilespmem:s2], [sflag:$0x1] =	stream.linear.gather [hbm4b:s4+s2], $0x4000, $0x38;
	[tilespmem:$0x1C000] =	vst v63  }
0x72d: {  	_ =	swait.ge [sflag:s0], $0x4000  }
0x72e: {  	s5 =	sld [smem:$0x7C1]  }
0x72f: {  	[sflag:s0] =	ssyncset.done $0x0  }
0x730: {  	[sflag:s0] =	ssyncadd.s32 $0xFFFFC000  }
0x731: {  	[hbm4b:s5+s2] =	stream.linear.scatter [tilespmem:s31], [sflag:$0xD], $0x4000, $0x38;
	[tilespmem:$0x1C000] =	vst v63  }
0x732: {  	_ =	swait.ge [sflag:s1], $0x4000  }
0x733: {  	s4 =	sld [smem:$0x7C2]  }
0x734: {  	[sflag:s1] =	ssyncset.done $0x0  }
0x735: {  	[sflag:s1] =	ssyncadd.s32 $0xFFFFC000  }
0x736: {  	[tilespmem:s12], [sflag:$0x2] =	stream.linear.gather [hbm4b:s4+s2], $0x4000, $0x38;
	[tilespmem:$0x1C000] =	vst v63  }
0x737: {  	_ =	swait.ge [sflag:s25], $0x4000  }
0x738: {  	s5 =	sld [smem:$0x7C3]  }
0x739: {  	[sflag:s25] =	ssyncset.done $0x0  }
0x73a: {  	[sflag:s25] =	ssyncadd.s32 $0xFFFFC000  }
0x73b: {  	[hbm4b:s5+s2] =	stream.linear.scatter [tilespmem:s30], [sflag:$0xE], $0x4000, $0x38;
	[tilespmem:$0x1C000] =	vst v63  }
0x73c: {  	_ =	swait.ge [sflag:s23], $0x4000  }
0x73d: {  	s4 =	sld [smem:$0x7C4]  }
0x73e: {  	[sflag:s23] =	ssyncset.done $0x0  }
0x73f: {  	[sflag:s23] =	ssyncadd.s32 $0xFFFFC000  }
0x740: {  	[tilespmem:s10], [sflag:$0x3] =	stream.linear.gather [hbm4b:s4+s2], $0x4000, $0x38;
	[tilespmem:$0x1C000] =	vst v63  }
0x741: {  	_ =	swait.ge [sflag:s24], $0x4000  }
0x742: {  	s5 =	sld [smem:$0x7C5]  }
0x743: {  	[sflag:s24] =	ssyncset.done $0x0  }
0x744: {  	[sflag:s24] =	ssyncadd.s32 $0xFFFFC000  }
0x745: {  	[hbm4b:s5+s2] =	stream.linear.scatter [tilespmem:s2], [sflag:$0x8], $0x4000, $0x38;
	[tilespmem:$0x1C000] =	vst v63  }
0x746: {  	_ =	swait.ge [sflag:s22], $0x4000  }
0x747: {  	s4 =	sld [smem:$0x7C6]  }
0x748: {  	[sflag:s22] =	ssyncset.done $0x0  }
0x749: {  	[sflag:s22] =	ssyncadd.s32 $0xFFFFC000  }
0x74a: {  	[tilespmem:s8], [sflag:$0x4] =	stream.linear.gather [hbm4b:s4+s2], $0x4000, $0x38;
	[tilespmem:$0x1C000] =	vst v63  }
0x74b: {  	_ =	swait.ge [sflag:s13], $0x4000  }
0x74c: {  	s5 =	sld [smem:$0x7C7]  }
0x74d: {  	[sflag:s13] =	ssyncset.done $0x0  }
0x74e: {  	[sflag:s13] =	ssyncadd.s32 $0xFFFFC000  }
0x74f: {  	[hbm4b:s5+s2] =	stream.linear.scatter [tilespmem:s12], [sflag:$0x9], $0x4000, $0x38;
	[tilespmem:$0x1C000] =	vst v63  }
0x750: {  	_ =	swait.ge [sflag:s21], $0x4000  }
0x751: {  	s4 =	sld [smem:$0x7C8]  }
0x752: {  	[sflag:s21] =	ssyncset.done $0x0  }
0x753: {  	[sflag:s21] =	ssyncadd.s32 $0xFFFFC000  }
0x754: {  	[tilespmem:s6], [sflag:$0x5] =	stream.linear.gather [hbm4b:s4+s2], $0x4000, $0x38;
	[tilespmem:$0x1C000] =	vst v63  }
0x755: {  	_ =	swait.ge [sflag:s11], $0x4000  }
0x756: {  	s5 =	sld [smem:$0x7C9]  }
0x757: {  	[sflag:s11] =	ssyncset.done $0x0  }
0x758: {  	[sflag:s11] =	ssyncadd.s32 $0xFFFFC000  }
0x759: {  	[hbm4b:s5+s2] =	stream.linear.scatter [tilespmem:s10], [sflag:$0xA], $0x4000, $0x38;
	[tilespmem:$0x1C000] =	vst v63  }
0x75a: {  	_ =	swait.ge [sflag:s20], $0x4000  }
0x75b: {  	s4 =	sld [smem:$0x7CA]  }
0x75c: {  	[sflag:s20] =	ssyncset.done $0x0  }
0x75d: {  	[sflag:s20] =	ssyncadd.s32 $0xFFFFC000  }
0x75e: {  	[tilespmem:s31], [sflag:$0x6] =	stream.linear.gather [hbm4b:s4+s2], $0x4000, $0x38;
	[tilespmem:$0x1C000] =	vst v63  }
0x75f: {  	_ =	swait.ge [sflag:s9], $0x4000  }
0x760: {  	s5 =	sld [smem:$0x7CB]  }
0x761: {  	[sflag:s9] =	ssyncset.done $0x0  }
0x762: {  	[sflag:s9] =	ssyncadd.s32 $0xFFFFC000  }
0x763: {  	[hbm4b:s5+s2] =	stream.linear.scatter [tilespmem:s8], [sflag:$0xB], $0x4000, $0x38;
	[tilespmem:$0x1C000] =	vst v63  }
0x764: {  	_ =	swait.ge [sflag:s18], $0x4000  }
0x765: {  	s4 =	sld [smem:$0x7CC]  }
0x766: {  	[sflag:s18] =	ssyncset.done $0x0  }
0x767: {  	[sflag:s18] =	ssyncadd.s32 $0xFFFFC000  }
0x768: {  	[tilespmem:s30], [sflag:$0x7] =	stream.linear.gather [hbm4b:s4+s2], $0x4000, $0x38;
	[tilespmem:$0x1C000] =	vst v63  }
0x769: {  	_ =	swait.ge [sflag:s7], $0x4000  }
0x76a: {  	s5 =	sld [smem:$0x7CD]  }
0x76b: {  	[sflag:s7] =	ssyncset.done $0x0  }
0x76c: {  	[sflag:s7] =	ssyncadd.s32 $0xFFFFC000  }
0x76d: {  	[hbm4b:s5+s2] =	stream.linear.scatter [tilespmem:s6], [sflag:$0xC], $0x4000, $0x38;
	[tilespmem:$0x1C000] =	vst v63  }
0x76e: {  	_ =	swait.ge [sflag:s29], $0x4000  }
0x76f: {  	s4 =	sld [smem:$0x7CE]  }
0x770: {  	[sflag:s29] =	ssyncset.done $0x0  }
0x771: {  	[sflag:s29] =	ssyncadd.s32 $0xFFFFC000  }
0x772: {  	[tilespmem:s2], [sflag:$0x1] =	stream.linear.gather [hbm4b:s4+s2], $0x4000, $0x38;
	[tilespmem:$0x1C000] =	vst v63  }
0x773: {  	_ =	swait.ge [sflag:s0], $0x4000  }
0x774: {  	s5 =	sld [smem:$0x7CF]  }
0x775: {  	[sflag:s0] =	ssyncset.done $0x0  }
0x776: {  	[sflag:s0] =	ssyncadd.s32 $0xFFFFC000  }
0x777: {  	[hbm4b:s5+s2] =	stream.linear.scatter [tilespmem:s31], [sflag:$0xD], $0x4000, $0x38;
	[tilespmem:$0x1C000] =	vst v63  }
0x778: {  	_ =	swait.ge [sflag:s1], $0x4000  }
0x779: {  	s4 =	sld [smem:$0x7D0]  }
0x77a: {  	[sflag:s1] =	ssyncset.done $0x0  }
0x77b: {  	[sflag:s1] =	ssyncadd.s32 $0xFFFFC000  }
0x77c: {  	[tilespmem:s12], [sflag:$0x2] =	stream.linear.gather [hbm4b:s4+s2], $0x4000, $0x38;
	[tilespmem:$0x1C000] =	vst v63  }
0x77d: {  	_ =	swait.ge [sflag:s25], $0x4000  }
0x77e: {  	s5 =	sld [smem:$0x7D1]  }
0x77f: {  	[sflag:s25] =	ssyncset.done $0x0  }
0x780: {  	[sflag:s25] =	ssyncadd.s32 $0xFFFFC000  }
0x781: {  	[hbm4b:s5+s2] =	stream.linear.scatter [tilespmem:s30], [sflag:$0xE], $0x4000, $0x38;
	[tilespmem:$0x1C000] =	vst v63  }
0x782: {  	_ =	swait.ge [sflag:s23], $0x4000  }
0x783: {  	s4 =	sld [smem:$0x7D2]  }
0x784: {  	[sflag:s23] =	ssyncset.done $0x0  }
0x785: {  	[sflag:s23] =	ssyncadd.s32 $0xFFFFC000  }
0x786: {  	[tilespmem:s10], [sflag:$0x3] =	stream.linear.gather [hbm4b:s4+s2], $0x4000, $0x38;
	[tilespmem:$0x1C000] =	vst v63  }
0x787: {  	_ =	swait.ge [sflag:s24], $0x4000  }
0x788: {  	s5 =	sld [smem:$0x7D3]  }
0x789: {  	[sflag:s24] =	ssyncset.done $0x0  }
0x78a: {  	[sflag:s24] =	ssyncadd.s32 $0xFFFFC000  }
0x78b: {  	[hbm4b:s5+s2] =	stream.linear.scatter [tilespmem:s2], [sflag:$0x8], $0x4000, $0x38;
	[tilespmem:$0x1C000] =	vst v63  }
0x78c: {  	_ =	swait.ge [sflag:s22], $0x4000  }
0x78d: {  	s4 =	sld [smem:$0x7D4]  }
0x78e: {  	[sflag:s22] =	ssyncset.done $0x0  }
0x78f: {  	[sflag:s22] =	ssyncadd.s32 $0xFFFFC000  }
0x790: {  	[tilespmem:s8], [sflag:$0x4] =	stream.linear.gather [hbm4b:s4+s2], $0x4000, $0x38;
	[tilespmem:$0x1C000] =	vst v63  }
0x791: {  	_ =	swait.ge [sflag:s13], $0x4000  }
0x792: {  	s5 =	sld [smem:$0x7D5]  }
0x793: {  	[sflag:s13] =	ssyncset.done $0x0  }
0x794: {  	[sflag:s13] =	ssyncadd.s32 $0xFFFFC000  }
0x795: {  	[hbm4b:s5+s2] =	stream.linear.scatter [tilespmem:s12], [sflag:$0x9], $0x4000, $0x38;
	[tilespmem:$0x1C000] =	vst v63  }
0x796: {  	_ =	swait.ge [sflag:s21], $0x4000  }
0x797: {  	s4 =	sld [smem:$0x7D6]  }
0x798: {  	[sflag:s21] =	ssyncset.done $0x0  }
0x799: {  	[sflag:s21] =	ssyncadd.s32 $0xFFFFC000  }
0x79a: {  	[tilespmem:s6], [sflag:$0x5] =	stream.linear.gather [hbm4b:s4+s2], $0x4000, $0x38;
	[tilespmem:$0x1C000] =	vst v63  }
0x79b: {  	_ =	swait.ge [sflag:s11], $0x4000  }
0x79c: {  	s5 =	sld [smem:$0x7D7]  }
0x79d: {  	[sflag:s11] =	ssyncset.done $0x0  }
0x79e: {  	[sflag:s11] =	ssyncadd.s32 $0xFFFFC000  }
0x79f: {  	[hbm4b:s5+s2] =	stream.linear.scatter [tilespmem:s10], [sflag:$0xA], $0x4000, $0x38;
	[tilespmem:$0x1C000] =	vst v63  }
0x7a0: {  	_ =	swait.ge [sflag:s20], $0x4000  }
0x7a1: {  	s4 =	sld [smem:$0x7D8]  }
0x7a2: {  	[sflag:s20] =	ssyncset.done $0x0  }
0x7a3: {  	[sflag:s20] =	ssyncadd.s32 $0xFFFFC000  }
0x7a4: {  	[tilespmem:s31], [sflag:$0x6] =	stream.linear.gather [hbm4b:s4+s2], $0x4000, $0x38;
	[tilespmem:$0x1C000] =	vst v63  }
0x7a5: {  	_ =	swait.ge [sflag:s9], $0x4000  }
0x7a6: {  	s5 =	sld [smem:$0x7D9]  }
0x7a7: {  	[sflag:s9] =	ssyncset.done $0x0  }
0x7a8: {  	[sflag:s9] =	ssyncadd.s32 $0xFFFFC000  }
0x7a9: {  	[hbm4b:s5+s2] =	stream.linear.scatter [tilespmem:s8], [sflag:$0xB], $0x4000, $0x38;
	[tilespmem:$0x1C000] =	vst v63  }
0x7aa: {  	_ =	swait.ge [sflag:s18], $0x4000  }
0x7ab: {  	s4 =	sld [smem:$0x7DA]  }
0x7ac: {  	[sflag:s18] =	ssyncset.done $0x0  }
0x7ad: {  	[sflag:s18] =	ssyncadd.s32 $0xFFFFC000  }
0x7ae: {  	[tilespmem:s30], [sflag:$0x7] =	stream.linear.gather [hbm4b:s4+s2], $0x4000, $0x38;
	[tilespmem:$0x1C000] =	vst v63  }
0x7af: {  	_ =	swait.ge [sflag:s7], $0x4000  }
0x7b0: {  	s5 =	sld [smem:$0x7DB]  }
0x7b1: {  	[sflag:s7] =	ssyncset.done $0x0  }
0x7b2: {  	[sflag:s7] =	ssyncadd.s32 $0xFFFFC000  }
0x7b3: {  	[hbm4b:s5+s2] =	stream.linear.scatter [tilespmem:s6], [sflag:$0xC], $0x4000, $0x38;
	[tilespmem:$0x1C000] =	vst v63  }
0x7b4: {  	_ =	swait.ge [sflag:s29], $0x4000  }
0x7b5: {  	s4 =	sld [smem:$0x7DC]  }
0x7b6: {  	[sflag:s29] =	ssyncset.done $0x0  }
0x7b7: {  	[sflag:s29] =	ssyncadd.s32 $0xFFFFC000  }
0x7b8: {  	[tilespmem:s2], [sflag:$0x1] =	stream.linear.gather [hbm4b:s4+s2], $0x4000, $0x38;
	[tilespmem:$0x1C000] =	vst v63  }
0x7b9: {  	_ =	swait.ge [sflag:s0], $0x4000  }
0x7ba: {  	s5 =	sld [smem:$0x7DD]  }
0x7bb: {  	[sflag:s0] =	ssyncset.done $0x0  }
0x7bc: {  	[sflag:s0] =	ssyncadd.s32 $0xFFFFC000  }
0x7bd: {  	[hbm4b:s5+s2] =	stream.linear.scatter [tilespmem:s31], [sflag:$0xD], $0x4000, $0x38;
	[tilespmem:$0x1C000] =	vst v63  }
0x7be: {  	_ =	swait.ge [sflag:s1], $0x4000  }
0x7bf: {  	s4 =	sld [smem:$0x7DE]  }
0x7c0: {  	[sflag:s1] =	ssyncset.done $0x0  }
0x7c1: {  	[sflag:s1] =	ssyncadd.s32 $0xFFFFC000  }
0x7c2: {  	[tilespmem:s12], [sflag:$0x2] =	stream.linear.gather [hbm4b:s4+s2], $0x4000, $0x38;
	[tilespmem:$0x1C000] =	vst v63  }
0x7c3: {  	_ =	swait.ge [sflag:s25], $0x4000  }
0x7c4: {  	s5 =	sld [smem:$0x7DF]  }
0x7c5: {  	[sflag:s25] =	ssyncset.done $0x0  }
0x7c6: {  	[sflag:s25] =	ssyncadd.s32 $0xFFFFC000  }
0x7c7: {  	[hbm4b:s5+s2] =	stream.linear.scatter [tilespmem:s30], [sflag:$0xE], $0x4000, $0x38;
	[tilespmem:$0x1C000] =	vst v63  }
0x7c8: {  	_ =	swait.ge [sflag:s23], $0x4000  }
0x7c9: {  	s4 =	sld [smem:$0x7E0]  }
0x7ca: {  	[sflag:s23] =	ssyncset.done $0x0  }
0x7cb: {  	[sflag:s23] =	ssyncadd.s32 $0xFFFFC000  }
0x7cc: {  	[tilespmem:s10], [sflag:$0x3] =	stream.linear.gather [hbm4b:s4+s2], $0x4000, $0x38;
	[tilespmem:$0x1C000] =	vst v63  }
0x7cd: {  	_ =	swait.ge [sflag:s24], $0x4000  }
0x7ce: {  	s5 =	sld [smem:$0x7E1]  }
0x7cf: {  	[sflag:s24] =	ssyncset.done $0x0  }
0x7d0: {  	[sflag:s24] =	ssyncadd.s32 $0xFFFFC000  }
0x7d1: {  	[hbm4b:s5+s2] =	stream.linear.scatter [tilespmem:s2], [sflag:$0x8], $0x4000, $0x38;
	[tilespmem:$0x1C000] =	vst v63  }
0x7d2: {  	_ =	swait.ge [sflag:s22], $0x4000  }
0x7d3: {  	s4 =	sld [smem:$0x7E2]  }
0x7d4: {  	[sflag:s22] =	ssyncset.done $0x0  }
0x7d5: {  	[sflag:s22] =	ssyncadd.s32 $0xFFFFC000  }
0x7d6: {  	[tilespmem:s8], [sflag:$0x4] =	stream.linear.gather [hbm4b:s4+s2], $0x4000, $0x38;
	[tilespmem:$0x1C000] =	vst v63  }
0x7d7: {  	_ =	swait.ge [sflag:s13], $0x4000  }
0x7d8: {  	s5 =	sld [smem:$0x7E3]  }
0x7d9: {  	[sflag:s13] =	ssyncset.done $0x0  }
0x7da: {  	[sflag:s13] =	ssyncadd.s32 $0xFFFFC000  }
0x7db: {  	[hbm4b:s5+s2] =	stream.linear.scatter [tilespmem:s12], [sflag:$0x9], $0x4000, $0x38;
	[tilespmem:$0x1C000] =	vst v63  }
0x7dc: {  	_ =	swait.ge [sflag:s21], $0x4000  }
0x7dd: {  	s4 =	sld [smem:$0x7E4]  }
0x7de: {  	[sflag:s21] =	ssyncset.done $0x0  }
0x7df: {  	[sflag:s21] =	ssyncadd.s32 $0xFFFFC000  }
0x7e0: {  	[tilespmem:s6], [sflag:$0x5] =	stream.linear.gather [hbm4b:s4+s2], $0x4000, $0x38;
	[tilespmem:$0x1C000] =	vst v63  }
0x7e1: {  	_ =	swait.ge [sflag:s11], $0x4000  }
0x7e2: {  	s5 =	sld [smem:$0x7E5]  }
0x7e3: {  	[sflag:s11] =	ssyncset.done $0x0  }
0x7e4: {  	[sflag:s11] =	ssyncadd.s32 $0xFFFFC000  }
0x7e5: {  	[hbm4b:s5+s2] =	stream.linear.scatter [tilespmem:s10], [sflag:$0xA], $0x4000, $0x38;
	[tilespmem:$0x1C000] =	vst v63  }
0x7e6: {  	_ =	swait.ge [sflag:s20], $0x4000  }
0x7e7: {  	s4 =	sld [smem:$0x7E6]  }
0x7e8: {  	[sflag:s20] =	ssyncset.done $0x0  }
0x7e9: {  	[sflag:s20] =	ssyncadd.s32 $0xFFFFC000  }
0x7ea: {  	[tilespmem:s31], [sflag:$0x6] =	stream.linear.gather [hbm4b:s4+s2], $0x4000, $0x38;
	[tilespmem:$0x1C000] =	vst v63  }
0x7eb: {  	_ =	swait.ge [sflag:s9], $0x4000  }
0x7ec: {  	s5 =	sld [smem:$0x7E7]  }
0x7ed: {  	[sflag:s9] =	ssyncset.done $0x0  }
0x7ee: {  	[sflag:s9] =	ssyncadd.s32 $0xFFFFC000  }
0x7ef: {  	[hbm4b:s5+s2] =	stream.linear.scatter [tilespmem:s8], [sflag:$0xB], $0x4000, $0x38;
	[tilespmem:$0x1C000] =	vst v63  }
0x7f0: {  	_ =	swait.ge [sflag:s18], $0x4000  }
0x7f1: {  	s4 =	sld [smem:$0x7E8]  }
0x7f2: {  	[sflag:s18] =	ssyncset.done $0x0  }
0x7f3: {  	[sflag:s18] =	ssyncadd.s32 $0xFFFFC000  }
0x7f4: {  	[tilespmem:s30], [sflag:$0x7] =	stream.linear.gather [hbm4b:s4+s2], $0x4000, $0x38;
	[tilespmem:$0x1C000] =	vst v63  }
0x7f5: {  	_ =	swait.ge [sflag:s7], $0x4000  }
0x7f6: {  	s5 =	sld [smem:$0x7E9]  }
0x7f7: {  	[sflag:s7] =	ssyncset.done $0x0  }
0x7f8: {  	[sflag:s7] =	ssyncadd.s32 $0xFFFFC000  }
0x7f9: {  	[hbm4b:s5+s2] =	stream.linear.scatter [tilespmem:s6], [sflag:$0xC], $0x4000, $0x38;
	[tilespmem:$0x1C000] =	vst v63  }
0x7fa: {  	_ =	swait.ge [sflag:s29], $0x4000  }
0x7fb: {  	s4 =	sld [smem:$0x7EA]  }
0x7fc: {  	[sflag:s29] =	ssyncset.done $0x0  }
0x7fd: {  	[sflag:s29] =	ssyncadd.s32 $0xFFFFC000  }
0x7fe: {  	[tilespmem:s2], [sflag:$0x1] =	stream.linear.gather [hbm4b:s4+s2], $0x4000, $0x38;
	[tilespmem:$0x1C000] =	vst v63  }
0x7ff: {  	_ =	swait.ge [sflag:s0], $0x4000  }
0x800: {  	s5 =	sld [smem:$0x7EB]  }
0x801: {  	[sflag:s0] =	ssyncset.done $0x0  }
0x802: {  	[sflag:s0] =	ssyncadd.s32 $0xFFFFC000  }
0x803: {  	[hbm4b:s5+s2] =	stream.linear.scatter [tilespmem:s31], [sflag:$0xD], $0x4000, $0x38;
	[tilespmem:$0x1C000] =	vst v63  }
0x804: {  	_ =	swait.ge [sflag:s1], $0x4000  }
0x805: {  	s4 =	sld [smem:$0x7EC]  }
0x806: {  	[sflag:s1] =	ssyncset.done $0x0  }
0x807: {  	[sflag:s1] =	ssyncadd.s32 $0xFFFFC000  }
0x808: {  	[tilespmem:s12], [sflag:$0x2] =	stream.linear.gather [hbm4b:s4+s2], $0x4000, $0x38;
	[tilespmem:$0x1C000] =	vst v63  }
0x809: {  	_ =	swait.ge [sflag:s25], $0x4000  }
0x80a: {  	s5 =	sld [smem:$0x7ED]  }
0x80b: {  	[sflag:s25] =	ssyncset.done $0x0  }
0x80c: {  	[sflag:s25] =	ssyncadd.s32 $0xFFFFC000  }
0x80d: {  	[hbm4b:s5+s2] =	stream.linear.scatter [tilespmem:s30], [sflag:$0xE], $0x4000, $0x38;
	[tilespmem:$0x1C000] =	vst v63  }
0x80e: {  	_ =	swait.ge [sflag:s23], $0x4000  }
0x80f: {  	s4 =	sld [smem:$0x7EE]  }
0x810: {  	[sflag:s23] =	ssyncset.done $0x0  }
0x811: {  	[sflag:s23] =	ssyncadd.s32 $0xFFFFC000  }
0x812: {  	[tilespmem:s10], [sflag:$0x3] =	stream.linear.gather [hbm4b:s4+s2], $0x4000, $0x38;
	[tilespmem:$0x1C000] =	vst v63  }
0x813: {  	_ =	swait.ge [sflag:s24], $0x4000  }
0x814: {  	s5 =	sld [smem:$0x7EF]  }
0x815: {  	[sflag:s24] =	ssyncset.done $0x0  }
0x816: {  	[sflag:s24] =	ssyncadd.s32 $0xFFFFC000  }
0x817: {  	[hbm4b:s5+s2] =	stream.linear.scatter [tilespmem:s2], [sflag:$0x8], $0x4000, $0x38;
	[tilespmem:$0x1C000] =	vst v63  }
0x818: {  	_ =	swait.ge [sflag:s22], $0x4000  }
0x819: {  	s4 =	sld [smem:$0x7F0]  }
0x81a: {  	[sflag:s22] =	ssyncset.done $0x0  }
0x81b: {  	[sflag:s22] =	ssyncadd.s32 $0xFFFFC000  }
0x81c: {  	[tilespmem:s8], [sflag:$0x4] =	stream.linear.gather [hbm4b:s4+s2], $0x4000, $0x38;
	[tilespmem:$0x1C000] =	vst v63  }
0x81d: {  	_ =	swait.ge [sflag:s13], $0x4000  }
0x81e: {  	s5 =	sld [smem:$0x7F1]  }
0x81f: {  	[sflag:s13] =	ssyncset.done $0x0  }
0x820: {  	[sflag:s13] =	ssyncadd.s32 $0xFFFFC000  }
0x821: {  	[hbm4b:s5+s2] =	stream.linear.scatter [tilespmem:s12], [sflag:$0x9], $0x4000, $0x38;
	[tilespmem:$0x1C000] =	vst v63  }
0x822: {  	_ =	swait.ge [sflag:s21], $0x4000  }
0x823: {  	s12 =	sld [smem:$0x7F2]  }
0x824: {  	[sflag:s21] =	ssyncset.done $0x0  }
0x825: {  	[sflag:s21] =	ssyncadd.s32 $0xFFFFC000  }
0x826: {  	[tilespmem:s6], [sflag:$0x5] =	stream.linear.gather [hbm4b:s12+s2], $0x4000, $0x38;
	[tilespmem:$0x1C000] =	vst v63  }
0x827: {  	_ =	swait.ge [sflag:s11], $0x4000  }
0x828: {  	s13 =	sld [smem:$0x7F3]  }
0x829: {  	[sflag:s11] =	ssyncset.done $0x0  }
0x82a: {  	[sflag:s11] =	ssyncadd.s32 $0xFFFFC000  }
0x82b: {  	[hbm4b:s13+s2] =	stream.linear.scatter [tilespmem:s10], [sflag:$0xA], $0x4000, $0x38;
	[tilespmem:$0x1C000] =	vst v63  }
0x82c: {  	_ =	swait.ge [sflag:s20], $0x4000  }
0x82d: {  	s4 =	sld [smem:$0x7F4]  }
0x82e: {  	[sflag:s20] =	ssyncset.done $0x0  }
0x82f: {  	[sflag:s20] =	ssyncadd.s32 $0xFFFFC000  }
0x830: {  	[tilespmem:s31], [sflag:$0x6] =	stream.linear.gather [hbm4b:s4+s2], $0x4000, $0x38;
	[tilespmem:$0x1C000] =	vst v63  }
0x831: {  	_ =	swait.ge [sflag:s9], $0x4000  }
0x832: {  	s5 =	sld [smem:$0x7F5]  }
0x833: {  	[sflag:s9] =	ssyncset.done $0x0  }
0x834: {  	[sflag:s9] =	ssyncadd.s32 $0xFFFFC000  }
0x835: {  	[hbm4b:s5+s2] =	stream.linear.scatter [tilespmem:s8], [sflag:$0xB], $0x4000, $0x38;
	[tilespmem:$0x1C000] =	vst v63  }
0x836: {  	_ =	swait.ge [sflag:s18], $0x4000  }
0x837: {  	s9 =	sld [smem:$0x7F6]  }
0x838: {  	[sflag:s18] =	ssyncset.done $0x0  }
0x839: {  	[sflag:s18] =	ssyncadd.s32 $0xFFFFC000  }
0x83a: {  	[tilespmem:s30], [sflag:$0x7] =	stream.linear.gather [hbm4b:s9+s2], $0x4000, $0x38;
	[tilespmem:$0x1C000] =	vst v63  }
0x83b: {  	_ =	swait.ge [sflag:s7], $0x4000  }
0x83c: {  	s10 =	sld [smem:$0x7F7]  }
0x83d: {  	[sflag:s7] =	ssyncset.done $0x0  }
0x83e: {  	[sflag:s7] =	ssyncadd.s32 $0xFFFFC000  }
0x83f: {  	[hbm4b:s10+s2] =	stream.linear.scatter [tilespmem:s6], [sflag:$0xC], $0x4000, $0x38;
	[tilespmem:$0x1C000] =	vst v63  }
0x840: {  	_ =	swait.ge [sflag:s29], $0x4000  }
0x841: {  	s11 =	sld [smem:$0x7F8]  }
0x842: {  	[sflag:s29] =	ssyncset.done $0x0  }
0x843: {  	[sflag:s29] =	ssyncadd.s32 $0xFFFFC000  }
0x844: {  	[tilespmem:s2], [sflag:$0x1] =	stream.linear.gather [hbm4b:s11+s2], $0x4000, $0x38;
	[tilespmem:$0x1C000] =	vst v63  }
0x845: {  	_ =	swait.ge [sflag:s0], $0x4000  }
0x846: {  	s12 =	sld [smem:$0x7F9]  }
0x847: {  	[sflag:s0] =	ssyncset.done $0x0  }
0x848: {  	[sflag:s0] =	ssyncadd.s32 $0xFFFFC000  }
0x849: {  	[hbm4b:s12+s2] =	stream.linear.scatter [tilespmem:s31], [sflag:$0xD], $0x4000, $0x38;
	[tilespmem:$0x1C000] =	vst v63  }
0x84a: {  	_ =	swait.ge [sflag:s25], $0x4000  }
0x84b: {  	s13 =	sld [smem:$0x7FA]  }
0x84c: {  	[sflag:s25] =	ssyncset.done $0x0  }
0x84d: {  	[sflag:s25] =	ssyncadd.s32 $0xFFFFC000  }
0x84e: {  	[hbm4b:s13+s2] =	stream.linear.scatter [tilespmem:s30], [sflag:$0xE], $0x4000, $0x38;
	[tilespmem:$0x1C000] =	vst v63  }
0x84f: {  	_ =	swait.ge [sflag:s24], $0x4000  }
0x850: {  	s25 =	sld [smem:$0x7FB]  }
0x851: {  	[sflag:s24] =	ssyncset.done $0x0  }
0x852: {  	[sflag:s24] =	ssyncadd.s32 $0xFFFFC000  }
0x853: {  	[hbm4b:s25+s2] =	stream.linear.scatter [tilespmem:s2], [sflag:$0x8], $0x4000, $0x38;
	[tilespmem:$0x1C000] =	vst v63  }
0x854: {  	_ =	swait.ge [sflag:s29], $0x4000  }
0x855: {  	[sflag:s29] =	ssyncset.done $0x0  }
0x856: {  	[sflag:s29] =	ssyncadd.s32 $0xFFFFC000  }
0x857: {  	_ =	swait.ge [sflag:s1], $0x4000  }
0x858: {  	[sflag:s1] =	ssyncset.done $0x0  }
0x859: {  	[sflag:s1] =	ssyncadd.s32 $0xFFFFC000  }
0x85a: {  	_ =	swait.ge [sflag:s23], $0x4000  }
0x85b: {  	[sflag:s23] =	ssyncset.done $0x0  }
0x85c: {  	[sflag:s23] =	ssyncadd.s32 $0xFFFFC000  }
0x85d: {  	_ =	swait.ge [sflag:s22], $0x4000  }
0x85e: {  	[sflag:s22] =	ssyncset.done $0x0  }
0x85f: {  	[sflag:s22] =	ssyncadd.s32 $0xFFFFC000  }
0x860: {  	_ =	swait.ge [sflag:s21], $0x4000  }
0x861: {  	[sflag:s21] =	ssyncset.done $0x0  }
0x862: {  	[sflag:s21] =	ssyncadd.s32 $0xFFFFC000  }
0x863: {  	_ =	swait.ge [sflag:s20], $0x4000  }
0x864: {  	[sflag:s20] =	ssyncset.done $0x0  }
0x865: {  	[sflag:s20] =	ssyncadd.s32 $0xFFFFC000  }
0x866: {  	_ =	swait.ge [sflag:s18], $0x4000  }
0x867: {  	s30 =	sld [smem:$0x7FD]  }
0x868: {  	[sflag:s18] =	ssyncset.done $0x0  }
0x869: {  	[sflag:s18] =	ssyncadd.s32 $0xFFFFC000  }
0x86a: {  	[tilespmem:s2], [sflag:$0xF] =	stream.linear.gather [hbm4b:s30+s2], $0x200, $0x38;
	[tilespmem:$0x1C000] =	vst v63  }
0x86b: {  	s4 =	sadd.s32 $0x80, s30  }
0x86c: {  	[tilespmem:s19], [sflag:$0xF] =	stream.linear.gather [hbm4b:s4+s2], $0x200, $0x38;
	[tilespmem:$0x1C000] =	vst v63  }
0x86d: {  	s5 =	sadd.s32 $0x100, s30  }
0x86e: {  	[tilespmem:s14], [sflag:$0xF] =	stream.linear.gather [hbm4b:s5+s2], $0x200, $0x38;
	[tilespmem:$0x1C000] =	vst v63  }
0x86f: {  	s7 =	simm.s32 $0xC00;
	s6 =	sadd.s32 $0x180, s30  }
0x870: {  	[tilespmem:s7], [sflag:$0xF] =	stream.linear.gather [hbm4b:s6+s2], $0x200, $0x38;
	[tilespmem:$0x1C000] =	vst v63  }
0x871: {  	s3 =	sadd.s32 $0x200, s30  }
0x872: {  	[tilespmem:s15], [sflag:$0xF] =	stream.linear.gather [hbm4b:s3+s2], $0x200, $0x38;
	[tilespmem:$0x1C000] =	vst v63  }
0x873: {  	s4 =	sadd.s32 $0x280, s30;
	s6 =	simm.s32 $0x1400  }
0x874: {  	[tilespmem:s6], [sflag:$0xF] =	stream.linear.gather [hbm4b:s4+s2], $0x200, $0x38;
	[tilespmem:$0x1C000] =	vst v63  }
0x875: {  	s13 =	sadd.s32 $0x300, s30  }
0x876: {  	[tilespmem:s16], [sflag:$0xF] =	stream.linear.gather [hbm4b:s13+s2], $0x200, $0x38;
	[tilespmem:$0x1C000] =	vst v63  }
0x877: {  	s20 =	simm.s32 $0x1C00;
	s18 =	sadd.s32 $0x380, s30  }
0x878: {  	[tilespmem:s20], [sflag:$0xF] =	stream.linear.gather [hbm4b:s18+s2], $0x200, $0x38;
	[tilespmem:$0x1C000] =	vst v63  }
0x879: {  	s21 =	sadd.s32 $0x400, s30  }
0x87a: {  	[tilespmem:s17], [sflag:$0xF] =	stream.linear.gather [hbm4b:s21+s2], $0x200, $0x38;
	[tilespmem:$0x1C000] =	vst v63  }
0x87b: {  	s23 =	simm.s32 $0x2400;
	s22 =	sadd.s32 $0x480, s30  }
0x87c: {  	[tilespmem:s23], [sflag:$0xF] =	stream.linear.gather [hbm4b:s22+s2], $0x200, $0x38;
	[tilespmem:$0x1C000] =	vst v63  }
0x87d: {  	s1 =	simm.s32 $0x2800;
	s31 =	sadd.s32 $0x500, s30  }
0x87e: {  	[tilespmem:s1], [sflag:$0xF] =	stream.linear.gather [hbm4b:s31+s2], $0x200, $0x38;
	[tilespmem:$0x1C000] =	vst v63  }
0x87f: {  	s11 =	simm.s32 $0x2C00;
	s10 =	sadd.s32 $0x580, s30  }
0x880: {  	[tilespmem:s11], [sflag:$0xF] =	stream.linear.gather [hbm4b:s10+s2], $0x200, $0x38;
	[tilespmem:$0x1C000] =	vst v63  }
0x881: {  	s31 =	sadd.s32 $0x600, s30;
	s10 =	simm.s32 $0x3000  }
0x882: {  	[tilespmem:s10], [sflag:$0xF] =	stream.linear.gather [hbm4b:s31+s2], $0x200, $0x38;
	[tilespmem:$0x1C000] =	vst v63  }
0x883: {  	s24 =	sadd.s32 $0x680, s30  }
0x884: {  	[tilespmem:s28], [sflag:$0xF] =	stream.linear.gather [hbm4b:s24+s2], $0x200, $0x38;
	[tilespmem:$0x1C000] =	vst v63  }
0x885: {  	s25 =	sadd.s32 $0x700, s30  }
0x886: {  	[tilespmem:s26], [sflag:$0xF] =	stream.linear.gather [hbm4b:s25+s2], $0x200, $0x38;
	[tilespmem:$0x1C000] =	vst v63  }
0x887: {  	s8 =	simm.s32 $0x3C00;
	s9 =	simm.s32 $0xF;
	s29 =	sadd.s32 $0x780, s30  }
0x888: {  	[tilespmem:s8], [sflag:$0xF] =	stream.linear.gather [hbm4b:s29+s2], $0x200, $0x38;
	[tilespmem:$0x1C000] =	vst v63  }
0x889: {  	_ =	swait.ge [sflag:s9], $0x2000  }
0x88a: {  	s30 =	sld [smem:$0x7FC]  }
0x88b: {  	[sflag:s9] =	ssyncset.done $0x0  }
0x88c: {  	[sflag:s9] =	ssyncadd.s32 $0xFFFFE000  }
0x88d: {  	[hbm4b:s30+s2] =	stream.linear.scatter [tilespmem:s2], [sflag:$0xF], $0x200, $0x38;
	[tilespmem:$0x1C000] =	vst v63  }
0x88e: {  	s31 =	sadd.s32 $0x80, s30  }
0x88f: {  	[hbm4b:s31+s2] =	stream.linear.scatter [tilespmem:s19], [sflag:$0xF], $0x200, $0x38;
	[tilespmem:$0x1C000] =	vst v63  }
0x890: {  	s12 =	sadd.s32 $0x100, s30  }
0x891: {  	[hbm4b:s12+s2] =	stream.linear.scatter [tilespmem:s14], [sflag:$0xF], $0x200, $0x38;
	[tilespmem:$0x1C000] =	vst v63  }
0x892: {  	s13 =	sadd.s32 $0x180, s30  }
0x893: {  	[hbm4b:s13+s2] =	stream.linear.scatter [tilespmem:s7], [sflag:$0xF], $0x200, $0x38;
	[tilespmem:$0x1C000] =	vst v63  }
0x894: {  	s14 =	sadd.s32 $0x200, s30  }
0x895: {  	[hbm4b:s14+s2] =	stream.linear.scatter [tilespmem:s15], [sflag:$0xF], $0x200, $0x38;
	[tilespmem:$0x1C000] =	vst v63  }
0x896: {  	s15 =	sadd.s32 $0x280, s30  }
0x897: {  	[hbm4b:s15+s2] =	stream.linear.scatter [tilespmem:s6], [sflag:$0xF], $0x200, $0x38;
	[tilespmem:$0x1C000] =	vst v63  }
0x898: {  	s18 =	sadd.s32 $0x300, s30  }
0x899: {  	[hbm4b:s18+s2] =	stream.linear.scatter [tilespmem:s16], [sflag:$0xF], $0x200, $0x38;
	[tilespmem:$0x1C000] =	vst v63  }
0x89a: {  	s19 =	sadd.s32 $0x380, s30  }
0x89b: {  	[hbm4b:s19+s2] =	stream.linear.scatter [tilespmem:s20], [sflag:$0xF], $0x200, $0x38;
	[tilespmem:$0x1C000] =	vst v63  }
0x89c: {  	s20 =	sadd.s32 $0x400, s30  }
0x89d: {  	[hbm4b:s20+s2] =	stream.linear.scatter [tilespmem:s17], [sflag:$0xF], $0x200, $0x38;
	[tilespmem:$0x1C000] =	vst v63  }
0x89e: {  	s21 =	sadd.s32 $0x480, s30  }
0x89f: {  	[hbm4b:s21+s2] =	stream.linear.scatter [tilespmem:s23], [sflag:$0xF], $0x200, $0x38;
	[tilespmem:$0x1C000] =	vst v63  }
0x8a0: {  	s22 =	sadd.s32 $0x500, s30  }
0x8a1: {  	[hbm4b:s22+s2] =	stream.linear.scatter [tilespmem:s1], [sflag:$0xF], $0x200, $0x38;
	[tilespmem:$0x1C000] =	vst v63  }
0x8a2: {  	s23 =	sadd.s32 $0x580, s30  }
0x8a3: {  	[hbm4b:s23+s2] =	stream.linear.scatter [tilespmem:s11], [sflag:$0xF], $0x200, $0x38;
	[tilespmem:$0x1C000] =	vst v63  }
0x8a4: {  	s24 =	sadd.s32 $0x600, s30  }
0x8a5: {  	[hbm4b:s24+s2] =	stream.linear.scatter [tilespmem:s10], [sflag:$0xF], $0x200, $0x38;
	[tilespmem:$0x1C000] =	vst v63  }
0x8a6: {  	s25 =	sadd.s32 $0x680, s30  }
0x8a7: {  	[hbm4b:s25+s2] =	stream.linear.scatter [tilespmem:s28], [sflag:$0xF], $0x200, $0x38;
	[tilespmem:$0x1C000] =	vst v63  }
0x8a8: {  	s29 =	sadd.s32 $0x700, s30  }
0x8a9: {  	[hbm4b:s29+s2] =	stream.linear.scatter [tilespmem:s26], [sflag:$0xF], $0x200, $0x38;
	[tilespmem:$0x1C000] =	vst v63  }
0x8aa: {  	s30 =	sadd.s32 $0x780, s30  }
0x8ab: {  	[hbm4b:s30+s2] =	stream.linear.scatter [tilespmem:s8], [sflag:$0xF], $0x200, $0x38;
	[tilespmem:$0x1C000] =	vst v63  }
0x8ac: {  	_ =	swait.ge [sflag:s9], $0x2000  }
0x8ad: {  	[sflag:s9] =	ssyncset.done $0x0  }
0x8ae: {  	[sflag:s9] =	ssyncadd.s32 $0xFFFFE000  }
0x8af: {  	_ =	sfence.sel $0x180000  }
0x8b0: {  	[bflag:$0x0] =	sbarrier.arrive $0xFFFF  }
0x8b1: {  	_ =	strace $0x90000047  }
0x8b2: {  	s31 =	stileid.u32;
	[bflag:$0x2] =	sbarrier.arrive $0xFFFF  }
0x8b3: {  	p0 =	sne.s32 s31, $0x0;
	s0 =	rddreg [dreg:$0x3]  }
0x8b4: {  	s0 =	sadd.s32 @!p0 $0x100000, s0  }
0x8b5: {  	[sflag:s0] =	ssyncadd.tile.s32 @!p0 $0x1;
	_ =	shalt  }
.LBB2_6:
0x8b6: {  	s26 =	simm.s32 $0x3800  }
0x8b7: {  	s28 =	simm.s32 $0x3400;
	s17 =	simm.s32 $0x2000;
	s16 =	simm.s32 $0x1800  }
.Ltmp3:
0x8b8: {  	s15 =	simm.s32 $0x1000;
	s14 =	simm.s32 $0x800;
	(pc) =	sbr.rel .LBB2_5-.Ltmp3, $4  }
0x8b9: {  	s10 =	simm.s32 $0x8000;
	s12 =	simm.s32 $0x4000;
	s18 =	simm.s32 $0xE  }
0x8ba: {  	s20 =	simm.s32 $0xD;
	s21 =	simm.s32 $0xC;
	s22 =	simm.s32 $0xB  }
0x8bb: {  	s23 =	simm.s32 $0xA;
	s1 =	simm.s32 $0x9;
	s25 =	simm.s32 $0x7  }
0x8bc: {  	s0 =	simm.s32 $0x6;
	s7 =	simm.s32 $0x5;
	s9 =	simm.s32 $0x4  }
.Lfunc_end2:
_tile_overlayer_lowered:
.L_overlay_start_2:
0x8bd: {  	(tag) =	ssettag $0x2  }
0x8be: {  	s0 =	rddreg [dreg:$0x0];
	s2 =	stileid.u32  }
0x8bf: {  	s1 =	rddreg [dreg:$0x1];
	p0 =	sne.s32 s2, $0x0  }
0x8c0: {  	s3 =	rddreg [dreg:$0x2];
	[bflag:$0x3] =	sbarrier.arrive $0xFFFF;
	s2 =	simm.s32 @!p0 $0x1C0F  }
0x8c1: {  	[timem:s3], [sflag:s2] =	dma.local @!p0 [hbm:s0], s1  }
0x8c2: {  	s0 =	simm.s32 @!p0 $0xF  }
0x8c3: {  	_ =	swait.ge @!p0 [sflag:s0], s1  }
0x8c4: {  	s1 =	ssub.s32 @!p0 $0x0, s1;
	[sflag:s0] =	ssyncset.done @!p0 $0x0  }
0x8c5: {  	[sflag:s0] =	ssyncadd.s32 @!p0 s1  }
0x8c6: {  	[bflag:$0x3] =	sbarrier.arrive $0xFFFF  }
0x8c7: {  	_ =	shalt  }

</sc_bundles>
